<compile_context>
chip_gen: v7x
topology: tpu7x:2x2x1
jax: 0.10.2.dev20260603
libtpu: 0.0.44.dev20260713+nightly
codegen_flags: <defaults>
</compile_context>

<pallas_src>
import functools

import jax
import jax.numpy as jnp
from jax import lax
from jax.experimental import pallas as pl
from jax.experimental.pallas import tpu as pltpu
from jax.experimental.pallas import tpu_sc as plsc

N = 10000
E = 320000
D = 128
R = 64
AGG = 32
OUT = 10

EB = 128
NUM_BATCHES = E // EB
NW = 32
BATCHES_PER_TILE = -(-NUM_BATCHES // NW)
NPAD = 10240
ROWS_PER_TILE = NPAD // 16
CHUNK = 128


PHASES = 2
PHASE_BATCHES = 40
IDX_ROWS = 3 * PHASES * PHASE_BATCHES
IDX_ROWS_VMEM = 3 * PHASE_BATCHES


def _sc_edge_accumulate(x, perm, w_conv):
    mesh = plsc.VectorSubcoreMesh(core_axis_name="c", subcore_axis_name="s")

    @functools.partial(
        pl.kernel,
        mesh=mesh,
        compiler_params=pltpu.CompilerParams(needs_layout_passes=False),
        out_type=jax.ShapeDtypeStruct((2, NPAD, D), jnp.float32),
        scratch_types=[
            pltpu.VMEM((IDX_ROWS_VMEM, EB), jnp.int32),
            pltpu.VMEM((EB, D), jnp.float32),
            pltpu.VMEM((EB, D), jnp.float32),
            pltpu.VMEM((128,), jnp.float32),
            pltpu.VMEM((128,), jnp.float32),
            pltpu.VMEM_SHARED((NPAD, D), jnp.float32),
            pltpu.SemaphoreType.DMA,
            pltpu.SemaphoreType.DMA,
        ],
    )
    def k(x_hbm, perm_hbm, wconv_hbm, out_hbm,
          idx_all, rows0, rows1, wconv_v, wg_v, h_sh, sem0, sem1):
        c = lax.axis_index("c")
        s = lax.axis_index("s")
        wid = s * 2 + c

        pltpu.sync_copy(wconv_hbm, wconv_v.at[pl.ds(0, R)])
        pltpu.sync_copy(perm_hbm.at[wid, pl.ds(0, IDX_ROWS_VMEM)], idx_all)

        z16 = jnp.zeros((16,), jnp.float32)

        def zrow(i, _):
            for jb in range(D // 16):
                rows0[i, pl.ds(jb * 16, 16)] = z16
            return 0

        lax.fori_loop(0, EB, zrow, 0)
        for t in range(ROWS_PER_TILE // CHUNK):
            pltpu.sync_copy(
                rows0.at[pl.ds(0, CHUNK)],
                h_sh.at[pl.ds(s * ROWS_PER_TILE + t * CHUNK, CHUNK)])
        plsc.subcore_barrier()

        def run_batch(kk, kbase, rows_v, sem, nrows_v, nsem):
            b = wid + (kbase + kk) * NW

            @pl.when(b < NUM_BATCHES)
            def _():
                r0 = 3 * kk
                pltpu.make_async_copy(
                    x_hbm.at[idx_all.at[r0]], rows_v, sem).wait()
                bn = b + NW

                @pl.when(jnp.logical_and(bn < NUM_BATCHES,
                                         kk < PHASE_BATCHES - 1))
                def _():
                    pltpu.async_copy(
                        x_hbm.at[idx_all.at[r0 + 3]], nrows_v, nsem)

                for g in range(EB // 16):
                    r16 = idx_all[r0 + 2, pl.ds(g * 16, 16)]
                    wg_v[pl.ds(g * 16, 16)] = plsc.load_gather(wconv_v, [r16])

                def scale_row(i, _):
                    i16 = jnp.zeros((16,), jnp.int32) + i
                    wb = plsc.load_gather(wg_v, [i16])
                    for jb in range(D // 16):
                        rows_v[i, pl.ds(jb * 16, 16)] = (
                            rows_v[i, pl.ds(jb * 16, 16)] * wb)
                    return 0

                lax.fori_loop(0, EB, scale_row, 0, unroll=8)
                pltpu.sync_copy(rows_v, h_sh.at[idx_all.at[r0 + 1]], add=True)

        for phase in range(PHASES):
            kbase = phase * PHASE_BATCHES
            pltpu.sync_copy(
                perm_hbm.at[wid, pl.ds(3 * kbase, 3 * PHASE_BATCHES)],
                idx_all)

            @pl.when(wid + kbase * NW < NUM_BATCHES)
            def _():
                pltpu.async_copy(x_hbm.at[idx_all.at[0]], rows0, sem0)

            def batch_pair(t, _, kbase=kbase):
                kk = 2 * t
                run_batch(kk, kbase, rows0, sem0, rows1, sem1)
                run_batch(kk + 1, kbase, rows1, sem1, rows0, sem0)
                return 0

            lax.fori_loop(0, PHASE_BATCHES // 2, batch_pair, 0)
        plsc.subcore_barrier()

        for t in range(ROWS_PER_TILE // CHUNK):
            r0 = s * ROWS_PER_TILE + t * CHUNK
            pltpu.sync_copy(h_sh.at[pl.ds(r0, CHUNK)],
                            rows0.at[pl.ds(0, CHUNK)])
            pltpu.sync_copy(rows0.at[pl.ds(0, CHUNK)],
                            out_hbm.at[c, pl.ds(r0, CHUNK)])

    return k(x, perm, w_conv)


NB = 1000
GRID = N // NB


def _tc_head(hp, nrA, nrB, bconv_row, w_agg, Wt, blin2):

    def body(hp_ref, nrA_ref, nrB_ref, bc_ref, wagg_ref, wt_ref, bl_ref,
             out_ref, s_ref):
        i = pl.program_id(0)

        @pl.when(i == 0)
        def _():
            s_ref[...] = jnp.zeros((AGG, D), jnp.float32)

        acc = hp_ref[0] + hp_ref[1]
        nrcol = nrA_ref[0]
        oh = (lax.broadcasted_iota(jnp.int32, (NB, R), 1) == nrcol
              ).astype(jnp.float32)
        bcol = jnp.sum(oh * bc_ref[...], axis=1, keepdims=True)
        h = jnp.tanh(acc + bcol)
        nrrow = nrB_ref[0]
        ohT = (lax.broadcasted_iota(jnp.int32, (R, NB), 0) == nrrow
               ).astype(jnp.float32)
        wn = jnp.dot(wagg_ref[...], ohT,
                     preferred_element_type=jnp.float32)
        s_ref[...] += jnp.dot(wn, h, preferred_element_type=jnp.float32)

        @pl.when(i == GRID - 1)
        def _():
            a = jnp.tanh(s_ref[...])
            acc10 = bl_ref[...]
            for k in range(AGG):
                acc10 = acc10 + jnp.dot(a[k:k + 1, :], wt_ref[k],
                                        preferred_element_type=jnp.float32)
            out_ref[...] = jnp.tanh(acc10)

    return pl.pallas_call(
        body,
        grid=(GRID,),
        in_specs=[
            pl.BlockSpec((2, NB, D), lambda i: (0, i, 0)),
            pl.BlockSpec((1, NB, 1), lambda i: (i, 0, 0)),
            pl.BlockSpec((1, 1, NB), lambda i: (i, 0, 0)),
            pl.BlockSpec((1, R), lambda i: (0, 0)),
            pl.BlockSpec((AGG, R), lambda i: (0, 0)),
            pl.BlockSpec((AGG, D, OUT), lambda i: (0, 0, 0)),
            pl.BlockSpec((1, OUT), lambda i: (0, 0)),
        ],
        out_specs=pl.BlockSpec((1, OUT), lambda i: (0, 0)),
        out_shape=jax.ShapeDtypeStruct((1, OUT), jnp.float32),
        scratch_shapes=[pltpu.VMEM((AGG, D), jnp.float32)],
    )(hp, nrA, nrB, bconv_row, w_agg, Wt, blin2)


def kernel(x, pos, edge_rule, node_rule, w_conv, b_conv, w_agg, W_lin, b_lin):
    src = pos[0].reshape(NUM_BATCHES, 1, EB)
    dst = pos[1].reshape(NUM_BATCHES, 1, EB)
    erule = edge_rule.reshape(NUM_BATCHES, 1, EB)
    packed = jnp.concatenate([src, dst, erule], axis=1)
    bidx = (jnp.arange(NW)[:, None] +
            jnp.arange(PHASES * PHASE_BATCHES)[None, :] * NW)
    bidx = jnp.where(bidx < NUM_BATCHES, bidx, 0)
    perm = packed[bidx].reshape(NW, IDX_ROWS, EB)
    hp = _sc_edge_accumulate(x, perm, w_conv)[:, :N, :]
    nrA = node_rule.reshape(GRID, NB, 1)
    nrB = node_rule.reshape(GRID, 1, NB)
    Wt = W_lin.reshape(OUT, AGG, D).transpose(1, 2, 0)
    out2 = _tc_head(hp, nrA, nrB, b_conv.reshape(1, R), w_agg, Wt,
                    b_lin.reshape(1, OUT))
    return out2.reshape(-1)

# --- scband reference (transcript-rebuilt; emitter-appended) ---
"""Pipeline reference for scband-rule-gnn-68805376082429 (READ-ONLY COPY).

The authoritative reference and input builder live on the scoring server;
editing this copy changes nothing except your own understanding.
"""

import jax, jax.numpy as jnp
import numpy as np

N = 10000
E = 320000
D = 128
R = 64
AGG = 32
OUT = 10


def setup_inputs(seed: int = 0) -> dict:
    key = jax.random.key(seed)
    ks = jax.random.split(key, 9)
    x = jax.random.normal(ks[0], (N, D), dtype=jnp.float32)
    # pos: edge index (src, dst) pairs used by the rule layers
    pos = jax.random.randint(ks[1], (2, E), 0, N, dtype=jnp.int32)
    # rule assignment per edge / node (weight-sharing pattern of RuleGNN)
    edge_rule = jax.random.randint(ks[2], (E,), 0, R, dtype=jnp.int32)
    node_rule = jax.random.randint(ks[3], (N,), 0, R, dtype=jnp.int32)
    # learned parameters
    w_conv = jax.random.normal(ks[4], (R,), dtype=jnp.float32) * 0.1   # one shared weight per rule
    b_conv = jax.random.normal(ks[5], (R,), dtype=jnp.float32) * 0.1   # shared bias per rule
    w_agg = jax.random.normal(ks[6], (AGG, R), dtype=jnp.float32) * 0.1  # rule aggregation weights
    W_lin = jax.random.normal(ks[7], (OUT, AGG * D), dtype=jnp.float32) * 0.02
    b_lin = jnp.zeros((OUT,), dtype=jnp.float32)
    return {
        "x": x,
        "pos": pos,
        "edge_rule": edge_rule,
        "node_rule": node_rule,
        "w_conv": w_conv,
        "b_conv": b_conv,
        "w_agg": w_agg,
        "W_lin": W_lin,
        "b_lin": b_lin,
    }


def reference(x, pos, edge_rule, node_rule, w_conv, b_conv, w_agg, W_lin, b_lin):
    # RuleConvolutionLayer: weight-shared sparse message passing
    #   h[v] = sum_{e=(u->v)} w_conv[rule(e)] * x[u] + b_conv[rule(v)]
    src = pos[0]
    dst = pos[1]
    msg = x[src] * w_conv[edge_rule][:, None]                 # gather x + gather rule weights
    h = jnp.zeros((N, D), dtype=x.dtype).at[dst].add(msg)     # scatter-add over edges
    h = h + b_conv[node_rule][:, None]                        # rule-shared bias gather
    h = jnp.tanh(h)                                           # self.af (default Tanh)
    # RuleAggregationLayer: out[k] = sum_v w_agg[k, rule(v)] * h[v]
    Wn = w_agg[:, node_rule]                                  # gather per-node aggregation weights [AGG, N]
    a = jnp.tanh(Wn @ h)                                      # [AGG, D], out activation of agg layer
    # channels * agg_out * d_in != output_dim -> final Linear appended in __init__
    flat = a.reshape(-1)                                      # torch.flatten(x)
    out = jnp.tanh(W_lin @ flat + b_lin)                      # self.out_af (default Tanh)
    return out.reshape(-1)                                    # torch.flatten(x)

if __name__ == "__main__":
    import jax
    _d = setup_inputs()
    print(jax.jit(kernel)(*tuple(_d.values())))

</pallas_src>

<mosaic_0001>
#map = affine_map<(d0, d1) -> (0, 0)>
#map1 = affine_map<(d0, d1) -> (0, 0, 0)>
#map2 = affine_map<(d0, d1) -> (0)>
module attributes {stable_mosaic.version = 14 : i64} {
  func.func @k(%arg0: i32, %arg1: i32, %arg2: memref<10000x128xf32, #tpu.memory_space<hbm>>, %arg3: memref<32x240x128xi32, #tpu.memory_space<hbm>>, %arg4: memref<64xf32, #tpu.memory_space<hbm>>, %arg5: memref<2x10240x128xf32, #tpu.memory_space<hbm>>, %arg6: memref<120x128xi32, #tpu.memory_space<vmem>>, %arg7: memref<128x128xf32, #tpu.memory_space<vmem>>, %arg8: memref<128x128xf32, #tpu.memory_space<vmem>>, %arg9: memref<128xf32, #tpu.memory_space<vmem>>, %arg10: memref<128xf32, #tpu.memory_space<vmem>>, %arg11: memref<10240x128xf32, #tpu.memory_space<vmem_shared>>, %arg12: memref<!tpu.dma_semaphore, #tpu.memory_space<semaphore_mem>>, %arg13: memref<!tpu.dma_semaphore, #tpu.memory_space<semaphore_mem>>) attributes {dimension_semantics = [#tpu.dimension_semantics<core_parallel>, #tpu.dimension_semantics<subcore_parallel>], iteration_bounds = array<i64: 2, 16>, scalar_prefetch = 0 : i64, scratch_operands = 8 : i64, tpu.core_type = #tpu.core_type<sc_vector_subcore>, window_params = [{transform_indices = #map}, {transform_indices = #map1}, {transform_indices = #map2}, {transform_indices = #map1}]} {
    %mul3A = arith.constant 2 : i32
    %mul3A_0 = arith.muli %arg1, %mul3A : i32
    %add3A = arith.addi %mul3A_0, %arg0 : i32
    "tpu.region"() ({
      %run_scoped3A = tpu.sem_alloc : memref<!tpu.dma_semaphore, #tpu.memory_space<semaphore_mem>>
      %dma_start3A = arith.constant 0 : i32
      %dma_start3A_74 = tpu.memref_slice %arg9[%dma_start3A] : memref<128xf32, #tpu.memory_space<vmem>> -> memref<64xf32, #tpu.memory_space<vmem>>
      %dma_start3A_75 = arith.constant 0 : i32
      %dma_start3A_76 = tpu.memref_slice %arg9[%dma_start3A_75] : memref<128xf32, #tpu.memory_space<vmem>> -> memref<64xf32, #tpu.memory_space<vmem>>
      tpu.enqueue_dma source(%arg4 : memref<64xf32, #tpu.memory_space<hbm>>) target(%dma_start3A_76 : memref<64xf32, #tpu.memory_space<vmem>>) target_semaphore(%run_scoped3A : memref<!tpu.dma_semaphore, #tpu.memory_space<semaphore_mem>>)
      %dma_wait3A = arith.constant 0 : i32
      %dma_wait3A_77 = tpu.memref_slice %arg9[%dma_wait3A] : memref<128xf32, #tpu.memory_space<vmem>> -> memref<64xf32, #tpu.memory_space<vmem>>
      %dma_wait3A_78 = arith.constant 0 : i32
      %dma_wait3A_79 = tpu.memref_slice %arg9[%dma_wait3A_78] : memref<128xf32, #tpu.memory_space<vmem>> -> memref<64xf32, #tpu.memory_space<vmem>>
      tpu.wait_dma2 semaphore(%run_scoped3A : memref<!tpu.dma_semaphore, #tpu.memory_space<semaphore_mem>>) src(%arg4 : memref<64xf32, #tpu.memory_space<hbm>>) dst(%dma_wait3A_79 : memref<64xf32, #tpu.memory_space<vmem>>)
      tpu.yield
    }) : () -> ()
    "tpu.region"() ({
      %run_scoped3A = tpu.sem_alloc : memref<!tpu.dma_semaphore, #tpu.memory_space<semaphore_mem>>
      %dma_start3A = arith.constant 0 : i32
      %dma_start3A_74 = arith.constant 0 : i32
      %dma_start3A_75 = tpu.memref_slice %arg3[%add3A, %dma_start3A, %dma_start3A_74] : memref<32x240x128xi32, #tpu.memory_space<hbm>> -> memref<1x120x128xi32, #tpu.memory_space<hbm>>
      %dma_start3A_76 = tpu.memref_squeeze %dma_start3A_75 : memref<1x120x128xi32, #tpu.memory_space<hbm>> -> memref<120x128xi32, #tpu.memory_space<hbm>>
      %dma_start3A_77 = arith.constant 0 : i32
      %dma_start3A_78 = arith.constant 0 : i32
      %dma_start3A_79 = tpu.memref_slice %arg3[%add3A, %dma_start3A_77, %dma_start3A_78] : memref<32x240x128xi32, #tpu.memory_space<hbm>> -> memref<1x120x128xi32, #tpu.memory_space<hbm>>
      %dma_start3A_80 = tpu.memref_squeeze %dma_start3A_79 : memref<1x120x128xi32, #tpu.memory_space<hbm>> -> memref<120x128xi32, #tpu.memory_space<hbm>>
      tpu.enqueue_dma source(%dma_start3A_80 : memref<120x128xi32, #tpu.memory_space<hbm>>) target(%arg6 : memref<120x128xi32, #tpu.memory_space<vmem>>) target_semaphore(%run_scoped3A : memref<!tpu.dma_semaphore, #tpu.memory_space<semaphore_mem>>)
      %dma_wait3A = arith.constant 0 : i32
      %dma_wait3A_81 = arith.constant 0 : i32
      %dma_wait3A_82 = tpu.memref_slice %arg3[%add3A, %dma_wait3A, %dma_wait3A_81] : memref<32x240x128xi32, #tpu.memory_space<hbm>> -> memref<1x120x128xi32, #tpu.memory_space<hbm>>
      %dma_wait3A_83 = tpu.memref_squeeze %dma_wait3A_82 : memref<1x120x128xi32, #tpu.memory_space<hbm>> -> memref<120x128xi32, #tpu.memory_space<hbm>>
      %dma_wait3A_84 = arith.constant 0 : i32
      %dma_wait3A_85 = arith.constant 0 : i32
      %dma_wait3A_86 = tpu.memref_slice %arg3[%add3A, %dma_wait3A_84, %dma_wait3A_85] : memref<32x240x128xi32, #tpu.memory_space<hbm>> -> memref<1x120x128xi32, #tpu.memory_space<hbm>>
      %dma_wait3A_87 = tpu.memref_squeeze %dma_wait3A_86 : memref<1x120x128xi32, #tpu.memory_space<hbm>> -> memref<120x128xi32, #tpu.memory_space<hbm>>
      tpu.wait_dma2 semaphore(%run_scoped3A : memref<!tpu.dma_semaphore, #tpu.memory_space<semaphore_mem>>) src(%dma_wait3A_87 : memref<120x128xi32, #tpu.memory_space<hbm>>) dst(%arg6 : memref<120x128xi32, #tpu.memory_space<vmem>>)
      tpu.yield
    }) : () -> ()
    %broadcast_in_dim3A = arith.constant 0.000000e+00 : f32
    %broadcast_in_dim3A_1 = vector.broadcast %broadcast_in_dim3A : f32 to vector<16xf32>
    %scan3A = arith.constant 0 : i32
    %scan3A_2 = arith.constant 0 : i32
    %scan3A_3 = arith.constant 128 : i32
    %scan3A_4 = arith.addi %scan3A_2, %scan3A_3 : i32
    %scan3A_5 = arith.constant 1 : i32
    %scan3A_6 = scf.for %scan3A_74 = %scan3A_2 to %scan3A_4 step %scan3A_5 iter_args(%scan3A_75 = %scan3A) -> (i32)  : i32 {
      %swap3A = arith.index_cast %scan3A_74 : i32 to index
      %swap3A_76 = arith.constant 0 : index
      %swap3A_77 = tpu.vector_load %arg7[%swap3A, %swap3A_76] {strides = array<i32>} : memref<128x128xf32, #tpu.memory_space<vmem>>, vector<16xf32>,
      tpu.vector_store %arg7[%swap3A, %swap3A_76], %broadcast_in_dim3A_1 {strides = array<i32>} : memref<128x128xf32, #tpu.memory_space<vmem>>, vector<16xf32>,
      %swap3A_78 = arith.index_cast %scan3A_74 : i32 to index
      %swap3A_79 = arith.constant 16 : index
      %swap3A_80 = tpu.vector_load %arg7[%swap3A_78, %swap3A_79] {strides = array<i32>} : memref<128x128xf32, #tpu.memory_space<vmem>>, vector<16xf32>,
      tpu.vector_store %arg7[%swap3A_78, %swap3A_79], %broadcast_in_dim3A_1 {strides = array<i32>} : memref<128x128xf32, #tpu.memory_space<vmem>>, vector<16xf32>,
      %swap3A_81 = arith.index_cast %scan3A_74 : i32 to index
      %swap3A_82 = arith.constant 32 : index
      %swap3A_83 = tpu.vector_load %arg7[%swap3A_81, %swap3A_82] {strides = array<i32>} : memref<128x128xf32, #tpu.memory_space<vmem>>, vector<16xf32>,
      tpu.vector_store %arg7[%swap3A_81, %swap3A_82], %broadcast_in_dim3A_1 {strides = array<i32>} : memref<128x128xf32, #tpu.memory_space<vmem>>, vector<16xf32>,
      %swap3A_84 = arith.index_cast %scan3A_74 : i32 to index
      %swap3A_85 = arith.constant 48 : index
      %swap3A_86 = tpu.vector_load %arg7[%swap3A_84, %swap3A_85] {strides = array<i32>} : memref<128x128xf32, #tpu.memory_space<vmem>>, vector<16xf32>,
      tpu.vector_store %arg7[%swap3A_84, %swap3A_85], %broadcast_in_dim3A_1 {strides = array<i32>} : memref<128x128xf32, #tpu.memory_space<vmem>>, vector<16xf32>,
      %swap3A_87 = arith.index_cast %scan3A_74 : i32 to index
      %swap3A_88 = arith.constant 64 : index
      %swap3A_89 = tpu.vector_load %arg7[%swap3A_87, %swap3A_88] {strides = array<i32>} : memref<128x128xf32, #tpu.memory_space<vmem>>, vector<16xf32>,
      tpu.vector_store %arg7[%swap3A_87, %swap3A_88], %broadcast_in_dim3A_1 {strides = array<i32>} : memref<128x128xf32, #tpu.memory_space<vmem>>, vector<16xf32>,
      %swap3A_90 = arith.index_cast %scan3A_74 : i32 to index
      %swap3A_91 = arith.constant 80 : index
      %swap3A_92 = tpu.vector_load %arg7[%swap3A_90, %swap3A_91] {strides = array<i32>} : memref<128x128xf32, #tpu.memory_space<vmem>>, vector<16xf32>,
      tpu.vector_store %arg7[%swap3A_90, %swap3A_91], %broadcast_in_dim3A_1 {strides = array<i32>} : memref<128x128xf32, #tpu.memory_space<vmem>>, vector<16xf32>,
      %swap3A_93 = arith.index_cast %scan3A_74 : i32 to index
      %swap3A_94 = arith.constant 96 : index
      %swap3A_95 = tpu.vector_load %arg7[%swap3A_93, %swap3A_94] {strides = array<i32>} : memref<128x128xf32, #tpu.memory_space<vmem>>, vector<16xf32>,
      tpu.vector_store %arg7[%swap3A_93, %swap3A_94], %broadcast_in_dim3A_1 {strides = array<i32>} : memref<128x128xf32, #tpu.memory_space<vmem>>, vector<16xf32>,
      %swap3A_96 = arith.index_cast %scan3A_74 : i32 to index
      %swap3A_97 = arith.constant 112 : index
      %swap3A_98 = tpu.vector_load %arg7[%swap3A_96, %swap3A_97] {strides = array<i32>} : memref<128x128xf32, #tpu.memory_space<vmem>>, vector<16xf32>,
      tpu.vector_store %arg7[%swap3A_96, %swap3A_97], %broadcast_in_dim3A_1 {strides = array<i32>} : memref<128x128xf32, #tpu.memory_space<vmem>>, vector<16xf32>,
      %scan3A_99 = arith.constant 0 : i32
      scf.yield %scan3A_99 : i32
    }
    %scan3A_7 = arith.constant 128 : i32
    %mul3A_8 = arith.constant 640 : i32
    %mul3A_9 = arith.muli %arg1, %mul3A_8 : i32
    %add3A_10 = arith.constant 0 : i32
    %add3A_11 = arith.addi %mul3A_9, %add3A_10 : i32
    "tpu.region"() ({
      %run_scoped3A = tpu.sem_alloc : memref<!tpu.dma_semaphore, #tpu.memory_space<semaphore_mem>>
      %dma_start3A = arith.constant 0 : i32
      %dma_start3A_74 = arith.constant 0 : i32
      %dma_start3A_75 = tpu.memref_slice %arg7[%dma_start3A, %dma_start3A_74] : memref<128x128xf32, #tpu.memory_space<vmem>> -> memref<128x128xf32, #tpu.memory_space<vmem>>
      %dma_start3A_76 = arith.constant 0 : i32
      %dma_start3A_77 = tpu.memref_slice %arg11[%add3A_11, %dma_start3A_76] : memref<10240x128xf32, #tpu.memory_space<vmem_shared>> -> memref<128x128xf32, #tpu.memory_space<vmem_shared>>
      %dma_start3A_78 = arith.constant 0 : i32
      %dma_start3A_79 = tpu.memref_slice %arg11[%add3A_11, %dma_start3A_78] : memref<10240x128xf32, #tpu.memory_space<vmem_shared>> -> memref<128x128xf32, #tpu.memory_space<vmem_shared>>
      %dma_start3A_80 = arith.constant 0 : i32
      %dma_start3A_81 = arith.constant 0 : i32
      %dma_start3A_82 = tpu.memref_slice %arg7[%dma_start3A_80, %dma_start3A_81] : memref<128x128xf32, #tpu.memory_space<vmem>> -> memref<128x128xf32, #tpu.memory_space<vmem>>
      tpu.enqueue_dma source(%dma_start3A_82 : memref<128x128xf32, #tpu.memory_space<vmem>>) target(%dma_start3A_79 : memref<128x128xf32, #tpu.memory_space<vmem_shared>>) target_semaphore(%run_scoped3A : memref<!tpu.dma_semaphore, #tpu.memory_space<semaphore_mem>>)
      %dma_wait3A = arith.constant 0 : i32
      %dma_wait3A_83 = arith.constant 0 : i32
      %dma_wait3A_84 = tpu.memref_slice %arg7[%dma_wait3A, %dma_wait3A_83] : memref<128x128xf32, #tpu.memory_space<vmem>> -> memref<128x128xf32, #tpu.memory_space<vmem>>
      %dma_wait3A_85 = arith.constant 0 : i32
      %dma_wait3A_86 = tpu.memref_slice %arg11[%add3A_11, %dma_wait3A_85] : memref<10240x128xf32, #tpu.memory_space<vmem_shared>> -> memref<128x128xf32, #tpu.memory_space<vmem_shared>>
      %dma_wait3A_87 = arith.constant 0 : i32
      %dma_wait3A_88 = tpu.memref_slice %arg11[%add3A_11, %dma_wait3A_87] : memref<10240x128xf32, #tpu.memory_space<vmem_shared>> -> memref<128x128xf32, #tpu.memory_space<vmem_shared>>
      %dma_wait3A_89 = arith.constant 0 : i32
      %dma_wait3A_90 = arith.constant 0 : i32
      %dma_wait3A_91 = tpu.memref_slice %arg7[%dma_wait3A_89, %dma_wait3A_90] : memref<128x128xf32, #tpu.memory_space<vmem>> -> memref<128x128xf32, #tpu.memory_space<vmem>>
      tpu.wait_dma2 semaphore(%run_scoped3A : memref<!tpu.dma_semaphore, #tpu.memory_space<semaphore_mem>>) src(%dma_wait3A_91 : memref<128x128xf32, #tpu.memory_space<vmem>>) dst(%dma_wait3A_88 : memref<128x128xf32, #tpu.memory_space<vmem_shared>>)
      tpu.yield
    }) : () -> ()
    %mul3A_12 = arith.constant 640 : i32
    %mul3A_13 = arith.muli %arg1, %mul3A_12 : i32
    %add3A_14 = arith.constant 128 : i32
    %add3A_15 = arith.addi %mul3A_13, %add3A_14 : i32
    "tpu.region"() ({
      %run_scoped3A = tpu.sem_alloc : memref<!tpu.dma_semaphore, #tpu.memory_space<semaphore_mem>>
      %dma_start3A = arith.constant 0 : i32
      %dma_start3A_74 = arith.constant 0 : i32
      %dma_start3A_75 = tpu.memref_slice %arg7[%dma_start3A, %dma_start3A_74] : memref<128x128xf32, #tpu.memory_space<vmem>> -> memref<128x128xf32, #tpu.memory_space<vmem>>
      %dma_start3A_76 = arith.constant 0 : i32
      %dma_start3A_77 = tpu.memref_slice %arg11[%add3A_15, %dma_start3A_76] : memref<10240x128xf32, #tpu.memory_space<vmem_shared>> -> memref<128x128xf32, #tpu.memory_space<vmem_shared>>
      %dma_start3A_78 = arith.constant 0 : i32
      %dma_start3A_79 = tpu.memref_slice %arg11[%add3A_15, %dma_start3A_78] : memref<10240x128xf32, #tpu.memory_space<vmem_shared>> -> memref<128x128xf32, #tpu.memory_space<vmem_shared>>
      %dma_start3A_80 = arith.constant 0 : i32
      %dma_start3A_81 = arith.constant 0 : i32
      %dma_start3A_82 = tpu.memref_slice %arg7[%dma_start3A_80, %dma_start3A_81] : memref<128x128xf32, #tpu.memory_space<vmem>> -> memref<128x128xf32, #tpu.memory_space<vmem>>
      tpu.enqueue_dma source(%dma_start3A_82 : memref<128x128xf32, #tpu.memory_space<vmem>>) target(%dma_start3A_79 : memref<128x128xf32, #tpu.memory_space<vmem_shared>>) target_semaphore(%run_scoped3A : memref<!tpu.dma_semaphore, #tpu.memory_space<semaphore_mem>>)
      %dma_wait3A = arith.constant 0 : i32
      %dma_wait3A_83 = arith.constant 0 : i32
      %dma_wait3A_84 = tpu.memref_slice %arg7[%dma_wait3A, %dma_wait3A_83] : memref<128x128xf32, #tpu.memory_space<vmem>> -> memref<128x128xf32, #tpu.memory_space<vmem>>
      %dma_wait3A_85 = arith.constant 0 : i32
      %dma_wait3A_86 = tpu.memref_slice %arg11[%add3A_15, %dma_wait3A_85] : memref<10240x128xf32, #tpu.memory_space<vmem_shared>> -> memref<128x128xf32, #tpu.memory_space<vmem_shared>>
      %dma_wait3A_87 = arith.constant 0 : i32
      %dma_wait3A_88 = tpu.memref_slice %arg11[%add3A_15, %dma_wait3A_87] : memref<10240x128xf32, #tpu.memory_space<vmem_shared>> -> memref<128x128xf32, #tpu.memory_space<vmem_shared>>
      %dma_wait3A_89 = arith.constant 0 : i32
      %dma_wait3A_90 = arith.constant 0 : i32
      %dma_wait3A_91 = tpu.memref_slice %arg7[%dma_wait3A_89, %dma_wait3A_90] : memref<128x128xf32, #tpu.memory_space<vmem>> -> memref<128x128xf32, #tpu.memory_space<vmem>>
      tpu.wait_dma2 semaphore(%run_scoped3A : memref<!tpu.dma_semaphore, #tpu.memory_space<semaphore_mem>>) src(%dma_wait3A_91 : memref<128x128xf32, #tpu.memory_space<vmem>>) dst(%dma_wait3A_88 : memref<128x128xf32, #tpu.memory_space<vmem_shared>>)
      tpu.yield
    }) : () -> ()
    %mul3A_16 = arith.constant 640 : i32
    %mul3A_17 = arith.muli %arg1, %mul3A_16 : i32
    %add3A_18 = arith.constant 256 : i32
    %add3A_19 = arith.addi %mul3A_17, %add3A_18 : i32
    "tpu.region"() ({
      %run_scoped3A = tpu.sem_alloc : memref<!tpu.dma_semaphore, #tpu.memory_space<semaphore_mem>>
      %dma_start3A = arith.constant 0 : i32
      %dma_start3A_74 = arith.constant 0 : i32
      %dma_start3A_75 = tpu.memref_slice %arg7[%dma_start3A, %dma_start3A_74] : memref<128x128xf32, #tpu.memory_space<vmem>> -> memref<128x128xf32, #tpu.memory_space<vmem>>
      %dma_start3A_76 = arith.constant 0 : i32
      %dma_start3A_77 = tpu.memref_slice %arg11[%add3A_19, %dma_start3A_76] : memref<10240x128xf32, #tpu.memory_space<vmem_shared>> -> memref<128x128xf32, #tpu.memory_space<vmem_shared>>
      %dma_start3A_78 = arith.constant 0 : i32
      %dma_start3A_79 = tpu.memref_slice %arg11[%add3A_19, %dma_start3A_78] : memref<10240x128xf32, #tpu.memory_space<vmem_shared>> -> memref<128x128xf32, #tpu.memory_space<vmem_shared>>
      %dma_start3A_80 = arith.constant 0 : i32
      %dma_start3A_81 = arith.constant 0 : i32
      %dma_start3A_82 = tpu.memref_slice %arg7[%dma_start3A_80, %dma_start3A_81] : memref<128x128xf32, #tpu.memory_space<vmem>> -> memref<128x128xf32, #tpu.memory_space<vmem>>
      tpu.enqueue_dma source(%dma_start3A_82 : memref<128x128xf32, #tpu.memory_space<vmem>>) target(%dma_start3A_79 : memref<128x128xf32, #tpu.memory_space<vmem_shared>>) target_semaphore(%run_scoped3A : memref<!tpu.dma_semaphore, #tpu.memory_space<semaphore_mem>>)
      %dma_wait3A = arith.constant 0 : i32
      %dma_wait3A_83 = arith.constant 0 : i32
      %dma_wait3A_84 = tpu.memref_slice %arg7[%dma_wait3A, %dma_wait3A_83] : memref<128x128xf32, #tpu.memory_space<vmem>> -> memref<128x128xf32, #tpu.memory_space<vmem>>
      %dma_wait3A_85 = arith.constant 0 : i32
      %dma_wait3A_86 = tpu.memref_slice %arg11[%add3A_19, %dma_wait3A_85] : memref<10240x128xf32, #tpu.memory_space<vmem_shared>> -> memref<128x128xf32, #tpu.memory_space<vmem_shared>>
      %dma_wait3A_87 = arith.constant 0 : i32
      %dma_wait3A_88 = tpu.memref_slice %arg11[%add3A_19, %dma_wait3A_87] : memref<10240x128xf32, #tpu.memory_space<vmem_shared>> -> memref<128x128xf32, #tpu.memory_space<vmem_shared>>
      %dma_wait3A_89 = arith.constant 0 : i32
      %dma_wait3A_90 = arith.constant 0 : i32
      %dma_wait3A_91 = tpu.memref_slice %arg7[%dma_wait3A_89, %dma_wait3A_90] : memref<128x128xf32, #tpu.memory_space<vmem>> -> memref<128x128xf32, #tpu.memory_space<vmem>>
      tpu.wait_dma2 semaphore(%run_scoped3A : memref<!tpu.dma_semaphore, #tpu.memory_space<semaphore_mem>>) src(%dma_wait3A_91 : memref<128x128xf32, #tpu.memory_space<vmem>>) dst(%dma_wait3A_88 : memref<128x128xf32, #tpu.memory_space<vmem_shared>>)
      tpu.yield
    }) : () -> ()
    %mul3A_20 = arith.constant 640 : i32
    %mul3A_21 = arith.muli %arg1, %mul3A_20 : i32
    %add3A_22 = arith.constant 384 : i32
    %add3A_23 = arith.addi %mul3A_21, %add3A_22 : i32
    "tpu.region"() ({
      %run_scoped3A = tpu.sem_alloc : memref<!tpu.dma_semaphore, #tpu.memory_space<semaphore_mem>>
      %dma_start3A = arith.constant 0 : i32
      %dma_start3A_74 = arith.constant 0 : i32
      %dma_start3A_75 = tpu.memref_slice %arg7[%dma_start3A, %dma_start3A_74] : memref<128x128xf32, #tpu.memory_space<vmem>> -> memref<128x128xf32, #tpu.memory_space<vmem>>
      %dma_start3A_76 = arith.constant 0 : i32
      %dma_start3A_77 = tpu.memref_slice %arg11[%add3A_23, %dma_start3A_76] : memref<10240x128xf32, #tpu.memory_space<vmem_shared>> -> memref<128x128xf32, #tpu.memory_space<vmem_shared>>
      %dma_start3A_78 = arith.constant 0 : i32
      %dma_start3A_79 = tpu.memref_slice %arg11[%add3A_23, %dma_start3A_78] : memref<10240x128xf32, #tpu.memory_space<vmem_shared>> -> memref<128x128xf32, #tpu.memory_space<vmem_shared>>
      %dma_start3A_80 = arith.constant 0 : i32
      %dma_start3A_81 = arith.constant 0 : i32
      %dma_start3A_82 = tpu.memref_slice %arg7[%dma_start3A_80, %dma_start3A_81] : memref<128x128xf32, #tpu.memory_space<vmem>> -> memref<128x128xf32, #tpu.memory_space<vmem>>
      tpu.enqueue_dma source(%dma_start3A_82 : memref<128x128xf32, #tpu.memory_space<vmem>>) target(%dma_start3A_79 : memref<128x128xf32, #tpu.memory_space<vmem_shared>>) target_semaphore(%run_scoped3A : memref<!tpu.dma_semaphore, #tpu.memory_space<semaphore_mem>>)
      %dma_wait3A = arith.constant 0 : i32
      %dma_wait3A_83 = arith.constant 0 : i32
      %dma_wait3A_84 = tpu.memref_slice %arg7[%dma_wait3A, %dma_wait3A_83] : memref<128x128xf32, #tpu.memory_space<vmem>> -> memref<128x128xf32, #tpu.memory_space<vmem>>
      %dma_wait3A_85 = arith.constant 0 : i32
      %dma_wait3A_86 = tpu.memref_slice %arg11[%add3A_23, %dma_wait3A_85] : memref<10240x128xf32, #tpu.memory_space<vmem_shared>> -> memref<128x128xf32, #tpu.memory_space<vmem_shared>>
      %dma_wait3A_87 = arith.constant 0 : i32
      %dma_wait3A_88 = tpu.memref_slice %arg11[%add3A_23, %dma_wait3A_87] : memref<10240x128xf32, #tpu.memory_space<vmem_shared>> -> memref<128x128xf32, #tpu.memory_space<vmem_shared>>
      %dma_wait3A_89 = arith.constant 0 : i32
      %dma_wait3A_90 = arith.constant 0 : i32
      %dma_wait3A_91 = tpu.memref_slice %arg7[%dma_wait3A_89, %dma_wait3A_90] : memref<128x128xf32, #tpu.memory_space<vmem>> -> memref<128x128xf32, #tpu.memory_space<vmem>>
      tpu.wait_dma2 semaphore(%run_scoped3A : memref<!tpu.dma_semaphore, #tpu.memory_space<semaphore_mem>>) src(%dma_wait3A_91 : memref<128x128xf32, #tpu.memory_space<vmem>>) dst(%dma_wait3A_88 : memref<128x128xf32, #tpu.memory_space<vmem_shared>>)
      tpu.yield
    }) : () -> ()
    %mul3A_24 = arith.constant 640 : i32
    %mul3A_25 = arith.muli %arg1, %mul3A_24 : i32
    %add3A_26 = arith.constant 512 : i32
    %add3A_27 = arith.addi %mul3A_25, %add3A_26 : i32
    "tpu.region"() ({
      %run_scoped3A = tpu.sem_alloc : memref<!tpu.dma_semaphore, #tpu.memory_space<semaphore_mem>>
      %dma_start3A = arith.constant 0 : i32
      %dma_start3A_74 = arith.constant 0 : i32
      %dma_start3A_75 = tpu.memref_slice %arg7[%dma_start3A, %dma_start3A_74] : memref<128x128xf32, #tpu.memory_space<vmem>> -> memref<128x128xf32, #tpu.memory_space<vmem>>
      %dma_start3A_76 = arith.constant 0 : i32
      %dma_start3A_77 = tpu.memref_slice %arg11[%add3A_27, %dma_start3A_76] : memref<10240x128xf32, #tpu.memory_space<vmem_shared>> -> memref<128x128xf32, #tpu.memory_space<vmem_shared>>
      %dma_start3A_78 = arith.constant 0 : i32
      %dma_start3A_79 = tpu.memref_slice %arg11[%add3A_27, %dma_start3A_78] : memref<10240x128xf32, #tpu.memory_space<vmem_shared>> -> memref<128x128xf32, #tpu.memory_space<vmem_shared>>
      %dma_start3A_80 = arith.constant 0 : i32
      %dma_start3A_81 = arith.constant 0 : i32
      %dma_start3A_82 = tpu.memref_slice %arg7[%dma_start3A_80, %dma_start3A_81] : memref<128x128xf32, #tpu.memory_space<vmem>> -> memref<128x128xf32, #tpu.memory_space<vmem>>
      tpu.enqueue_dma source(%dma_start3A_82 : memref<128x128xf32, #tpu.memory_space<vmem>>) target(%dma_start3A_79 : memref<128x128xf32, #tpu.memory_space<vmem_shared>>) target_semaphore(%run_scoped3A : memref<!tpu.dma_semaphore, #tpu.memory_space<semaphore_mem>>)
      %dma_wait3A = arith.constant 0 : i32
      %dma_wait3A_83 = arith.constant 0 : i32
      %dma_wait3A_84 = tpu.memref_slice %arg7[%dma_wait3A, %dma_wait3A_83] : memref<128x128xf32, #tpu.memory_space<vmem>> -> memref<128x128xf32, #tpu.memory_space<vmem>>
      %dma_wait3A_85 = arith.constant 0 : i32
      %dma_wait3A_86 = tpu.memref_slice %arg11[%add3A_27, %dma_wait3A_85] : memref<10240x128xf32, #tpu.memory_space<vmem_shared>> -> memref<128x128xf32, #tpu.memory_space<vmem_shared>>
      %dma_wait3A_87 = arith.constant 0 : i32
      %dma_wait3A_88 = tpu.memref_slice %arg11[%add3A_27, %dma_wait3A_87] : memref<10240x128xf32, #tpu.memory_space<vmem_shared>> -> memref<128x128xf32, #tpu.memory_space<vmem_shared>>
      %dma_wait3A_89 = arith.constant 0 : i32
      %dma_wait3A_90 = arith.constant 0 : i32
      %dma_wait3A_91 = tpu.memref_slice %arg7[%dma_wait3A_89, %dma_wait3A_90] : memref<128x128xf32, #tpu.memory_space<vmem>> -> memref<128x128xf32, #tpu.memory_space<vmem>>
      tpu.wait_dma2 semaphore(%run_scoped3A : memref<!tpu.dma_semaphore, #tpu.memory_space<semaphore_mem>>) src(%dma_wait3A_91 : memref<128x128xf32, #tpu.memory_space<vmem>>) dst(%dma_wait3A_88 : memref<128x128xf32, #tpu.memory_space<vmem_shared>>)
      tpu.yield
    }) : () -> ()
    %barrier3A = arith.constant 0 : index
    tpu.barrier barrier_id(%barrier3A)
    "tpu.region"() ({
      %run_scoped3A = tpu.sem_alloc : memref<!tpu.dma_semaphore, #tpu.memory_space<semaphore_mem>>
      %dma_start3A = arith.constant 0 : i32
      %dma_start3A_74 = arith.constant 0 : i32
      %dma_start3A_75 = tpu.memref_slice %arg3[%add3A, %dma_start3A, %dma_start3A_74] : memref<32x240x128xi32, #tpu.memory_space<hbm>> -> memref<1x120x128xi32, #tpu.memory_space<hbm>>
      %dma_start3A_76 = tpu.memref_squeeze %dma_start3A_75 : memref<1x120x128xi32, #tpu.memory_space<hbm>> -> memref<120x128xi32, #tpu.memory_space<hbm>>
      %dma_start3A_77 = arith.constant 0 : i32
      %dma_start3A_78 = arith.constant 0 : i32
      %dma_start3A_79 = tpu.memref_slice %arg3[%add3A, %dma_start3A_77, %dma_start3A_78] : memref<32x240x128xi32, #tpu.memory_space<hbm>> -> memref<1x120x128xi32, #tpu.memory_space<hbm>>
      %dma_start3A_80 = tpu.memref_squeeze %dma_start3A_79 : memref<1x120x128xi32, #tpu.memory_space<hbm>> -> memref<120x128xi32, #tpu.memory_space<hbm>>
      tpu.enqueue_dma source(%dma_start3A_80 : memref<120x128xi32, #tpu.memory_space<hbm>>) target(%arg6 : memref<120x128xi32, #tpu.memory_space<vmem>>) target_semaphore(%run_scoped3A : memref<!tpu.dma_semaphore, #tpu.memory_space<semaphore_mem>>)
      %dma_wait3A = arith.constant 0 : i32
      %dma_wait3A_81 = arith.constant 0 : i32
      %dma_wait3A_82 = tpu.memref_slice %arg3[%add3A, %dma_wait3A, %dma_wait3A_81] : memref<32x240x128xi32, #tpu.memory_space<hbm>> -> memref<1x120x128xi32, #tpu.memory_space<hbm>>
      %dma_wait3A_83 = tpu.memref_squeeze %dma_wait3A_82 : memref<1x120x128xi32, #tpu.memory_space<hbm>> -> memref<120x128xi32, #tpu.memory_space<hbm>>
      %dma_wait3A_84 = arith.constant 0 : i32
      %dma_wait3A_85 = arith.constant 0 : i32
      %dma_wait3A_86 = tpu.memref_slice %arg3[%add3A, %dma_wait3A_84, %dma_wait3A_85] : memref<32x240x128xi32, #tpu.memory_space<hbm>> -> memref<1x120x128xi32, #tpu.memory_space<hbm>>
      %dma_wait3A_87 = tpu.memref_squeeze %dma_wait3A_86 : memref<1x120x128xi32, #tpu.memory_space<hbm>> -> memref<120x128xi32, #tpu.memory_space<hbm>>
      tpu.wait_dma2 semaphore(%run_scoped3A : memref<!tpu.dma_semaphore, #tpu.memory_space<semaphore_mem>>) src(%dma_wait3A_87 : memref<120x128xi32, #tpu.memory_space<hbm>>) dst(%arg6 : memref<120x128xi32, #tpu.memory_space<vmem>>)
      tpu.yield
    }) : () -> ()
    %add3A_28 = arith.constant 0 : i32
    %add3A_29 = arith.addi %add3A, %add3A_28 : i32
    %lt3A = arith.constant 2500 : i32
    %lt3A_30 = arith.cmpi slt, %add3A_29, %lt3A : i32
    %convert_element_type3A = arith.extui %lt3A_30 : i1 to i32
    %cond3A = arith.constant 0 : i32
    %cond3A_31 = arith.cmpi ne, %convert_element_type3A, %cond3A : i32
    scf.if %cond3A_31 {
      %dma_start3A = arith.constant 0 : i32
      %dma_start3A_74 = arith.constant 0 : i32
      %dma_start3A_75 = tpu.memref_slice %arg6[%dma_start3A, %dma_start3A_74] : memref<120x128xi32, #tpu.memory_space<vmem>> -> memref<1x128xi32, #tpu.memory_space<vmem>>
      %dma_start3A_76 = tpu.memref_squeeze %dma_start3A_75 : memref<1x128xi32, #tpu.memory_space<vmem>> -> memref<128xi32, #tpu.memory_space<vmem>>
      %dma_start3A_77 = arith.constant 0 : i32
      %dma_start3A_78 = arith.constant 0 : i32
      %dma_start3A_79 = tpu.memref_slice %arg2[%dma_start3A_77, %dma_start3A_78] : memref<10000x128xf32, #tpu.memory_space<hbm>> -> memref<10000x128xf32, #tpu.memory_space<hbm>>
      tpu.enqueue_indirect_dma source(%dma_start3A_79 : memref<10000x128xf32, #tpu.memory_space<hbm>>) target(%arg7 : memref<128x128xf32, #tpu.memory_space<vmem>>) offsets(%dma_start3A_76 : memref<128xi32, #tpu.memory_space<vmem>>) semaphore(%arg12 : memref<!tpu.dma_semaphore, #tpu.memory_space<semaphore_mem>>)
    } else {
    }
    %scan3A_32 = arith.constant 0 : i32
    %scan3A_33 = arith.constant 0 : i32
    %scan3A_34 = arith.constant 20 : i32
    %scan3A_35 = arith.addi %scan3A_33, %scan3A_34 : i32
    %scan3A_36 = arith.constant 1 : i32
    %scan3A_37 = scf.for %scan3A_74 = %scan3A_33 to %scan3A_35 step %scan3A_36 iter_args(%scan3A_75 = %scan3A_32) -> (i32)  : i32 {
      %mul3A_76 = arith.constant 2 : i32
      %mul3A_77 = arith.muli %mul3A_76, %scan3A_74 : i32
      %add3A_78 = arith.constant 0 : i32
      %add3A_79 = arith.addi %add3A_78, %mul3A_77 : i32
      %mul3A_80 = arith.constant 32 : i32
      %mul3A_81 = arith.muli %add3A_79, %mul3A_80 : i32
      %add3A_82 = arith.addi %add3A, %mul3A_81 : i32
      %lt3A_83 = arith.constant 2500 : i32
      %lt3A_84 = arith.cmpi slt, %add3A_82, %lt3A_83 : i32
      %convert_element_type3A_85 = arith.extui %lt3A_84 : i1 to i32
      %cond3A_86 = arith.constant 0 : i32
      %cond3A_87 = arith.cmpi ne, %convert_element_type3A_85, %cond3A_86 : i32
      scf.if %cond3A_87 {
        %mul3A_101 = arith.constant 3 : i32
        %mul3A_102 = arith.muli %mul3A_101, %mul3A_77 : i32
        %dma_wait3A = arith.constant 0 : i32
        %dma_wait3A_103 = tpu.memref_slice %arg6[%mul3A_102, %dma_wait3A] : memref<120x128xi32, #tpu.memory_space<vmem>> -> memref<1x128xi32, #tpu.memory_space<vmem>>
        %dma_wait3A_104 = tpu.memref_squeeze %dma_wait3A_103 : memref<1x128xi32, #tpu.memory_space<vmem>> -> memref<128xi32, #tpu.memory_space<vmem>>
        %dma_wait3A_105 = arith.constant 0 : i32
        %dma_wait3A_106 = arith.constant 0 : i32
        %dma_wait3A_107 = tpu.memref_slice %arg2[%dma_wait3A_105, %dma_wait3A_106] : memref<10000x128xf32, #tpu.memory_space<hbm>> -> memref<10000x128xf32, #tpu.memory_space<hbm>>
        tpu.wait_indirect_dma semaphore(%arg12 : memref<!tpu.dma_semaphore, #tpu.memory_space<semaphore_mem>>) src(%dma_wait3A_107 : memref<10000x128xf32, #tpu.memory_space<hbm>>) dst(%arg7 : memref<128x128xf32, #tpu.memory_space<vmem>>)
        %add3A_108 = arith.constant 32 : i32
        %add3A_109 = arith.addi %add3A_82, %add3A_108 : i32
        %lt3A_110 = arith.constant 2500 : i32
        %lt3A_111 = arith.cmpi slt, %add3A_109, %lt3A_110 : i32
        %lt3A_112 = arith.constant 39 : i32
        %lt3A_113 = arith.cmpi slt, %mul3A_77, %lt3A_112 : i32
        %and3A = arith.andi %lt3A_111, %lt3A_113 : i1
        %convert_element_type3A_114 = arith.extui %and3A : i1 to i32
        %cond3A_115 = arith.constant 0 : i32
        %cond3A_116 = arith.cmpi ne, %convert_element_type3A_114, %cond3A_115 : i32
        scf.if %cond3A_116 {
          %add3A_187 = arith.constant 3 : i32
          %add3A_188 = arith.addi %mul3A_102, %add3A_187 : i32
          %dma_start3A = arith.constant 0 : i32
          %dma_start3A_189 = tpu.memref_slice %arg6[%add3A_188, %dma_start3A] : memref<120x128xi32, #tpu.memory_space<vmem>> -> memref<1x128xi32, #tpu.memory_space<vmem>>
          %dma_start3A_190 = tpu.memref_squeeze %dma_start3A_189 : memref<1x128xi32, #tpu.memory_space<vmem>> -> memref<128xi32, #tpu.memory_space<vmem>>
          %dma_start3A_191 = arith.constant 0 : i32
          %dma_start3A_192 = arith.constant 0 : i32
          %dma_start3A_193 = tpu.memref_slice %arg2[%dma_start3A_191, %dma_start3A_192] : memref<10000x128xf32, #tpu.memory_space<hbm>> -> memref<10000x128xf32, #tpu.memory_space<hbm>>
          tpu.enqueue_indirect_dma source(%dma_start3A_193 : memref<10000x128xf32, #tpu.memory_space<hbm>>) target(%arg8 : memref<128x128xf32, #tpu.memory_space<vmem>>) offsets(%dma_start3A_190 : memref<128xi32, #tpu.memory_space<vmem>>) semaphore(%arg13 : memref<!tpu.dma_semaphore, #tpu.memory_space<semaphore_mem>>)
        } else {
        }
        %add3A_117 = arith.constant 2 : i32
        %add3A_118 = arith.addi %mul3A_102, %add3A_117 : i32
        %get3A = arith.index_cast %add3A_118 : i32 to index
        %get3A_119 = arith.constant 0 : index
        %get3A_120 = tpu.vector_load %arg6[%get3A, %get3A_119] {strides = array<i32>} : memref<120x128xi32, #tpu.memory_space<vmem>>, vector<16xi32>,
        %gather3A = tpu.vector_load_idx %arg9[%get3A_120] : memref<128xf32, #tpu.memory_space<vmem>>[vector<16xi32>], vector<16xf32>,
        %swap3A = arith.constant 0 : index
        %swap3A_121 = tpu.vector_load %arg10[%swap3A] {strides = array<i32>} : memref<128xf32, #tpu.memory_space<vmem>>, vector<16xf32>,
        tpu.vector_store %arg10[%swap3A], %gather3A {strides = array<i32>} : memref<128xf32, #tpu.memory_space<vmem>>, vector<16xf32>,
        %add3A_122 = arith.constant 2 : i32
        %add3A_123 = arith.addi %mul3A_102, %add3A_122 : i32
        %get3A_124 = arith.index_cast %add3A_123 : i32 to index
        %get3A_125 = arith.constant 16 : index
        %get3A_126 = tpu.vector_load %arg6[%get3A_124, %get3A_125] {strides = array<i32>} : memref<120x128xi32, #tpu.memory_space<vmem>>, vector<16xi32>,
        %gather3A_127 = tpu.vector_load_idx %arg9[%get3A_126] : memref<128xf32, #tpu.memory_space<vmem>>[vector<16xi32>], vector<16xf32>,
        %swap3A_128 = arith.constant 16 : index
        %swap3A_129 = tpu.vector_load %arg10[%swap3A_128] {strides = array<i32>} : memref<128xf32, #tpu.memory_space<vmem>>, vector<16xf32>,
        tpu.vector_store %arg10[%swap3A_128], %gather3A_127 {strides = array<i32>} : memref<128xf32, #tpu.memory_space<vmem>>, vector<16xf32>,
        %add3A_130 = arith.constant 2 : i32
        %add3A_131 = arith.addi %mul3A_102, %add3A_130 : i32
        %get3A_132 = arith.index_cast %add3A_131 : i32 to index
        %get3A_133 = arith.constant 32 : index
        %get3A_134 = tpu.vector_load %arg6[%get3A_132, %get3A_133] {strides = array<i32>} : memref<120x128xi32, #tpu.memory_space<vmem>>, vector<16xi32>,
        %gather3A_135 = tpu.vector_load_idx %arg9[%get3A_134] : memref<128xf32, #tpu.memory_space<vmem>>[vector<16xi32>], vector<16xf32>,
        %swap3A_136 = arith.constant 32 : index
        %swap3A_137 = tpu.vector_load %arg10[%swap3A_136] {strides = array<i32>} : memref<128xf32, #tpu.memory_space<vmem>>, vector<16xf32>,
        tpu.vector_store %arg10[%swap3A_136], %gather3A_135 {strides = array<i32>} : memref<128xf32, #tpu.memory_space<vmem>>, vector<16xf32>,
        %add3A_138 = arith.constant 2 : i32
        %add3A_139 = arith.addi %mul3A_102, %add3A_138 : i32
        %get3A_140 = arith.index_cast %add3A_139 : i32 to index
        %get3A_141 = arith.constant 48 : index
        %get3A_142 = tpu.vector_load %arg6[%get3A_140, %get3A_141] {strides = array<i32>} : memref<120x128xi32, #tpu.memory_space<vmem>>, vector<16xi32>,
        %gather3A_143 = tpu.vector_load_idx %arg9[%get3A_142] : memref<128xf32, #tpu.memory_space<vmem>>[vector<16xi32>], vector<16xf32>,
        %swap3A_144 = arith.constant 48 : index
        %swap3A_145 = tpu.vector_load %arg10[%swap3A_144] {strides = array<i32>} : memref<128xf32, #tpu.memory_space<vmem>>, vector<16xf32>,
        tpu.vector_store %arg10[%swap3A_144], %gather3A_143 {strides = array<i32>} : memref<128xf32, #tpu.memory_space<vmem>>, vector<16xf32>,
        %add3A_146 = arith.constant 2 : i32
        %add3A_147 = arith.addi %mul3A_102, %add3A_146 : i32
        %get3A_148 = arith.index_cast %add3A_147 : i32 to index
        %get3A_149 = arith.constant 64 : index
        %get3A_150 = tpu.vector_load %arg6[%get3A_148, %get3A_149] {strides = array<i32>} : memref<120x128xi32, #tpu.memory_space<vmem>>, vector<16xi32>,
        %gather3A_151 = tpu.vector_load_idx %arg9[%get3A_150] : memref<128xf32, #tpu.memory_space<vmem>>[vector<16xi32>], vector<16xf32>,
        %swap3A_152 = arith.constant 64 : index
        %swap3A_153 = tpu.vector_load %arg10[%swap3A_152] {strides = array<i32>} : memref<128xf32, #tpu.memory_space<vmem>>, vector<16xf32>,
        tpu.vector_store %arg10[%swap3A_152], %gather3A_151 {strides = array<i32>} : memref<128xf32, #tpu.memory_space<vmem>>, vector<16xf32>,
        %add3A_154 = arith.constant 2 : i32
        %add3A_155 = arith.addi %mul3A_102, %add3A_154 : i32
        %get3A_156 = arith.index_cast %add3A_155 : i32 to index
        %get3A_157 = arith.constant 80 : index
        %get3A_158 = tpu.vector_load %arg6[%get3A_156, %get3A_157] {strides = array<i32>} : memref<120x128xi32, #tpu.memory_space<vmem>>, vector<16xi32>,
        %gather3A_159 = tpu.vector_load_idx %arg9[%get3A_158] : memref<128xf32, #tpu.memory_space<vmem>>[vector<16xi32>], vector<16xf32>,
        %swap3A_160 = arith.constant 80 : index
        %swap3A_161 = tpu.vector_load %arg10[%swap3A_160] {strides = array<i32>} : memref<128xf32, #tpu.memory_space<vmem>>, vector<16xf32>,
        tpu.vector_store %arg10[%swap3A_160], %gather3A_159 {strides = array<i32>} : memref<128xf32, #tpu.memory_space<vmem>>, vector<16xf32>,
        %add3A_162 = arith.constant 2 : i32
        %add3A_163 = arith.addi %mul3A_102, %add3A_162 : i32
        %get3A_164 = arith.index_cast %add3A_163 : i32 to index
        %get3A_165 = arith.constant 96 : index
        %get3A_166 = tpu.vector_load %arg6[%get3A_164, %get3A_165] {strides = array<i32>} : memref<120x128xi32, #tpu.memory_space<vmem>>, vector<16xi32>,
        %gather3A_167 = tpu.vector_load_idx %arg9[%get3A_166] : memref<128xf32, #tpu.memory_space<vmem>>[vector<16xi32>], vector<16xf32>,
        %swap3A_168 = arith.constant 96 : index
        %swap3A_169 = tpu.vector_load %arg10[%swap3A_168] {strides = array<i32>} : memref<128xf32, #tpu.memory_space<vmem>>, vector<16xf32>,
        tpu.vector_store %arg10[%swap3A_168], %gather3A_167 {strides = array<i32>} : memref<128xf32, #tpu.memory_space<vmem>>, vector<16xf32>,
        %add3A_170 = arith.constant 2 : i32
        %add3A_171 = arith.addi %mul3A_102, %add3A_170 : i32
        %get3A_172 = arith.index_cast %add3A_171 : i32 to index
        %get3A_173 = arith.constant 112 : index
        %get3A_174 = tpu.vector_load %arg6[%get3A_172, %get3A_173] {strides = array<i32>} : memref<120x128xi32, #tpu.memory_space<vmem>>, vector<16xi32>,
        %gather3A_175 = tpu.vector_load_idx %arg9[%get3A_174] : memref<128xf32, #tpu.memory_space<vmem>>[vector<16xi32>], vector<16xf32>,
        %swap3A_176 = arith.constant 112 : index
        %swap3A_177 = tpu.vector_load %arg10[%swap3A_176] {strides = array<i32>} : memref<128xf32, #tpu.memory_space<vmem>>, vector<16xf32>,
        tpu.vector_store %arg10[%swap3A_176], %gather3A_175 {strides = array<i32>} : memref<128xf32, #tpu.memory_space<vmem>>, vector<16xf32>,
        %scan3A_178 = arith.constant 0 : i32
        %scan3A_179 = arith.constant 0 : i32
        %scan3A_180 = arith.constant 128 : i32
        %scan3A_181 = arith.addi %scan3A_179, %scan3A_180 : i32
        %scan3A_182 = arith.constant 8 : i32
        %scan3A_183 = scf.for %scan3A_187 = %scan3A_179 to %scan3A_181 step %scan3A_182 iter_args(%scan3A_188 = %scan3A_178) -> (i32)  : i32 {
          %broadcast_in_dim3A_189 = arith.constant 0 : i32
          %broadcast_in_dim3A_190 = vector.broadcast %broadcast_in_dim3A_189 : i32 to vector<16xi32>
          %add3A_191 = vector.broadcast %scan3A_187 : i32 to vector<16xi32>
          %add3A_192 = arith.addi %broadcast_in_dim3A_190, %add3A_191 : vector<16xi32>
          %gather3A_193 = tpu.vector_load_idx %arg10[%add3A_192] : memref<128xf32, #tpu.memory_space<vmem>>[vector<16xi32>], vector<16xf32>,
          %get3A_194 = arith.index_cast %scan3A_187 : i32 to index
          %get3A_195 = arith.constant 0 : index
          %get3A_196 = tpu.vector_load %arg7[%get3A_194, %get3A_195] {strides = array<i32>} : memref<128x128xf32, #tpu.memory_space<vmem>>, vector<16xf32>,
          %mul3A_197 = arith.mulf %get3A_196, %gather3A_193 : vector<16xf32>
          %swap3A_198 = arith.index_cast %scan3A_187 : i32 to index
          %swap3A_199 = arith.constant 0 : index
          %swap3A_200 = tpu.vector_load %arg7[%swap3A_198, %swap3A_199] {strides = array<i32>} : memref<128x128xf32, #tpu.memory_space<vmem>>, vector<16xf32>,
          tpu.vector_store %arg7[%swap3A_198, %swap3A_199], %mul3A_197 {strides = array<i32>} : memref<128x128xf32, #tpu.memory_space<vmem>>, vector<16xf32>,
          %get3A_201 = arith.index_cast %scan3A_187 : i32 to index
          %get3A_202 = arith.constant 16 : index
          %get3A_203 = tpu.vector_load %arg7[%get3A_201, %get3A_202] {strides = array<i32>} : memref<128x128xf32, #tpu.memory_space<vmem>>, vector<16xf32>,
          %mul3A_204 = arith.mulf %get3A_203, %gather3A_193 : vector<16xf32>
          %swap3A_205 = arith.index_cast %scan3A_187 : i32 to index
          %swap3A_206 = arith.constant 16 : index
          %swap3A_207 = tpu.vector_load %arg7[%swap3A_205, %swap3A_206] {strides = array<i32>} : memref<128x128xf32, #tpu.memory_space<vmem>>, vector<16xf32>,
          tpu.vector_store %arg7[%swap3A_205, %swap3A_206], %mul3A_204 {strides = array<i32>} : memref<128x128xf32, #tpu.memory_space<vmem>>, vector<16xf32>,
          %get3A_208 = arith.index_cast %scan3A_187 : i32 to index
          %get3A_209 = arith.constant 32 : index
          %get3A_210 = tpu.vector_load %arg7[%get3A_208, %get3A_209] {strides = array<i32>} : memref<128x128xf32, #tpu.memory_space<vmem>>, vector<16xf32>,
          %mul3A_211 = arith.mulf %get3A_210, %gather3A_193 : vector<16xf32>
          %swap3A_212 = arith.index_cast %scan3A_187 : i32 to index
          %swap3A_213 = arith.constant 32 : index
          %swap3A_214 = tpu.vector_load %arg7[%swap3A_212, %swap3A_213] {strides = array<i32>} : memref<128x128xf32, #tpu.memory_space<vmem>>, vector<16xf32>,
          tpu.vector_store %arg7[%swap3A_212, %swap3A_213], %mul3A_211 {strides = array<i32>} : memref<128x128xf32, #tpu.memory_space<vmem>>, vector<16xf32>,
          %get3A_215 = arith.index_cast %scan3A_187 : i32 to index
          %get3A_216 = arith.constant 48 : index
          %get3A_217 = tpu.vector_load %arg7[%get3A_215, %get3A_216] {strides = array<i32>} : memref<128x128xf32, #tpu.memory_space<vmem>>, vector<16xf32>,
          %mul3A_218 = arith.mulf %get3A_217, %gather3A_193 : vector<16xf32>
          %swap3A_219 = arith.index_cast %scan3A_187 : i32 to index
          %swap3A_220 = arith.constant 48 : index
          %swap3A_221 = tpu.vector_load %arg7[%swap3A_219, %swap3A_220] {strides = array<i32>} : memref<128x128xf32, #tpu.memory_space<vmem>>, vector<16xf32>,
          tpu.vector_store %arg7[%swap3A_219, %swap3A_220], %mul3A_218 {strides = array<i32>} : memref<128x128xf32, #tpu.memory_space<vmem>>, vector<16xf32>,
          %get3A_222 = arith.index_cast %scan3A_187 : i32 to index
          %get3A_223 = arith.constant 64 : index
          %get3A_224 = tpu.vector_load %arg7[%get3A_222, %get3A_223] {strides = array<i32>} : memref<128x128xf32, #tpu.memory_space<vmem>>, vector<16xf32>,
          %mul3A_225 = arith.mulf %get3A_224, %gather3A_193 : vector<16xf32>
          %swap3A_226 = arith.index_cast %scan3A_187 : i32 to index
          %swap3A_227 = arith.constant 64 : index
          %swap3A_228 = tpu.vector_load %arg7[%swap3A_226, %swap3A_227] {strides = array<i32>} : memref<128x128xf32, #tpu.memory_space<vmem>>, vector<16xf32>,
          tpu.vector_store %arg7[%swap3A_226, %swap3A_227], %mul3A_225 {strides = array<i32>} : memref<128x128xf32, #tpu.memory_space<vmem>>, vector<16xf32>,
          %get3A_229 = arith.index_cast %scan3A_187 : i32 to index
          %get3A_230 = arith.constant 80 : index
          %get3A_231 = tpu.vector_load %arg7[%get3A_229, %get3A_230] {strides = array<i32>} : memref<128x128xf32, #tpu.memory_space<vmem>>, vector<16xf32>,
          %mul3A_232 = arith.mulf %get3A_231, %gather3A_193 : vector<16xf32>
          %swap3A_233 = arith.index_cast %scan3A_187 : i32 to index
          %swap3A_234 = arith.constant 80 : index
          %swap3A_235 = tpu.vector_load %arg7[%swap3A_233, %swap3A_234] {strides = array<i32>} : memref<128x128xf32, #tpu.memory_space<vmem>>, vector<16xf32>,
          tpu.vector_store %arg7[%swap3A_233, %swap3A_234], %mul3A_232 {strides = array<i32>} : memref<128x128xf32, #tpu.memory_space<vmem>>, vector<16xf32>,
          %get3A_236 = arith.index_cast %scan3A_187 : i32 to index
          %get3A_237 = arith.constant 96 : index
          %get3A_238 = tpu.vector_load %arg7[%get3A_236, %get3A_237] {strides = array<i32>} : memref<128x128xf32, #tpu.memory_space<vmem>>, vector<16xf32>,
          %mul3A_239 = arith.mulf %get3A_238, %gather3A_193 : vector<16xf32>
          %swap3A_240 = arith.index_cast %scan3A_187 : i32 to index
          %swap3A_241 = arith.constant 96 : index
          %swap3A_242 = tpu.vector_load %arg7[%swap3A_240, %swap3A_241] {strides = array<i32>} : memref<128x128xf32, #tpu.memory_space<vmem>>, vector<16xf32>,
          tpu.vector_store %arg7[%swap3A_240, %swap3A_241], %mul3A_239 {strides = array<i32>} : memref<128x128xf32, #tpu.memory_space<vmem>>, vector<16xf32>,
          %get3A_243 = arith.index_cast %scan3A_187 : i32 to index
          %get3A_244 = arith.constant 112 : index
          %get3A_245 = tpu.vector_load %arg7[%get3A_243, %get3A_244] {strides = array<i32>} : memref<128x128xf32, #tpu.memory_space<vmem>>, vector<16xf32>,
          %mul3A_246 = arith.mulf %get3A_245, %gather3A_193 : vector<16xf32>
          %swap3A_247 = arith.index_cast %scan3A_187 : i32 to index
          %swap3A_248 = arith.constant 112 : index
          %swap3A_249 = tpu.vector_load %arg7[%swap3A_247, %swap3A_248] {strides = array<i32>} : memref<128x128xf32, #tpu.memory_space<vmem>>, vector<16xf32>,
          tpu.vector_store %arg7[%swap3A_247, %swap3A_248], %mul3A_246 {strides = array<i32>} : memref<128x128xf32, #tpu.memory_space<vmem>>, vector<16xf32>,
          %scan3A_250 = arith.constant 0 : i32
          %scan3A_251 = arith.constant 1 : i32
          %scan3A_252 = arith.addi %scan3A_187, %scan3A_251 : i32
          %broadcast_in_dim3A_253 = arith.constant 0 : i32
          %broadcast_in_dim3A_254 = vector.broadcast %broadcast_in_dim3A_253 : i32 to vector<16xi32>
          %add3A_255 = vector.broadcast %scan3A_252 : i32 to vector<16xi32>
          %add3A_256 = arith.addi %broadcast_in_dim3A_254, %add3A_255 : vector<16xi32>
          %gather3A_257 = tpu.vector_load_idx %arg10[%add3A_256] : memref<128xf32, #tpu.memory_space<vmem>>[vector<16xi32>], vector<16xf32>,
          %get3A_258 = arith.index_cast %scan3A_252 : i32 to index
          %get3A_259 = arith.constant 0 : index
          %get3A_260 = tpu.vector_load %arg7[%get3A_258, %get3A_259] {strides = array<i32>} : memref<128x128xf32, #tpu.memory_space<vmem>>, vector<16xf32>,
          %mul3A_261 = arith.mulf %get3A_260, %gather3A_257 : vector<16xf32>
          %swap3A_262 = arith.index_cast %scan3A_252 : i32 to index
          %swap3A_263 = arith.constant 0 : index
          %swap3A_264 = tpu.vector_load %arg7[%swap3A_262, %swap3A_263] {strides = array<i32>} : memref<128x128xf32, #tpu.memory_space<vmem>>, vector<16xf32>,
          tpu.vector_store %arg7[%swap3A_262, %swap3A_263], %mul3A_261 {strides = array<i32>} : memref<128x128xf32, #tpu.memory_space<vmem>>, vector<16xf32>,
          %get3A_265 = arith.index_cast %scan3A_252 : i32 to index
          %get3A_266 = arith.constant 16 : index
          %get3A_267 = tpu.vector_load %arg7[%get3A_265, %get3A_266] {strides = array<i32>} : memref<128x128xf32, #tpu.memory_space<vmem>>, vector<16xf32>,
          %mul3A_268 = arith.mulf %get3A_267, %gather3A_257 : vector<16xf32>
          %swap3A_269 = arith.index_cast %scan3A_252 : i32 to index
          %swap3A_270 = arith.constant 16 : index
          %swap3A_271 = tpu.vector_load %arg7[%swap3A_269, %swap3A_270] {strides = array<i32>} : memref<128x128xf32, #tpu.memory_space<vmem>>, vector<16xf32>,
          tpu.vector_store %arg7[%swap3A_269, %swap3A_270], %mul3A_268 {strides = array<i32>} : memref<128x128xf32, #tpu.memory_space<vmem>>, vector<16xf32>,
          %get3A_272 = arith.index_cast %scan3A_252 : i32 to index
          %get3A_273 = arith.constant 32 : index
          %get3A_274 = tpu.vector_load %arg7[%get3A_272, %get3A_273] {strides = array<i32>} : memref<128x128xf32, #tpu.memory_space<vmem>>, vector<16xf32>,
          %mul3A_275 = arith.mulf %get3A_274, %gather3A_257 : vector<16xf32>
          %swap3A_276 = arith.index_cast %scan3A_252 : i32 to index
          %swap3A_277 = arith.constant 32 : index
          %swap3A_278 = tpu.vector_load %arg7[%swap3A_276, %swap3A_277] {strides = array<i32>} : memref<128x128xf32, #tpu.memory_space<vmem>>, vector<16xf32>,
          tpu.vector_store %arg7[%swap3A_276, %swap3A_277], %mul3A_275 {strides = array<i32>} : memref<128x128xf32, #tpu.memory_space<vmem>>, vector<16xf32>,
          %get3A_279 = arith.index_cast %scan3A_252 : i32 to index
          %get3A_280 = arith.constant 48 : index
          %get3A_281 = tpu.vector_load %arg7[%get3A_279, %get3A_280] {strides = array<i32>} : memref<128x128xf32, #tpu.memory_space<vmem>>, vector<16xf32>,
          %mul3A_282 = arith.mulf %get3A_281, %gather3A_257 : vector<16xf32>
          %swap3A_283 = arith.index_cast %scan3A_252 : i32 to index
          %swap3A_284 = arith.constant 48 : index
          %swap3A_285 = tpu.vector_load %arg7[%swap3A_283, %swap3A_284] {strides = array<i32>} : memref<128x128xf32, #tpu.memory_space<vmem>>, vector<16xf32>,
          tpu.vector_store %arg7[%swap3A_283, %swap3A_284], %mul3A_282 {strides = array<i32>} : memref<128x128xf32, #tpu.memory_space<vmem>>, vector<16xf32>,
          %get3A_286 = arith.index_cast %scan3A_252 : i32 to index
          %get3A_287 = arith.constant 64 : index
          %get3A_288 = tpu.vector_load %arg7[%get3A_286, %get3A_287] {strides = array<i32>} : memref<128x128xf32, #tpu.memory_space<vmem>>, vector<16xf32>,
          %mul3A_289 = arith.mulf %get3A_288, %gather3A_257 : vector<16xf32>
          %swap3A_290 = arith.index_cast %scan3A_252 : i32 to index
          %swap3A_291 = arith.constant 64 : index
          %swap3A_292 = tpu.vector_load %arg7[%swap3A_290, %swap3A_291] {strides = array<i32>} : memref<128x128xf32, #tpu.memory_space<vmem>>, vector<16xf32>,
          tpu.vector_store %arg7[%swap3A_290, %swap3A_291], %mul3A_289 {strides = array<i32>} : memref<128x128xf32, #tpu.memory_space<vmem>>, vector<16xf32>,
          %get3A_293 = arith.index_cast %scan3A_252 : i32 to index
          %get3A_294 = arith.constant 80 : index
          %get3A_295 = tpu.vector_load %arg7[%get3A_293, %get3A_294] {strides = array<i32>} : memref<128x128xf32, #tpu.memory_space<vmem>>, vector<16xf32>,
          %mul3A_296 = arith.mulf %get3A_295, %gather3A_257 : vector<16xf32>
          %swap3A_297 = arith.index_cast %scan3A_252 : i32 to index
          %swap3A_298 = arith.constant 80 : index
          %swap3A_299 = tpu.vector_load %arg7[%swap3A_297, %swap3A_298] {strides = array<i32>} : memref<128x128xf32, #tpu.memory_space<vmem>>, vector<16xf32>,
          tpu.vector_store %arg7[%swap3A_297, %swap3A_298], %mul3A_296 {strides = array<i32>} : memref<128x128xf32, #tpu.memory_space<vmem>>, vector<16xf32>,
          %get3A_300 = arith.index_cast %scan3A_252 : i32 to index
          %get3A_301 = arith.constant 96 : index
          %get3A_302 = tpu.vector_load %arg7[%get3A_300, %get3A_301] {strides = array<i32>} : memref<128x128xf32, #tpu.memory_space<vmem>>, vector<16xf32>,
          %mul3A_303 = arith.mulf %get3A_302, %gather3A_257 : vector<16xf32>
          %swap3A_304 = arith.index_cast %scan3A_252 : i32 to index
          %swap3A_305 = arith.constant 96 : index
          %swap3A_306 = tpu.vector_load %arg7[%swap3A_304, %swap3A_305] {strides = array<i32>} : memref<128x128xf32, #tpu.memory_space<vmem>>, vector<16xf32>,
          tpu.vector_store %arg7[%swap3A_304, %swap3A_305], %mul3A_303 {strides = array<i32>} : memref<128x128xf32, #tpu.memory_space<vmem>>, vector<16xf32>,
          %get3A_307 = arith.index_cast %scan3A_252 : i32 to index
          %get3A_308 = arith.constant 112 : index
          %get3A_309 = tpu.vector_load %arg7[%get3A_307, %get3A_308] {strides = array<i32>} : memref<128x128xf32, #tpu.memory_space<vmem>>, vector<16xf32>,
          %mul3A_310 = arith.mulf %get3A_309, %gather3A_257 : vector<16xf32>
          %swap3A_311 = arith.index_cast %scan3A_252 : i32 to index
          %swap3A_312 = arith.constant 112 : index
          %swap3A_313 = tpu.vector_load %arg7[%swap3A_311, %swap3A_312] {strides = array<i32>} : memref<128x128xf32, #tpu.memory_space<vmem>>, vector<16xf32>,
          tpu.vector_store %arg7[%swap3A_311, %swap3A_312], %mul3A_310 {strides = array<i32>} : memref<128x128xf32, #tpu.memory_space<vmem>>, vector<16xf32>,
          %scan3A_314 = arith.constant 0 : i32
          %scan3A_315 = arith.constant 2 : i32
          %scan3A_316 = arith.addi %scan3A_187, %scan3A_315 : i32
          %broadcast_in_dim3A_317 = arith.constant 0 : i32
          %broadcast_in_dim3A_318 = vector.broadcast %broadcast_in_dim3A_317 : i32 to vector<16xi32>
          %add3A_319 = vector.broadcast %scan3A_316 : i32 to vector<16xi32>
          %add3A_320 = arith.addi %broadcast_in_dim3A_318, %add3A_319 : vector<16xi32>
          %gather3A_321 = tpu.vector_load_idx %arg10[%add3A_320] : memref<128xf32, #tpu.memory_space<vmem>>[vector<16xi32>], vector<16xf32>,
          %get3A_322 = arith.index_cast %scan3A_316 : i32 to index
          %get3A_323 = arith.constant 0 : index
          %get3A_324 = tpu.vector_load %arg7[%get3A_322, %get3A_323] {strides = array<i32>} : memref<128x128xf32, #tpu.memory_space<vmem>>, vector<16xf32>,
          %mul3A_325 = arith.mulf %get3A_324, %gather3A_321 : vector<16xf32>
          %swap3A_326 = arith.index_cast %scan3A_316 : i32 to index
          %swap3A_327 = arith.constant 0 : index
          %swap3A_328 = tpu.vector_load %arg7[%swap3A_326, %swap3A_327] {strides = array<i32>} : memref<128x128xf32, #tpu.memory_space<vmem>>, vector<16xf32>,
          tpu.vector_store %arg7[%swap3A_326, %swap3A_327], %mul3A_325 {strides = array<i32>} : memref<128x128xf32, #tpu.memory_space<vmem>>, vector<16xf32>,
          %get3A_329 = arith.index_cast %scan3A_316 : i32 to index
          %get3A_330 = arith.constant 16 : index
          %get3A_331 = tpu.vector_load %arg7[%get3A_329, %get3A_330] {strides = array<i32>} : memref<128x128xf32, #tpu.memory_space<vmem>>, vector<16xf32>,
          %mul3A_332 = arith.mulf %get3A_331, %gather3A_321 : vector<16xf32>
          %swap3A_333 = arith.index_cast %scan3A_316 : i32 to index
          %swap3A_334 = arith.constant 16 : index
          %swap3A_335 = tpu.vector_load %arg7[%swap3A_333, %swap3A_334] {strides = array<i32>} : memref<128x128xf32, #tpu.memory_space<vmem>>, vector<16xf32>,
          tpu.vector_store %arg7[%swap3A_333, %swap3A_334], %mul3A_332 {strides = array<i32>} : memref<128x128xf32, #tpu.memory_space<vmem>>, vector<16xf32>,
          %get3A_336 = arith.index_cast %scan3A_316 : i32 to index
          %get3A_337 = arith.constant 32 : index
          %get3A_338 = tpu.vector_load %arg7[%get3A_336, %get3A_337] {strides = array<i32>} : memref<128x128xf32, #tpu.memory_space<vmem>>, vector<16xf32>,
          %mul3A_339 = arith.mulf %get3A_338, %gather3A_321 : vector<16xf32>
          %swap3A_340 = arith.index_cast %scan3A_316 : i32 to index
          %swap3A_341 = arith.constant 32 : index
          %swap3A_342 = tpu.vector_load %arg7[%swap3A_340, %swap3A_341] {strides = array<i32>} : memref<128x128xf32, #tpu.memory_space<vmem>>, vector<16xf32>,
          tpu.vector_store %arg7[%swap3A_340, %swap3A_341], %mul3A_339 {strides = array<i32>} : memref<128x128xf32, #tpu.memory_space<vmem>>, vector<16xf32>,
          %get3A_343 = arith.index_cast %scan3A_316 : i32 to index
          %get3A_344 = arith.constant 48 : index
          %get3A_345 = tpu.vector_load %arg7[%get3A_343, %get3A_344] {strides = array<i32>} : memref<128x128xf32, #tpu.memory_space<vmem>>, vector<16xf32>,
          %mul3A_346 = arith.mulf %get3A_345, %gather3A_321 : vector<16xf32>
          %swap3A_347 = arith.index_cast %scan3A_316 : i32 to index
          %swap3A_348 = arith.constant 48 : index
          %swap3A_349 = tpu.vector_load %arg7[%swap3A_347, %swap3A_348] {strides = array<i32>} : memref<128x128xf32, #tpu.memory_space<vmem>>, vector<16xf32>,
          tpu.vector_store %arg7[%swap3A_347, %swap3A_348], %mul3A_346 {strides = array<i32>} : memref<128x128xf32, #tpu.memory_space<vmem>>, vector<16xf32>,
          %get3A_350 = arith.index_cast %scan3A_316 : i32 to index
          %get3A_351 = arith.constant 64 : index
          %get3A_352 = tpu.vector_load %arg7[%get3A_350, %get3A_351] {strides = array<i32>} : memref<128x128xf32, #tpu.memory_space<vmem>>, vector<16xf32>,
          %mul3A_353 = arith.mulf %get3A_352, %gather3A_321 : vector<16xf32>
          %swap3A_354 = arith.index_cast %scan3A_316 : i32 to index
          %swap3A_355 = arith.constant 64 : index
          %swap3A_356 = tpu.vector_load %arg7[%swap3A_354, %swap3A_355] {strides = array<i32>} : memref<128x128xf32, #tpu.memory_space<vmem>>, vector<16xf32>,
          tpu.vector_store %arg7[%swap3A_354, %swap3A_355], %mul3A_353 {strides = array<i32>} : memref<128x128xf32, #tpu.memory_space<vmem>>, vector<16xf32>,
          %get3A_357 = arith.index_cast %scan3A_316 : i32 to index
          %get3A_358 = arith.constant 80 : index
          %get3A_359 = tpu.vector_load %arg7[%get3A_357, %get3A_358] {strides = array<i32>} : memref<128x128xf32, #tpu.memory_space<vmem>>, vector<16xf32>,
          %mul3A_360 = arith.mulf %get3A_359, %gather3A_321 : vector<16xf32>
          %swap3A_361 = arith.index_cast %scan3A_316 : i32 to index
          %swap3A_362 = arith.constant 80 : index
          %swap3A_363 = tpu.vector_load %arg7[%swap3A_361, %swap3A_362] {strides = array<i32>} : memref<128x128xf32, #tpu.memory_space<vmem>>, vector<16xf32>,
          tpu.vector_store %arg7[%swap3A_361, %swap3A_362], %mul3A_360 {strides = array<i32>} : memref<128x128xf32, #tpu.memory_space<vmem>>, vector<16xf32>,
          %get3A_364 = arith.index_cast %scan3A_316 : i32 to index
          %get3A_365 = arith.constant 96 : index
          %get3A_366 = tpu.vector_load %arg7[%get3A_364, %get3A_365] {strides = array<i32>} : memref<128x128xf32, #tpu.memory_space<vmem>>, vector<16xf32>,
          %mul3A_367 = arith.mulf %get3A_366, %gather3A_321 : vector<16xf32>
          %swap3A_368 = arith.index_cast %scan3A_316 : i32 to index
          %swap3A_369 = arith.constant 96 : index
          %swap3A_370 = tpu.vector_load %arg7[%swap3A_368, %swap3A_369] {strides = array<i32>} : memref<128x128xf32, #tpu.memory_space<vmem>>, vector<16xf32>,
          tpu.vector_store %arg7[%swap3A_368, %swap3A_369], %mul3A_367 {strides = array<i32>} : memref<128x128xf32, #tpu.memory_space<vmem>>, vector<16xf32>,
          %get3A_371 = arith.index_cast %scan3A_316 : i32 to index
          %get3A_372 = arith.constant 112 : index
          %get3A_373 = tpu.vector_load %arg7[%get3A_371, %get3A_372] {strides = array<i32>} : memref<128x128xf32, #tpu.memory_space<vmem>>, vector<16xf32>,
          %mul3A_374 = arith.mulf %get3A_373, %gather3A_321 : vector<16xf32>
          %swap3A_375 = arith.index_cast %scan3A_316 : i32 to index
          %swap3A_376 = arith.constant 112 : index
          %swap3A_377 = tpu.vector_load %arg7[%swap3A_375, %swap3A_376] {strides = array<i32>} : memref<128x128xf32, #tpu.memory_space<vmem>>, vector<16xf32>,
          tpu.vector_store %arg7[%swap3A_375, %swap3A_376], %mul3A_374 {strides = array<i32>} : memref<128x128xf32, #tpu.memory_space<vmem>>, vector<16xf32>,
          %scan3A_378 = arith.constant 0 : i32
          %scan3A_379 = arith.constant 3 : i32
          %scan3A_380 = arith.addi %scan3A_187, %scan3A_379 : i32
          %broadcast_in_dim3A_381 = arith.constant 0 : i32
          %broadcast_in_dim3A_382 = vector.broadcast %broadcast_in_dim3A_381 : i32 to vector<16xi32>
          %add3A_383 = vector.broadcast %scan3A_380 : i32 to vector<16xi32>
          %add3A_384 = arith.addi %broadcast_in_dim3A_382, %add3A_383 : vector<16xi32>
          %gather3A_385 = tpu.vector_load_idx %arg10[%add3A_384] : memref<128xf32, #tpu.memory_space<vmem>>[vector<16xi32>], vector<16xf32>,
          %get3A_386 = arith.index_cast %scan3A_380 : i32 to index
          %get3A_387 = arith.constant 0 : index
          %get3A_388 = tpu.vector_load %arg7[%get3A_386, %get3A_387] {strides = array<i32>} : memref<128x128xf32, #tpu.memory_space<vmem>>, vector<16xf32>,
          %mul3A_389 = arith.mulf %get3A_388, %gather3A_385 : vector<16xf32>
          %swap3A_390 = arith.index_cast %scan3A_380 : i32 to index
          %swap3A_391 = arith.constant 0 : index
          %swap3A_392 = tpu.vector_load %arg7[%swap3A_390, %swap3A_391] {strides = array<i32>} : memref<128x128xf32, #tpu.memory_space<vmem>>, vector<16xf32>,
          tpu.vector_store %arg7[%swap3A_390, %swap3A_391], %mul3A_389 {strides = array<i32>} : memref<128x128xf32, #tpu.memory_space<vmem>>, vector<16xf32>,
          %get3A_393 = arith.index_cast %scan3A_380 : i32 to index
          %get3A_394 = arith.constant 16 : index
          %get3A_395 = tpu.vector_load %arg7[%get3A_393, %get3A_394] {strides = array<i32>} : memref<128x128xf32, #tpu.memory_space<vmem>>, vector<16xf32>,
          %mul3A_396 = arith.mulf %get3A_395, %gather3A_385 : vector<16xf32>
          %swap3A_397 = arith.index_cast %scan3A_380 : i32 to index
          %swap3A_398 = arith.constant 16 : index
          %swap3A_399 = tpu.vector_load %arg7[%swap3A_397, %swap3A_398] {strides = array<i32>} : memref<128x128xf32, #tpu.memory_space<vmem>>, vector<16xf32>,
          tpu.vector_store %arg7[%swap3A_397, %swap3A_398], %mul3A_396 {strides = array<i32>} : memref<128x128xf32, #tpu.memory_space<vmem>>, vector<16xf32>,
          %get3A_400 = arith.index_cast %scan3A_380 : i32 to index
          %get3A_401 = arith.constant 32 : index
          %get3A_402 = tpu.vector_load %arg7[%get3A_400, %get3A_401] {strides = array<i32>} : memref<128x128xf32, #tpu.memory_space<vmem>>, vector<16xf32>,
          %mul3A_403 = arith.mulf %get3A_402, %gather3A_385 : vector<16xf32>
          %swap3A_404 = arith.index_cast %scan3A_380 : i32 to index
          %swap3A_405 = arith.constant 32 : index
          %swap3A_406 = tpu.vector_load %arg7[%swap3A_404, %swap3A_405] {strides = array<i32>} : memref<128x128xf32, #tpu.memory_space<vmem>>, vector<16xf32>,
          tpu.vector_store %arg7[%swap3A_404, %swap3A_405], %mul3A_403 {strides = array<i32>} : memref<128x128xf32, #tpu.memory_space<vmem>>, vector<16xf32>,
          %get3A_407 = arith.index_cast %scan3A_380 : i32 to index
          %get3A_408 = arith.constant 48 : index
          %get3A_409 = tpu.vector_load %arg7[%get3A_407, %get3A_408] {strides = array<i32>} : memref<128x128xf32, #tpu.memory_space<vmem>>, vector<16xf32>,
          %mul3A_410 = arith.mulf %get3A_409, %gather3A_385 : vector<16xf32>
          %swap3A_411 = arith.index_cast %scan3A_380 : i32 to index
          %swap3A_412 = arith.constant 48 : index
          %swap3A_413 = tpu.vector_load %arg7[%swap3A_411, %swap3A_412] {strides = array<i32>} : memref<128x128xf32, #tpu.memory_space<vmem>>, vector<16xf32>,
          tpu.vector_store %arg7[%swap3A_411, %swap3A_412], %mul3A_410 {strides = array<i32>} : memref<128x128xf32, #tpu.memory_space<vmem>>, vector<16xf32>,
          %get3A_414 = arith.index_cast %scan3A_380 : i32 to index
          %get3A_415 = arith.constant 64 : index
          %get3A_416 = tpu.vector_load %arg7[%get3A_414, %get3A_415] {strides = array<i32>} : memref<128x128xf32, #tpu.memory_space<vmem>>, vector<16xf32>,
          %mul3A_417 = arith.mulf %get3A_416, %gather3A_385 : vector<16xf32>
          %swap3A_418 = arith.index_cast %scan3A_380 : i32 to index
          %swap3A_419 = arith.constant 64 : index
          %swap3A_420 = tpu.vector_load %arg7[%swap3A_418, %swap3A_419] {strides = array<i32>} : memref<128x128xf32, #tpu.memory_space<vmem>>, vector<16xf32>,
          tpu.vector_store %arg7[%swap3A_418, %swap3A_419], %mul3A_417 {strides = array<i32>} : memref<128x128xf32, #tpu.memory_space<vmem>>, vector<16xf32>,
          %get3A_421 = arith.index_cast %scan3A_380 : i32 to index
          %get3A_422 = arith.constant 80 : index
          %get3A_423 = tpu.vector_load %arg7[%get3A_421, %get3A_422] {strides = array<i32>} : memref<128x128xf32, #tpu.memory_space<vmem>>, vector<16xf32>,
          %mul3A_424 = arith.mulf %get3A_423, %gather3A_385 : vector<16xf32>
          %swap3A_425 = arith.index_cast %scan3A_380 : i32 to index
          %swap3A_426 = arith.constant 80 : index
          %swap3A_427 = tpu.vector_load %arg7[%swap3A_425, %swap3A_426] {strides = array<i32>} : memref<128x128xf32, #tpu.memory_space<vmem>>, vector<16xf32>,
          tpu.vector_store %arg7[%swap3A_425, %swap3A_426], %mul3A_424 {strides = array<i32>} : memref<128x128xf32, #tpu.memory_space<vmem>>, vector<16xf32>,
          %get3A_428 = arith.index_cast %scan3A_380 : i32 to index
          %get3A_429 = arith.constant 96 : index
          %get3A_430 = tpu.vector_load %arg7[%get3A_428, %get3A_429] {strides = array<i32>} : memref<128x128xf32, #tpu.memory_space<vmem>>, vector<16xf32>,
          %mul3A_431 = arith.mulf %get3A_430, %gather3A_385 : vector<16xf32>
          %swap3A_432 = arith.index_cast %scan3A_380 : i32 to index
          %swap3A_433 = arith.constant 96 : index
          %swap3A_434 = tpu.vector_load %arg7[%swap3A_432, %swap3A_433] {strides = array<i32>} : memref<128x128xf32, #tpu.memory_space<vmem>>, vector<16xf32>,
          tpu.vector_store %arg7[%swap3A_432, %swap3A_433], %mul3A_431 {strides = array<i32>} : memref<128x128xf32, #tpu.memory_space<vmem>>, vector<16xf32>,
          %get3A_435 = arith.index_cast %scan3A_380 : i32 to index
          %get3A_436 = arith.constant 112 : index
          %get3A_437 = tpu.vector_load %arg7[%get3A_435, %get3A_436] {strides = array<i32>} : memref<128x128xf32, #tpu.memory_space<vmem>>, vector<16xf32>,
          %mul3A_438 = arith.mulf %get3A_437, %gather3A_385 : vector<16xf32>
          %swap3A_439 = arith.index_cast %scan3A_380 : i32 to index
          %swap3A_440 = arith.constant 112 : index
          %swap3A_441 = tpu.vector_load %arg7[%swap3A_439, %swap3A_440] {strides = array<i32>} : memref<128x128xf32, #tpu.memory_space<vmem>>, vector<16xf32>,
          tpu.vector_store %arg7[%swap3A_439, %swap3A_440], %mul3A_438 {strides = array<i32>} : memref<128x128xf32, #tpu.memory_space<vmem>>, vector<16xf32>,
          %scan3A_442 = arith.constant 0 : i32
          %scan3A_443 = arith.constant 4 : i32
          %scan3A_444 = arith.addi %scan3A_187, %scan3A_443 : i32
          %broadcast_in_dim3A_445 = arith.constant 0 : i32
          %broadcast_in_dim3A_446 = vector.broadcast %broadcast_in_dim3A_445 : i32 to vector<16xi32>
          %add3A_447 = vector.broadcast %scan3A_444 : i32 to vector<16xi32>
          %add3A_448 = arith.addi %broadcast_in_dim3A_446, %add3A_447 : vector<16xi32>
          %gather3A_449 = tpu.vector_load_idx %arg10[%add3A_448] : memref<128xf32, #tpu.memory_space<vmem>>[vector<16xi32>], vector<16xf32>,
          %get3A_450 = arith.index_cast %scan3A_444 : i32 to index
          %get3A_451 = arith.constant 0 : index
          %get3A_452 = tpu.vector_load %arg7[%get3A_450, %get3A_451] {strides = array<i32>} : memref<128x128xf32, #tpu.memory_space<vmem>>, vector<16xf32>,
          %mul3A_453 = arith.mulf %get3A_452, %gather3A_449 : vector<16xf32>
          %swap3A_454 = arith.index_cast %scan3A_444 : i32 to index
          %swap3A_455 = arith.constant 0 : index
          %swap3A_456 = tpu.vector_load %arg7[%swap3A_454, %swap3A_455] {strides = array<i32>} : memref<128x128xf32, #tpu.memory_space<vmem>>, vector<16xf32>,
          tpu.vector_store %arg7[%swap3A_454, %swap3A_455], %mul3A_453 {strides = array<i32>} : memref<128x128xf32, #tpu.memory_space<vmem>>, vector<16xf32>,
          %get3A_457 = arith.index_cast %scan3A_444 : i32 to index
          %get3A_458 = arith.constant 16 : index
          %get3A_459 = tpu.vector_load %arg7[%get3A_457, %get3A_458] {strides = array<i32>} : memref<128x128xf32, #tpu.memory_space<vmem>>, vector<16xf32>,
          %mul3A_460 = arith.mulf %get3A_459, %gather3A_449 : vector<16xf32>
          %swap3A_461 = arith.index_cast %scan3A_444 : i32 to index
          %swap3A_462 = arith.constant 16 : index
          %swap3A_463 = tpu.vector_load %arg7[%swap3A_461, %swap3A_462] {strides = array<i32>} : memref<128x128xf32, #tpu.memory_space<vmem>>, vector<16xf32>,
          tpu.vector_store %arg7[%swap3A_461, %swap3A_462], %mul3A_460 {strides = array<i32>} : memref<128x128xf32, #tpu.memory_space<vmem>>, vector<16xf32>,
          %get3A_464 = arith.index_cast %scan3A_444 : i32 to index
          %get3A_465 = arith.constant 32 : index
          %get3A_466 = tpu.vector_load %arg7[%get3A_464, %get3A_465] {strides = array<i32>} : memref<128x128xf32, #tpu.memory_space<vmem>>, vector<16xf32>,
          %mul3A_467 = arith.mulf %get3A_466, %gather3A_449 : vector<16xf32>
          %swap3A_468 = arith.index_cast %scan3A_444 : i32 to index
          %swap3A_469 = arith.constant 32 : index
          %swap3A_470 = tpu.vector_load %arg7[%swap3A_468, %swap3A_469] {strides = array<i32>} : memref<128x128xf32, #tpu.memory_space<vmem>>, vector<16xf32>,
          tpu.vector_store %arg7[%swap3A_468, %swap3A_469], %mul3A_467 {strides = array<i32>} : memref<128x128xf32, #tpu.memory_space<vmem>>, vector<16xf32>,
          %get3A_471 = arith.index_cast %scan3A_444 : i32 to index
          %get3A_472 = arith.constant 48 : index
          %get3A_473 = tpu.vector_load %arg7[%get3A_471, %get3A_472] {strides = array<i32>} : memref<128x128xf32, #tpu.memory_space<vmem>>, vector<16xf32>,
          %mul3A_474 = arith.mulf %get3A_473, %gather3A_449 : vector<16xf32>
          %swap3A_475 = arith.index_cast %scan3A_444 : i32 to index
          %swap3A_476 = arith.constant 48 : index
          %swap3A_477 = tpu.vector_load %arg7[%swap3A_475, %swap3A_476] {strides = array<i32>} : memref<128x128xf32, #tpu.memory_space<vmem>>, vector<16xf32>,
          tpu.vector_store %arg7[%swap3A_475, %swap3A_476], %mul3A_474 {strides = array<i32>} : memref<128x128xf32, #tpu.memory_space<vmem>>, vector<16xf32>,
          %get3A_478 = arith.index_cast %scan3A_444 : i32 to index
          %get3A_479 = arith.constant 64 : index
          %get3A_480 = tpu.vector_load %arg7[%get3A_478, %get3A_479] {strides = array<i32>} : memref<128x128xf32, #tpu.memory_space<vmem>>, vector<16xf32>,
          %mul3A_481 = arith.mulf %get3A_480, %gather3A_449 : vector<16xf32>
          %swap3A_482 = arith.index_cast %scan3A_444 : i32 to index
          %swap3A_483 = arith.constant 64 : index
          %swap3A_484 = tpu.vector_load %arg7[%swap3A_482, %swap3A_483] {strides = array<i32>} : memref<128x128xf32, #tpu.memory_space<vmem>>, vector<16xf32>,
          tpu.vector_store %arg7[%swap3A_482, %swap3A_483], %mul3A_481 {strides = array<i32>} : memref<128x128xf32, #tpu.memory_space<vmem>>, vector<16xf32>,
          %get3A_485 = arith.index_cast %scan3A_444 : i32 to index
          %get3A_486 = arith.constant 80 : index
          %get3A_487 = tpu.vector_load %arg7[%get3A_485, %get3A_486] {strides = array<i32>} : memref<128x128xf32, #tpu.memory_space<vmem>>, vector<16xf32>,
          %mul3A_488 = arith.mulf %get3A_487, %gather3A_449 : vector<16xf32>
          %swap3A_489 = arith.index_cast %scan3A_444 : i32 to index
          %swap3A_490 = arith.constant 80 : index
          %swap3A_491 = tpu.vector_load %arg7[%swap3A_489, %swap3A_490] {strides = array<i32>} : memref<128x128xf32, #tpu.memory_space<vmem>>, vector<16xf32>,
          tpu.vector_store %arg7[%swap3A_489, %swap3A_490], %mul3A_488 {strides = array<i32>} : memref<128x128xf32, #tpu.memory_space<vmem>>, vector<16xf32>,
          %get3A_492 = arith.index_cast %scan3A_444 : i32 to index
          %get3A_493 = arith.constant 96 : index
          %get3A_494 = tpu.vector_load %arg7[%get3A_492, %get3A_493] {strides = array<i32>} : memref<128x128xf32, #tpu.memory_space<vmem>>, vector<16xf32>,
          %mul3A_495 = arith.mulf %get3A_494, %gather3A_449 : vector<16xf32>
          %swap3A_496 = arith.index_cast %scan3A_444 : i32 to index
          %swap3A_497 = arith.constant 96 : index
          %swap3A_498 = tpu.vector_load %arg7[%swap3A_496, %swap3A_497] {strides = array<i32>} : memref<128x128xf32, #tpu.memory_space<vmem>>, vector<16xf32>,
          tpu.vector_store %arg7[%swap3A_496, %swap3A_497], %mul3A_495 {strides = array<i32>} : memref<128x128xf32, #tpu.memory_space<vmem>>, vector<16xf32>,
          %get3A_499 = arith.index_cast %scan3A_444 : i32 to index
          %get3A_500 = arith.constant 112 : index
          %get3A_501 = tpu.vector_load %arg7[%get3A_499, %get3A_500] {strides = array<i32>} : memref<128x128xf32, #tpu.memory_space<vmem>>, vector<16xf32>,
          %mul3A_502 = arith.mulf %get3A_501, %gather3A_449 : vector<16xf32>
          %swap3A_503 = arith.index_cast %scan3A_444 : i32 to index
          %swap3A_504 = arith.constant 112 : index
          %swap3A_505 = tpu.vector_load %arg7[%swap3A_503, %swap3A_504] {strides = array<i32>} : memref<128x128xf32, #tpu.memory_space<vmem>>, vector<16xf32>,
          tpu.vector_store %arg7[%swap3A_503, %swap3A_504], %mul3A_502 {strides = array<i32>} : memref<128x128xf32, #tpu.memory_space<vmem>>, vector<16xf32>,
          %scan3A_506 = arith.constant 0 : i32
          %scan3A_507 = arith.constant 5 : i32
          %scan3A_508 = arith.addi %scan3A_187, %scan3A_507 : i32
          %broadcast_in_dim3A_509 = arith.constant 0 : i32
          %broadcast_in_dim3A_510 = vector.broadcast %broadcast_in_dim3A_509 : i32 to vector<16xi32>
          %add3A_511 = vector.broadcast %scan3A_508 : i32 to vector<16xi32>
          %add3A_512 = arith.addi %broadcast_in_dim3A_510, %add3A_511 : vector<16xi32>
          %gather3A_513 = tpu.vector_load_idx %arg10[%add3A_512] : memref<128xf32, #tpu.memory_space<vmem>>[vector<16xi32>], vector<16xf32>,
          %get3A_514 = arith.index_cast %scan3A_508 : i32 to index
          %get3A_515 = arith.constant 0 : index
          %get3A_516 = tpu.vector_load %arg7[%get3A_514, %get3A_515] {strides = array<i32>} : memref<128x128xf32, #tpu.memory_space<vmem>>, vector<16xf32>,
          %mul3A_517 = arith.mulf %get3A_516, %gather3A_513 : vector<16xf32>
          %swap3A_518 = arith.index_cast %scan3A_508 : i32 to index
          %swap3A_519 = arith.constant 0 : index
          %swap3A_520 = tpu.vector_load %arg7[%swap3A_518, %swap3A_519] {strides = array<i32>} : memref<128x128xf32, #tpu.memory_space<vmem>>, vector<16xf32>,
          tpu.vector_store %arg7[%swap3A_518, %swap3A_519], %mul3A_517 {strides = array<i32>} : memref<128x128xf32, #tpu.memory_space<vmem>>, vector<16xf32>,
          %get3A_521 = arith.index_cast %scan3A_508 : i32 to index
          %get3A_522 = arith.constant 16 : index
          %get3A_523 = tpu.vector_load %arg7[%get3A_521, %get3A_522] {strides = array<i32>} : memref<128x128xf32, #tpu.memory_space<vmem>>, vector<16xf32>,
          %mul3A_524 = arith.mulf %get3A_523, %gather3A_513 : vector<16xf32>
          %swap3A_525 = arith.index_cast %scan3A_508 : i32 to index
          %swap3A_526 = arith.constant 16 : index
          %swap3A_527 = tpu.vector_load %arg7[%swap3A_525, %swap3A_526] {strides = array<i32>} : memref<128x128xf32, #tpu.memory_space<vmem>>, vector<16xf32>,
          tpu.vector_store %arg7[%swap3A_525, %swap3A_526], %mul3A_524 {strides = array<i32>} : memref<128x128xf32, #tpu.memory_space<vmem>>, vector<16xf32>,
          %get3A_528 = arith.index_cast %scan3A_508 : i32 to index
          %get3A_529 = arith.constant 32 : index
          %get3A_530 = tpu.vector_load %arg7[%get3A_528, %get3A_529] {strides = array<i32>} : memref<128x128xf32, #tpu.memory_space<vmem>>, vector<16xf32>,
          %mul3A_531 = arith.mulf %get3A_530, %gather3A_513 : vector<16xf32>
          %swap3A_532 = arith.index_cast %scan3A_508 : i32 to index
          %swap3A_533 = arith.constant 32 : index
          %swap3A_534 = tpu.vector_load %arg7[%swap3A_532, %swap3A_533] {strides = array<i32>} : memref<128x128xf32, #tpu.memory_space<vmem>>, vector<16xf32>,
          tpu.vector_store %arg7[%swap3A_532, %swap3A_533], %mul3A_531 {strides = array<i32>} : memref<128x128xf32, #tpu.memory_space<vmem>>, vector<16xf32>,
          %get3A_535 = arith.index_cast %scan3A_508 : i32 to index
          %get3A_536 = arith.constant 48 : index
          %get3A_537 = tpu.vector_load %arg7[%get3A_535, %get3A_536] {strides = array<i32>} : memref<128x128xf32, #tpu.memory_space<vmem>>, vector<16xf32>,
          %mul3A_538 = arith.mulf %get3A_537, %gather3A_513 : vector<16xf32>
          %swap3A_539 = arith.index_cast %scan3A_508 : i32 to index
          %swap3A_540 = arith.constant 48 : index
          %swap3A_541 = tpu.vector_load %arg7[%swap3A_539, %swap3A_540] {strides = array<i32>} : memref<128x128xf32, #tpu.memory_space<vmem>>, vector<16xf32>,
          tpu.vector_store %arg7[%swap3A_539, %swap3A_540], %mul3A_538 {strides = array<i32>} : memref<128x128xf32, #tpu.memory_space<vmem>>, vector<16xf32>,
          %get3A_542 = arith.index_cast %scan3A_508 : i32 to index
          %get3A_543 = arith.constant 64 : index
          %get3A_544 = tpu.vector_load %arg7[%get3A_542, %get3A_543] {strides = array<i32>} : memref<128x128xf32, #tpu.memory_space<vmem>>, vector<16xf32>,
          %mul3A_545 = arith.mulf %get3A_544, %gather3A_513 : vector<16xf32>
          %swap3A_546 = arith.index_cast %scan3A_508 : i32 to index
          %swap3A_547 = arith.constant 64 : index
          %swap3A_548 = tpu.vector_load %arg7[%swap3A_546, %swap3A_547] {strides = array<i32>} : memref<128x128xf32, #tpu.memory_space<vmem>>, vector<16xf32>,
          tpu.vector_store %arg7[%swap3A_546, %swap3A_547], %mul3A_545 {strides = array<i32>} : memref<128x128xf32, #tpu.memory_space<vmem>>, vector<16xf32>,
          %get3A_549 = arith.index_cast %scan3A_508 : i32 to index
          %get3A_550 = arith.constant 80 : index
          %get3A_551 = tpu.vector_load %arg7[%get3A_549, %get3A_550] {strides = array<i32>} : memref<128x128xf32, #tpu.memory_space<vmem>>, vector<16xf32>,
          %mul3A_552 = arith.mulf %get3A_551, %gather3A_513 : vector<16xf32>
          %swap3A_553 = arith.index_cast %scan3A_508 : i32 to index
          %swap3A_554 = arith.constant 80 : index
          %swap3A_555 = tpu.vector_load %arg7[%swap3A_553, %swap3A_554] {strides = array<i32>} : memref<128x128xf32, #tpu.memory_space<vmem>>, vector<16xf32>,
          tpu.vector_store %arg7[%swap3A_553, %swap3A_554], %mul3A_552 {strides = array<i32>} : memref<128x128xf32, #tpu.memory_space<vmem>>, vector<16xf32>,
          %get3A_556 = arith.index_cast %scan3A_508 : i32 to index
          %get3A_557 = arith.constant 96 : index
          %get3A_558 = tpu.vector_load %arg7[%get3A_556, %get3A_557] {strides = array<i32>} : memref<128x128xf32, #tpu.memory_space<vmem>>, vector<16xf32>,
          %mul3A_559 = arith.mulf %get3A_558, %gather3A_513 : vector<16xf32>
          %swap3A_560 = arith.index_cast %scan3A_508 : i32 to index
          %swap3A_561 = arith.constant 96 : index
          %swap3A_562 = tpu.vector_load %arg7[%swap3A_560, %swap3A_561] {strides = array<i32>} : memref<128x128xf32, #tpu.memory_space<vmem>>, vector<16xf32>,
          tpu.vector_store %arg7[%swap3A_560, %swap3A_561], %mul3A_559 {strides = array<i32>} : memref<128x128xf32, #tpu.memory_space<vmem>>, vector<16xf32>,
          %get3A_563 = arith.index_cast %scan3A_508 : i32 to index
          %get3A_564 = arith.constant 112 : index
          %get3A_565 = tpu.vector_load %arg7[%get3A_563, %get3A_564] {strides = array<i32>} : memref<128x128xf32, #tpu.memory_space<vmem>>, vector<16xf32>,
          %mul3A_566 = arith.mulf %get3A_565, %gather3A_513 : vector<16xf32>
          %swap3A_567 = arith.index_cast %scan3A_508 : i32 to index
          %swap3A_568 = arith.constant 112 : index
          %swap3A_569 = tpu.vector_load %arg7[%swap3A_567, %swap3A_568] {strides = array<i32>} : memref<128x128xf32, #tpu.memory_space<vmem>>, vector<16xf32>,
          tpu.vector_store %arg7[%swap3A_567, %swap3A_568], %mul3A_566 {strides = array<i32>} : memref<128x128xf32, #tpu.memory_space<vmem>>, vector<16xf32>,
          %scan3A_570 = arith.constant 0 : i32
          %scan3A_571 = arith.constant 6 : i32
          %scan3A_572 = arith.addi %scan3A_187, %scan3A_571 : i32
          %broadcast_in_dim3A_573 = arith.constant 0 : i32
          %broadcast_in_dim3A_574 = vector.broadcast %broadcast_in_dim3A_573 : i32 to vector<16xi32>
          %add3A_575 = vector.broadcast %scan3A_572 : i32 to vector<16xi32>
          %add3A_576 = arith.addi %broadcast_in_dim3A_574, %add3A_575 : vector<16xi32>
          %gather3A_577 = tpu.vector_load_idx %arg10[%add3A_576] : memref<128xf32, #tpu.memory_space<vmem>>[vector<16xi32>], vector<16xf32>,
          %get3A_578 = arith.index_cast %scan3A_572 : i32 to index
          %get3A_579 = arith.constant 0 : index
          %get3A_580 = tpu.vector_load %arg7[%get3A_578, %get3A_579] {strides = array<i32>} : memref<128x128xf32, #tpu.memory_space<vmem>>, vector<16xf32>,
          %mul3A_581 = arith.mulf %get3A_580, %gather3A_577 : vector<16xf32>
          %swap3A_582 = arith.index_cast %scan3A_572 : i32 to index
          %swap3A_583 = arith.constant 0 : index
          %swap3A_584 = tpu.vector_load %arg7[%swap3A_582, %swap3A_583] {strides = array<i32>} : memref<128x128xf32, #tpu.memory_space<vmem>>, vector<16xf32>,
          tpu.vector_store %arg7[%swap3A_582, %swap3A_583], %mul3A_581 {strides = array<i32>} : memref<128x128xf32, #tpu.memory_space<vmem>>, vector<16xf32>,
          %get3A_585 = arith.index_cast %scan3A_572 : i32 to index
          %get3A_586 = arith.constant 16 : index
          %get3A_587 = tpu.vector_load %arg7[%get3A_585, %get3A_586] {strides = array<i32>} : memref<128x128xf32, #tpu.memory_space<vmem>>, vector<16xf32>,
          %mul3A_588 = arith.mulf %get3A_587, %gather3A_577 : vector<16xf32>
          %swap3A_589 = arith.index_cast %scan3A_572 : i32 to index
          %swap3A_590 = arith.constant 16 : index
          %swap3A_591 = tpu.vector_load %arg7[%swap3A_589, %swap3A_590] {strides = array<i32>} : memref<128x128xf32, #tpu.memory_space<vmem>>, vector<16xf32>,
          tpu.vector_store %arg7[%swap3A_589, %swap3A_590], %mul3A_588 {strides = array<i32>} : memref<128x128xf32, #tpu.memory_space<vmem>>, vector<16xf32>,
          %get3A_592 = arith.index_cast %scan3A_572 : i32 to index
          %get3A_593 = arith.constant 32 : index
          %get3A_594 = tpu.vector_load %arg7[%get3A_592, %get3A_593] {strides = array<i32>} : memref<128x128xf32, #tpu.memory_space<vmem>>, vector<16xf32>,
          %mul3A_595 = arith.mulf %get3A_594, %gather3A_577 : vector<16xf32>
          %swap3A_596 = arith.index_cast %scan3A_572 : i32 to index
          %swap3A_597 = arith.constant 32 : index
          %swap3A_598 = tpu.vector_load %arg7[%swap3A_596, %swap3A_597] {strides = array<i32>} : memref<128x128xf32, #tpu.memory_space<vmem>>, vector<16xf32>,
          tpu.vector_store %arg7[%swap3A_596, %swap3A_597], %mul3A_595 {strides = array<i32>} : memref<128x128xf32, #tpu.memory_space<vmem>>, vector<16xf32>,
          %get3A_599 = arith.index_cast %scan3A_572 : i32 to index
          %get3A_600 = arith.constant 48 : index
          %get3A_601 = tpu.vector_load %arg7[%get3A_599, %get3A_600] {strides = array<i32>} : memref<128x128xf32, #tpu.memory_space<vmem>>, vector<16xf32>,
          %mul3A_602 = arith.mulf %get3A_601, %gather3A_577 : vector<16xf32>
          %swap3A_603 = arith.index_cast %scan3A_572 : i32 to index
          %swap3A_604 = arith.constant 48 : index
          %swap3A_605 = tpu.vector_load %arg7[%swap3A_603, %swap3A_604] {strides = array<i32>} : memref<128x128xf32, #tpu.memory_space<vmem>>, vector<16xf32>,
          tpu.vector_store %arg7[%swap3A_603, %swap3A_604], %mul3A_602 {strides = array<i32>} : memref<128x128xf32, #tpu.memory_space<vmem>>, vector<16xf32>,
          %get3A_606 = arith.index_cast %scan3A_572 : i32 to index
          %get3A_607 = arith.constant 64 : index
          %get3A_608 = tpu.vector_load %arg7[%get3A_606, %get3A_607] {strides = array<i32>} : memref<128x128xf32, #tpu.memory_space<vmem>>, vector<16xf32>,
          %mul3A_609 = arith.mulf %get3A_608, %gather3A_577 : vector<16xf32>
          %swap3A_610 = arith.index_cast %scan3A_572 : i32 to index
          %swap3A_611 = arith.constant 64 : index
          %swap3A_612 = tpu.vector_load %arg7[%swap3A_610, %swap3A_611] {strides = array<i32>} : memref<128x128xf32, #tpu.memory_space<vmem>>, vector<16xf32>,
          tpu.vector_store %arg7[%swap3A_610, %swap3A_611], %mul3A_609 {strides = array<i32>} : memref<128x128xf32, #tpu.memory_space<vmem>>, vector<16xf32>,
          %get3A_613 = arith.index_cast %scan3A_572 : i32 to index
          %get3A_614 = arith.constant 80 : index
          %get3A_615 = tpu.vector_load %arg7[%get3A_613, %get3A_614] {strides = array<i32>} : memref<128x128xf32, #tpu.memory_space<vmem>>, vector<16xf32>,
          %mul3A_616 = arith.mulf %get3A_615, %gather3A_577 : vector<16xf32>
          %swap3A_617 = arith.index_cast %scan3A_572 : i32 to index
          %swap3A_618 = arith.constant 80 : index
          %swap3A_619 = tpu.vector_load %arg7[%swap3A_617, %swap3A_618] {strides = array<i32>} : memref<128x128xf32, #tpu.memory_space<vmem>>, vector<16xf32>,
          tpu.vector_store %arg7[%swap3A_617, %swap3A_618], %mul3A_616 {strides = array<i32>} : memref<128x128xf32, #tpu.memory_space<vmem>>, vector<16xf32>,
          %get3A_620 = arith.index_cast %scan3A_572 : i32 to index
          %get3A_621 = arith.constant 96 : index
          %get3A_622 = tpu.vector_load %arg7[%get3A_620, %get3A_621] {strides = array<i32>} : memref<128x128xf32, #tpu.memory_space<vmem>>, vector<16xf32>,
          %mul3A_623 = arith.mulf %get3A_622, %gather3A_577 : vector<16xf32>
          %swap3A_624 = arith.index_cast %scan3A_572 : i32 to index
          %swap3A_625 = arith.constant 96 : index
          %swap3A_626 = tpu.vector_load %arg7[%swap3A_624, %swap3A_625] {strides = array<i32>} : memref<128x128xf32, #tpu.memory_space<vmem>>, vector<16xf32>,
          tpu.vector_store %arg7[%swap3A_624, %swap3A_625], %mul3A_623 {strides = array<i32>} : memref<128x128xf32, #tpu.memory_space<vmem>>, vector<16xf32>,
          %get3A_627 = arith.index_cast %scan3A_572 : i32 to index
          %get3A_628 = arith.constant 112 : index
          %get3A_629 = tpu.vector_load %arg7[%get3A_627, %get3A_628] {strides = array<i32>} : memref<128x128xf32, #tpu.memory_space<vmem>>, vector<16xf32>,
          %mul3A_630 = arith.mulf %get3A_629, %gather3A_577 : vector<16xf32>
          %swap3A_631 = arith.index_cast %scan3A_572 : i32 to index
          %swap3A_632 = arith.constant 112 : index
          %swap3A_633 = tpu.vector_load %arg7[%swap3A_631, %swap3A_632] {strides = array<i32>} : memref<128x128xf32, #tpu.memory_space<vmem>>, vector<16xf32>,
          tpu.vector_store %arg7[%swap3A_631, %swap3A_632], %mul3A_630 {strides = array<i32>} : memref<128x128xf32, #tpu.memory_space<vmem>>, vector<16xf32>,
          %scan3A_634 = arith.constant 0 : i32
          %scan3A_635 = arith.constant 7 : i32
          %scan3A_636 = arith.addi %scan3A_187, %scan3A_635 : i32
          %broadcast_in_dim3A_637 = arith.constant 0 : i32
          %broadcast_in_dim3A_638 = vector.broadcast %broadcast_in_dim3A_637 : i32 to vector<16xi32>
          %add3A_639 = vector.broadcast %scan3A_636 : i32 to vector<16xi32>
          %add3A_640 = arith.addi %broadcast_in_dim3A_638, %add3A_639 : vector<16xi32>
          %gather3A_641 = tpu.vector_load_idx %arg10[%add3A_640] : memref<128xf32, #tpu.memory_space<vmem>>[vector<16xi32>], vector<16xf32>,
          %get3A_642 = arith.index_cast %scan3A_636 : i32 to index
          %get3A_643 = arith.constant 0 : index
          %get3A_644 = tpu.vector_load %arg7[%get3A_642, %get3A_643] {strides = array<i32>} : memref<128x128xf32, #tpu.memory_space<vmem>>, vector<16xf32>,
          %mul3A_645 = arith.mulf %get3A_644, %gather3A_641 : vector<16xf32>
          %swap3A_646 = arith.index_cast %scan3A_636 : i32 to index
          %swap3A_647 = arith.constant 0 : index
          %swap3A_648 = tpu.vector_load %arg7[%swap3A_646, %swap3A_647] {strides = array<i32>} : memref<128x128xf32, #tpu.memory_space<vmem>>, vector<16xf32>,
          tpu.vector_store %arg7[%swap3A_646, %swap3A_647], %mul3A_645 {strides = array<i32>} : memref<128x128xf32, #tpu.memory_space<vmem>>, vector<16xf32>,
          %get3A_649 = arith.index_cast %scan3A_636 : i32 to index
          %get3A_650 = arith.constant 16 : index
          %get3A_651 = tpu.vector_load %arg7[%get3A_649, %get3A_650] {strides = array<i32>} : memref<128x128xf32, #tpu.memory_space<vmem>>, vector<16xf32>,
          %mul3A_652 = arith.mulf %get3A_651, %gather3A_641 : vector<16xf32>
          %swap3A_653 = arith.index_cast %scan3A_636 : i32 to index
          %swap3A_654 = arith.constant 16 : index
          %swap3A_655 = tpu.vector_load %arg7[%swap3A_653, %swap3A_654] {strides = array<i32>} : memref<128x128xf32, #tpu.memory_space<vmem>>, vector<16xf32>,
          tpu.vector_store %arg7[%swap3A_653, %swap3A_654], %mul3A_652 {strides = array<i32>} : memref<128x128xf32, #tpu.memory_space<vmem>>, vector<16xf32>,
          %get3A_656 = arith.index_cast %scan3A_636 : i32 to index
          %get3A_657 = arith.constant 32 : index
          %get3A_658 = tpu.vector_load %arg7[%get3A_656, %get3A_657] {strides = array<i32>} : memref<128x128xf32, #tpu.memory_space<vmem>>, vector<16xf32>,
          %mul3A_659 = arith.mulf %get3A_658, %gather3A_641 : vector<16xf32>
          %swap3A_660 = arith.index_cast %scan3A_636 : i32 to index
          %swap3A_661 = arith.constant 32 : index
          %swap3A_662 = tpu.vector_load %arg7[%swap3A_660, %swap3A_661] {strides = array<i32>} : memref<128x128xf32, #tpu.memory_space<vmem>>, vector<16xf32>,
          tpu.vector_store %arg7[%swap3A_660, %swap3A_661], %mul3A_659 {strides = array<i32>} : memref<128x128xf32, #tpu.memory_space<vmem>>, vector<16xf32>,
          %get3A_663 = arith.index_cast %scan3A_636 : i32 to index
          %get3A_664 = arith.constant 48 : index
          %get3A_665 = tpu.vector_load %arg7[%get3A_663, %get3A_664] {strides = array<i32>} : memref<128x128xf32, #tpu.memory_space<vmem>>, vector<16xf32>,
          %mul3A_666 = arith.mulf %get3A_665, %gather3A_641 : vector<16xf32>
          %swap3A_667 = arith.index_cast %scan3A_636 : i32 to index
          %swap3A_668 = arith.constant 48 : index
          %swap3A_669 = tpu.vector_load %arg7[%swap3A_667, %swap3A_668] {strides = array<i32>} : memref<128x128xf32, #tpu.memory_space<vmem>>, vector<16xf32>,
          tpu.vector_store %arg7[%swap3A_667, %swap3A_668], %mul3A_666 {strides = array<i32>} : memref<128x128xf32, #tpu.memory_space<vmem>>, vector<16xf32>,
          %get3A_670 = arith.index_cast %scan3A_636 : i32 to index
          %get3A_671 = arith.constant 64 : index
          %get3A_672 = tpu.vector_load %arg7[%get3A_670, %get3A_671] {strides = array<i32>} : memref<128x128xf32, #tpu.memory_space<vmem>>, vector<16xf32>,
          %mul3A_673 = arith.mulf %get3A_672, %gather3A_641 : vector<16xf32>
          %swap3A_674 = arith.index_cast %scan3A_636 : i32 to index
          %swap3A_675 = arith.constant 64 : index
          %swap3A_676 = tpu.vector_load %arg7[%swap3A_674, %swap3A_675] {strides = array<i32>} : memref<128x128xf32, #tpu.memory_space<vmem>>, vector<16xf32>,
          tpu.vector_store %arg7[%swap3A_674, %swap3A_675], %mul3A_673 {strides = array<i32>} : memref<128x128xf32, #tpu.memory_space<vmem>>, vector<16xf32>,
          %get3A_677 = arith.index_cast %scan3A_636 : i32 to index
          %get3A_678 = arith.constant 80 : index
          %get3A_679 = tpu.vector_load %arg7[%get3A_677, %get3A_678] {strides = array<i32>} : memref<128x128xf32, #tpu.memory_space<vmem>>, vector<16xf32>,
          %mul3A_680 = arith.mulf %get3A_679, %gather3A_641 : vector<16xf32>
          %swap3A_681 = arith.index_cast %scan3A_636 : i32 to index
          %swap3A_682 = arith.constant 80 : index
          %swap3A_683 = tpu.vector_load %arg7[%swap3A_681, %swap3A_682] {strides = array<i32>} : memref<128x128xf32, #tpu.memory_space<vmem>>, vector<16xf32>,
          tpu.vector_store %arg7[%swap3A_681, %swap3A_682], %mul3A_680 {strides = array<i32>} : memref<128x128xf32, #tpu.memory_space<vmem>>, vector<16xf32>,
          %get3A_684 = arith.index_cast %scan3A_636 : i32 to index
          %get3A_685 = arith.constant 96 : index
          %get3A_686 = tpu.vector_load %arg7[%get3A_684, %get3A_685] {strides = array<i32>} : memref<128x128xf32, #tpu.memory_space<vmem>>, vector<16xf32>,
          %mul3A_687 = arith.mulf %get3A_686, %gather3A_641 : vector<16xf32>
          %swap3A_688 = arith.index_cast %scan3A_636 : i32 to index
          %swap3A_689 = arith.constant 96 : index
          %swap3A_690 = tpu.vector_load %arg7[%swap3A_688, %swap3A_689] {strides = array<i32>} : memref<128x128xf32, #tpu.memory_space<vmem>>, vector<16xf32>,
          tpu.vector_store %arg7[%swap3A_688, %swap3A_689], %mul3A_687 {strides = array<i32>} : memref<128x128xf32, #tpu.memory_space<vmem>>, vector<16xf32>,
          %get3A_691 = arith.index_cast %scan3A_636 : i32 to index
          %get3A_692 = arith.constant 112 : index
          %get3A_693 = tpu.vector_load %arg7[%get3A_691, %get3A_692] {strides = array<i32>} : memref<128x128xf32, #tpu.memory_space<vmem>>, vector<16xf32>,
          %mul3A_694 = arith.mulf %get3A_693, %gather3A_641 : vector<16xf32>
          %swap3A_695 = arith.index_cast %scan3A_636 : i32 to index
          %swap3A_696 = arith.constant 112 : index
          %swap3A_697 = tpu.vector_load %arg7[%swap3A_695, %swap3A_696] {strides = array<i32>} : memref<128x128xf32, #tpu.memory_space<vmem>>, vector<16xf32>,
          tpu.vector_store %arg7[%swap3A_695, %swap3A_696], %mul3A_694 {strides = array<i32>} : memref<128x128xf32, #tpu.memory_space<vmem>>, vector<16xf32>,
          %scan3A_698 = arith.constant 0 : i32
          scf.yield %scan3A_698 : i32
        }
        %scan3A_184 = arith.constant 128 : i32
        %add3A_185 = arith.constant 1 : i32
        %add3A_186 = arith.addi %mul3A_102, %add3A_185 : i32
        "tpu.region"() ({
          %run_scoped3A = tpu.sem_alloc : memref<!tpu.dma_semaphore, #tpu.memory_space<semaphore_mem>>
          %dma_start3A = arith.constant 0 : i32
          %dma_start3A_187 = tpu.memref_slice %arg6[%add3A_186, %dma_start3A] : memref<120x128xi32, #tpu.memory_space<vmem>> -> memref<1x128xi32, #tpu.memory_space<vmem>>
          %dma_start3A_188 = tpu.memref_squeeze %dma_start3A_187 : memref<1x128xi32, #tpu.memory_space<vmem>> -> memref<128xi32, #tpu.memory_space<vmem>>
          %dma_start3A_189 = arith.constant 0 : i32
          %dma_start3A_190 = arith.constant 0 : i32
          %dma_start3A_191 = tpu.memref_slice %arg11[%dma_start3A_189, %dma_start3A_190] : memref<10240x128xf32, #tpu.memory_space<vmem_shared>> -> memref<10240x128xf32, #tpu.memory_space<vmem_shared>>
          tpu.enqueue_indirect_dma source(%arg7 : memref<128x128xf32, #tpu.memory_space<vmem>>) target(%dma_start3A_191 : memref<10240x128xf32, #tpu.memory_space<vmem_shared>>) offsets(%dma_start3A_188 : memref<128xi32, #tpu.memory_space<vmem>>) semaphore(%run_scoped3A : memref<!tpu.dma_semaphore, #tpu.memory_space<semaphore_mem>>) {add = true}
          %dma_wait3A_192 = arith.constant 0 : i32
          %dma_wait3A_193 = tpu.memref_slice %arg6[%add3A_186, %dma_wait3A_192] : memref<120x128xi32, #tpu.memory_space<vmem>> -> memref<1x128xi32, #tpu.memory_space<vmem>>
          %dma_wait3A_194 = tpu.memref_squeeze %dma_wait3A_193 : memref<1x128xi32, #tpu.memory_space<vmem>> -> memref<128xi32, #tpu.memory_space<vmem>>
          %dma_wait3A_195 = arith.constant 0 : i32
          %dma_wait3A_196 = arith.constant 0 : i32
          %dma_wait3A_197 = tpu.memref_slice %arg11[%dma_wait3A_195, %dma_wait3A_196] : memref<10240x128xf32, #tpu.memory_space<vmem_shared>> -> memref<10240x128xf32, #tpu.memory_space<vmem_shared>>
          tpu.wait_indirect_dma semaphore(%run_scoped3A : memref<!tpu.dma_semaphore, #tpu.memory_space<semaphore_mem>>) src(%arg7 : memref<128x128xf32, #tpu.memory_space<vmem>>) dst(%dma_wait3A_197 : memref<10240x128xf32, #tpu.memory_space<vmem_shared>>)
          tpu.yield
        }) : () -> ()
      } else {
      }
      %add3A_88 = arith.constant 1 : i32
      %add3A_89 = arith.addi %mul3A_77, %add3A_88 : i32
      %add3A_90 = arith.constant 0 : i32
      %add3A_91 = arith.addi %add3A_90, %add3A_89 : i32
      %mul3A_92 = arith.constant 32 : i32
      %mul3A_93 = arith.muli %add3A_91, %mul3A_92 : i32
      %add3A_94 = arith.addi %add3A, %mul3A_93 : i32
      %lt3A_95 = arith.constant 2500 : i32
      %lt3A_96 = arith.cmpi slt, %add3A_94, %lt3A_95 : i32
      %convert_element_type3A_97 = arith.extui %lt3A_96 : i1 to i32
      %cond3A_98 = arith.constant 0 : i32
      %cond3A_99 = arith.cmpi ne, %convert_element_type3A_97, %cond3A_98 : i32
      scf.if %cond3A_99 {
        %mul3A_101 = arith.constant 3 : i32
        %mul3A_102 = arith.muli %mul3A_101, %add3A_89 : i32
        %dma_wait3A = arith.constant 0 : i32
        %dma_wait3A_103 = tpu.memref_slice %arg6[%mul3A_102, %dma_wait3A] : memref<120x128xi32, #tpu.memory_space<vmem>> -> memref<1x128xi32, #tpu.memory_space<vmem>>
        %dma_wait3A_104 = tpu.memref_squeeze %dma_wait3A_103 : memref<1x128xi32, #tpu.memory_space<vmem>> -> memref<128xi32, #tpu.memory_space<vmem>>
        %dma_wait3A_105 = arith.constant 0 : i32
        %dma_wait3A_106 = arith.constant 0 : i32
        %dma_wait3A_107 = tpu.memref_slice %arg2[%dma_wait3A_105, %dma_wait3A_106] : memref<10000x128xf32, #tpu.memory_space<hbm>> -> memref<10000x128xf32, #tpu.memory_space<hbm>>
        tpu.wait_indirect_dma semaphore(%arg13 : memref<!tpu.dma_semaphore, #tpu.memory_space<semaphore_mem>>) src(%dma_wait3A_107 : memref<10000x128xf32, #tpu.memory_space<hbm>>) dst(%arg8 : memref<128x128xf32, #tpu.memory_space<vmem>>)
        %add3A_108 = arith.constant 32 : i32
        %add3A_109 = arith.addi %add3A_94, %add3A_108 : i32
        %lt3A_110 = arith.constant 2500 : i32
        %lt3A_111 = arith.cmpi slt, %add3A_109, %lt3A_110 : i32
        %lt3A_112 = arith.constant 39 : i32
        %lt3A_113 = arith.cmpi slt, %add3A_89, %lt3A_112 : i32
        %and3A = arith.andi %lt3A_111, %lt3A_113 : i1
        %convert_element_type3A_114 = arith.extui %and3A : i1 to i32
        %cond3A_115 = arith.constant 0 : i32
        %cond3A_116 = arith.cmpi ne, %convert_element_type3A_114, %cond3A_115 : i32
        scf.if %cond3A_116 {
          %add3A_187 = arith.constant 3 : i32
          %add3A_188 = arith.addi %mul3A_102, %add3A_187 : i32
          %dma_start3A = arith.constant 0 : i32
          %dma_start3A_189 = tpu.memref_slice %arg6[%add3A_188, %dma_start3A] : memref<120x128xi32, #tpu.memory_space<vmem>> -> memref<1x128xi32, #tpu.memory_space<vmem>>
          %dma_start3A_190 = tpu.memref_squeeze %dma_start3A_189 : memref<1x128xi32, #tpu.memory_space<vmem>> -> memref<128xi32, #tpu.memory_space<vmem>>
          %dma_start3A_191 = arith.constant 0 : i32
          %dma_start3A_192 = arith.constant 0 : i32
          %dma_start3A_193 = tpu.memref_slice %arg2[%dma_start3A_191, %dma_start3A_192] : memref<10000x128xf32, #tpu.memory_space<hbm>> -> memref<10000x128xf32, #tpu.memory_space<hbm>>
          tpu.enqueue_indirect_dma source(%dma_start3A_193 : memref<10000x128xf32, #tpu.memory_space<hbm>>) target(%arg7 : memref<128x128xf32, #tpu.memory_space<vmem>>) offsets(%dma_start3A_190 : memref<128xi32, #tpu.memory_space<vmem>>) semaphore(%arg12 : memref<!tpu.dma_semaphore, #tpu.memory_space<semaphore_mem>>)
        } else {
        }
        %add3A_117 = arith.constant 2 : i32
        %add3A_118 = arith.addi %mul3A_102, %add3A_117 : i32
        %get3A = arith.index_cast %add3A_118 : i32 to index
        %get3A_119 = arith.constant 0 : index
        %get3A_120 = tpu.vector_load %arg6[%get3A, %get3A_119] {strides = array<i32>} : memref<120x128xi32, #tpu.memory_space<vmem>>, vector<16xi32>,
        %gather3A = tpu.vector_load_idx %arg9[%get3A_120] : memref<128xf32, #tpu.memory_space<vmem>>[vector<16xi32>], vector<16xf32>,
        %swap3A = arith.constant 0 : index
        %swap3A_121 = tpu.vector_load %arg10[%swap3A] {strides = array<i32>} : memref<128xf32, #tpu.memory_space<vmem>>, vector<16xf32>,
        tpu.vector_store %arg10[%swap3A], %gather3A {strides = array<i32>} : memref<128xf32, #tpu.memory_space<vmem>>, vector<16xf32>,
        %add3A_122 = arith.constant 2 : i32
        %add3A_123 = arith.addi %mul3A_102, %add3A_122 : i32
        %get3A_124 = arith.index_cast %add3A_123 : i32 to index
        %get3A_125 = arith.constant 16 : index
        %get3A_126 = tpu.vector_load %arg6[%get3A_124, %get3A_125] {strides = array<i32>} : memref<120x128xi32, #tpu.memory_space<vmem>>, vector<16xi32>,
        %gather3A_127 = tpu.vector_load_idx %arg9[%get3A_126] : memref<128xf32, #tpu.memory_space<vmem>>[vector<16xi32>], vector<16xf32>,
        %swap3A_128 = arith.constant 16 : index
        %swap3A_129 = tpu.vector_load %arg10[%swap3A_128] {strides = array<i32>} : memref<128xf32, #tpu.memory_space<vmem>>, vector<16xf32>,
        tpu.vector_store %arg10[%swap3A_128], %gather3A_127 {strides = array<i32>} : memref<128xf32, #tpu.memory_space<vmem>>, vector<16xf32>,
        %add3A_130 = arith.constant 2 : i32
        %add3A_131 = arith.addi %mul3A_102, %add3A_130 : i32
        %get3A_132 = arith.index_cast %add3A_131 : i32 to index
        %get3A_133 = arith.constant 32 : index
        %get3A_134 = tpu.vector_load %arg6[%get3A_132, %get3A_133] {strides = array<i32>} : memref<120x128xi32, #tpu.memory_space<vmem>>, vector<16xi32>,
        %gather3A_135 = tpu.vector_load_idx %arg9[%get3A_134] : memref<128xf32, #tpu.memory_space<vmem>>[vector<16xi32>], vector<16xf32>,
        %swap3A_136 = arith.constant 32 : index
        %swap3A_137 = tpu.vector_load %arg10[%swap3A_136] {strides = array<i32>} : memref<128xf32, #tpu.memory_space<vmem>>, vector<16xf32>,
        tpu.vector_store %arg10[%swap3A_136], %gather3A_135 {strides = array<i32>} : memref<128xf32, #tpu.memory_space<vmem>>, vector<16xf32>,
        %add3A_138 = arith.constant 2 : i32
        %add3A_139 = arith.addi %mul3A_102, %add3A_138 : i32
        %get3A_140 = arith.index_cast %add3A_139 : i32 to index
        %get3A_141 = arith.constant 48 : index
        %get3A_142 = tpu.vector_load %arg6[%get3A_140, %get3A_141] {strides = array<i32>} : memref<120x128xi32, #tpu.memory_space<vmem>>, vector<16xi32>,
        %gather3A_143 = tpu.vector_load_idx %arg9[%get3A_142] : memref<128xf32, #tpu.memory_space<vmem>>[vector<16xi32>], vector<16xf32>,
        %swap3A_144 = arith.constant 48 : index
        %swap3A_145 = tpu.vector_load %arg10[%swap3A_144] {strides = array<i32>} : memref<128xf32, #tpu.memory_space<vmem>>, vector<16xf32>,
        tpu.vector_store %arg10[%swap3A_144], %gather3A_143 {strides = array<i32>} : memref<128xf32, #tpu.memory_space<vmem>>, vector<16xf32>,
        %add3A_146 = arith.constant 2 : i32
        %add3A_147 = arith.addi %mul3A_102, %add3A_146 : i32
        %get3A_148 = arith.index_cast %add3A_147 : i32 to index
        %get3A_149 = arith.constant 64 : index
        %get3A_150 = tpu.vector_load %arg6[%get3A_148, %get3A_149] {strides = array<i32>} : memref<120x128xi32, #tpu.memory_space<vmem>>, vector<16xi32>,
        %gather3A_151 = tpu.vector_load_idx %arg9[%get3A_150] : memref<128xf32, #tpu.memory_space<vmem>>[vector<16xi32>], vector<16xf32>,
        %swap3A_152 = arith.constant 64 : index
        %swap3A_153 = tpu.vector_load %arg10[%swap3A_152] {strides = array<i32>} : memref<128xf32, #tpu.memory_space<vmem>>, vector<16xf32>,
        tpu.vector_store %arg10[%swap3A_152], %gather3A_151 {strides = array<i32>} : memref<128xf32, #tpu.memory_space<vmem>>, vector<16xf32>,
        %add3A_154 = arith.constant 2 : i32
        %add3A_155 = arith.addi %mul3A_102, %add3A_154 : i32
        %get3A_156 = arith.index_cast %add3A_155 : i32 to index
        %get3A_157 = arith.constant 80 : index
        %get3A_158 = tpu.vector_load %arg6[%get3A_156, %get3A_157] {strides = array<i32>} : memref<120x128xi32, #tpu.memory_space<vmem>>, vector<16xi32>,
        %gather3A_159 = tpu.vector_load_idx %arg9[%get3A_158] : memref<128xf32, #tpu.memory_space<vmem>>[vector<16xi32>], vector<16xf32>,
        %swap3A_160 = arith.constant 80 : index
        %swap3A_161 = tpu.vector_load %arg10[%swap3A_160] {strides = array<i32>} : memref<128xf32, #tpu.memory_space<vmem>>, vector<16xf32>,
        tpu.vector_store %arg10[%swap3A_160], %gather3A_159 {strides = array<i32>} : memref<128xf32, #tpu.memory_space<vmem>>, vector<16xf32>,
        %add3A_162 = arith.constant 2 : i32
        %add3A_163 = arith.addi %mul3A_102, %add3A_162 : i32
        %get3A_164 = arith.index_cast %add3A_163 : i32 to index
        %get3A_165 = arith.constant 96 : index
        %get3A_166 = tpu.vector_load %arg6[%get3A_164, %get3A_165] {strides = array<i32>} : memref<120x128xi32, #tpu.memory_space<vmem>>, vector<16xi32>,
        %gather3A_167 = tpu.vector_load_idx %arg9[%get3A_166] : memref<128xf32, #tpu.memory_space<vmem>>[vector<16xi32>], vector<16xf32>,
        %swap3A_168 = arith.constant 96 : index
        %swap3A_169 = tpu.vector_load %arg10[%swap3A_168] {strides = array<i32>} : memref<128xf32, #tpu.memory_space<vmem>>, vector<16xf32>,
        tpu.vector_store %arg10[%swap3A_168], %gather3A_167 {strides = array<i32>} : memref<128xf32, #tpu.memory_space<vmem>>, vector<16xf32>,
        %add3A_170 = arith.constant 2 : i32
        %add3A_171 = arith.addi %mul3A_102, %add3A_170 : i32
        %get3A_172 = arith.index_cast %add3A_171 : i32 to index
        %get3A_173 = arith.constant 112 : index
        %get3A_174 = tpu.vector_load %arg6[%get3A_172, %get3A_173] {strides = array<i32>} : memref<120x128xi32, #tpu.memory_space<vmem>>, vector<16xi32>,
        %gather3A_175 = tpu.vector_load_idx %arg9[%get3A_174] : memref<128xf32, #tpu.memory_space<vmem>>[vector<16xi32>], vector<16xf32>,
        %swap3A_176 = arith.constant 112 : index
        %swap3A_177 = tpu.vector_load %arg10[%swap3A_176] {strides = array<i32>} : memref<128xf32, #tpu.memory_space<vmem>>, vector<16xf32>,
        tpu.vector_store %arg10[%swap3A_176], %gather3A_175 {strides = array<i32>} : memref<128xf32, #tpu.memory_space<vmem>>, vector<16xf32>,
        %scan3A_178 = arith.constant 0 : i32
        %scan3A_179 = arith.constant 0 : i32
        %scan3A_180 = arith.constant 128 : i32
        %scan3A_181 = arith.addi %scan3A_179, %scan3A_180 : i32
        %scan3A_182 = arith.constant 8 : i32
        %scan3A_183 = scf.for %scan3A_187 = %scan3A_179 to %scan3A_181 step %scan3A_182 iter_args(%scan3A_188 = %scan3A_178) -> (i32)  : i32 {
          %broadcast_in_dim3A_189 = arith.constant 0 : i32
          %broadcast_in_dim3A_190 = vector.broadcast %broadcast_in_dim3A_189 : i32 to vector<16xi32>
          %add3A_191 = vector.broadcast %scan3A_187 : i32 to vector<16xi32>
          %add3A_192 = arith.addi %broadcast_in_dim3A_190, %add3A_191 : vector<16xi32>
          %gather3A_193 = tpu.vector_load_idx %arg10[%add3A_192] : memref<128xf32, #tpu.memory_space<vmem>>[vector<16xi32>], vector<16xf32>,
          %get3A_194 = arith.index_cast %scan3A_187 : i32 to index
          %get3A_195 = arith.constant 0 : index
          %get3A_196 = tpu.vector_load %arg8[%get3A_194, %get3A_195] {strides = array<i32>} : memref<128x128xf32, #tpu.memory_space<vmem>>, vector<16xf32>,
          %mul3A_197 = arith.mulf %get3A_196, %gather3A_193 : vector<16xf32>
          %swap3A_198 = arith.index_cast %scan3A_187 : i32 to index
          %swap3A_199 = arith.constant 0 : index
          %swap3A_200 = tpu.vector_load %arg8[%swap3A_198, %swap3A_199] {strides = array<i32>} : memref<128x128xf32, #tpu.memory_space<vmem>>, vector<16xf32>,
          tpu.vector_store %arg8[%swap3A_198, %swap3A_199], %mul3A_197 {strides = array<i32>} : memref<128x128xf32, #tpu.memory_space<vmem>>, vector<16xf32>,
          %get3A_201 = arith.index_cast %scan3A_187 : i32 to index
          %get3A_202 = arith.constant 16 : index
          %get3A_203 = tpu.vector_load %arg8[%get3A_201, %get3A_202] {strides = array<i32>} : memref<128x128xf32, #tpu.memory_space<vmem>>, vector<16xf32>,
          %mul3A_204 = arith.mulf %get3A_203, %gather3A_193 : vector<16xf32>
          %swap3A_205 = arith.index_cast %scan3A_187 : i32 to index
          %swap3A_206 = arith.constant 16 : index
          %swap3A_207 = tpu.vector_load %arg8[%swap3A_205, %swap3A_206] {strides = array<i32>} : memref<128x128xf32, #tpu.memory_space<vmem>>, vector<16xf32>,
          tpu.vector_store %arg8[%swap3A_205, %swap3A_206], %mul3A_204 {strides = array<i32>} : memref<128x128xf32, #tpu.memory_space<vmem>>, vector<16xf32>,
          %get3A_208 = arith.index_cast %scan3A_187 : i32 to index
          %get3A_209 = arith.constant 32 : index
          %get3A_210 = tpu.vector_load %arg8[%get3A_208, %get3A_209] {strides = array<i32>} : memref<128x128xf32, #tpu.memory_space<vmem>>, vector<16xf32>,
          %mul3A_211 = arith.mulf %get3A_210, %gather3A_193 : vector<16xf32>
          %swap3A_212 = arith.index_cast %scan3A_187 : i32 to index
          %swap3A_213 = arith.constant 32 : index
          %swap3A_214 = tpu.vector_load %arg8[%swap3A_212, %swap3A_213] {strides = array<i32>} : memref<128x128xf32, #tpu.memory_space<vmem>>, vector<16xf32>,
          tpu.vector_store %arg8[%swap3A_212, %swap3A_213], %mul3A_211 {strides = array<i32>} : memref<128x128xf32, #tpu.memory_space<vmem>>, vector<16xf32>,
          %get3A_215 = arith.index_cast %scan3A_187 : i32 to index
          %get3A_216 = arith.constant 48 : index
          %get3A_217 = tpu.vector_load %arg8[%get3A_215, %get3A_216] {strides = array<i32>} : memref<128x128xf32, #tpu.memory_space<vmem>>, vector<16xf32>,
          %mul3A_218 = arith.mulf %get3A_217, %gather3A_193 : vector<16xf32>
          %swap3A_219 = arith.index_cast %scan3A_187 : i32 to index
          %swap3A_220 = arith.constant 48 : index
          %swap3A_221 = tpu.vector_load %arg8[%swap3A_219, %swap3A_220] {strides = array<i32>} : memref<128x128xf32, #tpu.memory_space<vmem>>, vector<16xf32>,
          tpu.vector_store %arg8[%swap3A_219, %swap3A_220], %mul3A_218 {strides = array<i32>} : memref<128x128xf32, #tpu.memory_space<vmem>>, vector<16xf32>,
          %get3A_222 = arith.index_cast %scan3A_187 : i32 to index
          %get3A_223 = arith.constant 64 : index
          %get3A_224 = tpu.vector_load %arg8[%get3A_222, %get3A_223] {strides = array<i32>} : memref<128x128xf32, #tpu.memory_space<vmem>>, vector<16xf32>,
          %mul3A_225 = arith.mulf %get3A_224, %gather3A_193 : vector<16xf32>
          %swap3A_226 = arith.index_cast %scan3A_187 : i32 to index
          %swap3A_227 = arith.constant 64 : index
          %swap3A_228 = tpu.vector_load %arg8[%swap3A_226, %swap3A_227] {strides = array<i32>} : memref<128x128xf32, #tpu.memory_space<vmem>>, vector<16xf32>,
          tpu.vector_store %arg8[%swap3A_226, %swap3A_227], %mul3A_225 {strides = array<i32>} : memref<128x128xf32, #tpu.memory_space<vmem>>, vector<16xf32>,
          %get3A_229 = arith.index_cast %scan3A_187 : i32 to index
          %get3A_230 = arith.constant 80 : index
          %get3A_231 = tpu.vector_load %arg8[%get3A_229, %get3A_230] {strides = array<i32>} : memref<128x128xf32, #tpu.memory_space<vmem>>, vector<16xf32>,
          %mul3A_232 = arith.mulf %get3A_231, %gather3A_193 : vector<16xf32>
          %swap3A_233 = arith.index_cast %scan3A_187 : i32 to index
          %swap3A_234 = arith.constant 80 : index
          %swap3A_235 = tpu.vector_load %arg8[%swap3A_233, %swap3A_234] {strides = array<i32>} : memref<128x128xf32, #tpu.memory_space<vmem>>, vector<16xf32>,
          tpu.vector_store %arg8[%swap3A_233, %swap3A_234], %mul3A_232 {strides = array<i32>} : memref<128x128xf32, #tpu.memory_space<vmem>>, vector<16xf32>,
          %get3A_236 = arith.index_cast %scan3A_187 : i32 to index
          %get3A_237 = arith.constant 96 : index
          %get3A_238 = tpu.vector_load %arg8[%get3A_236, %get3A_237] {strides = array<i32>} : memref<128x128xf32, #tpu.memory_space<vmem>>, vector<16xf32>,
          %mul3A_239 = arith.mulf %get3A_238, %gather3A_193 : vector<16xf32>
          %swap3A_240 = arith.index_cast %scan3A_187 : i32 to index
          %swap3A_241 = arith.constant 96 : index
          %swap3A_242 = tpu.vector_load %arg8[%swap3A_240, %swap3A_241] {strides = array<i32>} : memref<128x128xf32, #tpu.memory_space<vmem>>, vector<16xf32>,
          tpu.vector_store %arg8[%swap3A_240, %swap3A_241], %mul3A_239 {strides = array<i32>} : memref<128x128xf32, #tpu.memory_space<vmem>>, vector<16xf32>,
          %get3A_243 = arith.index_cast %scan3A_187 : i32 to index
          %get3A_244 = arith.constant 112 : index
          %get3A_245 = tpu.vector_load %arg8[%get3A_243, %get3A_244] {strides = array<i32>} : memref<128x128xf32, #tpu.memory_space<vmem>>, vector<16xf32>,
          %mul3A_246 = arith.mulf %get3A_245, %gather3A_193 : vector<16xf32>
          %swap3A_247 = arith.index_cast %scan3A_187 : i32 to index
          %swap3A_248 = arith.constant 112 : index
          %swap3A_249 = tpu.vector_load %arg8[%swap3A_247, %swap3A_248] {strides = array<i32>} : memref<128x128xf32, #tpu.memory_space<vmem>>, vector<16xf32>,
          tpu.vector_store %arg8[%swap3A_247, %swap3A_248], %mul3A_246 {strides = array<i32>} : memref<128x128xf32, #tpu.memory_space<vmem>>, vector<16xf32>,
          %scan3A_250 = arith.constant 0 : i32
          %scan3A_251 = arith.constant 1 : i32
          %scan3A_252 = arith.addi %scan3A_187, %scan3A_251 : i32
          %broadcast_in_dim3A_253 = arith.constant 0 : i32
          %broadcast_in_dim3A_254 = vector.broadcast %broadcast_in_dim3A_253 : i32 to vector<16xi32>
          %add3A_255 = vector.broadcast %scan3A_252 : i32 to vector<16xi32>
          %add3A_256 = arith.addi %broadcast_in_dim3A_254, %add3A_255 : vector<16xi32>
          %gather3A_257 = tpu.vector_load_idx %arg10[%add3A_256] : memref<128xf32, #tpu.memory_space<vmem>>[vector<16xi32>], vector<16xf32>,
          %get3A_258 = arith.index_cast %scan3A_252 : i32 to index
          %get3A_259 = arith.constant 0 : index
          %get3A_260 = tpu.vector_load %arg8[%get3A_258, %get3A_259] {strides = array<i32>} : memref<128x128xf32, #tpu.memory_space<vmem>>, vector<16xf32>,
          %mul3A_261 = arith.mulf %get3A_260, %gather3A_257 : vector<16xf32>
          %swap3A_262 = arith.index_cast %scan3A_252 : i32 to index
          %swap3A_263 = arith.constant 0 : index
          %swap3A_264 = tpu.vector_load %arg8[%swap3A_262, %swap3A_263] {strides = array<i32>} : memref<128x128xf32, #tpu.memory_space<vmem>>, vector<16xf32>,
          tpu.vector_store %arg8[%swap3A_262, %swap3A_263], %mul3A_261 {strides = array<i32>} : memref<128x128xf32, #tpu.memory_space<vmem>>, vector<16xf32>,
          %get3A_265 = arith.index_cast %scan3A_252 : i32 to index
          %get3A_266 = arith.constant 16 : index
          %get3A_267 = tpu.vector_load %arg8[%get3A_265, %get3A_266] {strides = array<i32>} : memref<128x128xf32, #tpu.memory_space<vmem>>, vector<16xf32>,
          %mul3A_268 = arith.mulf %get3A_267, %gather3A_257 : vector<16xf32>
          %swap3A_269 = arith.index_cast %scan3A_252 : i32 to index
          %swap3A_270 = arith.constant 16 : index
          %swap3A_271 = tpu.vector_load %arg8[%swap3A_269, %swap3A_270] {strides = array<i32>} : memref<128x128xf32, #tpu.memory_space<vmem>>, vector<16xf32>,
          tpu.vector_store %arg8[%swap3A_269, %swap3A_270], %mul3A_268 {strides = array<i32>} : memref<128x128xf32, #tpu.memory_space<vmem>>, vector<16xf32>,
          %get3A_272 = arith.index_cast %scan3A_252 : i32 to index
          %get3A_273 = arith.constant 32 : index
          %get3A_274 = tpu.vector_load %arg8[%get3A_272, %get3A_273] {strides = array<i32>} : memref<128x128xf32, #tpu.memory_space<vmem>>, vector<16xf32>,
          %mul3A_275 = arith.mulf %get3A_274, %gather3A_257 : vector<16xf32>
          %swap3A_276 = arith.index_cast %scan3A_252 : i32 to index
          %swap3A_277 = arith.constant 32 : index
          %swap3A_278 = tpu.vector_load %arg8[%swap3A_276, %swap3A_277] {strides = array<i32>} : memref<128x128xf32, #tpu.memory_space<vmem>>, vector<16xf32>,
          tpu.vector_store %arg8[%swap3A_276, %swap3A_277], %mul3A_275 {strides = array<i32>} : memref<128x128xf32, #tpu.memory_space<vmem>>, vector<16xf32>,
          %get3A_279 = arith.index_cast %scan3A_252 : i32 to index
          %get3A_280 = arith.constant 48 : index
          %get3A_281 = tpu.vector_load %arg8[%get3A_279, %get3A_280] {strides = array<i32>} : memref<128x128xf32, #tpu.memory_space<vmem>>, vector<16xf32>,
          %mul3A_282 = arith.mulf %get3A_281, %gather3A_257 : vector<16xf32>
          %swap3A_283 = arith.index_cast %scan3A_252 : i32 to index
          %swap3A_284 = arith.constant 48 : index
          %swap3A_285 = tpu.vector_load %arg8[%swap3A_283, %swap3A_284] {strides = array<i32>} : memref<128x128xf32, #tpu.memory_space<vmem>>, vector<16xf32>,
          tpu.vector_store %arg8[%swap3A_283, %swap3A_284], %mul3A_282 {strides = array<i32>} : memref<128x128xf32, #tpu.memory_space<vmem>>, vector<16xf32>,
          %get3A_286 = arith.index_cast %scan3A_252 : i32 to index
          %get3A_287 = arith.constant 64 : index
          %get3A_288 = tpu.vector_load %arg8[%get3A_286, %get3A_287] {strides = array<i32>} : memref<128x128xf32, #tpu.memory_space<vmem>>, vector<16xf32>,
          %mul3A_289 = arith.mulf %get3A_288, %gather3A_257 : vector<16xf32>
          %swap3A_290 = arith.index_cast %scan3A_252 : i32 to index
          %swap3A_291 = arith.constant 64 : index
          %swap3A_292 = tpu.vector_load %arg8[%swap3A_290, %swap3A_291] {strides = array<i32>} : memref<128x128xf32, #tpu.memory_space<vmem>>, vector<16xf32>,
          tpu.vector_store %arg8[%swap3A_290, %swap3A_291], %mul3A_289 {strides = array<i32>} : memref<128x128xf32, #tpu.memory_space<vmem>>, vector<16xf32>,
          %get3A_293 = arith.index_cast %scan3A_252 : i32 to index
          %get3A_294 = arith.constant 80 : index
          %get3A_295 = tpu.vector_load %arg8[%get3A_293, %get3A_294] {strides = array<i32>} : memref<128x128xf32, #tpu.memory_space<vmem>>, vector<16xf32>,
          %mul3A_296 = arith.mulf %get3A_295, %gather3A_257 : vector<16xf32>
          %swap3A_297 = arith.index_cast %scan3A_252 : i32 to index
          %swap3A_298 = arith.constant 80 : index
          %swap3A_299 = tpu.vector_load %arg8[%swap3A_297, %swap3A_298] {strides = array<i32>} : memref<128x128xf32, #tpu.memory_space<vmem>>, vector<16xf32>,
          tpu.vector_store %arg8[%swap3A_297, %swap3A_298], %mul3A_296 {strides = array<i32>} : memref<128x128xf32, #tpu.memory_space<vmem>>, vector<16xf32>,
          %get3A_300 = arith.index_cast %scan3A_252 : i32 to index
          %get3A_301 = arith.constant 96 : index
          %get3A_302 = tpu.vector_load %arg8[%get3A_300, %get3A_301] {strides = array<i32>} : memref<128x128xf32, #tpu.memory_space<vmem>>, vector<16xf32>,
          %mul3A_303 = arith.mulf %get3A_302, %gather3A_257 : vector<16xf32>
          %swap3A_304 = arith.index_cast %scan3A_252 : i32 to index
          %swap3A_305 = arith.constant 96 : index
          %swap3A_306 = tpu.vector_load %arg8[%swap3A_304, %swap3A_305] {strides = array<i32>} : memref<128x128xf32, #tpu.memory_space<vmem>>, vector<16xf32>,
          tpu.vector_store %arg8[%swap3A_304, %swap3A_305], %mul3A_303 {strides = array<i32>} : memref<128x128xf32, #tpu.memory_space<vmem>>, vector<16xf32>,
          %get3A_307 = arith.index_cast %scan3A_252 : i32 to index
          %get3A_308 = arith.constant 112 : index
          %get3A_309 = tpu.vector_load %arg8[%get3A_307, %get3A_308] {strides = array<i32>} : memref<128x128xf32, #tpu.memory_space<vmem>>, vector<16xf32>,
          %mul3A_310 = arith.mulf %get3A_309, %gather3A_257 : vector<16xf32>
          %swap3A_311 = arith.index_cast %scan3A_252 : i32 to index
          %swap3A_312 = arith.constant 112 : index
          %swap3A_313 = tpu.vector_load %arg8[%swap3A_311, %swap3A_312] {strides = array<i32>} : memref<128x128xf32, #tpu.memory_space<vmem>>, vector<16xf32>,
          tpu.vector_store %arg8[%swap3A_311, %swap3A_312], %mul3A_310 {strides = array<i32>} : memref<128x128xf32, #tpu.memory_space<vmem>>, vector<16xf32>,
          %scan3A_314 = arith.constant 0 : i32
          %scan3A_315 = arith.constant 2 : i32
          %scan3A_316 = arith.addi %scan3A_187, %scan3A_315 : i32
          %broadcast_in_dim3A_317 = arith.constant 0 : i32
          %broadcast_in_dim3A_318 = vector.broadcast %broadcast_in_dim3A_317 : i32 to vector<16xi32>
          %add3A_319 = vector.broadcast %scan3A_316 : i32 to vector<16xi32>
          %add3A_320 = arith.addi %broadcast_in_dim3A_318, %add3A_319 : vector<16xi32>
          %gather3A_321 = tpu.vector_load_idx %arg10[%add3A_320] : memref<128xf32, #tpu.memory_space<vmem>>[vector<16xi32>], vector<16xf32>,
          %get3A_322 = arith.index_cast %scan3A_316 : i32 to index
          %get3A_323 = arith.constant 0 : index
          %get3A_324 = tpu.vector_load %arg8[%get3A_322, %get3A_323] {strides = array<i32>} : memref<128x128xf32, #tpu.memory_space<vmem>>, vector<16xf32>,
          %mul3A_325 = arith.mulf %get3A_324, %gather3A_321 : vector<16xf32>
          %swap3A_326 = arith.index_cast %scan3A_316 : i32 to index
          %swap3A_327 = arith.constant 0 : index
          %swap3A_328 = tpu.vector_load %arg8[%swap3A_326, %swap3A_327] {strides = array<i32>} : memref<128x128xf32, #tpu.memory_space<vmem>>, vector<16xf32>,
          tpu.vector_store %arg8[%swap3A_326, %swap3A_327], %mul3A_325 {strides = array<i32>} : memref<128x128xf32, #tpu.memory_space<vmem>>, vector<16xf32>,
          %get3A_329 = arith.index_cast %scan3A_316 : i32 to index
          %get3A_330 = arith.constant 16 : index
          %get3A_331 = tpu.vector_load %arg8[%get3A_329, %get3A_330] {strides = array<i32>} : memref<128x128xf32, #tpu.memory_space<vmem>>, vector<16xf32>,
          %mul3A_332 = arith.mulf %get3A_331, %gather3A_321 : vector<16xf32>
          %swap3A_333 = arith.index_cast %scan3A_316 : i32 to index
          %swap3A_334 = arith.constant 16 : index
          %swap3A_335 = tpu.vector_load %arg8[%swap3A_333, %swap3A_334] {strides = array<i32>} : memref<128x128xf32, #tpu.memory_space<vmem>>, vector<16xf32>,
          tpu.vector_store %arg8[%swap3A_333, %swap3A_334], %mul3A_332 {strides = array<i32>} : memref<128x128xf32, #tpu.memory_space<vmem>>, vector<16xf32>,
          %get3A_336 = arith.index_cast %scan3A_316 : i32 to index
          %get3A_337 = arith.constant 32 : index
          %get3A_338 = tpu.vector_load %arg8[%get3A_336, %get3A_337] {strides = array<i32>} : memref<128x128xf32, #tpu.memory_space<vmem>>, vector<16xf32>,
          %mul3A_339 = arith.mulf %get3A_338, %gather3A_321 : vector<16xf32>
          %swap3A_340 = arith.index_cast %scan3A_316 : i32 to index
          %swap3A_341 = arith.constant 32 : index
          %swap3A_342 = tpu.vector_load %arg8[%swap3A_340, %swap3A_341] {strides = array<i32>} : memref<128x128xf32, #tpu.memory_space<vmem>>, vector<16xf32>,
          tpu.vector_store %arg8[%swap3A_340, %swap3A_341], %mul3A_339 {strides = array<i32>} : memref<128x128xf32, #tpu.memory_space<vmem>>, vector<16xf32>,
          %get3A_343 = arith.index_cast %scan3A_316 : i32 to index
          %get3A_344 = arith.constant 48 : index
          %get3A_345 = tpu.vector_load %arg8[%get3A_343, %get3A_344] {strides = array<i32>} : memref<128x128xf32, #tpu.memory_space<vmem>>, vector<16xf32>,
          %mul3A_346 = arith.mulf %get3A_345, %gather3A_321 : vector<16xf32>
          %swap3A_347 = arith.index_cast %scan3A_316 : i32 to index
          %swap3A_348 = arith.constant 48 : index
          %swap3A_349 = tpu.vector_load %arg8[%swap3A_347, %swap3A_348] {strides = array<i32>} : memref<128x128xf32, #tpu.memory_space<vmem>>, vector<16xf32>,
          tpu.vector_store %arg8[%swap3A_347, %swap3A_348], %mul3A_346 {strides = array<i32>} : memref<128x128xf32, #tpu.memory_space<vmem>>, vector<16xf32>,
          %get3A_350 = arith.index_cast %scan3A_316 : i32 to index
          %get3A_351 = arith.constant 64 : index
          %get3A_352 = tpu.vector_load %arg8[%get3A_350, %get3A_351] {strides = array<i32>} : memref<128x128xf32, #tpu.memory_space<vmem>>, vector<16xf32>,
          %mul3A_353 = arith.mulf %get3A_352, %gather3A_321 : vector<16xf32>
          %swap3A_354 = arith.index_cast %scan3A_316 : i32 to index
          %swap3A_355 = arith.constant 64 : index
          %swap3A_356 = tpu.vector_load %arg8[%swap3A_354, %swap3A_355] {strides = array<i32>} : memref<128x128xf32, #tpu.memory_space<vmem>>, vector<16xf32>,
          tpu.vector_store %arg8[%swap3A_354, %swap3A_355], %mul3A_353 {strides = array<i32>} : memref<128x128xf32, #tpu.memory_space<vmem>>, vector<16xf32>,
          %get3A_357 = arith.index_cast %scan3A_316 : i32 to index
          %get3A_358 = arith.constant 80 : index
          %get3A_359 = tpu.vector_load %arg8[%get3A_357, %get3A_358] {strides = array<i32>} : memref<128x128xf32, #tpu.memory_space<vmem>>, vector<16xf32>,
          %mul3A_360 = arith.mulf %get3A_359, %gather3A_321 : vector<16xf32>
          %swap3A_361 = arith.index_cast %scan3A_316 : i32 to index
          %swap3A_362 = arith.constant 80 : index
          %swap3A_363 = tpu.vector_load %arg8[%swap3A_361, %swap3A_362] {strides = array<i32>} : memref<128x128xf32, #tpu.memory_space<vmem>>, vector<16xf32>,
          tpu.vector_store %arg8[%swap3A_361, %swap3A_362], %mul3A_360 {strides = array<i32>} : memref<128x128xf32, #tpu.memory_space<vmem>>, vector<16xf32>,
          %get3A_364 = arith.index_cast %scan3A_316 : i32 to index
          %get3A_365 = arith.constant 96 : index
          %get3A_366 = tpu.vector_load %arg8[%get3A_364, %get3A_365] {strides = array<i32>} : memref<128x128xf32, #tpu.memory_space<vmem>>, vector<16xf32>,
          %mul3A_367 = arith.mulf %get3A_366, %gather3A_321 : vector<16xf32>
          %swap3A_368 = arith.index_cast %scan3A_316 : i32 to index
          %swap3A_369 = arith.constant 96 : index
          %swap3A_370 = tpu.vector_load %arg8[%swap3A_368, %swap3A_369] {strides = array<i32>} : memref<128x128xf32, #tpu.memory_space<vmem>>, vector<16xf32>,
          tpu.vector_store %arg8[%swap3A_368, %swap3A_369], %mul3A_367 {strides = array<i32>} : memref<128x128xf32, #tpu.memory_space<vmem>>, vector<16xf32>,
          %get3A_371 = arith.index_cast %scan3A_316 : i32 to index
          %get3A_372 = arith.constant 112 : index
          %get3A_373 = tpu.vector_load %arg8[%get3A_371, %get3A_372] {strides = array<i32>} : memref<128x128xf32, #tpu.memory_space<vmem>>, vector<16xf32>,
          %mul3A_374 = arith.mulf %get3A_373, %gather3A_321 : vector<16xf32>
          %swap3A_375 = arith.index_cast %scan3A_316 : i32 to index
          %swap3A_376 = arith.constant 112 : index
          %swap3A_377 = tpu.vector_load %arg8[%swap3A_375, %swap3A_376] {strides = array<i32>} : memref<128x128xf32, #tpu.memory_space<vmem>>, vector<16xf32>,
          tpu.vector_store %arg8[%swap3A_375, %swap3A_376], %mul3A_374 {strides = array<i32>} : memref<128x128xf32, #tpu.memory_space<vmem>>, vector<16xf32>,
          %scan3A_378 = arith.constant 0 : i32
          %scan3A_379 = arith.constant 3 : i32
          %scan3A_380 = arith.addi %scan3A_187, %scan3A_379 : i32
          %broadcast_in_dim3A_381 = arith.constant 0 : i32
          %broadcast_in_dim3A_382 = vector.broadcast %broadcast_in_dim3A_381 : i32 to vector<16xi32>
          %add3A_383 = vector.broadcast %scan3A_380 : i32 to vector<16xi32>
          %add3A_384 = arith.addi %broadcast_in_dim3A_382, %add3A_383 : vector<16xi32>
          %gather3A_385 = tpu.vector_load_idx %arg10[%add3A_384] : memref<128xf32, #tpu.memory_space<vmem>>[vector<16xi32>], vector<16xf32>,
          %get3A_386 = arith.index_cast %scan3A_380 : i32 to index
          %get3A_387 = arith.constant 0 : index
          %get3A_388 = tpu.vector_load %arg8[%get3A_386, %get3A_387] {strides = array<i32>} : memref<128x128xf32, #tpu.memory_space<vmem>>, vector<16xf32>,
          %mul3A_389 = arith.mulf %get3A_388, %gather3A_385 : vector<16xf32>
          %swap3A_390 = arith.index_cast %scan3A_380 : i32 to index
          %swap3A_391 = arith.constant 0 : index
          %swap3A_392 = tpu.vector_load %arg8[%swap3A_390, %swap3A_391] {strides = array<i32>} : memref<128x128xf32, #tpu.memory_space<vmem>>, vector<16xf32>,
          tpu.vector_store %arg8[%swap3A_390, %swap3A_391], %mul3A_389 {strides = array<i32>} : memref<128x128xf32, #tpu.memory_space<vmem>>, vector<16xf32>,
          %get3A_393 = arith.index_cast %scan3A_380 : i32 to index
          %get3A_394 = arith.constant 16 : index
          %get3A_395 = tpu.vector_load %arg8[%get3A_393, %get3A_394] {strides = array<i32>} : memref<128x128xf32, #tpu.memory_space<vmem>>, vector<16xf32>,
          %mul3A_396 = arith.mulf %get3A_395, %gather3A_385 : vector<16xf32>
          %swap3A_397 = arith.index_cast %scan3A_380 : i32 to index
          %swap3A_398 = arith.constant 16 : index
          %swap3A_399 = tpu.vector_load %arg8[%swap3A_397, %swap3A_398] {strides = array<i32>} : memref<128x128xf32, #tpu.memory_space<vmem>>, vector<16xf32>,
          tpu.vector_store %arg8[%swap3A_397, %swap3A_398], %mul3A_396 {strides = array<i32>} : memref<128x128xf32, #tpu.memory_space<vmem>>, vector<16xf32>,
          %get3A_400 = arith.index_cast %scan3A_380 : i32 to index
          %get3A_401 = arith.constant 32 : index
          %get3A_402 = tpu.vector_load %arg8[%get3A_400, %get3A_401] {strides = array<i32>} : memref<128x128xf32, #tpu.memory_space<vmem>>, vector<16xf32>,
          %mul3A_403 = arith.mulf %get3A_402, %gather3A_385 : vector<16xf32>
          %swap3A_404 = arith.index_cast %scan3A_380 : i32 to index
          %swap3A_405 = arith.constant 32 : index
          %swap3A_406 = tpu.vector_load %arg8[%swap3A_404, %swap3A_405] {strides = array<i32>} : memref<128x128xf32, #tpu.memory_space<vmem>>, vector<16xf32>,
          tpu.vector_store %arg8[%swap3A_404, %swap3A_405], %mul3A_403 {strides = array<i32>} : memref<128x128xf32, #tpu.memory_space<vmem>>, vector<16xf32>,
          %get3A_407 = arith.index_cast %scan3A_380 : i32 to index
          %get3A_408 = arith.constant 48 : index
          %get3A_409 = tpu.vector_load %arg8[%get3A_407, %get3A_408] {strides = array<i32>} : memref<128x128xf32, #tpu.memory_space<vmem>>, vector<16xf32>,
          %mul3A_410 = arith.mulf %get3A_409, %gather3A_385 : vector<16xf32>
          %swap3A_411 = arith.index_cast %scan3A_380 : i32 to index
          %swap3A_412 = arith.constant 48 : index
          %swap3A_413 = tpu.vector_load %arg8[%swap3A_411, %swap3A_412] {strides = array<i32>} : memref<128x128xf32, #tpu.memory_space<vmem>>, vector<16xf32>,
          tpu.vector_store %arg8[%swap3A_411, %swap3A_412], %mul3A_410 {strides = array<i32>} : memref<128x128xf32, #tpu.memory_space<vmem>>, vector<16xf32>,
          %get3A_414 = arith.index_cast %scan3A_380 : i32 to index
          %get3A_415 = arith.constant 64 : index
          %get3A_416 = tpu.vector_load %arg8[%get3A_414, %get3A_415] {strides = array<i32>} : memref<128x128xf32, #tpu.memory_space<vmem>>, vector<16xf32>,
          %mul3A_417 = arith.mulf %get3A_416, %gather3A_385 : vector<16xf32>
          %swap3A_418 = arith.index_cast %scan3A_380 : i32 to index
          %swap3A_419 = arith.constant 64 : index
          %swap3A_420 = tpu.vector_load %arg8[%swap3A_418, %swap3A_419] {strides = array<i32>} : memref<128x128xf32, #tpu.memory_space<vmem>>, vector<16xf32>,
          tpu.vector_store %arg8[%swap3A_418, %swap3A_419], %mul3A_417 {strides = array<i32>} : memref<128x128xf32, #tpu.memory_space<vmem>>, vector<16xf32>,
          %get3A_421 = arith.index_cast %scan3A_380 : i32 to index
          %get3A_422 = arith.constant 80 : index
          %get3A_423 = tpu.vector_load %arg8[%get3A_421, %get3A_422] {strides = array<i32>} : memref<128x128xf32, #tpu.memory_space<vmem>>, vector<16xf32>,
          %mul3A_424 = arith.mulf %get3A_423, %gather3A_385 : vector<16xf32>
          %swap3A_425 = arith.index_cast %scan3A_380 : i32 to index
          %swap3A_426 = arith.constant 80 : index
          %swap3A_427 = tpu.vector_load %arg8[%swap3A_425, %swap3A_426] {strides = array<i32>} : memref<128x128xf32, #tpu.memory_space<vmem>>, vector<16xf32>,
          tpu.vector_store %arg8[%swap3A_425, %swap3A_426], %mul3A_424 {strides = array<i32>} : memref<128x128xf32, #tpu.memory_space<vmem>>, vector<16xf32>,
          %get3A_428 = arith.index_cast %scan3A_380 : i32 to index
          %get3A_429 = arith.constant 96 : index
          %get3A_430 = tpu.vector_load %arg8[%get3A_428, %get3A_429] {strides = array<i32>} : memref<128x128xf32, #tpu.memory_space<vmem>>, vector<16xf32>,
          %mul3A_431 = arith.mulf %get3A_430, %gather3A_385 : vector<16xf32>
          %swap3A_432 = arith.index_cast %scan3A_380 : i32 to index
          %swap3A_433 = arith.constant 96 : index
          %swap3A_434 = tpu.vector_load %arg8[%swap3A_432, %swap3A_433] {strides = array<i32>} : memref<128x128xf32, #tpu.memory_space<vmem>>, vector<16xf32>,
          tpu.vector_store %arg8[%swap3A_432, %swap3A_433], %mul3A_431 {strides = array<i32>} : memref<128x128xf32, #tpu.memory_space<vmem>>, vector<16xf32>,
          %get3A_435 = arith.index_cast %scan3A_380 : i32 to index
          %get3A_436 = arith.constant 112 : index
          %get3A_437 = tpu.vector_load %arg8[%get3A_435, %get3A_436] {strides = array<i32>} : memref<128x128xf32, #tpu.memory_space<vmem>>, vector<16xf32>,
          %mul3A_438 = arith.mulf %get3A_437, %gather3A_385 : vector<16xf32>
          %swap3A_439 = arith.index_cast %scan3A_380 : i32 to index
          %swap3A_440 = arith.constant 112 : index
          %swap3A_441 = tpu.vector_load %arg8[%swap3A_439, %swap3A_440] {strides = array<i32>} : memref<128x128xf32, #tpu.memory_space<vmem>>, vector<16xf32>,
          tpu.vector_store %arg8[%swap3A_439, %swap3A_440], %mul3A_438 {strides = array<i32>} : memref<128x128xf32, #tpu.memory_space<vmem>>, vector<16xf32>,
          %scan3A_442 = arith.constant 0 : i32
          %scan3A_443 = arith.constant 4 : i32
          %scan3A_444 = arith.addi %scan3A_187, %scan3A_443 : i32
          %broadcast_in_dim3A_445 = arith.constant 0 : i32
          %broadcast_in_dim3A_446 = vector.broadcast %broadcast_in_dim3A_445 : i32 to vector<16xi32>
          %add3A_447 = vector.broadcast %scan3A_444 : i32 to vector<16xi32>
          %add3A_448 = arith.addi %broadcast_in_dim3A_446, %add3A_447 : vector<16xi32>
          %gather3A_449 = tpu.vector_load_idx %arg10[%add3A_448] : memref<128xf32, #tpu.memory_space<vmem>>[vector<16xi32>], vector<16xf32>,
          %get3A_450 = arith.index_cast %scan3A_444 : i32 to index
          %get3A_451 = arith.constant 0 : index
          %get3A_452 = tpu.vector_load %arg8[%get3A_450, %get3A_451] {strides = array<i32>} : memref<128x128xf32, #tpu.memory_space<vmem>>, vector<16xf32>,
          %mul3A_453 = arith.mulf %get3A_452, %gather3A_449 : vector<16xf32>
          %swap3A_454 = arith.index_cast %scan3A_444 : i32 to index
          %swap3A_455 = arith.constant 0 : index
          %swap3A_456 = tpu.vector_load %arg8[%swap3A_454, %swap3A_455] {strides = array<i32>} : memref<128x128xf32, #tpu.memory_space<vmem>>, vector<16xf32>,
          tpu.vector_store %arg8[%swap3A_454, %swap3A_455], %mul3A_453 {strides = array<i32>} : memref<128x128xf32, #tpu.memory_space<vmem>>, vector<16xf32>,
          %get3A_457 = arith.index_cast %scan3A_444 : i32 to index
          %get3A_458 = arith.constant 16 : index
          %get3A_459 = tpu.vector_load %arg8[%get3A_457, %get3A_458] {strides = array<i32>} : memref<128x128xf32, #tpu.memory_space<vmem>>, vector<16xf32>,
          %mul3A_460 = arith.mulf %get3A_459, %gather3A_449 : vector<16xf32>
          %swap3A_461 = arith.index_cast %scan3A_444 : i32 to index
          %swap3A_462 = arith.constant 16 : index
          %swap3A_463 = tpu.vector_load %arg8[%swap3A_461, %swap3A_462] {strides = array<i32>} : memref<128x128xf32, #tpu.memory_space<vmem>>, vector<16xf32>,
          tpu.vector_store %arg8[%swap3A_461, %swap3A_462], %mul3A_460 {strides = array<i32>} : memref<128x128xf32, #tpu.memory_space<vmem>>, vector<16xf32>,
          %get3A_464 = arith.index_cast %scan3A_444 : i32 to index
          %get3A_465 = arith.constant 32 : index
          %get3A_466 = tpu.vector_load %arg8[%get3A_464, %get3A_465] {strides = array<i32>} : memref<128x128xf32, #tpu.memory_space<vmem>>, vector<16xf32>,
          %mul3A_467 = arith.mulf %get3A_466, %gather3A_449 : vector<16xf32>
          %swap3A_468 = arith.index_cast %scan3A_444 : i32 to index
          %swap3A_469 = arith.constant 32 : index
          %swap3A_470 = tpu.vector_load %arg8[%swap3A_468, %swap3A_469] {strides = array<i32>} : memref<128x128xf32, #tpu.memory_space<vmem>>, vector<16xf32>,
          tpu.vector_store %arg8[%swap3A_468, %swap3A_469], %mul3A_467 {strides = array<i32>} : memref<128x128xf32, #tpu.memory_space<vmem>>, vector<16xf32>,
          %get3A_471 = arith.index_cast %scan3A_444 : i32 to index
          %get3A_472 = arith.constant 48 : index
          %get3A_473 = tpu.vector_load %arg8[%get3A_471, %get3A_472] {strides = array<i32>} : memref<128x128xf32, #tpu.memory_space<vmem>>, vector<16xf32>,
          %mul3A_474 = arith.mulf %get3A_473, %gather3A_449 : vector<16xf32>
          %swap3A_475 = arith.index_cast %scan3A_444 : i32 to index
          %swap3A_476 = arith.constant 48 : index
          %swap3A_477 = tpu.vector_load %arg8[%swap3A_475, %swap3A_476] {strides = array<i32>} : memref<128x128xf32, #tpu.memory_space<vmem>>, vector<16xf32>,
          tpu.vector_store %arg8[%swap3A_475, %swap3A_476], %mul3A_474 {strides = array<i32>} : memref<128x128xf32, #tpu.memory_space<vmem>>, vector<16xf32>,
          %get3A_478 = arith.index_cast %scan3A_444 : i32 to index
          %get3A_479 = arith.constant 64 : index
          %get3A_480 = tpu.vector_load %arg8[%get3A_478, %get3A_479] {strides = array<i32>} : memref<128x128xf32, #tpu.memory_space<vmem>>, vector<16xf32>,
          %mul3A_481 = arith.mulf %get3A_480, %gather3A_449 : vector<16xf32>
          %swap3A_482 = arith.index_cast %scan3A_444 : i32 to index
          %swap3A_483 = arith.constant 64 : index
          %swap3A_484 = tpu.vector_load %arg8[%swap3A_482, %swap3A_483] {strides = array<i32>} : memref<128x128xf32, #tpu.memory_space<vmem>>, vector<16xf32>,
          tpu.vector_store %arg8[%swap3A_482, %swap3A_483], %mul3A_481 {strides = array<i32>} : memref<128x128xf32, #tpu.memory_space<vmem>>, vector<16xf32>,
          %get3A_485 = arith.index_cast %scan3A_444 : i32 to index
          %get3A_486 = arith.constant 80 : index
          %get3A_487 = tpu.vector_load %arg8[%get3A_485, %get3A_486] {strides = array<i32>} : memref<128x128xf32, #tpu.memory_space<vmem>>, vector<16xf32>,
          %mul3A_488 = arith.mulf %get3A_487, %gather3A_449 : vector<16xf32>
          %swap3A_489 = arith.index_cast %scan3A_444 : i32 to index
          %swap3A_490 = arith.constant 80 : index
          %swap3A_491 = tpu.vector_load %arg8[%swap3A_489, %swap3A_490] {strides = array<i32>} : memref<128x128xf32, #tpu.memory_space<vmem>>, vector<16xf32>,
          tpu.vector_store %arg8[%swap3A_489, %swap3A_490], %mul3A_488 {strides = array<i32>} : memref<128x128xf32, #tpu.memory_space<vmem>>, vector<16xf32>,
          %get3A_492 = arith.index_cast %scan3A_444 : i32 to index
          %get3A_493 = arith.constant 96 : index
          %get3A_494 = tpu.vector_load %arg8[%get3A_492, %get3A_493] {strides = array<i32>} : memref<128x128xf32, #tpu.memory_space<vmem>>, vector<16xf32>,
          %mul3A_495 = arith.mulf %get3A_494, %gather3A_449 : vector<16xf32>
          %swap3A_496 = arith.index_cast %scan3A_444 : i32 to index
          %swap3A_497 = arith.constant 96 : index
          %swap3A_498 = tpu.vector_load %arg8[%swap3A_496, %swap3A_497] {strides = array<i32>} : memref<128x128xf32, #tpu.memory_space<vmem>>, vector<16xf32>,
          tpu.vector_store %arg8[%swap3A_496, %swap3A_497], %mul3A_495 {strides = array<i32>} : memref<128x128xf32, #tpu.memory_space<vmem>>, vector<16xf32>,
          %get3A_499 = arith.index_cast %scan3A_444 : i32 to index
          %get3A_500 = arith.constant 112 : index
          %get3A_501 = tpu.vector_load %arg8[%get3A_499, %get3A_500] {strides = array<i32>} : memref<128x128xf32, #tpu.memory_space<vmem>>, vector<16xf32>,
          %mul3A_502 = arith.mulf %get3A_501, %gather3A_449 : vector<16xf32>
          %swap3A_503 = arith.index_cast %scan3A_444 : i32 to index
          %swap3A_504 = arith.constant 112 : index
          %swap3A_505 = tpu.vector_load %arg8[%swap3A_503, %swap3A_504] {strides = array<i32>} : memref<128x128xf32, #tpu.memory_space<vmem>>, vector<16xf32>,
          tpu.vector_store %arg8[%swap3A_503, %swap3A_504], %mul3A_502 {strides = array<i32>} : memref<128x128xf32, #tpu.memory_space<vmem>>, vector<16xf32>,
          %scan3A_506 = arith.constant 0 : i32
          %scan3A_507 = arith.constant 5 : i32
          %scan3A_508 = arith.addi %scan3A_187, %scan3A_507 : i32
          %broadcast_in_dim3A_509 = arith.constant 0 : i32
          %broadcast_in_dim3A_510 = vector.broadcast %broadcast_in_dim3A_509 : i32 to vector<16xi32>
          %add3A_511 = vector.broadcast %scan3A_508 : i32 to vector<16xi32>
          %add3A_512 = arith.addi %broadcast_in_dim3A_510, %add3A_511 : vector<16xi32>
          %gather3A_513 = tpu.vector_load_idx %arg10[%add3A_512] : memref<128xf32, #tpu.memory_space<vmem>>[vector<16xi32>], vector<16xf32>,
          %get3A_514 = arith.index_cast %scan3A_508 : i32 to index
          %get3A_515 = arith.constant 0 : index
          %get3A_516 = tpu.vector_load %arg8[%get3A_514, %get3A_515] {strides = array<i32>} : memref<128x128xf32, #tpu.memory_space<vmem>>, vector<16xf32>,
          %mul3A_517 = arith.mulf %get3A_516, %gather3A_513 : vector<16xf32>
          %swap3A_518 = arith.index_cast %scan3A_508 : i32 to index
          %swap3A_519 = arith.constant 0 : index
          %swap3A_520 = tpu.vector_load %arg8[%swap3A_518, %swap3A_519] {strides = array<i32>} : memref<128x128xf32, #tpu.memory_space<vmem>>, vector<16xf32>,
          tpu.vector_store %arg8[%swap3A_518, %swap3A_519], %mul3A_517 {strides = array<i32>} : memref<128x128xf32, #tpu.memory_space<vmem>>, vector<16xf32>,
          %get3A_521 = arith.index_cast %scan3A_508 : i32 to index
          %get3A_522 = arith.constant 16 : index
          %get3A_523 = tpu.vector_load %arg8[%get3A_521, %get3A_522] {strides = array<i32>} : memref<128x128xf32, #tpu.memory_space<vmem>>, vector<16xf32>,
          %mul3A_524 = arith.mulf %get3A_523, %gather3A_513 : vector<16xf32>
          %swap3A_525 = arith.index_cast %scan3A_508 : i32 to index
          %swap3A_526 = arith.constant 16 : index
          %swap3A_527 = tpu.vector_load %arg8[%swap3A_525, %swap3A_526] {strides = array<i32>} : memref<128x128xf32, #tpu.memory_space<vmem>>, vector<16xf32>,
          tpu.vector_store %arg8[%swap3A_525, %swap3A_526], %mul3A_524 {strides = array<i32>} : memref<128x128xf32, #tpu.memory_space<vmem>>, vector<16xf32>,
          %get3A_528 = arith.index_cast %scan3A_508 : i32 to index
          %get3A_529 = arith.constant 32 : index
          %get3A_530 = tpu.vector_load %arg8[%get3A_528, %get3A_529] {strides = array<i32>} : memref<128x128xf32, #tpu.memory_space<vmem>>, vector<16xf32>,
          %mul3A_531 = arith.mulf %get3A_530, %gather3A_513 : vector<16xf32>
          %swap3A_532 = arith.index_cast %scan3A_508 : i32 to index
          %swap3A_533 = arith.constant 32 : index
          %swap3A_534 = tpu.vector_load %arg8[%swap3A_532, %swap3A_533] {strides = array<i32>} : memref<128x128xf32, #tpu.memory_space<vmem>>, vector<16xf32>,
          tpu.vector_store %arg8[%swap3A_532, %swap3A_533], %mul3A_531 {strides = array<i32>} : memref<128x128xf32, #tpu.memory_space<vmem>>, vector<16xf32>,
          %get3A_535 = arith.index_cast %scan3A_508 : i32 to index
          %get3A_536 = arith.constant 48 : index
          %get3A_537 = tpu.vector_load %arg8[%get3A_535, %get3A_536] {strides = array<i32>} : memref<128x128xf32, #tpu.memory_space<vmem>>, vector<16xf32>,
          %mul3A_538 = arith.mulf %get3A_537, %gather3A_513 : vector<16xf32>
          %swap3A_539 = arith.index_cast %scan3A_508 : i32 to index
          %swap3A_540 = arith.constant 48 : index
          %swap3A_541 = tpu.vector_load %arg8[%swap3A_539, %swap3A_540] {strides = array<i32>} : memref<128x128xf32, #tpu.memory_space<vmem>>, vector<16xf32>,
          tpu.vector_store %arg8[%swap3A_539, %swap3A_540], %mul3A_538 {strides = array<i32>} : memref<128x128xf32, #tpu.memory_space<vmem>>, vector<16xf32>,
          %get3A_542 = arith.index_cast %scan3A_508 : i32 to index
          %get3A_543 = arith.constant 64 : index
          %get3A_544 = tpu.vector_load %arg8[%get3A_542, %get3A_543] {strides = array<i32>} : memref<128x128xf32, #tpu.memory_space<vmem>>, vector<16xf32>,
          %mul3A_545 = arith.mulf %get3A_544, %gather3A_513 : vector<16xf32>
          %swap3A_546 = arith.index_cast %scan3A_508 : i32 to index
          %swap3A_547 = arith.constant 64 : index
          %swap3A_548 = tpu.vector_load %arg8[%swap3A_546, %swap3A_547] {strides = array<i32>} : memref<128x128xf32, #tpu.memory_space<vmem>>, vector<16xf32>,
          tpu.vector_store %arg8[%swap3A_546, %swap3A_547], %mul3A_545 {strides = array<i32>} : memref<128x128xf32, #tpu.memory_space<vmem>>, vector<16xf32>,
          %get3A_549 = arith.index_cast %scan3A_508 : i32 to index
          %get3A_550 = arith.constant 80 : index
          %get3A_551 = tpu.vector_load %arg8[%get3A_549, %get3A_550] {strides = array<i32>} : memref<128x128xf32, #tpu.memory_space<vmem>>, vector<16xf32>,
          %mul3A_552 = arith.mulf %get3A_551, %gather3A_513 : vector<16xf32>
          %swap3A_553 = arith.index_cast %scan3A_508 : i32 to index
          %swap3A_554 = arith.constant 80 : index
          %swap3A_555 = tpu.vector_load %arg8[%swap3A_553, %swap3A_554] {strides = array<i32>} : memref<128x128xf32, #tpu.memory_space<vmem>>, vector<16xf32>,
          tpu.vector_store %arg8[%swap3A_553, %swap3A_554], %mul3A_552 {strides = array<i32>} : memref<128x128xf32, #tpu.memory_space<vmem>>, vector<16xf32>,
          %get3A_556 = arith.index_cast %scan3A_508 : i32 to index
          %get3A_557 = arith.constant 96 : index
          %get3A_558 = tpu.vector_load %arg8[%get3A_556, %get3A_557] {strides = array<i32>} : memref<128x128xf32, #tpu.memory_space<vmem>>, vector<16xf32>,
          %mul3A_559 = arith.mulf %get3A_558, %gather3A_513 : vector<16xf32>
          %swap3A_560 = arith.index_cast %scan3A_508 : i32 to index
          %swap3A_561 = arith.constant 96 : index
          %swap3A_562 = tpu.vector_load %arg8[%swap3A_560, %swap3A_561] {strides = array<i32>} : memref<128x128xf32, #tpu.memory_space<vmem>>, vector<16xf32>,
          tpu.vector_store %arg8[%swap3A_560, %swap3A_561], %mul3A_559 {strides = array<i32>} : memref<128x128xf32, #tpu.memory_space<vmem>>, vector<16xf32>,
          %get3A_563 = arith.index_cast %scan3A_508 : i32 to index
          %get3A_564 = arith.constant 112 : index
          %get3A_565 = tpu.vector_load %arg8[%get3A_563, %get3A_564] {strides = array<i32>} : memref<128x128xf32, #tpu.memory_space<vmem>>, vector<16xf32>,
          %mul3A_566 = arith.mulf %get3A_565, %gather3A_513 : vector<16xf32>
          %swap3A_567 = arith.index_cast %scan3A_508 : i32 to index
          %swap3A_568 = arith.constant 112 : index
          %swap3A_569 = tpu.vector_load %arg8[%swap3A_567, %swap3A_568] {strides = array<i32>} : memref<128x128xf32, #tpu.memory_space<vmem>>, vector<16xf32>,
          tpu.vector_store %arg8[%swap3A_567, %swap3A_568], %mul3A_566 {strides = array<i32>} : memref<128x128xf32, #tpu.memory_space<vmem>>, vector<16xf32>,
          %scan3A_570 = arith.constant 0 : i32
          %scan3A_571 = arith.constant 6 : i32
          %scan3A_572 = arith.addi %scan3A_187, %scan3A_571 : i32
          %broadcast_in_dim3A_573 = arith.constant 0 : i32
          %broadcast_in_dim3A_574 = vector.broadcast %broadcast_in_dim3A_573 : i32 to vector<16xi32>
          %add3A_575 = vector.broadcast %scan3A_572 : i32 to vector<16xi32>
          %add3A_576 = arith.addi %broadcast_in_dim3A_574, %add3A_575 : vector<16xi32>
          %gather3A_577 = tpu.vector_load_idx %arg10[%add3A_576] : memref<128xf32, #tpu.memory_space<vmem>>[vector<16xi32>], vector<16xf32>,
          %get3A_578 = arith.index_cast %scan3A_572 : i32 to index
          %get3A_579 = arith.constant 0 : index
          %get3A_580 = tpu.vector_load %arg8[%get3A_578, %get3A_579] {strides = array<i32>} : memref<128x128xf32, #tpu.memory_space<vmem>>, vector<16xf32>,
          %mul3A_581 = arith.mulf %get3A_580, %gather3A_577 : vector<16xf32>
          %swap3A_582 = arith.index_cast %scan3A_572 : i32 to index
          %swap3A_583 = arith.constant 0 : index
          %swap3A_584 = tpu.vector_load %arg8[%swap3A_582, %swap3A_583] {strides = array<i32>} : memref<128x128xf32, #tpu.memory_space<vmem>>, vector<16xf32>,
          tpu.vector_store %arg8[%swap3A_582, %swap3A_583], %mul3A_581 {strides = array<i32>} : memref<128x128xf32, #tpu.memory_space<vmem>>, vector<16xf32>,
          %get3A_585 = arith.index_cast %scan3A_572 : i32 to index
          %get3A_586 = arith.constant 16 : index
          %get3A_587 = tpu.vector_load %arg8[%get3A_585, %get3A_586] {strides = array<i32>} : memref<128x128xf32, #tpu.memory_space<vmem>>, vector<16xf32>,
          %mul3A_588 = arith.mulf %get3A_587, %gather3A_577 : vector<16xf32>
          %swap3A_589 = arith.index_cast %scan3A_572 : i32 to index
          %swap3A_590 = arith.constant 16 : index
          %swap3A_591 = tpu.vector_load %arg8[%swap3A_589, %swap3A_590] {strides = array<i32>} : memref<128x128xf32, #tpu.memory_space<vmem>>, vector<16xf32>,
          tpu.vector_store %arg8[%swap3A_589, %swap3A_590], %mul3A_588 {strides = array<i32>} : memref<128x128xf32, #tpu.memory_space<vmem>>, vector<16xf32>,
          %get3A_592 = arith.index_cast %scan3A_572 : i32 to index
          %get3A_593 = arith.constant 32 : index
          %get3A_594 = tpu.vector_load %arg8[%get3A_592, %get3A_593] {strides = array<i32>} : memref<128x128xf32, #tpu.memory_space<vmem>>, vector<16xf32>,
          %mul3A_595 = arith.mulf %get3A_594, %gather3A_577 : vector<16xf32>
          %swap3A_596 = arith.index_cast %scan3A_572 : i32 to index
          %swap3A_597 = arith.constant 32 : index
          %swap3A_598 = tpu.vector_load %arg8[%swap3A_596, %swap3A_597] {strides = array<i32>} : memref<128x128xf32, #tpu.memory_space<vmem>>, vector<16xf32>,
          tpu.vector_store %arg8[%swap3A_596, %swap3A_597], %mul3A_595 {strides = array<i32>} : memref<128x128xf32, #tpu.memory_space<vmem>>, vector<16xf32>,
          %get3A_599 = arith.index_cast %scan3A_572 : i32 to index
          %get3A_600 = arith.constant 48 : index
          %get3A_601 = tpu.vector_load %arg8[%get3A_599, %get3A_600] {strides = array<i32>} : memref<128x128xf32, #tpu.memory_space<vmem>>, vector<16xf32>,
          %mul3A_602 = arith.mulf %get3A_601, %gather3A_577 : vector<16xf32>
          %swap3A_603 = arith.index_cast %scan3A_572 : i32 to index
          %swap3A_604 = arith.constant 48 : index
          %swap3A_605 = tpu.vector_load %arg8[%swap3A_603, %swap3A_604] {strides = array<i32>} : memref<128x128xf32, #tpu.memory_space<vmem>>, vector<16xf32>,
          tpu.vector_store %arg8[%swap3A_603, %swap3A_604], %mul3A_602 {strides = array<i32>} : memref<128x128xf32, #tpu.memory_space<vmem>>, vector<16xf32>,
          %get3A_606 = arith.index_cast %scan3A_572 : i32 to index
          %get3A_607 = arith.constant 64 : index
          %get3A_608 = tpu.vector_load %arg8[%get3A_606, %get3A_607] {strides = array<i32>} : memref<128x128xf32, #tpu.memory_space<vmem>>, vector<16xf32>,
          %mul3A_609 = arith.mulf %get3A_608, %gather3A_577 : vector<16xf32>
          %swap3A_610 = arith.index_cast %scan3A_572 : i32 to index
          %swap3A_611 = arith.constant 64 : index
          %swap3A_612 = tpu.vector_load %arg8[%swap3A_610, %swap3A_611] {strides = array<i32>} : memref<128x128xf32, #tpu.memory_space<vmem>>, vector<16xf32>,
          tpu.vector_store %arg8[%swap3A_610, %swap3A_611], %mul3A_609 {strides = array<i32>} : memref<128x128xf32, #tpu.memory_space<vmem>>, vector<16xf32>,
          %get3A_613 = arith.index_cast %scan3A_572 : i32 to index
          %get3A_614 = arith.constant 80 : index
          %get3A_615 = tpu.vector_load %arg8[%get3A_613, %get3A_614] {strides = array<i32>} : memref<128x128xf32, #tpu.memory_space<vmem>>, vector<16xf32>,
          %mul3A_616 = arith.mulf %get3A_615, %gather3A_577 : vector<16xf32>
          %swap3A_617 = arith.index_cast %scan3A_572 : i32 to index
          %swap3A_618 = arith.constant 80 : index
          %swap3A_619 = tpu.vector_load %arg8[%swap3A_617, %swap3A_618] {strides = array<i32>} : memref<128x128xf32, #tpu.memory_space<vmem>>, vector<16xf32>,
          tpu.vector_store %arg8[%swap3A_617, %swap3A_618], %mul3A_616 {strides = array<i32>} : memref<128x128xf32, #tpu.memory_space<vmem>>, vector<16xf32>,
          %get3A_620 = arith.index_cast %scan3A_572 : i32 to index
          %get3A_621 = arith.constant 96 : index
          %get3A_622 = tpu.vector_load %arg8[%get3A_620, %get3A_621] {strides = array<i32>} : memref<128x128xf32, #tpu.memory_space<vmem>>, vector<16xf32>,
          %mul3A_623 = arith.mulf %get3A_622, %gather3A_577 : vector<16xf32>
          %swap3A_624 = arith.index_cast %scan3A_572 : i32 to index
          %swap3A_625 = arith.constant 96 : index
          %swap3A_626 = tpu.vector_load %arg8[%swap3A_624, %swap3A_625] {strides = array<i32>} : memref<128x128xf32, #tpu.memory_space<vmem>>, vector<16xf32>,
          tpu.vector_store %arg8[%swap3A_624, %swap3A_625], %mul3A_623 {strides = array<i32>} : memref<128x128xf32, #tpu.memory_space<vmem>>, vector<16xf32>,
          %get3A_627 = arith.index_cast %scan3A_572 : i32 to index
          %get3A_628 = arith.constant 112 : index
          %get3A_629 = tpu.vector_load %arg8[%get3A_627, %get3A_628] {strides = array<i32>} : memref<128x128xf32, #tpu.memory_space<vmem>>, vector<16xf32>,
          %mul3A_630 = arith.mulf %get3A_629, %gather3A_577 : vector<16xf32>
          %swap3A_631 = arith.index_cast %scan3A_572 : i32 to index
          %swap3A_632 = arith.constant 112 : index
          %swap3A_633 = tpu.vector_load %arg8[%swap3A_631, %swap3A_632] {strides = array<i32>} : memref<128x128xf32, #tpu.memory_space<vmem>>, vector<16xf32>,
          tpu.vector_store %arg8[%swap3A_631, %swap3A_632], %mul3A_630 {strides = array<i32>} : memref<128x128xf32, #tpu.memory_space<vmem>>, vector<16xf32>,
          %scan3A_634 = arith.constant 0 : i32
          %scan3A_635 = arith.constant 7 : i32
          %scan3A_636 = arith.addi %scan3A_187, %scan3A_635 : i32
          %broadcast_in_dim3A_637 = arith.constant 0 : i32
          %broadcast_in_dim3A_638 = vector.broadcast %broadcast_in_dim3A_637 : i32 to vector<16xi32>
          %add3A_639 = vector.broadcast %scan3A_636 : i32 to vector<16xi32>
          %add3A_640 = arith.addi %broadcast_in_dim3A_638, %add3A_639 : vector<16xi32>
          %gather3A_641 = tpu.vector_load_idx %arg10[%add3A_640] : memref<128xf32, #tpu.memory_space<vmem>>[vector<16xi32>], vector<16xf32>,
          %get3A_642 = arith.index_cast %scan3A_636 : i32 to index
          %get3A_643 = arith.constant 0 : index
          %get3A_644 = tpu.vector_load %arg8[%get3A_642, %get3A_643] {strides = array<i32>} : memref<128x128xf32, #tpu.memory_space<vmem>>, vector<16xf32>,
          %mul3A_645 = arith.mulf %get3A_644, %gather3A_641 : vector<16xf32>
          %swap3A_646 = arith.index_cast %scan3A_636 : i32 to index
          %swap3A_647 = arith.constant 0 : index
          %swap3A_648 = tpu.vector_load %arg8[%swap3A_646, %swap3A_647] {strides = array<i32>} : memref<128x128xf32, #tpu.memory_space<vmem>>, vector<16xf32>,
          tpu.vector_store %arg8[%swap3A_646, %swap3A_647], %mul3A_645 {strides = array<i32>} : memref<128x128xf32, #tpu.memory_space<vmem>>, vector<16xf32>,
          %get3A_649 = arith.index_cast %scan3A_636 : i32 to index
          %get3A_650 = arith.constant 16 : index
          %get3A_651 = tpu.vector_load %arg8[%get3A_649, %get3A_650] {strides = array<i32>} : memref<128x128xf32, #tpu.memory_space<vmem>>, vector<16xf32>,
          %mul3A_652 = arith.mulf %get3A_651, %gather3A_641 : vector<16xf32>
          %swap3A_653 = arith.index_cast %scan3A_636 : i32 to index
          %swap3A_654 = arith.constant 16 : index
          %swap3A_655 = tpu.vector_load %arg8[%swap3A_653, %swap3A_654] {strides = array<i32>} : memref<128x128xf32, #tpu.memory_space<vmem>>, vector<16xf32>,
          tpu.vector_store %arg8[%swap3A_653, %swap3A_654], %mul3A_652 {strides = array<i32>} : memref<128x128xf32, #tpu.memory_space<vmem>>, vector<16xf32>,
          %get3A_656 = arith.index_cast %scan3A_636 : i32 to index
          %get3A_657 = arith.constant 32 : index
          %get3A_658 = tpu.vector_load %arg8[%get3A_656, %get3A_657] {strides = array<i32>} : memref<128x128xf32, #tpu.memory_space<vmem>>, vector<16xf32>,
          %mul3A_659 = arith.mulf %get3A_658, %gather3A_641 : vector<16xf32>
          %swap3A_660 = arith.index_cast %scan3A_636 : i32 to index
          %swap3A_661 = arith.constant 32 : index
          %swap3A_662 = tpu.vector_load %arg8[%swap3A_660, %swap3A_661] {strides = array<i32>} : memref<128x128xf32, #tpu.memory_space<vmem>>, vector<16xf32>,
          tpu.vector_store %arg8[%swap3A_660, %swap3A_661], %mul3A_659 {strides = array<i32>} : memref<128x128xf32, #tpu.memory_space<vmem>>, vector<16xf32>,
          %get3A_663 = arith.index_cast %scan3A_636 : i32 to index
          %get3A_664 = arith.constant 48 : index
          %get3A_665 = tpu.vector_load %arg8[%get3A_663, %get3A_664] {strides = array<i32>} : memref<128x128xf32, #tpu.memory_space<vmem>>, vector<16xf32>,
          %mul3A_666 = arith.mulf %get3A_665, %gather3A_641 : vector<16xf32>
          %swap3A_667 = arith.index_cast %scan3A_636 : i32 to index
          %swap3A_668 = arith.constant 48 : index
          %swap3A_669 = tpu.vector_load %arg8[%swap3A_667, %swap3A_668] {strides = array<i32>} : memref<128x128xf32, #tpu.memory_space<vmem>>, vector<16xf32>,
          tpu.vector_store %arg8[%swap3A_667, %swap3A_668], %mul3A_666 {strides = array<i32>} : memref<128x128xf32, #tpu.memory_space<vmem>>, vector<16xf32>,
          %get3A_670 = arith.index_cast %scan3A_636 : i32 to index
          %get3A_671 = arith.constant 64 : index
          %get3A_672 = tpu.vector_load %arg8[%get3A_670, %get3A_671] {strides = array<i32>} : memref<128x128xf32, #tpu.memory_space<vmem>>, vector<16xf32>,
          %mul3A_673 = arith.mulf %get3A_672, %gather3A_641 : vector<16xf32>
          %swap3A_674 = arith.index_cast %scan3A_636 : i32 to index
          %swap3A_675 = arith.constant 64 : index
          %swap3A_676 = tpu.vector_load %arg8[%swap3A_674, %swap3A_675] {strides = array<i32>} : memref<128x128xf32, #tpu.memory_space<vmem>>, vector<16xf32>,
          tpu.vector_store %arg8[%swap3A_674, %swap3A_675], %mul3A_673 {strides = array<i32>} : memref<128x128xf32, #tpu.memory_space<vmem>>, vector<16xf32>,
          %get3A_677 = arith.index_cast %scan3A_636 : i32 to index
          %get3A_678 = arith.constant 80 : index
          %get3A_679 = tpu.vector_load %arg8[%get3A_677, %get3A_678] {strides = array<i32>} : memref<128x128xf32, #tpu.memory_space<vmem>>, vector<16xf32>,
          %mul3A_680 = arith.mulf %get3A_679, %gather3A_641 : vector<16xf32>
          %swap3A_681 = arith.index_cast %scan3A_636 : i32 to index
          %swap3A_682 = arith.constant 80 : index
          %swap3A_683 = tpu.vector_load %arg8[%swap3A_681, %swap3A_682] {strides = array<i32>} : memref<128x128xf32, #tpu.memory_space<vmem>>, vector<16xf32>,
          tpu.vector_store %arg8[%swap3A_681, %swap3A_682], %mul3A_680 {strides = array<i32>} : memref<128x128xf32, #tpu.memory_space<vmem>>, vector<16xf32>,
          %get3A_684 = arith.index_cast %scan3A_636 : i32 to index
          %get3A_685 = arith.constant 96 : index
          %get3A_686 = tpu.vector_load %arg8[%get3A_684, %get3A_685] {strides = array<i32>} : memref<128x128xf32, #tpu.memory_space<vmem>>, vector<16xf32>,
          %mul3A_687 = arith.mulf %get3A_686, %gather3A_641 : vector<16xf32>
          %swap3A_688 = arith.index_cast %scan3A_636 : i32 to index
          %swap3A_689 = arith.constant 96 : index
          %swap3A_690 = tpu.vector_load %arg8[%swap3A_688, %swap3A_689] {strides = array<i32>} : memref<128x128xf32, #tpu.memory_space<vmem>>, vector<16xf32>,
          tpu.vector_store %arg8[%swap3A_688, %swap3A_689], %mul3A_687 {strides = array<i32>} : memref<128x128xf32, #tpu.memory_space<vmem>>, vector<16xf32>,
          %get3A_691 = arith.index_cast %scan3A_636 : i32 to index
          %get3A_692 = arith.constant 112 : index
          %get3A_693 = tpu.vector_load %arg8[%get3A_691, %get3A_692] {strides = array<i32>} : memref<128x128xf32, #tpu.memory_space<vmem>>, vector<16xf32>,
          %mul3A_694 = arith.mulf %get3A_693, %gather3A_641 : vector<16xf32>
          %swap3A_695 = arith.index_cast %scan3A_636 : i32 to index
          %swap3A_696 = arith.constant 112 : index
          %swap3A_697 = tpu.vector_load %arg8[%swap3A_695, %swap3A_696] {strides = array<i32>} : memref<128x128xf32, #tpu.memory_space<vmem>>, vector<16xf32>,
          tpu.vector_store %arg8[%swap3A_695, %swap3A_696], %mul3A_694 {strides = array<i32>} : memref<128x128xf32, #tpu.memory_space<vmem>>, vector<16xf32>,
          %scan3A_698 = arith.constant 0 : i32
          scf.yield %scan3A_698 : i32
        }
        %scan3A_184 = arith.constant 128 : i32
        %add3A_185 = arith.constant 1 : i32
        %add3A_186 = arith.addi %mul3A_102, %add3A_185 : i32
        "tpu.region"() ({
          %run_scoped3A = tpu.sem_alloc : memref<!tpu.dma_semaphore, #tpu.memory_space<semaphore_mem>>
          %dma_start3A = arith.constant 0 : i32
          %dma_start3A_187 = tpu.memref_slice %arg6[%add3A_186, %dma_start3A] : memref<120x128xi32, #tpu.memory_space<vmem>> -> memref<1x128xi32, #tpu.memory_space<vmem>>
          %dma_start3A_188 = tpu.memref_squeeze %dma_start3A_187 : memref<1x128xi32, #tpu.memory_space<vmem>> -> memref<128xi32, #tpu.memory_space<vmem>>
          %dma_start3A_189 = arith.constant 0 : i32
          %dma_start3A_190 = arith.constant 0 : i32
          %dma_start3A_191 = tpu.memref_slice %arg11[%dma_start3A_189, %dma_start3A_190] : memref<10240x128xf32, #tpu.memory_space<vmem_shared>> -> memref<10240x128xf32, #tpu.memory_space<vmem_shared>>
          tpu.enqueue_indirect_dma source(%arg8 : memref<128x128xf32, #tpu.memory_space<vmem>>) target(%dma_start3A_191 : memref<10240x128xf32, #tpu.memory_space<vmem_shared>>) offsets(%dma_start3A_188 : memref<128xi32, #tpu.memory_space<vmem>>) semaphore(%run_scoped3A : memref<!tpu.dma_semaphore, #tpu.memory_space<semaphore_mem>>) {add = true}
          %dma_wait3A_192 = arith.constant 0 : i32
          %dma_wait3A_193 = tpu.memref_slice %arg6[%add3A_186, %dma_wait3A_192] : memref<120x128xi32, #tpu.memory_space<vmem>> -> memref<1x128xi32, #tpu.memory_space<vmem>>
          %dma_wait3A_194 = tpu.memref_squeeze %dma_wait3A_193 : memref<1x128xi32, #tpu.memory_space<vmem>> -> memref<128xi32, #tpu.memory_space<vmem>>
          %dma_wait3A_195 = arith.constant 0 : i32
          %dma_wait3A_196 = arith.constant 0 : i32
          %dma_wait3A_197 = tpu.memref_slice %arg11[%dma_wait3A_195, %dma_wait3A_196] : memref<10240x128xf32, #tpu.memory_space<vmem_shared>> -> memref<10240x128xf32, #tpu.memory_space<vmem_shared>>
          tpu.wait_indirect_dma semaphore(%run_scoped3A : memref<!tpu.dma_semaphore, #tpu.memory_space<semaphore_mem>>) src(%arg8 : memref<128x128xf32, #tpu.memory_space<vmem>>) dst(%dma_wait3A_197 : memref<10240x128xf32, #tpu.memory_space<vmem_shared>>)
          tpu.yield
        }) : () -> ()
      } else {
      }
      %scan3A_100 = arith.constant 0 : i32
      scf.yield %scan3A_100 : i32
    }
    %scan3A_38 = arith.constant 20 : i32
    "tpu.region"() ({
      %run_scoped3A = tpu.sem_alloc : memref<!tpu.dma_semaphore, #tpu.memory_space<semaphore_mem>>
      %dma_start3A = arith.constant 120 : i32
      %dma_start3A_74 = arith.constant 0 : i32
      %dma_start3A_75 = tpu.memref_slice %arg3[%add3A, %dma_start3A, %dma_start3A_74] : memref<32x240x128xi32, #tpu.memory_space<hbm>> -> memref<1x120x128xi32, #tpu.memory_space<hbm>>
      %dma_start3A_76 = tpu.memref_squeeze %dma_start3A_75 : memref<1x120x128xi32, #tpu.memory_space<hbm>> -> memref<120x128xi32, #tpu.memory_space<hbm>>
      %dma_start3A_77 = arith.constant 120 : i32
      %dma_start3A_78 = arith.constant 0 : i32
      %dma_start3A_79 = tpu.memref_slice %arg3[%add3A, %dma_start3A_77, %dma_start3A_78] : memref<32x240x128xi32, #tpu.memory_space<hbm>> -> memref<1x120x128xi32, #tpu.memory_space<hbm>>
      %dma_start3A_80 = tpu.memref_squeeze %dma_start3A_79 : memref<1x120x128xi32, #tpu.memory_space<hbm>> -> memref<120x128xi32, #tpu.memory_space<hbm>>
      tpu.enqueue_dma source(%dma_start3A_80 : memref<120x128xi32, #tpu.memory_space<hbm>>) target(%arg6 : memref<120x128xi32, #tpu.memory_space<vmem>>) target_semaphore(%run_scoped3A : memref<!tpu.dma_semaphore, #tpu.memory_space<semaphore_mem>>)
      %dma_wait3A = arith.constant 120 : i32
      %dma_wait3A_81 = arith.constant 0 : i32
      %dma_wait3A_82 = tpu.memref_slice %arg3[%add3A, %dma_wait3A, %dma_wait3A_81] : memref<32x240x128xi32, #tpu.memory_space<hbm>> -> memref<1x120x128xi32, #tpu.memory_space<hbm>>
      %dma_wait3A_83 = tpu.memref_squeeze %dma_wait3A_82 : memref<1x120x128xi32, #tpu.memory_space<hbm>> -> memref<120x128xi32, #tpu.memory_space<hbm>>
      %dma_wait3A_84 = arith.constant 120 : i32
      %dma_wait3A_85 = arith.constant 0 : i32
      %dma_wait3A_86 = tpu.memref_slice %arg3[%add3A, %dma_wait3A_84, %dma_wait3A_85] : memref<32x240x128xi32, #tpu.memory_space<hbm>> -> memref<1x120x128xi32, #tpu.memory_space<hbm>>
      %dma_wait3A_87 = tpu.memref_squeeze %dma_wait3A_86 : memref<1x120x128xi32, #tpu.memory_space<hbm>> -> memref<120x128xi32, #tpu.memory_space<hbm>>
      tpu.wait_dma2 semaphore(%run_scoped3A : memref<!tpu.dma_semaphore, #tpu.memory_space<semaphore_mem>>) src(%dma_wait3A_87 : memref<120x128xi32, #tpu.memory_space<hbm>>) dst(%arg6 : memref<120x128xi32, #tpu.memory_space<vmem>>)
      tpu.yield
    }) : () -> ()
    %add3A_39 = arith.constant 1280 : i32
    %add3A_40 = arith.addi %add3A, %add3A_39 : i32
    %lt3A_41 = arith.constant 2500 : i32
    %lt3A_42 = arith.cmpi slt, %add3A_40, %lt3A_41 : i32
    %convert_element_type3A_43 = arith.extui %lt3A_42 : i1 to i32
    %cond3A_44 = arith.constant 0 : i32
    %cond3A_45 = arith.cmpi ne, %convert_element_type3A_43, %cond3A_44 : i32
    scf.if %cond3A_45 {
      %dma_start3A = arith.constant 0 : i32
      %dma_start3A_74 = arith.constant 0 : i32
      %dma_start3A_75 = tpu.memref_slice %arg6[%dma_start3A, %dma_start3A_74] : memref<120x128xi32, #tpu.memory_space<vmem>> -> memref<1x128xi32, #tpu.memory_space<vmem>>
      %dma_start3A_76 = tpu.memref_squeeze %dma_start3A_75 : memref<1x128xi32, #tpu.memory_space<vmem>> -> memref<128xi32, #tpu.memory_space<vmem>>
      %dma_start3A_77 = arith.constant 0 : i32
      %dma_start3A_78 = arith.constant 0 : i32
      %dma_start3A_79 = tpu.memref_slice %arg2[%dma_start3A_77, %dma_start3A_78] : memref<10000x128xf32, #tpu.memory_space<hbm>> -> memref<10000x128xf32, #tpu.memory_space<hbm>>
      tpu.enqueue_indirect_dma source(%dma_start3A_79 : memref<10000x128xf32, #tpu.memory_space<hbm>>) target(%arg7 : memref<128x128xf32, #tpu.memory_space<vmem>>) offsets(%dma_start3A_76 : memref<128xi32, #tpu.memory_space<vmem>>) semaphore(%arg12 : memref<!tpu.dma_semaphore, #tpu.memory_space<semaphore_mem>>)
    } else {
    }
    %scan3A_46 = arith.constant 0 : i32
    %scan3A_47 = arith.constant 0 : i32
    %scan3A_48 = arith.constant 20 : i32
    %scan3A_49 = arith.addi %scan3A_47, %scan3A_48 : i32
    %scan3A_50 = arith.constant 1 : i32
    %scan3A_51 = scf.for %scan3A_74 = %scan3A_47 to %scan3A_49 step %scan3A_50 iter_args(%scan3A_75 = %scan3A_46) -> (i32)  : i32 {
      %mul3A_76 = arith.constant 2 : i32
      %mul3A_77 = arith.muli %mul3A_76, %scan3A_74 : i32
      %add3A_78 = arith.constant 40 : i32
      %add3A_79 = arith.addi %add3A_78, %mul3A_77 : i32
      %mul3A_80 = arith.constant 32 : i32
      %mul3A_81 = arith.muli %add3A_79, %mul3A_80 : i32
      %add3A_82 = arith.addi %add3A, %mul3A_81 : i32
      %lt3A_83 = arith.constant 2500 : i32
      %lt3A_84 = arith.cmpi slt, %add3A_82, %lt3A_83 : i32
      %convert_element_type3A_85 = arith.extui %lt3A_84 : i1 to i32
      %cond3A_86 = arith.constant 0 : i32
      %cond3A_87 = arith.cmpi ne, %convert_element_type3A_85, %cond3A_86 : i32
      scf.if %cond3A_87 {
        %mul3A_101 = arith.constant 3 : i32
        %mul3A_102 = arith.muli %mul3A_101, %mul3A_77 : i32
        %dma_wait3A = arith.constant 0 : i32
        %dma_wait3A_103 = tpu.memref_slice %arg6[%mul3A_102, %dma_wait3A] : memref<120x128xi32, #tpu.memory_space<vmem>> -> memref<1x128xi32, #tpu.memory_space<vmem>>
        %dma_wait3A_104 = tpu.memref_squeeze %dma_wait3A_103 : memref<1x128xi32, #tpu.memory_space<vmem>> -> memref<128xi32, #tpu.memory_space<vmem>>
        %dma_wait3A_105 = arith.constant 0 : i32
        %dma_wait3A_106 = arith.constant 0 : i32
        %dma_wait3A_107 = tpu.memref_slice %arg2[%dma_wait3A_105, %dma_wait3A_106] : memref<10000x128xf32, #tpu.memory_space<hbm>> -> memref<10000x128xf32, #tpu.memory_space<hbm>>
        tpu.wait_indirect_dma semaphore(%arg12 : memref<!tpu.dma_semaphore, #tpu.memory_space<semaphore_mem>>) src(%dma_wait3A_107 : memref<10000x128xf32, #tpu.memory_space<hbm>>) dst(%arg7 : memref<128x128xf32, #tpu.memory_space<vmem>>)
        %add3A_108 = arith.constant 32 : i32
        %add3A_109 = arith.addi %add3A_82, %add3A_108 : i32
        %lt3A_110 = arith.constant 2500 : i32
        %lt3A_111 = arith.cmpi slt, %add3A_109, %lt3A_110 : i32
        %lt3A_112 = arith.constant 39 : i32
        %lt3A_113 = arith.cmpi slt, %mul3A_77, %lt3A_112 : i32
        %and3A = arith.andi %lt3A_111, %lt3A_113 : i1
        %convert_element_type3A_114 = arith.extui %and3A : i1 to i32
        %cond3A_115 = arith.constant 0 : i32
        %cond3A_116 = arith.cmpi ne, %convert_element_type3A_114, %cond3A_115 : i32
        scf.if %cond3A_116 {
          %add3A_187 = arith.constant 3 : i32
          %add3A_188 = arith.addi %mul3A_102, %add3A_187 : i32
          %dma_start3A = arith.constant 0 : i32
          %dma_start3A_189 = tpu.memref_slice %arg6[%add3A_188, %dma_start3A] : memref<120x128xi32, #tpu.memory_space<vmem>> -> memref<1x128xi32, #tpu.memory_space<vmem>>
          %dma_start3A_190 = tpu.memref_squeeze %dma_start3A_189 : memref<1x128xi32, #tpu.memory_space<vmem>> -> memref<128xi32, #tpu.memory_space<vmem>>
          %dma_start3A_191 = arith.constant 0 : i32
          %dma_start3A_192 = arith.constant 0 : i32
          %dma_start3A_193 = tpu.memref_slice %arg2[%dma_start3A_191, %dma_start3A_192] : memref<10000x128xf32, #tpu.memory_space<hbm>> -> memref<10000x128xf32, #tpu.memory_space<hbm>>
          tpu.enqueue_indirect_dma source(%dma_start3A_193 : memref<10000x128xf32, #tpu.memory_space<hbm>>) target(%arg8 : memref<128x128xf32, #tpu.memory_space<vmem>>) offsets(%dma_start3A_190 : memref<128xi32, #tpu.memory_space<vmem>>) semaphore(%arg13 : memref<!tpu.dma_semaphore, #tpu.memory_space<semaphore_mem>>)
        } else {
        }
        %add3A_117 = arith.constant 2 : i32
        %add3A_118 = arith.addi %mul3A_102, %add3A_117 : i32
        %get3A = arith.index_cast %add3A_118 : i32 to index
        %get3A_119 = arith.constant 0 : index
        %get3A_120 = tpu.vector_load %arg6[%get3A, %get3A_119] {strides = array<i32>} : memref<120x128xi32, #tpu.memory_space<vmem>>, vector<16xi32>,
        %gather3A = tpu.vector_load_idx %arg9[%get3A_120] : memref<128xf32, #tpu.memory_space<vmem>>[vector<16xi32>], vector<16xf32>,
        %swap3A = arith.constant 0 : index
        %swap3A_121 = tpu.vector_load %arg10[%swap3A] {strides = array<i32>} : memref<128xf32, #tpu.memory_space<vmem>>, vector<16xf32>,
        tpu.vector_store %arg10[%swap3A], %gather3A {strides = array<i32>} : memref<128xf32, #tpu.memory_space<vmem>>, vector<16xf32>,
        %add3A_122 = arith.constant 2 : i32
        %add3A_123 = arith.addi %mul3A_102, %add3A_122 : i32
        %get3A_124 = arith.index_cast %add3A_123 : i32 to index
        %get3A_125 = arith.constant 16 : index
        %get3A_126 = tpu.vector_load %arg6[%get3A_124, %get3A_125] {strides = array<i32>} : memref<120x128xi32, #tpu.memory_space<vmem>>, vector<16xi32>,
        %gather3A_127 = tpu.vector_load_idx %arg9[%get3A_126] : memref<128xf32, #tpu.memory_space<vmem>>[vector<16xi32>], vector<16xf32>,
        %swap3A_128 = arith.constant 16 : index
        %swap3A_129 = tpu.vector_load %arg10[%swap3A_128] {strides = array<i32>} : memref<128xf32, #tpu.memory_space<vmem>>, vector<16xf32>,
        tpu.vector_store %arg10[%swap3A_128], %gather3A_127 {strides = array<i32>} : memref<128xf32, #tpu.memory_space<vmem>>, vector<16xf32>,
        %add3A_130 = arith.constant 2 : i32
        %add3A_131 = arith.addi %mul3A_102, %add3A_130 : i32
        %get3A_132 = arith.index_cast %add3A_131 : i32 to index
        %get3A_133 = arith.constant 32 : index
        %get3A_134 = tpu.vector_load %arg6[%get3A_132, %get3A_133] {strides = array<i32>} : memref<120x128xi32, #tpu.memory_space<vmem>>, vector<16xi32>,
        %gather3A_135 = tpu.vector_load_idx %arg9[%get3A_134] : memref<128xf32, #tpu.memory_space<vmem>>[vector<16xi32>], vector<16xf32>,
        %swap3A_136 = arith.constant 32 : index
        %swap3A_137 = tpu.vector_load %arg10[%swap3A_136] {strides = array<i32>} : memref<128xf32, #tpu.memory_space<vmem>>, vector<16xf32>,
        tpu.vector_store %arg10[%swap3A_136], %gather3A_135 {strides = array<i32>} : memref<128xf32, #tpu.memory_space<vmem>>, vector<16xf32>,
        %add3A_138 = arith.constant 2 : i32
        %add3A_139 = arith.addi %mul3A_102, %add3A_138 : i32
        %get3A_140 = arith.index_cast %add3A_139 : i32 to index
        %get3A_141 = arith.constant 48 : index
        %get3A_142 = tpu.vector_load %arg6[%get3A_140, %get3A_141] {strides = array<i32>} : memref<120x128xi32, #tpu.memory_space<vmem>>, vector<16xi32>,
        %gather3A_143 = tpu.vector_load_idx %arg9[%get3A_142] : memref<128xf32, #tpu.memory_space<vmem>>[vector<16xi32>], vector<16xf32>,
        %swap3A_144 = arith.constant 48 : index
        %swap3A_145 = tpu.vector_load %arg10[%swap3A_144] {strides = array<i32>} : memref<128xf32, #tpu.memory_space<vmem>>, vector<16xf32>,
        tpu.vector_store %arg10[%swap3A_144], %gather3A_143 {strides = array<i32>} : memref<128xf32, #tpu.memory_space<vmem>>, vector<16xf32>,
        %add3A_146 = arith.constant 2 : i32
        %add3A_147 = arith.addi %mul3A_102, %add3A_146 : i32
        %get3A_148 = arith.index_cast %add3A_147 : i32 to index
        %get3A_149 = arith.constant 64 : index
        %get3A_150 = tpu.vector_load %arg6[%get3A_148, %get3A_149] {strides = array<i32>} : memref<120x128xi32, #tpu.memory_space<vmem>>, vector<16xi32>,
        %gather3A_151 = tpu.vector_load_idx %arg9[%get3A_150] : memref<128xf32, #tpu.memory_space<vmem>>[vector<16xi32>], vector<16xf32>,
        %swap3A_152 = arith.constant 64 : index
        %swap3A_153 = tpu.vector_load %arg10[%swap3A_152] {strides = array<i32>} : memref<128xf32, #tpu.memory_space<vmem>>, vector<16xf32>,
        tpu.vector_store %arg10[%swap3A_152], %gather3A_151 {strides = array<i32>} : memref<128xf32, #tpu.memory_space<vmem>>, vector<16xf32>,
        %add3A_154 = arith.constant 2 : i32
        %add3A_155 = arith.addi %mul3A_102, %add3A_154 : i32
        %get3A_156 = arith.index_cast %add3A_155 : i32 to index
        %get3A_157 = arith.constant 80 : index
        %get3A_158 = tpu.vector_load %arg6[%get3A_156, %get3A_157] {strides = array<i32>} : memref<120x128xi32, #tpu.memory_space<vmem>>, vector<16xi32>,
        %gather3A_159 = tpu.vector_load_idx %arg9[%get3A_158] : memref<128xf32, #tpu.memory_space<vmem>>[vector<16xi32>], vector<16xf32>,
        %swap3A_160 = arith.constant 80 : index
        %swap3A_161 = tpu.vector_load %arg10[%swap3A_160] {strides = array<i32>} : memref<128xf32, #tpu.memory_space<vmem>>, vector<16xf32>,
        tpu.vector_store %arg10[%swap3A_160], %gather3A_159 {strides = array<i32>} : memref<128xf32, #tpu.memory_space<vmem>>, vector<16xf32>,
        %add3A_162 = arith.constant 2 : i32
        %add3A_163 = arith.addi %mul3A_102, %add3A_162 : i32
        %get3A_164 = arith.index_cast %add3A_163 : i32 to index
        %get3A_165 = arith.constant 96 : index
        %get3A_166 = tpu.vector_load %arg6[%get3A_164, %get3A_165] {strides = array<i32>} : memref<120x128xi32, #tpu.memory_space<vmem>>, vector<16xi32>,
        %gather3A_167 = tpu.vector_load_idx %arg9[%get3A_166] : memref<128xf32, #tpu.memory_space<vmem>>[vector<16xi32>], vector<16xf32>,
        %swap3A_168 = arith.constant 96 : index
        %swap3A_169 = tpu.vector_load %arg10[%swap3A_168] {strides = array<i32>} : memref<128xf32, #tpu.memory_space<vmem>>, vector<16xf32>,
        tpu.vector_store %arg10[%swap3A_168], %gather3A_167 {strides = array<i32>} : memref<128xf32, #tpu.memory_space<vmem>>, vector<16xf32>,
        %add3A_170 = arith.constant 2 : i32
        %add3A_171 = arith.addi %mul3A_102, %add3A_170 : i32
        %get3A_172 = arith.index_cast %add3A_171 : i32 to index
        %get3A_173 = arith.constant 112 : index
        %get3A_174 = tpu.vector_load %arg6[%get3A_172, %get3A_173] {strides = array<i32>} : memref<120x128xi32, #tpu.memory_space<vmem>>, vector<16xi32>,
        %gather3A_175 = tpu.vector_load_idx %arg9[%get3A_174] : memref<128xf32, #tpu.memory_space<vmem>>[vector<16xi32>], vector<16xf32>,
        %swap3A_176 = arith.constant 112 : index
        %swap3A_177 = tpu.vector_load %arg10[%swap3A_176] {strides = array<i32>} : memref<128xf32, #tpu.memory_space<vmem>>, vector<16xf32>,
        tpu.vector_store %arg10[%swap3A_176], %gather3A_175 {strides = array<i32>} : memref<128xf32, #tpu.memory_space<vmem>>, vector<16xf32>,
        %scan3A_178 = arith.constant 0 : i32
        %scan3A_179 = arith.constant 0 : i32
        %scan3A_180 = arith.constant 128 : i32
        %scan3A_181 = arith.addi %scan3A_179, %scan3A_180 : i32
        %scan3A_182 = arith.constant 8 : i32
        %scan3A_183 = scf.for %scan3A_187 = %scan3A_179 to %scan3A_181 step %scan3A_182 iter_args(%scan3A_188 = %scan3A_178) -> (i32)  : i32 {
          %broadcast_in_dim3A_189 = arith.constant 0 : i32
          %broadcast_in_dim3A_190 = vector.broadcast %broadcast_in_dim3A_189 : i32 to vector<16xi32>
          %add3A_191 = vector.broadcast %scan3A_187 : i32 to vector<16xi32>
          %add3A_192 = arith.addi %broadcast_in_dim3A_190, %add3A_191 : vector<16xi32>
          %gather3A_193 = tpu.vector_load_idx %arg10[%add3A_192] : memref<128xf32, #tpu.memory_space<vmem>>[vector<16xi32>], vector<16xf32>,
          %get3A_194 = arith.index_cast %scan3A_187 : i32 to index
          %get3A_195 = arith.constant 0 : index
          %get3A_196 = tpu.vector_load %arg7[%get3A_194, %get3A_195] {strides = array<i32>} : memref<128x128xf32, #tpu.memory_space<vmem>>, vector<16xf32>,
          %mul3A_197 = arith.mulf %get3A_196, %gather3A_193 : vector<16xf32>
          %swap3A_198 = arith.index_cast %scan3A_187 : i32 to index
          %swap3A_199 = arith.constant 0 : index
          %swap3A_200 = tpu.vector_load %arg7[%swap3A_198, %swap3A_199] {strides = array<i32>} : memref<128x128xf32, #tpu.memory_space<vmem>>, vector<16xf32>,
          tpu.vector_store %arg7[%swap3A_198, %swap3A_199], %mul3A_197 {strides = array<i32>} : memref<128x128xf32, #tpu.memory_space<vmem>>, vector<16xf32>,
          %get3A_201 = arith.index_cast %scan3A_187 : i32 to index
          %get3A_202 = arith.constant 16 : index
          %get3A_203 = tpu.vector_load %arg7[%get3A_201, %get3A_202] {strides = array<i32>} : memref<128x128xf32, #tpu.memory_space<vmem>>, vector<16xf32>,
          %mul3A_204 = arith.mulf %get3A_203, %gather3A_193 : vector<16xf32>
          %swap3A_205 = arith.index_cast %scan3A_187 : i32 to index
          %swap3A_206 = arith.constant 16 : index
          %swap3A_207 = tpu.vector_load %arg7[%swap3A_205, %swap3A_206] {strides = array<i32>} : memref<128x128xf32, #tpu.memory_space<vmem>>, vector<16xf32>,
          tpu.vector_store %arg7[%swap3A_205, %swap3A_206], %mul3A_204 {strides = array<i32>} : memref<128x128xf32, #tpu.memory_space<vmem>>, vector<16xf32>,
          %get3A_208 = arith.index_cast %scan3A_187 : i32 to index
          %get3A_209 = arith.constant 32 : index
          %get3A_210 = tpu.vector_load %arg7[%get3A_208, %get3A_209] {strides = array<i32>} : memref<128x128xf32, #tpu.memory_space<vmem>>, vector<16xf32>,
          %mul3A_211 = arith.mulf %get3A_210, %gather3A_193 : vector<16xf32>
          %swap3A_212 = arith.index_cast %scan3A_187 : i32 to index
          %swap3A_213 = arith.constant 32 : index
          %swap3A_214 = tpu.vector_load %arg7[%swap3A_212, %swap3A_213] {strides = array<i32>} : memref<128x128xf32, #tpu.memory_space<vmem>>, vector<16xf32>,
          tpu.vector_store %arg7[%swap3A_212, %swap3A_213], %mul3A_211 {strides = array<i32>} : memref<128x128xf32, #tpu.memory_space<vmem>>, vector<16xf32>,
          %get3A_215 = arith.index_cast %scan3A_187 : i32 to index
          %get3A_216 = arith.constant 48 : index
          %get3A_217 = tpu.vector_load %arg7[%get3A_215, %get3A_216] {strides = array<i32>} : memref<128x128xf32, #tpu.memory_space<vmem>>, vector<16xf32>,
          %mul3A_218 = arith.mulf %get3A_217, %gather3A_193 : vector<16xf32>
          %swap3A_219 = arith.index_cast %scan3A_187 : i32 to index
          %swap3A_220 = arith.constant 48 : index
          %swap3A_221 = tpu.vector_load %arg7[%swap3A_219, %swap3A_220] {strides = array<i32>} : memref<128x128xf32, #tpu.memory_space<vmem>>, vector<16xf32>,
          tpu.vector_store %arg7[%swap3A_219, %swap3A_220], %mul3A_218 {strides = array<i32>} : memref<128x128xf32, #tpu.memory_space<vmem>>, vector<16xf32>,
          %get3A_222 = arith.index_cast %scan3A_187 : i32 to index
          %get3A_223 = arith.constant 64 : index
          %get3A_224 = tpu.vector_load %arg7[%get3A_222, %get3A_223] {strides = array<i32>} : memref<128x128xf32, #tpu.memory_space<vmem>>, vector<16xf32>,
          %mul3A_225 = arith.mulf %get3A_224, %gather3A_193 : vector<16xf32>
          %swap3A_226 = arith.index_cast %scan3A_187 : i32 to index
          %swap3A_227 = arith.constant 64 : index
          %swap3A_228 = tpu.vector_load %arg7[%swap3A_226, %swap3A_227] {strides = array<i32>} : memref<128x128xf32, #tpu.memory_space<vmem>>, vector<16xf32>,
          tpu.vector_store %arg7[%swap3A_226, %swap3A_227], %mul3A_225 {strides = array<i32>} : memref<128x128xf32, #tpu.memory_space<vmem>>, vector<16xf32>,
          %get3A_229 = arith.index_cast %scan3A_187 : i32 to index
          %get3A_230 = arith.constant 80 : index
          %get3A_231 = tpu.vector_load %arg7[%get3A_229, %get3A_230] {strides = array<i32>} : memref<128x128xf32, #tpu.memory_space<vmem>>, vector<16xf32>,
          %mul3A_232 = arith.mulf %get3A_231, %gather3A_193 : vector<16xf32>
          %swap3A_233 = arith.index_cast %scan3A_187 : i32 to index
          %swap3A_234 = arith.constant 80 : index
          %swap3A_235 = tpu.vector_load %arg7[%swap3A_233, %swap3A_234] {strides = array<i32>} : memref<128x128xf32, #tpu.memory_space<vmem>>, vector<16xf32>,
          tpu.vector_store %arg7[%swap3A_233, %swap3A_234], %mul3A_232 {strides = array<i32>} : memref<128x128xf32, #tpu.memory_space<vmem>>, vector<16xf32>,
          %get3A_236 = arith.index_cast %scan3A_187 : i32 to index
          %get3A_237 = arith.constant 96 : index
          %get3A_238 = tpu.vector_load %arg7[%get3A_236, %get3A_237] {strides = array<i32>} : memref<128x128xf32, #tpu.memory_space<vmem>>, vector<16xf32>,
          %mul3A_239 = arith.mulf %get3A_238, %gather3A_193 : vector<16xf32>
          %swap3A_240 = arith.index_cast %scan3A_187 : i32 to index
          %swap3A_241 = arith.constant 96 : index
          %swap3A_242 = tpu.vector_load %arg7[%swap3A_240, %swap3A_241] {strides = array<i32>} : memref<128x128xf32, #tpu.memory_space<vmem>>, vector<16xf32>,
          tpu.vector_store %arg7[%swap3A_240, %swap3A_241], %mul3A_239 {strides = array<i32>} : memref<128x128xf32, #tpu.memory_space<vmem>>, vector<16xf32>,
          %get3A_243 = arith.index_cast %scan3A_187 : i32 to index
          %get3A_244 = arith.constant 112 : index
          %get3A_245 = tpu.vector_load %arg7[%get3A_243, %get3A_244] {strides = array<i32>} : memref<128x128xf32, #tpu.memory_space<vmem>>, vector<16xf32>,
          %mul3A_246 = arith.mulf %get3A_245, %gather3A_193 : vector<16xf32>
          %swap3A_247 = arith.index_cast %scan3A_187 : i32 to index
          %swap3A_248 = arith.constant 112 : index
          %swap3A_249 = tpu.vector_load %arg7[%swap3A_247, %swap3A_248] {strides = array<i32>} : memref<128x128xf32, #tpu.memory_space<vmem>>, vector<16xf32>,
          tpu.vector_store %arg7[%swap3A_247, %swap3A_248], %mul3A_246 {strides = array<i32>} : memref<128x128xf32, #tpu.memory_space<vmem>>, vector<16xf32>,
          %scan3A_250 = arith.constant 0 : i32
          %scan3A_251 = arith.constant 1 : i32
          %scan3A_252 = arith.addi %scan3A_187, %scan3A_251 : i32
          %broadcast_in_dim3A_253 = arith.constant 0 : i32
          %broadcast_in_dim3A_254 = vector.broadcast %broadcast_in_dim3A_253 : i32 to vector<16xi32>
          %add3A_255 = vector.broadcast %scan3A_252 : i32 to vector<16xi32>
          %add3A_256 = arith.addi %broadcast_in_dim3A_254, %add3A_255 : vector<16xi32>
          %gather3A_257 = tpu.vector_load_idx %arg10[%add3A_256] : memref<128xf32, #tpu.memory_space<vmem>>[vector<16xi32>], vector<16xf32>,
          %get3A_258 = arith.index_cast %scan3A_252 : i32 to index
          %get3A_259 = arith.constant 0 : index
          %get3A_260 = tpu.vector_load %arg7[%get3A_258, %get3A_259] {strides = array<i32>} : memref<128x128xf32, #tpu.memory_space<vmem>>, vector<16xf32>,
          %mul3A_261 = arith.mulf %get3A_260, %gather3A_257 : vector<16xf32>
          %swap3A_262 = arith.index_cast %scan3A_252 : i32 to index
          %swap3A_263 = arith.constant 0 : index
          %swap3A_264 = tpu.vector_load %arg7[%swap3A_262, %swap3A_263] {strides = array<i32>} : memref<128x128xf32, #tpu.memory_space<vmem>>, vector<16xf32>,
          tpu.vector_store %arg7[%swap3A_262, %swap3A_263], %mul3A_261 {strides = array<i32>} : memref<128x128xf32, #tpu.memory_space<vmem>>, vector<16xf32>,
          %get3A_265 = arith.index_cast %scan3A_252 : i32 to index
          %get3A_266 = arith.constant 16 : index
          %get3A_267 = tpu.vector_load %arg7[%get3A_265, %get3A_266] {strides = array<i32>} : memref<128x128xf32, #tpu.memory_space<vmem>>, vector<16xf32>,
          %mul3A_268 = arith.mulf %get3A_267, %gather3A_257 : vector<16xf32>
          %swap3A_269 = arith.index_cast %scan3A_252 : i32 to index
          %swap3A_270 = arith.constant 16 : index
          %swap3A_271 = tpu.vector_load %arg7[%swap3A_269, %swap3A_270] {strides = array<i32>} : memref<128x128xf32, #tpu.memory_space<vmem>>, vector<16xf32>,
          tpu.vector_store %arg7[%swap3A_269, %swap3A_270], %mul3A_268 {strides = array<i32>} : memref<128x128xf32, #tpu.memory_space<vmem>>, vector<16xf32>,
          %get3A_272 = arith.index_cast %scan3A_252 : i32 to index
          %get3A_273 = arith.constant 32 : index
          %get3A_274 = tpu.vector_load %arg7[%get3A_272, %get3A_273] {strides = array<i32>} : memref<128x128xf32, #tpu.memory_space<vmem>>, vector<16xf32>,
          %mul3A_275 = arith.mulf %get3A_274, %gather3A_257 : vector<16xf32>
          %swap3A_276 = arith.index_cast %scan3A_252 : i32 to index
          %swap3A_277 = arith.constant 32 : index
          %swap3A_278 = tpu.vector_load %arg7[%swap3A_276, %swap3A_277] {strides = array<i32>} : memref<128x128xf32, #tpu.memory_space<vmem>>, vector<16xf32>,
          tpu.vector_store %arg7[%swap3A_276, %swap3A_277], %mul3A_275 {strides = array<i32>} : memref<128x128xf32, #tpu.memory_space<vmem>>, vector<16xf32>,
          %get3A_279 = arith.index_cast %scan3A_252 : i32 to index
          %get3A_280 = arith.constant 48 : index
          %get3A_281 = tpu.vector_load %arg7[%get3A_279, %get3A_280] {strides = array<i32>} : memref<128x128xf32, #tpu.memory_space<vmem>>, vector<16xf32>,
          %mul3A_282 = arith.mulf %get3A_281, %gather3A_257 : vector<16xf32>
          %swap3A_283 = arith.index_cast %scan3A_252 : i32 to index
          %swap3A_284 = arith.constant 48 : index
          %swap3A_285 = tpu.vector_load %arg7[%swap3A_283, %swap3A_284] {strides = array<i32>} : memref<128x128xf32, #tpu.memory_space<vmem>>, vector<16xf32>,
          tpu.vector_store %arg7[%swap3A_283, %swap3A_284], %mul3A_282 {strides = array<i32>} : memref<128x128xf32, #tpu.memory_space<vmem>>, vector<16xf32>,
          %get3A_286 = arith.index_cast %scan3A_252 : i32 to index
          %get3A_287 = arith.constant 64 : index
          %get3A_288 = tpu.vector_load %arg7[%get3A_286, %get3A_287] {strides = array<i32>} : memref<128x128xf32, #tpu.memory_space<vmem>>, vector<16xf32>,
          %mul3A_289 = arith.mulf %get3A_288, %gather3A_257 : vector<16xf32>
          %swap3A_290 = arith.index_cast %scan3A_252 : i32 to index
          %swap3A_291 = arith.constant 64 : index
          %swap3A_292 = tpu.vector_load %arg7[%swap3A_290, %swap3A_291] {strides = array<i32>} : memref<128x128xf32, #tpu.memory_space<vmem>>, vector<16xf32>,
          tpu.vector_store %arg7[%swap3A_290, %swap3A_291], %mul3A_289 {strides = array<i32>} : memref<128x128xf32, #tpu.memory_space<vmem>>, vector<16xf32>,
          %get3A_293 = arith.index_cast %scan3A_252 : i32 to index
          %get3A_294 = arith.constant 80 : index
          %get3A_295 = tpu.vector_load %arg7[%get3A_293, %get3A_294] {strides = array<i32>} : memref<128x128xf32, #tpu.memory_space<vmem>>, vector<16xf32>,
          %mul3A_296 = arith.mulf %get3A_295, %gather3A_257 : vector<16xf32>
          %swap3A_297 = arith.index_cast %scan3A_252 : i32 to index
          %swap3A_298 = arith.constant 80 : index
          %swap3A_299 = tpu.vector_load %arg7[%swap3A_297, %swap3A_298] {strides = array<i32>} : memref<128x128xf32, #tpu.memory_space<vmem>>, vector<16xf32>,
          tpu.vector_store %arg7[%swap3A_297, %swap3A_298], %mul3A_296 {strides = array<i32>} : memref<128x128xf32, #tpu.memory_space<vmem>>, vector<16xf32>,
          %get3A_300 = arith.index_cast %scan3A_252 : i32 to index
          %get3A_301 = arith.constant 96 : index
          %get3A_302 = tpu.vector_load %arg7[%get3A_300, %get3A_301] {strides = array<i32>} : memref<128x128xf32, #tpu.memory_space<vmem>>, vector<16xf32>,
          %mul3A_303 = arith.mulf %get3A_302, %gather3A_257 : vector<16xf32>
          %swap3A_304 = arith.index_cast %scan3A_252 : i32 to index
          %swap3A_305 = arith.constant 96 : index
          %swap3A_306 = tpu.vector_load %arg7[%swap3A_304, %swap3A_305] {strides = array<i32>} : memref<128x128xf32, #tpu.memory_space<vmem>>, vector<16xf32>,
          tpu.vector_store %arg7[%swap3A_304, %swap3A_305], %mul3A_303 {strides = array<i32>} : memref<128x128xf32, #tpu.memory_space<vmem>>, vector<16xf32>,
          %get3A_307 = arith.index_cast %scan3A_252 : i32 to index
          %get3A_308 = arith.constant 112 : index
          %get3A_309 = tpu.vector_load %arg7[%get3A_307, %get3A_308] {strides = array<i32>} : memref<128x128xf32, #tpu.memory_space<vmem>>, vector<16xf32>,
          %mul3A_310 = arith.mulf %get3A_309, %gather3A_257 : vector<16xf32>
          %swap3A_311 = arith.index_cast %scan3A_252 : i32 to index
          %swap3A_312 = arith.constant 112 : index
          %swap3A_313 = tpu.vector_load %arg7[%swap3A_311, %swap3A_312] {strides = array<i32>} : memref<128x128xf32, #tpu.memory_space<vmem>>, vector<16xf32>,
          tpu.vector_store %arg7[%swap3A_311, %swap3A_312], %mul3A_310 {strides = array<i32>} : memref<128x128xf32, #tpu.memory_space<vmem>>, vector<16xf32>,
          %scan3A_314 = arith.constant 0 : i32
          %scan3A_315 = arith.constant 2 : i32
          %scan3A_316 = arith.addi %scan3A_187, %scan3A_315 : i32
          %broadcast_in_dim3A_317 = arith.constant 0 : i32
          %broadcast_in_dim3A_318 = vector.broadcast %broadcast_in_dim3A_317 : i32 to vector<16xi32>
          %add3A_319 = vector.broadcast %scan3A_316 : i32 to vector<16xi32>
          %add3A_320 = arith.addi %broadcast_in_dim3A_318, %add3A_319 : vector<16xi32>
          %gather3A_321 = tpu.vector_load_idx %arg10[%add3A_320] : memref<128xf32, #tpu.memory_space<vmem>>[vector<16xi32>], vector<16xf32>,
          %get3A_322 = arith.index_cast %scan3A_316 : i32 to index
          %get3A_323 = arith.constant 0 : index
          %get3A_324 = tpu.vector_load %arg7[%get3A_322, %get3A_323] {strides = array<i32>} : memref<128x128xf32, #tpu.memory_space<vmem>>, vector<16xf32>,
          %mul3A_325 = arith.mulf %get3A_324, %gather3A_321 : vector<16xf32>
          %swap3A_326 = arith.index_cast %scan3A_316 : i32 to index
          %swap3A_327 = arith.constant 0 : index
          %swap3A_328 = tpu.vector_load %arg7[%swap3A_326, %swap3A_327] {strides = array<i32>} : memref<128x128xf32, #tpu.memory_space<vmem>>, vector<16xf32>,
          tpu.vector_store %arg7[%swap3A_326, %swap3A_327], %mul3A_325 {strides = array<i32>} : memref<128x128xf32, #tpu.memory_space<vmem>>, vector<16xf32>,
          %get3A_329 = arith.index_cast %scan3A_316 : i32 to index
          %get3A_330 = arith.constant 16 : index
          %get3A_331 = tpu.vector_load %arg7[%get3A_329, %get3A_330] {strides = array<i32>} : memref<128x128xf32, #tpu.memory_space<vmem>>, vector<16xf32>,
          %mul3A_332 = arith.mulf %get3A_331, %gather3A_321 : vector<16xf32>
          %swap3A_333 = arith.index_cast %scan3A_316 : i32 to index
          %swap3A_334 = arith.constant 16 : index
          %swap3A_335 = tpu.vector_load %arg7[%swap3A_333, %swap3A_334] {strides = array<i32>} : memref<128x128xf32, #tpu.memory_space<vmem>>, vector<16xf32>,
          tpu.vector_store %arg7[%swap3A_333, %swap3A_334], %mul3A_332 {strides = array<i32>} : memref<128x128xf32, #tpu.memory_space<vmem>>, vector<16xf32>,
          %get3A_336 = arith.index_cast %scan3A_316 : i32 to index
          %get3A_337 = arith.constant 32 : index
          %get3A_338 = tpu.vector_load %arg7[%get3A_336, %get3A_337] {strides = array<i32>} : memref<128x128xf32, #tpu.memory_space<vmem>>, vector<16xf32>,
          %mul3A_339 = arith.mulf %get3A_338, %gather3A_321 : vector<16xf32>
          %swap3A_340 = arith.index_cast %scan3A_316 : i32 to index
          %swap3A_341 = arith.constant 32 : index
          %swap3A_342 = tpu.vector_load %arg7[%swap3A_340, %swap3A_341] {strides = array<i32>} : memref<128x128xf32, #tpu.memory_space<vmem>>, vector<16xf32>,
          tpu.vector_store %arg7[%swap3A_340, %swap3A_341], %mul3A_339 {strides = array<i32>} : memref<128x128xf32, #tpu.memory_space<vmem>>, vector<16xf32>,
          %get3A_343 = arith.index_cast %scan3A_316 : i32 to index
          %get3A_344 = arith.constant 48 : index
          %get3A_345 = tpu.vector_load %arg7[%get3A_343, %get3A_344] {strides = array<i32>} : memref<128x128xf32, #tpu.memory_space<vmem>>, vector<16xf32>,
          %mul3A_346 = arith.mulf %get3A_345, %gather3A_321 : vector<16xf32>
          %swap3A_347 = arith.index_cast %scan3A_316 : i32 to index
          %swap3A_348 = arith.constant 48 : index
          %swap3A_349 = tpu.vector_load %arg7[%swap3A_347, %swap3A_348] {strides = array<i32>} : memref<128x128xf32, #tpu.memory_space<vmem>>, vector<16xf32>,
          tpu.vector_store %arg7[%swap3A_347, %swap3A_348], %mul3A_346 {strides = array<i32>} : memref<128x128xf32, #tpu.memory_space<vmem>>, vector<16xf32>,
          %get3A_350 = arith.index_cast %scan3A_316 : i32 to index
          %get3A_351 = arith.constant 64 : index
          %get3A_352 = tpu.vector_load %arg7[%get3A_350, %get3A_351] {strides = array<i32>} : memref<128x128xf32, #tpu.memory_space<vmem>>, vector<16xf32>,
          %mul3A_353 = arith.mulf %get3A_352, %gather3A_321 : vector<16xf32>
          %swap3A_354 = arith.index_cast %scan3A_316 : i32 to index
          %swap3A_355 = arith.constant 64 : index
          %swap3A_356 = tpu.vector_load %arg7[%swap3A_354, %swap3A_355] {strides = array<i32>} : memref<128x128xf32, #tpu.memory_space<vmem>>, vector<16xf32>,
          tpu.vector_store %arg7[%swap3A_354, %swap3A_355], %mul3A_353 {strides = array<i32>} : memref<128x128xf32, #tpu.memory_space<vmem>>, vector<16xf32>,
          %get3A_357 = arith.index_cast %scan3A_316 : i32 to index
          %get3A_358 = arith.constant 80 : index
          %get3A_359 = tpu.vector_load %arg7[%get3A_357, %get3A_358] {strides = array<i32>} : memref<128x128xf32, #tpu.memory_space<vmem>>, vector<16xf32>,
          %mul3A_360 = arith.mulf %get3A_359, %gather3A_321 : vector<16xf32>
          %swap3A_361 = arith.index_cast %scan3A_316 : i32 to index
          %swap3A_362 = arith.constant 80 : index
          %swap3A_363 = tpu.vector_load %arg7[%swap3A_361, %swap3A_362] {strides = array<i32>} : memref<128x128xf32, #tpu.memory_space<vmem>>, vector<16xf32>,
          tpu.vector_store %arg7[%swap3A_361, %swap3A_362], %mul3A_360 {strides = array<i32>} : memref<128x128xf32, #tpu.memory_space<vmem>>, vector<16xf32>,
          %get3A_364 = arith.index_cast %scan3A_316 : i32 to index
          %get3A_365 = arith.constant 96 : index
          %get3A_366 = tpu.vector_load %arg7[%get3A_364, %get3A_365] {strides = array<i32>} : memref<128x128xf32, #tpu.memory_space<vmem>>, vector<16xf32>,
          %mul3A_367 = arith.mulf %get3A_366, %gather3A_321 : vector<16xf32>
          %swap3A_368 = arith.index_cast %scan3A_316 : i32 to index
          %swap3A_369 = arith.constant 96 : index
          %swap3A_370 = tpu.vector_load %arg7[%swap3A_368, %swap3A_369] {strides = array<i32>} : memref<128x128xf32, #tpu.memory_space<vmem>>, vector<16xf32>,
          tpu.vector_store %arg7[%swap3A_368, %swap3A_369], %mul3A_367 {strides = array<i32>} : memref<128x128xf32, #tpu.memory_space<vmem>>, vector<16xf32>,
          %get3A_371 = arith.index_cast %scan3A_316 : i32 to index
          %get3A_372 = arith.constant 112 : index
          %get3A_373 = tpu.vector_load %arg7[%get3A_371, %get3A_372] {strides = array<i32>} : memref<128x128xf32, #tpu.memory_space<vmem>>, vector<16xf32>,
          %mul3A_374 = arith.mulf %get3A_373, %gather3A_321 : vector<16xf32>
          %swap3A_375 = arith.index_cast %scan3A_316 : i32 to index
          %swap3A_376 = arith.constant 112 : index
          %swap3A_377 = tpu.vector_load %arg7[%swap3A_375, %swap3A_376] {strides = array<i32>} : memref<128x128xf32, #tpu.memory_space<vmem>>, vector<16xf32>,
          tpu.vector_store %arg7[%swap3A_375, %swap3A_376], %mul3A_374 {strides = array<i32>} : memref<128x128xf32, #tpu.memory_space<vmem>>, vector<16xf32>,
          %scan3A_378 = arith.constant 0 : i32
          %scan3A_379 = arith.constant 3 : i32
          %scan3A_380 = arith.addi %scan3A_187, %scan3A_379 : i32
          %broadcast_in_dim3A_381 = arith.constant 0 : i32
          %broadcast_in_dim3A_382 = vector.broadcast %broadcast_in_dim3A_381 : i32 to vector<16xi32>
          %add3A_383 = vector.broadcast %scan3A_380 : i32 to vector<16xi32>
          %add3A_384 = arith.addi %broadcast_in_dim3A_382, %add3A_383 : vector<16xi32>
          %gather3A_385 = tpu.vector_load_idx %arg10[%add3A_384] : memref<128xf32, #tpu.memory_space<vmem>>[vector<16xi32>], vector<16xf32>,
          %get3A_386 = arith.index_cast %scan3A_380 : i32 to index
          %get3A_387 = arith.constant 0 : index
          %get3A_388 = tpu.vector_load %arg7[%get3A_386, %get3A_387] {strides = array<i32>} : memref<128x128xf32, #tpu.memory_space<vmem>>, vector<16xf32>,
          %mul3A_389 = arith.mulf %get3A_388, %gather3A_385 : vector<16xf32>
          %swap3A_390 = arith.index_cast %scan3A_380 : i32 to index
          %swap3A_391 = arith.constant 0 : index
          %swap3A_392 = tpu.vector_load %arg7[%swap3A_390, %swap3A_391] {strides = array<i32>} : memref<128x128xf32, #tpu.memory_space<vmem>>, vector<16xf32>,
          tpu.vector_store %arg7[%swap3A_390, %swap3A_391], %mul3A_389 {strides = array<i32>} : memref<128x128xf32, #tpu.memory_space<vmem>>, vector<16xf32>,
          %get3A_393 = arith.index_cast %scan3A_380 : i32 to index
          %get3A_394 = arith.constant 16 : index
          %get3A_395 = tpu.vector_load %arg7[%get3A_393, %get3A_394] {strides = array<i32>} : memref<128x128xf32, #tpu.memory_space<vmem>>, vector<16xf32>,
          %mul3A_396 = arith.mulf %get3A_395, %gather3A_385 : vector<16xf32>
          %swap3A_397 = arith.index_cast %scan3A_380 : i32 to index
          %swap3A_398 = arith.constant 16 : index
          %swap3A_399 = tpu.vector_load %arg7[%swap3A_397, %swap3A_398] {strides = array<i32>} : memref<128x128xf32, #tpu.memory_space<vmem>>, vector<16xf32>,
          tpu.vector_store %arg7[%swap3A_397, %swap3A_398], %mul3A_396 {strides = array<i32>} : memref<128x128xf32, #tpu.memory_space<vmem>>, vector<16xf32>,
          %get3A_400 = arith.index_cast %scan3A_380 : i32 to index
          %get3A_401 = arith.constant 32 : index
          %get3A_402 = tpu.vector_load %arg7[%get3A_400, %get3A_401] {strides = array<i32>} : memref<128x128xf32, #tpu.memory_space<vmem>>, vector<16xf32>,
          %mul3A_403 = arith.mulf %get3A_402, %gather3A_385 : vector<16xf32>
          %swap3A_404 = arith.index_cast %scan3A_380 : i32 to index
          %swap3A_405 = arith.constant 32 : index
          %swap3A_406 = tpu.vector_load %arg7[%swap3A_404, %swap3A_405] {strides = array<i32>} : memref<128x128xf32, #tpu.memory_space<vmem>>, vector<16xf32>,
          tpu.vector_store %arg7[%swap3A_404, %swap3A_405], %mul3A_403 {strides = array<i32>} : memref<128x128xf32, #tpu.memory_space<vmem>>, vector<16xf32>,
          %get3A_407 = arith.index_cast %scan3A_380 : i32 to index
          %get3A_408 = arith.constant 48 : index
          %get3A_409 = tpu.vector_load %arg7[%get3A_407, %get3A_408] {strides = array<i32>} : memref<128x128xf32, #tpu.memory_space<vmem>>, vector<16xf32>,
          %mul3A_410 = arith.mulf %get3A_409, %gather3A_385 : vector<16xf32>
          %swap3A_411 = arith.index_cast %scan3A_380 : i32 to index
          %swap3A_412 = arith.constant 48 : index
          %swap3A_413 = tpu.vector_load %arg7[%swap3A_411, %swap3A_412] {strides = array<i32>} : memref<128x128xf32, #tpu.memory_space<vmem>>, vector<16xf32>,
          tpu.vector_store %arg7[%swap3A_411, %swap3A_412], %mul3A_410 {strides = array<i32>} : memref<128x128xf32, #tpu.memory_space<vmem>>, vector<16xf32>,
          %get3A_414 = arith.index_cast %scan3A_380 : i32 to index
          %get3A_415 = arith.constant 64 : index
          %get3A_416 = tpu.vector_load %arg7[%get3A_414, %get3A_415] {strides = array<i32>} : memref<128x128xf32, #tpu.memory_space<vmem>>, vector<16xf32>,
          %mul3A_417 = arith.mulf %get3A_416, %gather3A_385 : vector<16xf32>
          %swap3A_418 = arith.index_cast %scan3A_380 : i32 to index
          %swap3A_419 = arith.constant 64 : index
          %swap3A_420 = tpu.vector_load %arg7[%swap3A_418, %swap3A_419] {strides = array<i32>} : memref<128x128xf32, #tpu.memory_space<vmem>>, vector<16xf32>,
          tpu.vector_store %arg7[%swap3A_418, %swap3A_419], %mul3A_417 {strides = array<i32>} : memref<128x128xf32, #tpu.memory_space<vmem>>, vector<16xf32>,
          %get3A_421 = arith.index_cast %scan3A_380 : i32 to index
          %get3A_422 = arith.constant 80 : index
          %get3A_423 = tpu.vector_load %arg7[%get3A_421, %get3A_422] {strides = array<i32>} : memref<128x128xf32, #tpu.memory_space<vmem>>, vector<16xf32>,
          %mul3A_424 = arith.mulf %get3A_423, %gather3A_385 : vector<16xf32>
          %swap3A_425 = arith.index_cast %scan3A_380 : i32 to index
          %swap3A_426 = arith.constant 80 : index
          %swap3A_427 = tpu.vector_load %arg7[%swap3A_425, %swap3A_426] {strides = array<i32>} : memref<128x128xf32, #tpu.memory_space<vmem>>, vector<16xf32>,
          tpu.vector_store %arg7[%swap3A_425, %swap3A_426], %mul3A_424 {strides = array<i32>} : memref<128x128xf32, #tpu.memory_space<vmem>>, vector<16xf32>,
          %get3A_428 = arith.index_cast %scan3A_380 : i32 to index
          %get3A_429 = arith.constant 96 : index
          %get3A_430 = tpu.vector_load %arg7[%get3A_428, %get3A_429] {strides = array<i32>} : memref<128x128xf32, #tpu.memory_space<vmem>>, vector<16xf32>,
          %mul3A_431 = arith.mulf %get3A_430, %gather3A_385 : vector<16xf32>
          %swap3A_432 = arith.index_cast %scan3A_380 : i32 to index
          %swap3A_433 = arith.constant 96 : index
          %swap3A_434 = tpu.vector_load %arg7[%swap3A_432, %swap3A_433] {strides = array<i32>} : memref<128x128xf32, #tpu.memory_space<vmem>>, vector<16xf32>,
          tpu.vector_store %arg7[%swap3A_432, %swap3A_433], %mul3A_431 {strides = array<i32>} : memref<128x128xf32, #tpu.memory_space<vmem>>, vector<16xf32>,
          %get3A_435 = arith.index_cast %scan3A_380 : i32 to index
          %get3A_436 = arith.constant 112 : index
          %get3A_437 = tpu.vector_load %arg7[%get3A_435, %get3A_436] {strides = array<i32>} : memref<128x128xf32, #tpu.memory_space<vmem>>, vector<16xf32>,
          %mul3A_438 = arith.mulf %get3A_437, %gather3A_385 : vector<16xf32>
          %swap3A_439 = arith.index_cast %scan3A_380 : i32 to index
          %swap3A_440 = arith.constant 112 : index
          %swap3A_441 = tpu.vector_load %arg7[%swap3A_439, %swap3A_440] {strides = array<i32>} : memref<128x128xf32, #tpu.memory_space<vmem>>, vector<16xf32>,
          tpu.vector_store %arg7[%swap3A_439, %swap3A_440], %mul3A_438 {strides = array<i32>} : memref<128x128xf32, #tpu.memory_space<vmem>>, vector<16xf32>,
          %scan3A_442 = arith.constant 0 : i32
          %scan3A_443 = arith.constant 4 : i32
          %scan3A_444 = arith.addi %scan3A_187, %scan3A_443 : i32
          %broadcast_in_dim3A_445 = arith.constant 0 : i32
          %broadcast_in_dim3A_446 = vector.broadcast %broadcast_in_dim3A_445 : i32 to vector<16xi32>
          %add3A_447 = vector.broadcast %scan3A_444 : i32 to vector<16xi32>
          %add3A_448 = arith.addi %broadcast_in_dim3A_446, %add3A_447 : vector<16xi32>
          %gather3A_449 = tpu.vector_load_idx %arg10[%add3A_448] : memref<128xf32, #tpu.memory_space<vmem>>[vector<16xi32>], vector<16xf32>,
          %get3A_450 = arith.index_cast %scan3A_444 : i32 to index
          %get3A_451 = arith.constant 0 : index
          %get3A_452 = tpu.vector_load %arg7[%get3A_450, %get3A_451] {strides = array<i32>} : memref<128x128xf32, #tpu.memory_space<vmem>>, vector<16xf32>,
          %mul3A_453 = arith.mulf %get3A_452, %gather3A_449 : vector<16xf32>
          %swap3A_454 = arith.index_cast %scan3A_444 : i32 to index
          %swap3A_455 = arith.constant 0 : index
          %swap3A_456 = tpu.vector_load %arg7[%swap3A_454, %swap3A_455] {strides = array<i32>} : memref<128x128xf32, #tpu.memory_space<vmem>>, vector<16xf32>,
          tpu.vector_store %arg7[%swap3A_454, %swap3A_455], %mul3A_453 {strides = array<i32>} : memref<128x128xf32, #tpu.memory_space<vmem>>, vector<16xf32>,
          %get3A_457 = arith.index_cast %scan3A_444 : i32 to index
          %get3A_458 = arith.constant 16 : index
          %get3A_459 = tpu.vector_load %arg7[%get3A_457, %get3A_458] {strides = array<i32>} : memref<128x128xf32, #tpu.memory_space<vmem>>, vector<16xf32>,
          %mul3A_460 = arith.mulf %get3A_459, %gather3A_449 : vector<16xf32>
          %swap3A_461 = arith.index_cast %scan3A_444 : i32 to index
          %swap3A_462 = arith.constant 16 : index
          %swap3A_463 = tpu.vector_load %arg7[%swap3A_461, %swap3A_462] {strides = array<i32>} : memref<128x128xf32, #tpu.memory_space<vmem>>, vector<16xf32>,
          tpu.vector_store %arg7[%swap3A_461, %swap3A_462], %mul3A_460 {strides = array<i32>} : memref<128x128xf32, #tpu.memory_space<vmem>>, vector<16xf32>,
          %get3A_464 = arith.index_cast %scan3A_444 : i32 to index
          %get3A_465 = arith.constant 32 : index
          %get3A_466 = tpu.vector_load %arg7[%get3A_464, %get3A_465] {strides = array<i32>} : memref<128x128xf32, #tpu.memory_space<vmem>>, vector<16xf32>,
          %mul3A_467 = arith.mulf %get3A_466, %gather3A_449 : vector<16xf32>
          %swap3A_468 = arith.index_cast %scan3A_444 : i32 to index
          %swap3A_469 = arith.constant 32 : index
          %swap3A_470 = tpu.vector_load %arg7[%swap3A_468, %swap3A_469] {strides = array<i32>} : memref<128x128xf32, #tpu.memory_space<vmem>>, vector<16xf32>,
          tpu.vector_store %arg7[%swap3A_468, %swap3A_469], %mul3A_467 {strides = array<i32>} : memref<128x128xf32, #tpu.memory_space<vmem>>, vector<16xf32>,
          %get3A_471 = arith.index_cast %scan3A_444 : i32 to index
          %get3A_472 = arith.constant 48 : index
          %get3A_473 = tpu.vector_load %arg7[%get3A_471, %get3A_472] {strides = array<i32>} : memref<128x128xf32, #tpu.memory_space<vmem>>, vector<16xf32>,
          %mul3A_474 = arith.mulf %get3A_473, %gather3A_449 : vector<16xf32>
          %swap3A_475 = arith.index_cast %scan3A_444 : i32 to index
          %swap3A_476 = arith.constant 48 : index
          %swap3A_477 = tpu.vector_load %arg7[%swap3A_475, %swap3A_476] {strides = array<i32>} : memref<128x128xf32, #tpu.memory_space<vmem>>, vector<16xf32>,
          tpu.vector_store %arg7[%swap3A_475, %swap3A_476], %mul3A_474 {strides = array<i32>} : memref<128x128xf32, #tpu.memory_space<vmem>>, vector<16xf32>,
          %get3A_478 = arith.index_cast %scan3A_444 : i32 to index
          %get3A_479 = arith.constant 64 : index
          %get3A_480 = tpu.vector_load %arg7[%get3A_478, %get3A_479] {strides = array<i32>} : memref<128x128xf32, #tpu.memory_space<vmem>>, vector<16xf32>,
          %mul3A_481 = arith.mulf %get3A_480, %gather3A_449 : vector<16xf32>
          %swap3A_482 = arith.index_cast %scan3A_444 : i32 to index
          %swap3A_483 = arith.constant 64 : index
          %swap3A_484 = tpu.vector_load %arg7[%swap3A_482, %swap3A_483] {strides = array<i32>} : memref<128x128xf32, #tpu.memory_space<vmem>>, vector<16xf32>,
          tpu.vector_store %arg7[%swap3A_482, %swap3A_483], %mul3A_481 {strides = array<i32>} : memref<128x128xf32, #tpu.memory_space<vmem>>, vector<16xf32>,
          %get3A_485 = arith.index_cast %scan3A_444 : i32 to index
          %get3A_486 = arith.constant 80 : index
          %get3A_487 = tpu.vector_load %arg7[%get3A_485, %get3A_486] {strides = array<i32>} : memref<128x128xf32, #tpu.memory_space<vmem>>, vector<16xf32>,
          %mul3A_488 = arith.mulf %get3A_487, %gather3A_449 : vector<16xf32>
          %swap3A_489 = arith.index_cast %scan3A_444 : i32 to index
          %swap3A_490 = arith.constant 80 : index
          %swap3A_491 = tpu.vector_load %arg7[%swap3A_489, %swap3A_490] {strides = array<i32>} : memref<128x128xf32, #tpu.memory_space<vmem>>, vector<16xf32>,
          tpu.vector_store %arg7[%swap3A_489, %swap3A_490], %mul3A_488 {strides = array<i32>} : memref<128x128xf32, #tpu.memory_space<vmem>>, vector<16xf32>,
          %get3A_492 = arith.index_cast %scan3A_444 : i32 to index
          %get3A_493 = arith.constant 96 : index
          %get3A_494 = tpu.vector_load %arg7[%get3A_492, %get3A_493] {strides = array<i32>} : memref<128x128xf32, #tpu.memory_space<vmem>>, vector<16xf32>,
          %mul3A_495 = arith.mulf %get3A_494, %gather3A_449 : vector<16xf32>
          %swap3A_496 = arith.index_cast %scan3A_444 : i32 to index
          %swap3A_497 = arith.constant 96 : index
          %swap3A_498 = tpu.vector_load %arg7[%swap3A_496, %swap3A_497] {strides = array<i32>} : memref<128x128xf32, #tpu.memory_space<vmem>>, vector<16xf32>,
          tpu.vector_store %arg7[%swap3A_496, %swap3A_497], %mul3A_495 {strides = array<i32>} : memref<128x128xf32, #tpu.memory_space<vmem>>, vector<16xf32>,
          %get3A_499 = arith.index_cast %scan3A_444 : i32 to index
          %get3A_500 = arith.constant 112 : index
          %get3A_501 = tpu.vector_load %arg7[%get3A_499, %get3A_500] {strides = array<i32>} : memref<128x128xf32, #tpu.memory_space<vmem>>, vector<16xf32>,
          %mul3A_502 = arith.mulf %get3A_501, %gather3A_449 : vector<16xf32>
          %swap3A_503 = arith.index_cast %scan3A_444 : i32 to index
          %swap3A_504 = arith.constant 112 : index
          %swap3A_505 = tpu.vector_load %arg7[%swap3A_503, %swap3A_504] {strides = array<i32>} : memref<128x128xf32, #tpu.memory_space<vmem>>, vector<16xf32>,
          tpu.vector_store %arg7[%swap3A_503, %swap3A_504], %mul3A_502 {strides = array<i32>} : memref<128x128xf32, #tpu.memory_space<vmem>>, vector<16xf32>,
          %scan3A_506 = arith.constant 0 : i32
          %scan3A_507 = arith.constant 5 : i32
          %scan3A_508 = arith.addi %scan3A_187, %scan3A_507 : i32
          %broadcast_in_dim3A_509 = arith.constant 0 : i32
          %broadcast_in_dim3A_510 = vector.broadcast %broadcast_in_dim3A_509 : i32 to vector<16xi32>
          %add3A_511 = vector.broadcast %scan3A_508 : i32 to vector<16xi32>
          %add3A_512 = arith.addi %broadcast_in_dim3A_510, %add3A_511 : vector<16xi32>
          %gather3A_513 = tpu.vector_load_idx %arg10[%add3A_512] : memref<128xf32, #tpu.memory_space<vmem>>[vector<16xi32>], vector<16xf32>,
          %get3A_514 = arith.index_cast %scan3A_508 : i32 to index
          %get3A_515 = arith.constant 0 : index
          %get3A_516 = tpu.vector_load %arg7[%get3A_514, %get3A_515] {strides = array<i32>} : memref<128x128xf32, #tpu.memory_space<vmem>>, vector<16xf32>,
          %mul3A_517 = arith.mulf %get3A_516, %gather3A_513 : vector<16xf32>
          %swap3A_518 = arith.index_cast %scan3A_508 : i32 to index
          %swap3A_519 = arith.constant 0 : index
          %swap3A_520 = tpu.vector_load %arg7[%swap3A_518, %swap3A_519] {strides = array<i32>} : memref<128x128xf32, #tpu.memory_space<vmem>>, vector<16xf32>,
          tpu.vector_store %arg7[%swap3A_518, %swap3A_519], %mul3A_517 {strides = array<i32>} : memref<128x128xf32, #tpu.memory_space<vmem>>, vector<16xf32>,
          %get3A_521 = arith.index_cast %scan3A_508 : i32 to index
          %get3A_522 = arith.constant 16 : index
          %get3A_523 = tpu.vector_load %arg7[%get3A_521, %get3A_522] {strides = array<i32>} : memref<128x128xf32, #tpu.memory_space<vmem>>, vector<16xf32>,
          %mul3A_524 = arith.mulf %get3A_523, %gather3A_513 : vector<16xf32>
          %swap3A_525 = arith.index_cast %scan3A_508 : i32 to index
          %swap3A_526 = arith.constant 16 : index
          %swap3A_527 = tpu.vector_load %arg7[%swap3A_525, %swap3A_526] {strides = array<i32>} : memref<128x128xf32, #tpu.memory_space<vmem>>, vector<16xf32>,
          tpu.vector_store %arg7[%swap3A_525, %swap3A_526], %mul3A_524 {strides = array<i32>} : memref<128x128xf32, #tpu.memory_space<vmem>>, vector<16xf32>,
          %get3A_528 = arith.index_cast %scan3A_508 : i32 to index
          %get3A_529 = arith.constant 32 : index
          %get3A_530 = tpu.vector_load %arg7[%get3A_528, %get3A_529] {strides = array<i32>} : memref<128x128xf32, #tpu.memory_space<vmem>>, vector<16xf32>,
          %mul3A_531 = arith.mulf %get3A_530, %gather3A_513 : vector<16xf32>
          %swap3A_532 = arith.index_cast %scan3A_508 : i32 to index
          %swap3A_533 = arith.constant 32 : index
          %swap3A_534 = tpu.vector_load %arg7[%swap3A_532, %swap3A_533] {strides = array<i32>} : memref<128x128xf32, #tpu.memory_space<vmem>>, vector<16xf32>,
          tpu.vector_store %arg7[%swap3A_532, %swap3A_533], %mul3A_531 {strides = array<i32>} : memref<128x128xf32, #tpu.memory_space<vmem>>, vector<16xf32>,
          %get3A_535 = arith.index_cast %scan3A_508 : i32 to index
          %get3A_536 = arith.constant 48 : index
          %get3A_537 = tpu.vector_load %arg7[%get3A_535, %get3A_536] {strides = array<i32>} : memref<128x128xf32, #tpu.memory_space<vmem>>, vector<16xf32>,
          %mul3A_538 = arith.mulf %get3A_537, %gather3A_513 : vector<16xf32>
          %swap3A_539 = arith.index_cast %scan3A_508 : i32 to index
          %swap3A_540 = arith.constant 48 : index
          %swap3A_541 = tpu.vector_load %arg7[%swap3A_539, %swap3A_540] {strides = array<i32>} : memref<128x128xf32, #tpu.memory_space<vmem>>, vector<16xf32>,
          tpu.vector_store %arg7[%swap3A_539, %swap3A_540], %mul3A_538 {strides = array<i32>} : memref<128x128xf32, #tpu.memory_space<vmem>>, vector<16xf32>,
          %get3A_542 = arith.index_cast %scan3A_508 : i32 to index
          %get3A_543 = arith.constant 64 : index
          %get3A_544 = tpu.vector_load %arg7[%get3A_542, %get3A_543] {strides = array<i32>} : memref<128x128xf32, #tpu.memory_space<vmem>>, vector<16xf32>,
          %mul3A_545 = arith.mulf %get3A_544, %gather3A_513 : vector<16xf32>
          %swap3A_546 = arith.index_cast %scan3A_508 : i32 to index
          %swap3A_547 = arith.constant 64 : index
          %swap3A_548 = tpu.vector_load %arg7[%swap3A_546, %swap3A_547] {strides = array<i32>} : memref<128x128xf32, #tpu.memory_space<vmem>>, vector<16xf32>,
          tpu.vector_store %arg7[%swap3A_546, %swap3A_547], %mul3A_545 {strides = array<i32>} : memref<128x128xf32, #tpu.memory_space<vmem>>, vector<16xf32>,
          %get3A_549 = arith.index_cast %scan3A_508 : i32 to index
          %get3A_550 = arith.constant 80 : index
          %get3A_551 = tpu.vector_load %arg7[%get3A_549, %get3A_550] {strides = array<i32>} : memref<128x128xf32, #tpu.memory_space<vmem>>, vector<16xf32>,
          %mul3A_552 = arith.mulf %get3A_551, %gather3A_513 : vector<16xf32>
          %swap3A_553 = arith.index_cast %scan3A_508 : i32 to index
          %swap3A_554 = arith.constant 80 : index
          %swap3A_555 = tpu.vector_load %arg7[%swap3A_553, %swap3A_554] {strides = array<i32>} : memref<128x128xf32, #tpu.memory_space<vmem>>, vector<16xf32>,
          tpu.vector_store %arg7[%swap3A_553, %swap3A_554], %mul3A_552 {strides = array<i32>} : memref<128x128xf32, #tpu.memory_space<vmem>>, vector<16xf32>,
          %get3A_556 = arith.index_cast %scan3A_508 : i32 to index
          %get3A_557 = arith.constant 96 : index
          %get3A_558 = tpu.vector_load %arg7[%get3A_556, %get3A_557] {strides = array<i32>} : memref<128x128xf32, #tpu.memory_space<vmem>>, vector<16xf32>,
          %mul3A_559 = arith.mulf %get3A_558, %gather3A_513 : vector<16xf32>
          %swap3A_560 = arith.index_cast %scan3A_508 : i32 to index
          %swap3A_561 = arith.constant 96 : index
          %swap3A_562 = tpu.vector_load %arg7[%swap3A_560, %swap3A_561] {strides = array<i32>} : memref<128x128xf32, #tpu.memory_space<vmem>>, vector<16xf32>,
          tpu.vector_store %arg7[%swap3A_560, %swap3A_561], %mul3A_559 {strides = array<i32>} : memref<128x128xf32, #tpu.memory_space<vmem>>, vector<16xf32>,
          %get3A_563 = arith.index_cast %scan3A_508 : i32 to index
          %get3A_564 = arith.constant 112 : index
          %get3A_565 = tpu.vector_load %arg7[%get3A_563, %get3A_564] {strides = array<i32>} : memref<128x128xf32, #tpu.memory_space<vmem>>, vector<16xf32>,
          %mul3A_566 = arith.mulf %get3A_565, %gather3A_513 : vector<16xf32>
          %swap3A_567 = arith.index_cast %scan3A_508 : i32 to index
          %swap3A_568 = arith.constant 112 : index
          %swap3A_569 = tpu.vector_load %arg7[%swap3A_567, %swap3A_568] {strides = array<i32>} : memref<128x128xf32, #tpu.memory_space<vmem>>, vector<16xf32>,
          tpu.vector_store %arg7[%swap3A_567, %swap3A_568], %mul3A_566 {strides = array<i32>} : memref<128x128xf32, #tpu.memory_space<vmem>>, vector<16xf32>,
          %scan3A_570 = arith.constant 0 : i32
          %scan3A_571 = arith.constant 6 : i32
          %scan3A_572 = arith.addi %scan3A_187, %scan3A_571 : i32
          %broadcast_in_dim3A_573 = arith.constant 0 : i32
          %broadcast_in_dim3A_574 = vector.broadcast %broadcast_in_dim3A_573 : i32 to vector<16xi32>
          %add3A_575 = vector.broadcast %scan3A_572 : i32 to vector<16xi32>
          %add3A_576 = arith.addi %broadcast_in_dim3A_574, %add3A_575 : vector<16xi32>
          %gather3A_577 = tpu.vector_load_idx %arg10[%add3A_576] : memref<128xf32, #tpu.memory_space<vmem>>[vector<16xi32>], vector<16xf32>,
          %get3A_578 = arith.index_cast %scan3A_572 : i32 to index
          %get3A_579 = arith.constant 0 : index
          %get3A_580 = tpu.vector_load %arg7[%get3A_578, %get3A_579] {strides = array<i32>} : memref<128x128xf32, #tpu.memory_space<vmem>>, vector<16xf32>,
          %mul3A_581 = arith.mulf %get3A_580, %gather3A_577 : vector<16xf32>
          %swap3A_582 = arith.index_cast %scan3A_572 : i32 to index
          %swap3A_583 = arith.constant 0 : index
          %swap3A_584 = tpu.vector_load %arg7[%swap3A_582, %swap3A_583] {strides = array<i32>} : memref<128x128xf32, #tpu.memory_space<vmem>>, vector<16xf32>,
          tpu.vector_store %arg7[%swap3A_582, %swap3A_583], %mul3A_581 {strides = array<i32>} : memref<128x128xf32, #tpu.memory_space<vmem>>, vector<16xf32>,
          %get3A_585 = arith.index_cast %scan3A_572 : i32 to index
          %get3A_586 = arith.constant 16 : index
          %get3A_587 = tpu.vector_load %arg7[%get3A_585, %get3A_586] {strides = array<i32>} : memref<128x128xf32, #tpu.memory_space<vmem>>, vector<16xf32>,
          %mul3A_588 = arith.mulf %get3A_587, %gather3A_577 : vector<16xf32>
          %swap3A_589 = arith.index_cast %scan3A_572 : i32 to index
          %swap3A_590 = arith.constant 16 : index
          %swap3A_591 = tpu.vector_load %arg7[%swap3A_589, %swap3A_590] {strides = array<i32>} : memref<128x128xf32, #tpu.memory_space<vmem>>, vector<16xf32>,
          tpu.vector_store %arg7[%swap3A_589, %swap3A_590], %mul3A_588 {strides = array<i32>} : memref<128x128xf32, #tpu.memory_space<vmem>>, vector<16xf32>,
          %get3A_592 = arith.index_cast %scan3A_572 : i32 to index
          %get3A_593 = arith.constant 32 : index
          %get3A_594 = tpu.vector_load %arg7[%get3A_592, %get3A_593] {strides = array<i32>} : memref<128x128xf32, #tpu.memory_space<vmem>>, vector<16xf32>,
          %mul3A_595 = arith.mulf %get3A_594, %gather3A_577 : vector<16xf32>
          %swap3A_596 = arith.index_cast %scan3A_572 : i32 to index
          %swap3A_597 = arith.constant 32 : index
          %swap3A_598 = tpu.vector_load %arg7[%swap3A_596, %swap3A_597] {strides = array<i32>} : memref<128x128xf32, #tpu.memory_space<vmem>>, vector<16xf32>,
          tpu.vector_store %arg7[%swap3A_596, %swap3A_597], %mul3A_595 {strides = array<i32>} : memref<128x128xf32, #tpu.memory_space<vmem>>, vector<16xf32>,
          %get3A_599 = arith.index_cast %scan3A_572 : i32 to index
          %get3A_600 = arith.constant 48 : index
          %get3A_601 = tpu.vector_load %arg7[%get3A_599, %get3A_600] {strides = array<i32>} : memref<128x128xf32, #tpu.memory_space<vmem>>, vector<16xf32>,
          %mul3A_602 = arith.mulf %get3A_601, %gather3A_577 : vector<16xf32>
          %swap3A_603 = arith.index_cast %scan3A_572 : i32 to index
          %swap3A_604 = arith.constant 48 : index
          %swap3A_605 = tpu.vector_load %arg7[%swap3A_603, %swap3A_604] {strides = array<i32>} : memref<128x128xf32, #tpu.memory_space<vmem>>, vector<16xf32>,
          tpu.vector_store %arg7[%swap3A_603, %swap3A_604], %mul3A_602 {strides = array<i32>} : memref<128x128xf32, #tpu.memory_space<vmem>>, vector<16xf32>,
          %get3A_606 = arith.index_cast %scan3A_572 : i32 to index
          %get3A_607 = arith.constant 64 : index
          %get3A_608 = tpu.vector_load %arg7[%get3A_606, %get3A_607] {strides = array<i32>} : memref<128x128xf32, #tpu.memory_space<vmem>>, vector<16xf32>,
          %mul3A_609 = arith.mulf %get3A_608, %gather3A_577 : vector<16xf32>
          %swap3A_610 = arith.index_cast %scan3A_572 : i32 to index
          %swap3A_611 = arith.constant 64 : index
          %swap3A_612 = tpu.vector_load %arg7[%swap3A_610, %swap3A_611] {strides = array<i32>} : memref<128x128xf32, #tpu.memory_space<vmem>>, vector<16xf32>,
          tpu.vector_store %arg7[%swap3A_610, %swap3A_611], %mul3A_609 {strides = array<i32>} : memref<128x128xf32, #tpu.memory_space<vmem>>, vector<16xf32>,
          %get3A_613 = arith.index_cast %scan3A_572 : i32 to index
          %get3A_614 = arith.constant 80 : index
          %get3A_615 = tpu.vector_load %arg7[%get3A_613, %get3A_614] {strides = array<i32>} : memref<128x128xf32, #tpu.memory_space<vmem>>, vector<16xf32>,
          %mul3A_616 = arith.mulf %get3A_615, %gather3A_577 : vector<16xf32>
          %swap3A_617 = arith.index_cast %scan3A_572 : i32 to index
          %swap3A_618 = arith.constant 80 : index
          %swap3A_619 = tpu.vector_load %arg7[%swap3A_617, %swap3A_618] {strides = array<i32>} : memref<128x128xf32, #tpu.memory_space<vmem>>, vector<16xf32>,
          tpu.vector_store %arg7[%swap3A_617, %swap3A_618], %mul3A_616 {strides = array<i32>} : memref<128x128xf32, #tpu.memory_space<vmem>>, vector<16xf32>,
          %get3A_620 = arith.index_cast %scan3A_572 : i32 to index
          %get3A_621 = arith.constant 96 : index
          %get3A_622 = tpu.vector_load %arg7[%get3A_620, %get3A_621] {strides = array<i32>} : memref<128x128xf32, #tpu.memory_space<vmem>>, vector<16xf32>,
          %mul3A_623 = arith.mulf %get3A_622, %gather3A_577 : vector<16xf32>
          %swap3A_624 = arith.index_cast %scan3A_572 : i32 to index
          %swap3A_625 = arith.constant 96 : index
          %swap3A_626 = tpu.vector_load %arg7[%swap3A_624, %swap3A_625] {strides = array<i32>} : memref<128x128xf32, #tpu.memory_space<vmem>>, vector<16xf32>,
          tpu.vector_store %arg7[%swap3A_624, %swap3A_625], %mul3A_623 {strides = array<i32>} : memref<128x128xf32, #tpu.memory_space<vmem>>, vector<16xf32>,
          %get3A_627 = arith.index_cast %scan3A_572 : i32 to index
          %get3A_628 = arith.constant 112 : index
          %get3A_629 = tpu.vector_load %arg7[%get3A_627, %get3A_628] {strides = array<i32>} : memref<128x128xf32, #tpu.memory_space<vmem>>, vector<16xf32>,
          %mul3A_630 = arith.mulf %get3A_629, %gather3A_577 : vector<16xf32>
          %swap3A_631 = arith.index_cast %scan3A_572 : i32 to index
          %swap3A_632 = arith.constant 112 : index
          %swap3A_633 = tpu.vector_load %arg7[%swap3A_631, %swap3A_632] {strides = array<i32>} : memref<128x128xf32, #tpu.memory_space<vmem>>, vector<16xf32>,
          tpu.vector_store %arg7[%swap3A_631, %swap3A_632], %mul3A_630 {strides = array<i32>} : memref<128x128xf32, #tpu.memory_space<vmem>>, vector<16xf32>,
          %scan3A_634 = arith.constant 0 : i32
          %scan3A_635 = arith.constant 7 : i32
          %scan3A_636 = arith.addi %scan3A_187, %scan3A_635 : i32
          %broadcast_in_dim3A_637 = arith.constant 0 : i32
          %broadcast_in_dim3A_638 = vector.broadcast %broadcast_in_dim3A_637 : i32 to vector<16xi32>
          %add3A_639 = vector.broadcast %scan3A_636 : i32 to vector<16xi32>
          %add3A_640 = arith.addi %broadcast_in_dim3A_638, %add3A_639 : vector<16xi32>
          %gather3A_641 = tpu.vector_load_idx %arg10[%add3A_640] : memref<128xf32, #tpu.memory_space<vmem>>[vector<16xi32>], vector<16xf32>,
          %get3A_642 = arith.index_cast %scan3A_636 : i32 to index
          %get3A_643 = arith.constant 0 : index
          %get3A_644 = tpu.vector_load %arg7[%get3A_642, %get3A_643] {strides = array<i32>} : memref<128x128xf32, #tpu.memory_space<vmem>>, vector<16xf32>,
          %mul3A_645 = arith.mulf %get3A_644, %gather3A_641 : vector<16xf32>
          %swap3A_646 = arith.index_cast %scan3A_636 : i32 to index
          %swap3A_647 = arith.constant 0 : index
          %swap3A_648 = tpu.vector_load %arg7[%swap3A_646, %swap3A_647] {strides = array<i32>} : memref<128x128xf32, #tpu.memory_space<vmem>>, vector<16xf32>,
          tpu.vector_store %arg7[%swap3A_646, %swap3A_647], %mul3A_645 {strides = array<i32>} : memref<128x128xf32, #tpu.memory_space<vmem>>, vector<16xf32>,
          %get3A_649 = arith.index_cast %scan3A_636 : i32 to index
          %get3A_650 = arith.constant 16 : index
          %get3A_651 = tpu.vector_load %arg7[%get3A_649, %get3A_650] {strides = array<i32>} : memref<128x128xf32, #tpu.memory_space<vmem>>, vector<16xf32>,
          %mul3A_652 = arith.mulf %get3A_651, %gather3A_641 : vector<16xf32>
          %swap3A_653 = arith.index_cast %scan3A_636 : i32 to index
          %swap3A_654 = arith.constant 16 : index
          %swap3A_655 = tpu.vector_load %arg7[%swap3A_653, %swap3A_654] {strides = array<i32>} : memref<128x128xf32, #tpu.memory_space<vmem>>, vector<16xf32>,
          tpu.vector_store %arg7[%swap3A_653, %swap3A_654], %mul3A_652 {strides = array<i32>} : memref<128x128xf32, #tpu.memory_space<vmem>>, vector<16xf32>,
          %get3A_656 = arith.index_cast %scan3A_636 : i32 to index
          %get3A_657 = arith.constant 32 : index
          %get3A_658 = tpu.vector_load %arg7[%get3A_656, %get3A_657] {strides = array<i32>} : memref<128x128xf32, #tpu.memory_space<vmem>>, vector<16xf32>,
          %mul3A_659 = arith.mulf %get3A_658, %gather3A_641 : vector<16xf32>
          %swap3A_660 = arith.index_cast %scan3A_636 : i32 to index
          %swap3A_661 = arith.constant 32 : index
          %swap3A_662 = tpu.vector_load %arg7[%swap3A_660, %swap3A_661] {strides = array<i32>} : memref<128x128xf32, #tpu.memory_space<vmem>>, vector<16xf32>,
          tpu.vector_store %arg7[%swap3A_660, %swap3A_661], %mul3A_659 {strides = array<i32>} : memref<128x128xf32, #tpu.memory_space<vmem>>, vector<16xf32>,
          %get3A_663 = arith.index_cast %scan3A_636 : i32 to index
          %get3A_664 = arith.constant 48 : index
          %get3A_665 = tpu.vector_load %arg7[%get3A_663, %get3A_664] {strides = array<i32>} : memref<128x128xf32, #tpu.memory_space<vmem>>, vector<16xf32>,
          %mul3A_666 = arith.mulf %get3A_665, %gather3A_641 : vector<16xf32>
          %swap3A_667 = arith.index_cast %scan3A_636 : i32 to index
          %swap3A_668 = arith.constant 48 : index
          %swap3A_669 = tpu.vector_load %arg7[%swap3A_667, %swap3A_668] {strides = array<i32>} : memref<128x128xf32, #tpu.memory_space<vmem>>, vector<16xf32>,
          tpu.vector_store %arg7[%swap3A_667, %swap3A_668], %mul3A_666 {strides = array<i32>} : memref<128x128xf32, #tpu.memory_space<vmem>>, vector<16xf32>,
          %get3A_670 = arith.index_cast %scan3A_636 : i32 to index
          %get3A_671 = arith.constant 64 : index
          %get3A_672 = tpu.vector_load %arg7[%get3A_670, %get3A_671] {strides = array<i32>} : memref<128x128xf32, #tpu.memory_space<vmem>>, vector<16xf32>,
          %mul3A_673 = arith.mulf %get3A_672, %gather3A_641 : vector<16xf32>
          %swap3A_674 = arith.index_cast %scan3A_636 : i32 to index
          %swap3A_675 = arith.constant 64 : index
          %swap3A_676 = tpu.vector_load %arg7[%swap3A_674, %swap3A_675] {strides = array<i32>} : memref<128x128xf32, #tpu.memory_space<vmem>>, vector<16xf32>,
          tpu.vector_store %arg7[%swap3A_674, %swap3A_675], %mul3A_673 {strides = array<i32>} : memref<128x128xf32, #tpu.memory_space<vmem>>, vector<16xf32>,
          %get3A_677 = arith.index_cast %scan3A_636 : i32 to index
          %get3A_678 = arith.constant 80 : index
          %get3A_679 = tpu.vector_load %arg7[%get3A_677, %get3A_678] {strides = array<i32>} : memref<128x128xf32, #tpu.memory_space<vmem>>, vector<16xf32>,
          %mul3A_680 = arith.mulf %get3A_679, %gather3A_641 : vector<16xf32>
          %swap3A_681 = arith.index_cast %scan3A_636 : i32 to index
          %swap3A_682 = arith.constant 80 : index
          %swap3A_683 = tpu.vector_load %arg7[%swap3A_681, %swap3A_682] {strides = array<i32>} : memref<128x128xf32, #tpu.memory_space<vmem>>, vector<16xf32>,
          tpu.vector_store %arg7[%swap3A_681, %swap3A_682], %mul3A_680 {strides = array<i32>} : memref<128x128xf32, #tpu.memory_space<vmem>>, vector<16xf32>,
          %get3A_684 = arith.index_cast %scan3A_636 : i32 to index
          %get3A_685 = arith.constant 96 : index
          %get3A_686 = tpu.vector_load %arg7[%get3A_684, %get3A_685] {strides = array<i32>} : memref<128x128xf32, #tpu.memory_space<vmem>>, vector<16xf32>,
          %mul3A_687 = arith.mulf %get3A_686, %gather3A_641 : vector<16xf32>
          %swap3A_688 = arith.index_cast %scan3A_636 : i32 to index
          %swap3A_689 = arith.constant 96 : index
          %swap3A_690 = tpu.vector_load %arg7[%swap3A_688, %swap3A_689] {strides = array<i32>} : memref<128x128xf32, #tpu.memory_space<vmem>>, vector<16xf32>,
          tpu.vector_store %arg7[%swap3A_688, %swap3A_689], %mul3A_687 {strides = array<i32>} : memref<128x128xf32, #tpu.memory_space<vmem>>, vector<16xf32>,
          %get3A_691 = arith.index_cast %scan3A_636 : i32 to index
          %get3A_692 = arith.constant 112 : index
          %get3A_693 = tpu.vector_load %arg7[%get3A_691, %get3A_692] {strides = array<i32>} : memref<128x128xf32, #tpu.memory_space<vmem>>, vector<16xf32>,
          %mul3A_694 = arith.mulf %get3A_693, %gather3A_641 : vector<16xf32>
          %swap3A_695 = arith.index_cast %scan3A_636 : i32 to index
          %swap3A_696 = arith.constant 112 : index
          %swap3A_697 = tpu.vector_load %arg7[%swap3A_695, %swap3A_696] {strides = array<i32>} : memref<128x128xf32, #tpu.memory_space<vmem>>, vector<16xf32>,
          tpu.vector_store %arg7[%swap3A_695, %swap3A_696], %mul3A_694 {strides = array<i32>} : memref<128x128xf32, #tpu.memory_space<vmem>>, vector<16xf32>,
          %scan3A_698 = arith.constant 0 : i32
          scf.yield %scan3A_698 : i32
        }
        %scan3A_184 = arith.constant 128 : i32
        %add3A_185 = arith.constant 1 : i32
        %add3A_186 = arith.addi %mul3A_102, %add3A_185 : i32
        "tpu.region"() ({
          %run_scoped3A = tpu.sem_alloc : memref<!tpu.dma_semaphore, #tpu.memory_space<semaphore_mem>>
          %dma_start3A = arith.constant 0 : i32
          %dma_start3A_187 = tpu.memref_slice %arg6[%add3A_186, %dma_start3A] : memref<120x128xi32, #tpu.memory_space<vmem>> -> memref<1x128xi32, #tpu.memory_space<vmem>>
          %dma_start3A_188 = tpu.memref_squeeze %dma_start3A_187 : memref<1x128xi32, #tpu.memory_space<vmem>> -> memref<128xi32, #tpu.memory_space<vmem>>
          %dma_start3A_189 = arith.constant 0 : i32
          %dma_start3A_190 = arith.constant 0 : i32
          %dma_start3A_191 = tpu.memref_slice %arg11[%dma_start3A_189, %dma_start3A_190] : memref<10240x128xf32, #tpu.memory_space<vmem_shared>> -> memref<10240x128xf32, #tpu.memory_space<vmem_shared>>
          tpu.enqueue_indirect_dma source(%arg7 : memref<128x128xf32, #tpu.memory_space<vmem>>) target(%dma_start3A_191 : memref<10240x128xf32, #tpu.memory_space<vmem_shared>>) offsets(%dma_start3A_188 : memref<128xi32, #tpu.memory_space<vmem>>) semaphore(%run_scoped3A : memref<!tpu.dma_semaphore, #tpu.memory_space<semaphore_mem>>) {add = true}
          %dma_wait3A_192 = arith.constant 0 : i32
          %dma_wait3A_193 = tpu.memref_slice %arg6[%add3A_186, %dma_wait3A_192] : memref<120x128xi32, #tpu.memory_space<vmem>> -> memref<1x128xi32, #tpu.memory_space<vmem>>
          %dma_wait3A_194 = tpu.memref_squeeze %dma_wait3A_193 : memref<1x128xi32, #tpu.memory_space<vmem>> -> memref<128xi32, #tpu.memory_space<vmem>>
          %dma_wait3A_195 = arith.constant 0 : i32
          %dma_wait3A_196 = arith.constant 0 : i32
          %dma_wait3A_197 = tpu.memref_slice %arg11[%dma_wait3A_195, %dma_wait3A_196] : memref<10240x128xf32, #tpu.memory_space<vmem_shared>> -> memref<10240x128xf32, #tpu.memory_space<vmem_shared>>
          tpu.wait_indirect_dma semaphore(%run_scoped3A : memref<!tpu.dma_semaphore, #tpu.memory_space<semaphore_mem>>) src(%arg7 : memref<128x128xf32, #tpu.memory_space<vmem>>) dst(%dma_wait3A_197 : memref<10240x128xf32, #tpu.memory_space<vmem_shared>>)
          tpu.yield
        }) : () -> ()
      } else {
      }
      %add3A_88 = arith.constant 1 : i32
      %add3A_89 = arith.addi %mul3A_77, %add3A_88 : i32
      %add3A_90 = arith.constant 40 : i32
      %add3A_91 = arith.addi %add3A_90, %add3A_89 : i32
      %mul3A_92 = arith.constant 32 : i32
      %mul3A_93 = arith.muli %add3A_91, %mul3A_92 : i32
      %add3A_94 = arith.addi %add3A, %mul3A_93 : i32
      %lt3A_95 = arith.constant 2500 : i32
      %lt3A_96 = arith.cmpi slt, %add3A_94, %lt3A_95 : i32
      %convert_element_type3A_97 = arith.extui %lt3A_96 : i1 to i32
      %cond3A_98 = arith.constant 0 : i32
      %cond3A_99 = arith.cmpi ne, %convert_element_type3A_97, %cond3A_98 : i32
      scf.if %cond3A_99 {
        %mul3A_101 = arith.constant 3 : i32
        %mul3A_102 = arith.muli %mul3A_101, %add3A_89 : i32
        %dma_wait3A = arith.constant 0 : i32
        %dma_wait3A_103 = tpu.memref_slice %arg6[%mul3A_102, %dma_wait3A] : memref<120x128xi32, #tpu.memory_space<vmem>> -> memref<1x128xi32, #tpu.memory_space<vmem>>
        %dma_wait3A_104 = tpu.memref_squeeze %dma_wait3A_103 : memref<1x128xi32, #tpu.memory_space<vmem>> -> memref<128xi32, #tpu.memory_space<vmem>>
        %dma_wait3A_105 = arith.constant 0 : i32
        %dma_wait3A_106 = arith.constant 0 : i32
        %dma_wait3A_107 = tpu.memref_slice %arg2[%dma_wait3A_105, %dma_wait3A_106] : memref<10000x128xf32, #tpu.memory_space<hbm>> -> memref<10000x128xf32, #tpu.memory_space<hbm>>
        tpu.wait_indirect_dma semaphore(%arg13 : memref<!tpu.dma_semaphore, #tpu.memory_space<semaphore_mem>>) src(%dma_wait3A_107 : memref<10000x128xf32, #tpu.memory_space<hbm>>) dst(%arg8 : memref<128x128xf32, #tpu.memory_space<vmem>>)
        %add3A_108 = arith.constant 32 : i32
        %add3A_109 = arith.addi %add3A_94, %add3A_108 : i32
        %lt3A_110 = arith.constant 2500 : i32
        %lt3A_111 = arith.cmpi slt, %add3A_109, %lt3A_110 : i32
        %lt3A_112 = arith.constant 39 : i32
        %lt3A_113 = arith.cmpi slt, %add3A_89, %lt3A_112 : i32
        %and3A = arith.andi %lt3A_111, %lt3A_113 : i1
        %convert_element_type3A_114 = arith.extui %and3A : i1 to i32
        %cond3A_115 = arith.constant 0 : i32
        %cond3A_116 = arith.cmpi ne, %convert_element_type3A_114, %cond3A_115 : i32
        scf.if %cond3A_116 {
          %add3A_187 = arith.constant 3 : i32
          %add3A_188 = arith.addi %mul3A_102, %add3A_187 : i32
          %dma_start3A = arith.constant 0 : i32
          %dma_start3A_189 = tpu.memref_slice %arg6[%add3A_188, %dma_start3A] : memref<120x128xi32, #tpu.memory_space<vmem>> -> memref<1x128xi32, #tpu.memory_space<vmem>>
          %dma_start3A_190 = tpu.memref_squeeze %dma_start3A_189 : memref<1x128xi32, #tpu.memory_space<vmem>> -> memref<128xi32, #tpu.memory_space<vmem>>
          %dma_start3A_191 = arith.constant 0 : i32
          %dma_start3A_192 = arith.constant 0 : i32
          %dma_start3A_193 = tpu.memref_slice %arg2[%dma_start3A_191, %dma_start3A_192] : memref<10000x128xf32, #tpu.memory_space<hbm>> -> memref<10000x128xf32, #tpu.memory_space<hbm>>
          tpu.enqueue_indirect_dma source(%dma_start3A_193 : memref<10000x128xf32, #tpu.memory_space<hbm>>) target(%arg7 : memref<128x128xf32, #tpu.memory_space<vmem>>) offsets(%dma_start3A_190 : memref<128xi32, #tpu.memory_space<vmem>>) semaphore(%arg12 : memref<!tpu.dma_semaphore, #tpu.memory_space<semaphore_mem>>)
        } else {
        }
        %add3A_117 = arith.constant 2 : i32
        %add3A_118 = arith.addi %mul3A_102, %add3A_117 : i32
        %get3A = arith.index_cast %add3A_118 : i32 to index
        %get3A_119 = arith.constant 0 : index
        %get3A_120 = tpu.vector_load %arg6[%get3A, %get3A_119] {strides = array<i32>} : memref<120x128xi32, #tpu.memory_space<vmem>>, vector<16xi32>,
        %gather3A = tpu.vector_load_idx %arg9[%get3A_120] : memref<128xf32, #tpu.memory_space<vmem>>[vector<16xi32>], vector<16xf32>,
        %swap3A = arith.constant 0 : index
        %swap3A_121 = tpu.vector_load %arg10[%swap3A] {strides = array<i32>} : memref<128xf32, #tpu.memory_space<vmem>>, vector<16xf32>,
        tpu.vector_store %arg10[%swap3A], %gather3A {strides = array<i32>} : memref<128xf32, #tpu.memory_space<vmem>>, vector<16xf32>,
        %add3A_122 = arith.constant 2 : i32
        %add3A_123 = arith.addi %mul3A_102, %add3A_122 : i32
        %get3A_124 = arith.index_cast %add3A_123 : i32 to index
        %get3A_125 = arith.constant 16 : index
        %get3A_126 = tpu.vector_load %arg6[%get3A_124, %get3A_125] {strides = array<i32>} : memref<120x128xi32, #tpu.memory_space<vmem>>, vector<16xi32>,
        %gather3A_127 = tpu.vector_load_idx %arg9[%get3A_126] : memref<128xf32, #tpu.memory_space<vmem>>[vector<16xi32>], vector<16xf32>,
        %swap3A_128 = arith.constant 16 : index
        %swap3A_129 = tpu.vector_load %arg10[%swap3A_128] {strides = array<i32>} : memref<128xf32, #tpu.memory_space<vmem>>, vector<16xf32>,
        tpu.vector_store %arg10[%swap3A_128], %gather3A_127 {strides = array<i32>} : memref<128xf32, #tpu.memory_space<vmem>>, vector<16xf32>,
        %add3A_130 = arith.constant 2 : i32
        %add3A_131 = arith.addi %mul3A_102, %add3A_130 : i32
        %get3A_132 = arith.index_cast %add3A_131 : i32 to index
        %get3A_133 = arith.constant 32 : index
        %get3A_134 = tpu.vector_load %arg6[%get3A_132, %get3A_133] {strides = array<i32>} : memref<120x128xi32, #tpu.memory_space<vmem>>, vector<16xi32>,
        %gather3A_135 = tpu.vector_load_idx %arg9[%get3A_134] : memref<128xf32, #tpu.memory_space<vmem>>[vector<16xi32>], vector<16xf32>,
        %swap3A_136 = arith.constant 32 : index
        %swap3A_137 = tpu.vector_load %arg10[%swap3A_136] {strides = array<i32>} : memref<128xf32, #tpu.memory_space<vmem>>, vector<16xf32>,
        tpu.vector_store %arg10[%swap3A_136], %gather3A_135 {strides = array<i32>} : memref<128xf32, #tpu.memory_space<vmem>>, vector<16xf32>,
        %add3A_138 = arith.constant 2 : i32
        %add3A_139 = arith.addi %mul3A_102, %add3A_138 : i32
        %get3A_140 = arith.index_cast %add3A_139 : i32 to index
        %get3A_141 = arith.constant 48 : index
        %get3A_142 = tpu.vector_load %arg6[%get3A_140, %get3A_141] {strides = array<i32>} : memref<120x128xi32, #tpu.memory_space<vmem>>, vector<16xi32>,
        %gather3A_143 = tpu.vector_load_idx %arg9[%get3A_142] : memref<128xf32, #tpu.memory_space<vmem>>[vector<16xi32>], vector<16xf32>,
        %swap3A_144 = arith.constant 48 : index
        %swap3A_145 = tpu.vector_load %arg10[%swap3A_144] {strides = array<i32>} : memref<128xf32, #tpu.memory_space<vmem>>, vector<16xf32>,
        tpu.vector_store %arg10[%swap3A_144], %gather3A_143 {strides = array<i32>} : memref<128xf32, #tpu.memory_space<vmem>>, vector<16xf32>,
        %add3A_146 = arith.constant 2 : i32
        %add3A_147 = arith.addi %mul3A_102, %add3A_146 : i32
        %get3A_148 = arith.index_cast %add3A_147 : i32 to index
        %get3A_149 = arith.constant 64 : index
        %get3A_150 = tpu.vector_load %arg6[%get3A_148, %get3A_149] {strides = array<i32>} : memref<120x128xi32, #tpu.memory_space<vmem>>, vector<16xi32>,
        %gather3A_151 = tpu.vector_load_idx %arg9[%get3A_150] : memref<128xf32, #tpu.memory_space<vmem>>[vector<16xi32>], vector<16xf32>,
        %swap3A_152 = arith.constant 64 : index
        %swap3A_153 = tpu.vector_load %arg10[%swap3A_152] {strides = array<i32>} : memref<128xf32, #tpu.memory_space<vmem>>, vector<16xf32>,
        tpu.vector_store %arg10[%swap3A_152], %gather3A_151 {strides = array<i32>} : memref<128xf32, #tpu.memory_space<vmem>>, vector<16xf32>,
        %add3A_154 = arith.constant 2 : i32
        %add3A_155 = arith.addi %mul3A_102, %add3A_154 : i32
        %get3A_156 = arith.index_cast %add3A_155 : i32 to index
        %get3A_157 = arith.constant 80 : index
        %get3A_158 = tpu.vector_load %arg6[%get3A_156, %get3A_157] {strides = array<i32>} : memref<120x128xi32, #tpu.memory_space<vmem>>, vector<16xi32>,
        %gather3A_159 = tpu.vector_load_idx %arg9[%get3A_158] : memref<128xf32, #tpu.memory_space<vmem>>[vector<16xi32>], vector<16xf32>,
        %swap3A_160 = arith.constant 80 : index
        %swap3A_161 = tpu.vector_load %arg10[%swap3A_160] {strides = array<i32>} : memref<128xf32, #tpu.memory_space<vmem>>, vector<16xf32>,
        tpu.vector_store %arg10[%swap3A_160], %gather3A_159 {strides = array<i32>} : memref<128xf32, #tpu.memory_space<vmem>>, vector<16xf32>,
        %add3A_162 = arith.constant 2 : i32
        %add3A_163 = arith.addi %mul3A_102, %add3A_162 : i32
        %get3A_164 = arith.index_cast %add3A_163 : i32 to index
        %get3A_165 = arith.constant 96 : index
        %get3A_166 = tpu.vector_load %arg6[%get3A_164, %get3A_165] {strides = array<i32>} : memref<120x128xi32, #tpu.memory_space<vmem>>, vector<16xi32>,
        %gather3A_167 = tpu.vector_load_idx %arg9[%get3A_166] : memref<128xf32, #tpu.memory_space<vmem>>[vector<16xi32>], vector<16xf32>,
        %swap3A_168 = arith.constant 96 : index
        %swap3A_169 = tpu.vector_load %arg10[%swap3A_168] {strides = array<i32>} : memref<128xf32, #tpu.memory_space<vmem>>, vector<16xf32>,
        tpu.vector_store %arg10[%swap3A_168], %gather3A_167 {strides = array<i32>} : memref<128xf32, #tpu.memory_space<vmem>>, vector<16xf32>,
        %add3A_170 = arith.constant 2 : i32
        %add3A_171 = arith.addi %mul3A_102, %add3A_170 : i32
        %get3A_172 = arith.index_cast %add3A_171 : i32 to index
        %get3A_173 = arith.constant 112 : index
        %get3A_174 = tpu.vector_load %arg6[%get3A_172, %get3A_173] {strides = array<i32>} : memref<120x128xi32, #tpu.memory_space<vmem>>, vector<16xi32>,
        %gather3A_175 = tpu.vector_load_idx %arg9[%get3A_174] : memref<128xf32, #tpu.memory_space<vmem>>[vector<16xi32>], vector<16xf32>,
        %swap3A_176 = arith.constant 112 : index
        %swap3A_177 = tpu.vector_load %arg10[%swap3A_176] {strides = array<i32>} : memref<128xf32, #tpu.memory_space<vmem>>, vector<16xf32>,
        tpu.vector_store %arg10[%swap3A_176], %gather3A_175 {strides = array<i32>} : memref<128xf32, #tpu.memory_space<vmem>>, vector<16xf32>,
        %scan3A_178 = arith.constant 0 : i32
        %scan3A_179 = arith.constant 0 : i32
        %scan3A_180 = arith.constant 128 : i32
        %scan3A_181 = arith.addi %scan3A_179, %scan3A_180 : i32
        %scan3A_182 = arith.constant 8 : i32
        %scan3A_183 = scf.for %scan3A_187 = %scan3A_179 to %scan3A_181 step %scan3A_182 iter_args(%scan3A_188 = %scan3A_178) -> (i32)  : i32 {
          %broadcast_in_dim3A_189 = arith.constant 0 : i32
          %broadcast_in_dim3A_190 = vector.broadcast %broadcast_in_dim3A_189 : i32 to vector<16xi32>
          %add3A_191 = vector.broadcast %scan3A_187 : i32 to vector<16xi32>
          %add3A_192 = arith.addi %broadcast_in_dim3A_190, %add3A_191 : vector<16xi32>
          %gather3A_193 = tpu.vector_load_idx %arg10[%add3A_192] : memref<128xf32, #tpu.memory_space<vmem>>[vector<16xi32>], vector<16xf32>,
          %get3A_194 = arith.index_cast %scan3A_187 : i32 to index
          %get3A_195 = arith.constant 0 : index
          %get3A_196 = tpu.vector_load %arg8[%get3A_194, %get3A_195] {strides = array<i32>} : memref<128x128xf32, #tpu.memory_space<vmem>>, vector<16xf32>,
          %mul3A_197 = arith.mulf %get3A_196, %gather3A_193 : vector<16xf32>
          %swap3A_198 = arith.index_cast %scan3A_187 : i32 to index
          %swap3A_199 = arith.constant 0 : index
          %swap3A_200 = tpu.vector_load %arg8[%swap3A_198, %swap3A_199] {strides = array<i32>} : memref<128x128xf32, #tpu.memory_space<vmem>>, vector<16xf32>,
          tpu.vector_store %arg8[%swap3A_198, %swap3A_199], %mul3A_197 {strides = array<i32>} : memref<128x128xf32, #tpu.memory_space<vmem>>, vector<16xf32>,
          %get3A_201 = arith.index_cast %scan3A_187 : i32 to index
          %get3A_202 = arith.constant 16 : index
          %get3A_203 = tpu.vector_load %arg8[%get3A_201, %get3A_202] {strides = array<i32>} : memref<128x128xf32, #tpu.memory_space<vmem>>, vector<16xf32>,
          %mul3A_204 = arith.mulf %get3A_203, %gather3A_193 : vector<16xf32>
          %swap3A_205 = arith.index_cast %scan3A_187 : i32 to index
          %swap3A_206 = arith.constant 16 : index
          %swap3A_207 = tpu.vector_load %arg8[%swap3A_205, %swap3A_206] {strides = array<i32>} : memref<128x128xf32, #tpu.memory_space<vmem>>, vector<16xf32>,
          tpu.vector_store %arg8[%swap3A_205, %swap3A_206], %mul3A_204 {strides = array<i32>} : memref<128x128xf32, #tpu.memory_space<vmem>>, vector<16xf32>,
          %get3A_208 = arith.index_cast %scan3A_187 : i32 to index
          %get3A_209 = arith.constant 32 : index
          %get3A_210 = tpu.vector_load %arg8[%get3A_208, %get3A_209] {strides = array<i32>} : memref<128x128xf32, #tpu.memory_space<vmem>>, vector<16xf32>,
          %mul3A_211 = arith.mulf %get3A_210, %gather3A_193 : vector<16xf32>
          %swap3A_212 = arith.index_cast %scan3A_187 : i32 to index
          %swap3A_213 = arith.constant 32 : index
          %swap3A_214 = tpu.vector_load %arg8[%swap3A_212, %swap3A_213] {strides = array<i32>} : memref<128x128xf32, #tpu.memory_space<vmem>>, vector<16xf32>,
          tpu.vector_store %arg8[%swap3A_212, %swap3A_213], %mul3A_211 {strides = array<i32>} : memref<128x128xf32, #tpu.memory_space<vmem>>, vector<16xf32>,
          %get3A_215 = arith.index_cast %scan3A_187 : i32 to index
          %get3A_216 = arith.constant 48 : index
          %get3A_217 = tpu.vector_load %arg8[%get3A_215, %get3A_216] {strides = array<i32>} : memref<128x128xf32, #tpu.memory_space<vmem>>, vector<16xf32>,
          %mul3A_218 = arith.mulf %get3A_217, %gather3A_193 : vector<16xf32>
          %swap3A_219 = arith.index_cast %scan3A_187 : i32 to index
          %swap3A_220 = arith.constant 48 : index
          %swap3A_221 = tpu.vector_load %arg8[%swap3A_219, %swap3A_220] {strides = array<i32>} : memref<128x128xf32, #tpu.memory_space<vmem>>, vector<16xf32>,
          tpu.vector_store %arg8[%swap3A_219, %swap3A_220], %mul3A_218 {strides = array<i32>} : memref<128x128xf32, #tpu.memory_space<vmem>>, vector<16xf32>,
          %get3A_222 = arith.index_cast %scan3A_187 : i32 to index
          %get3A_223 = arith.constant 64 : index
          %get3A_224 = tpu.vector_load %arg8[%get3A_222, %get3A_223] {strides = array<i32>} : memref<128x128xf32, #tpu.memory_space<vmem>>, vector<16xf32>,
          %mul3A_225 = arith.mulf %get3A_224, %gather3A_193 : vector<16xf32>
          %swap3A_226 = arith.index_cast %scan3A_187 : i32 to index
          %swap3A_227 = arith.constant 64 : index
          %swap3A_228 = tpu.vector_load %arg8[%swap3A_226, %swap3A_227] {strides = array<i32>} : memref<128x128xf32, #tpu.memory_space<vmem>>, vector<16xf32>,
          tpu.vector_store %arg8[%swap3A_226, %swap3A_227], %mul3A_225 {strides = array<i32>} : memref<128x128xf32, #tpu.memory_space<vmem>>, vector<16xf32>,
          %get3A_229 = arith.index_cast %scan3A_187 : i32 to index
          %get3A_230 = arith.constant 80 : index
          %get3A_231 = tpu.vector_load %arg8[%get3A_229, %get3A_230] {strides = array<i32>} : memref<128x128xf32, #tpu.memory_space<vmem>>, vector<16xf32>,
          %mul3A_232 = arith.mulf %get3A_231, %gather3A_193 : vector<16xf32>
          %swap3A_233 = arith.index_cast %scan3A_187 : i32 to index
          %swap3A_234 = arith.constant 80 : index
          %swap3A_235 = tpu.vector_load %arg8[%swap3A_233, %swap3A_234] {strides = array<i32>} : memref<128x128xf32, #tpu.memory_space<vmem>>, vector<16xf32>,
          tpu.vector_store %arg8[%swap3A_233, %swap3A_234], %mul3A_232 {strides = array<i32>} : memref<128x128xf32, #tpu.memory_space<vmem>>, vector<16xf32>,
          %get3A_236 = arith.index_cast %scan3A_187 : i32 to index
          %get3A_237 = arith.constant 96 : index
          %get3A_238 = tpu.vector_load %arg8[%get3A_236, %get3A_237] {strides = array<i32>} : memref<128x128xf32, #tpu.memory_space<vmem>>, vector<16xf32>,
          %mul3A_239 = arith.mulf %get3A_238, %gather3A_193 : vector<16xf32>
          %swap3A_240 = arith.index_cast %scan3A_187 : i32 to index
          %swap3A_241 = arith.constant 96 : index
          %swap3A_242 = tpu.vector_load %arg8[%swap3A_240, %swap3A_241] {strides = array<i32>} : memref<128x128xf32, #tpu.memory_space<vmem>>, vector<16xf32>,
          tpu.vector_store %arg8[%swap3A_240, %swap3A_241], %mul3A_239 {strides = array<i32>} : memref<128x128xf32, #tpu.memory_space<vmem>>, vector<16xf32>,
          %get3A_243 = arith.index_cast %scan3A_187 : i32 to index
          %get3A_244 = arith.constant 112 : index
          %get3A_245 = tpu.vector_load %arg8[%get3A_243, %get3A_244] {strides = array<i32>} : memref<128x128xf32, #tpu.memory_space<vmem>>, vector<16xf32>,
          %mul3A_246 = arith.mulf %get3A_245, %gather3A_193 : vector<16xf32>
          %swap3A_247 = arith.index_cast %scan3A_187 : i32 to index
          %swap3A_248 = arith.constant 112 : index
          %swap3A_249 = tpu.vector_load %arg8[%swap3A_247, %swap3A_248] {strides = array<i32>} : memref<128x128xf32, #tpu.memory_space<vmem>>, vector<16xf32>,
          tpu.vector_store %arg8[%swap3A_247, %swap3A_248], %mul3A_246 {strides = array<i32>} : memref<128x128xf32, #tpu.memory_space<vmem>>, vector<16xf32>,
          %scan3A_250 = arith.constant 0 : i32
          %scan3A_251 = arith.constant 1 : i32
          %scan3A_252 = arith.addi %scan3A_187, %scan3A_251 : i32
          %broadcast_in_dim3A_253 = arith.constant 0 : i32
          %broadcast_in_dim3A_254 = vector.broadcast %broadcast_in_dim3A_253 : i32 to vector<16xi32>
          %add3A_255 = vector.broadcast %scan3A_252 : i32 to vector<16xi32>
          %add3A_256 = arith.addi %broadcast_in_dim3A_254, %add3A_255 : vector<16xi32>
          %gather3A_257 = tpu.vector_load_idx %arg10[%add3A_256] : memref<128xf32, #tpu.memory_space<vmem>>[vector<16xi32>], vector<16xf32>,
          %get3A_258 = arith.index_cast %scan3A_252 : i32 to index
          %get3A_259 = arith.constant 0 : index
          %get3A_260 = tpu.vector_load %arg8[%get3A_258, %get3A_259] {strides = array<i32>} : memref<128x128xf32, #tpu.memory_space<vmem>>, vector<16xf32>,
          %mul3A_261 = arith.mulf %get3A_260, %gather3A_257 : vector<16xf32>
          %swap3A_262 = arith.index_cast %scan3A_252 : i32 to index
          %swap3A_263 = arith.constant 0 : index
          %swap3A_264 = tpu.vector_load %arg8[%swap3A_262, %swap3A_263] {strides = array<i32>} : memref<128x128xf32, #tpu.memory_space<vmem>>, vector<16xf32>,
          tpu.vector_store %arg8[%swap3A_262, %swap3A_263], %mul3A_261 {strides = array<i32>} : memref<128x128xf32, #tpu.memory_space<vmem>>, vector<16xf32>,
          %get3A_265 = arith.index_cast %scan3A_252 : i32 to index
          %get3A_266 = arith.constant 16 : index
          %get3A_267 = tpu.vector_load %arg8[%get3A_265, %get3A_266] {strides = array<i32>} : memref<128x128xf32, #tpu.memory_space<vmem>>, vector<16xf32>,
          %mul3A_268 = arith.mulf %get3A_267, %gather3A_257 : vector<16xf32>
          %swap3A_269 = arith.index_cast %scan3A_252 : i32 to index
          %swap3A_270 = arith.constant 16 : index
          %swap3A_271 = tpu.vector_load %arg8[%swap3A_269, %swap3A_270] {strides = array<i32>} : memref<128x128xf32, #tpu.memory_space<vmem>>, vector<16xf32>,
          tpu.vector_store %arg8[%swap3A_269, %swap3A_270], %mul3A_268 {strides = array<i32>} : memref<128x128xf32, #tpu.memory_space<vmem>>, vector<16xf32>,
          %get3A_272 = arith.index_cast %scan3A_252 : i32 to index
          %get3A_273 = arith.constant 32 : index
          %get3A_274 = tpu.vector_load %arg8[%get3A_272, %get3A_273] {strides = array<i32>} : memref<128x128xf32, #tpu.memory_space<vmem>>, vector<16xf32>,
          %mul3A_275 = arith.mulf %get3A_274, %gather3A_257 : vector<16xf32>
          %swap3A_276 = arith.index_cast %scan3A_252 : i32 to index
          %swap3A_277 = arith.constant 32 : index
          %swap3A_278 = tpu.vector_load %arg8[%swap3A_276, %swap3A_277] {strides = array<i32>} : memref<128x128xf32, #tpu.memory_space<vmem>>, vector<16xf32>,
          tpu.vector_store %arg8[%swap3A_276, %swap3A_277], %mul3A_275 {strides = array<i32>} : memref<128x128xf32, #tpu.memory_space<vmem>>, vector<16xf32>,
          %get3A_279 = arith.index_cast %scan3A_252 : i32 to index
          %get3A_280 = arith.constant 48 : index
          %get3A_281 = tpu.vector_load %arg8[%get3A_279, %get3A_280] {strides = array<i32>} : memref<128x128xf32, #tpu.memory_space<vmem>>, vector<16xf32>,
          %mul3A_282 = arith.mulf %get3A_281, %gather3A_257 : vector<16xf32>
          %swap3A_283 = arith.index_cast %scan3A_252 : i32 to index
          %swap3A_284 = arith.constant 48 : index
          %swap3A_285 = tpu.vector_load %arg8[%swap3A_283, %swap3A_284] {strides = array<i32>} : memref<128x128xf32, #tpu.memory_space<vmem>>, vector<16xf32>,
          tpu.vector_store %arg8[%swap3A_283, %swap3A_284], %mul3A_282 {strides = array<i32>} : memref<128x128xf32, #tpu.memory_space<vmem>>, vector<16xf32>,
          %get3A_286 = arith.index_cast %scan3A_252 : i32 to index
          %get3A_287 = arith.constant 64 : index
          %get3A_288 = tpu.vector_load %arg8[%get3A_286, %get3A_287] {strides = array<i32>} : memref<128x128xf32, #tpu.memory_space<vmem>>, vector<16xf32>,
          %mul3A_289 = arith.mulf %get3A_288, %gather3A_257 : vector<16xf32>
          %swap3A_290 = arith.index_cast %scan3A_252 : i32 to index
          %swap3A_291 = arith.constant 64 : index
          %swap3A_292 = tpu.vector_load %arg8[%swap3A_290, %swap3A_291] {strides = array<i32>} : memref<128x128xf32, #tpu.memory_space<vmem>>, vector<16xf32>,
          tpu.vector_store %arg8[%swap3A_290, %swap3A_291], %mul3A_289 {strides = array<i32>} : memref<128x128xf32, #tpu.memory_space<vmem>>, vector<16xf32>,
          %get3A_293 = arith.index_cast %scan3A_252 : i32 to index
          %get3A_294 = arith.constant 80 : index
          %get3A_295 = tpu.vector_load %arg8[%get3A_293, %get3A_294] {strides = array<i32>} : memref<128x128xf32, #tpu.memory_space<vmem>>, vector<16xf32>,
          %mul3A_296 = arith.mulf %get3A_295, %gather3A_257 : vector<16xf32>
          %swap3A_297 = arith.index_cast %scan3A_252 : i32 to index
          %swap3A_298 = arith.constant 80 : index
          %swap3A_299 = tpu.vector_load %arg8[%swap3A_297, %swap3A_298] {strides = array<i32>} : memref<128x128xf32, #tpu.memory_space<vmem>>, vector<16xf32>,
          tpu.vector_store %arg8[%swap3A_297, %swap3A_298], %mul3A_296 {strides = array<i32>} : memref<128x128xf32, #tpu.memory_space<vmem>>, vector<16xf32>,
          %get3A_300 = arith.index_cast %scan3A_252 : i32 to index
          %get3A_301 = arith.constant 96 : index
          %get3A_302 = tpu.vector_load %arg8[%get3A_300, %get3A_301] {strides = array<i32>} : memref<128x128xf32, #tpu.memory_space<vmem>>, vector<16xf32>,
          %mul3A_303 = arith.mulf %get3A_302, %gather3A_257 : vector<16xf32>
          %swap3A_304 = arith.index_cast %scan3A_252 : i32 to index
          %swap3A_305 = arith.constant 96 : index
          %swap3A_306 = tpu.vector_load %arg8[%swap3A_304, %swap3A_305] {strides = array<i32>} : memref<128x128xf32, #tpu.memory_space<vmem>>, vector<16xf32>,
          tpu.vector_store %arg8[%swap3A_304, %swap3A_305], %mul3A_303 {strides = array<i32>} : memref<128x128xf32, #tpu.memory_space<vmem>>, vector<16xf32>,
          %get3A_307 = arith.index_cast %scan3A_252 : i32 to index
          %get3A_308 = arith.constant 112 : index
          %get3A_309 = tpu.vector_load %arg8[%get3A_307, %get3A_308] {strides = array<i32>} : memref<128x128xf32, #tpu.memory_space<vmem>>, vector<16xf32>,
          %mul3A_310 = arith.mulf %get3A_309, %gather3A_257 : vector<16xf32>
          %swap3A_311 = arith.index_cast %scan3A_252 : i32 to index
          %swap3A_312 = arith.constant 112 : index
          %swap3A_313 = tpu.vector_load %arg8[%swap3A_311, %swap3A_312] {strides = array<i32>} : memref<128x128xf32, #tpu.memory_space<vmem>>, vector<16xf32>,
          tpu.vector_store %arg8[%swap3A_311, %swap3A_312], %mul3A_310 {strides = array<i32>} : memref<128x128xf32, #tpu.memory_space<vmem>>, vector<16xf32>,
          %scan3A_314 = arith.constant 0 : i32
          %scan3A_315 = arith.constant 2 : i32
          %scan3A_316 = arith.addi %scan3A_187, %scan3A_315 : i32
          %broadcast_in_dim3A_317 = arith.constant 0 : i32
          %broadcast_in_dim3A_318 = vector.broadcast %broadcast_in_dim3A_317 : i32 to vector<16xi32>
          %add3A_319 = vector.broadcast %scan3A_316 : i32 to vector<16xi32>
          %add3A_320 = arith.addi %broadcast_in_dim3A_318, %add3A_319 : vector<16xi32>
          %gather3A_321 = tpu.vector_load_idx %arg10[%add3A_320] : memref<128xf32, #tpu.memory_space<vmem>>[vector<16xi32>], vector<16xf32>,
          %get3A_322 = arith.index_cast %scan3A_316 : i32 to index
          %get3A_323 = arith.constant 0 : index
          %get3A_324 = tpu.vector_load %arg8[%get3A_322, %get3A_323] {strides = array<i32>} : memref<128x128xf32, #tpu.memory_space<vmem>>, vector<16xf32>,
          %mul3A_325 = arith.mulf %get3A_324, %gather3A_321 : vector<16xf32>
          %swap3A_326 = arith.index_cast %scan3A_316 : i32 to index
          %swap3A_327 = arith.constant 0 : index
          %swap3A_328 = tpu.vector_load %arg8[%swap3A_326, %swap3A_327] {strides = array<i32>} : memref<128x128xf32, #tpu.memory_space<vmem>>, vector<16xf32>,
          tpu.vector_store %arg8[%swap3A_326, %swap3A_327], %mul3A_325 {strides = array<i32>} : memref<128x128xf32, #tpu.memory_space<vmem>>, vector<16xf32>,
          %get3A_329 = arith.index_cast %scan3A_316 : i32 to index
          %get3A_330 = arith.constant 16 : index
          %get3A_331 = tpu.vector_load %arg8[%get3A_329, %get3A_330] {strides = array<i32>} : memref<128x128xf32, #tpu.memory_space<vmem>>, vector<16xf32>,
          %mul3A_332 = arith.mulf %get3A_331, %gather3A_321 : vector<16xf32>
          %swap3A_333 = arith.index_cast %scan3A_316 : i32 to index
          %swap3A_334 = arith.constant 16 : index
          %swap3A_335 = tpu.vector_load %arg8[%swap3A_333, %swap3A_334] {strides = array<i32>} : memref<128x128xf32, #tpu.memory_space<vmem>>, vector<16xf32>,
          tpu.vector_store %arg8[%swap3A_333, %swap3A_334], %mul3A_332 {strides = array<i32>} : memref<128x128xf32, #tpu.memory_space<vmem>>, vector<16xf32>,
          %get3A_336 = arith.index_cast %scan3A_316 : i32 to index
          %get3A_337 = arith.constant 32 : index
          %get3A_338 = tpu.vector_load %arg8[%get3A_336, %get3A_337] {strides = array<i32>} : memref<128x128xf32, #tpu.memory_space<vmem>>, vector<16xf32>,
          %mul3A_339 = arith.mulf %get3A_338, %gather3A_321 : vector<16xf32>
          %swap3A_340 = arith.index_cast %scan3A_316 : i32 to index
          %swap3A_341 = arith.constant 32 : index
          %swap3A_342 = tpu.vector_load %arg8[%swap3A_340, %swap3A_341] {strides = array<i32>} : memref<128x128xf32, #tpu.memory_space<vmem>>, vector<16xf32>,
          tpu.vector_store %arg8[%swap3A_340, %swap3A_341], %mul3A_339 {strides = array<i32>} : memref<128x128xf32, #tpu.memory_space<vmem>>, vector<16xf32>,
          %get3A_343 = arith.index_cast %scan3A_316 : i32 to index
          %get3A_344 = arith.constant 48 : index
          %get3A_345 = tpu.vector_load %arg8[%get3A_343, %get3A_344] {strides = array<i32>} : memref<128x128xf32, #tpu.memory_space<vmem>>, vector<16xf32>,
          %mul3A_346 = arith.mulf %get3A_345, %gather3A_321 : vector<16xf32>
          %swap3A_347 = arith.index_cast %scan3A_316 : i32 to index
          %swap3A_348 = arith.constant 48 : index
          %swap3A_349 = tpu.vector_load %arg8[%swap3A_347, %swap3A_348] {strides = array<i32>} : memref<128x128xf32, #tpu.memory_space<vmem>>, vector<16xf32>,
          tpu.vector_store %arg8[%swap3A_347, %swap3A_348], %mul3A_346 {strides = array<i32>} : memref<128x128xf32, #tpu.memory_space<vmem>>, vector<16xf32>,
          %get3A_350 = arith.index_cast %scan3A_316 : i32 to index
          %get3A_351 = arith.constant 64 : index
          %get3A_352 = tpu.vector_load %arg8[%get3A_350, %get3A_351] {strides = array<i32>} : memref<128x128xf32, #tpu.memory_space<vmem>>, vector<16xf32>,
          %mul3A_353 = arith.mulf %get3A_352, %gather3A_321 : vector<16xf32>
          %swap3A_354 = arith.index_cast %scan3A_316 : i32 to index
          %swap3A_355 = arith.constant 64 : index
          %swap3A_356 = tpu.vector_load %arg8[%swap3A_354, %swap3A_355] {strides = array<i32>} : memref<128x128xf32, #tpu.memory_space<vmem>>, vector<16xf32>,
          tpu.vector_store %arg8[%swap3A_354, %swap3A_355], %mul3A_353 {strides = array<i32>} : memref<128x128xf32, #tpu.memory_space<vmem>>, vector<16xf32>,
          %get3A_357 = arith.index_cast %scan3A_316 : i32 to index
          %get3A_358 = arith.constant 80 : index
          %get3A_359 = tpu.vector_load %arg8[%get3A_357, %get3A_358] {strides = array<i32>} : memref<128x128xf32, #tpu.memory_space<vmem>>, vector<16xf32>,
          %mul3A_360 = arith.mulf %get3A_359, %gather3A_321 : vector<16xf32>
          %swap3A_361 = arith.index_cast %scan3A_316 : i32 to index
          %swap3A_362 = arith.constant 80 : index
          %swap3A_363 = tpu.vector_load %arg8[%swap3A_361, %swap3A_362] {strides = array<i32>} : memref<128x128xf32, #tpu.memory_space<vmem>>, vector<16xf32>,
          tpu.vector_store %arg8[%swap3A_361, %swap3A_362], %mul3A_360 {strides = array<i32>} : memref<128x128xf32, #tpu.memory_space<vmem>>, vector<16xf32>,
          %get3A_364 = arith.index_cast %scan3A_316 : i32 to index
          %get3A_365 = arith.constant 96 : index
          %get3A_366 = tpu.vector_load %arg8[%get3A_364, %get3A_365] {strides = array<i32>} : memref<128x128xf32, #tpu.memory_space<vmem>>, vector<16xf32>,
          %mul3A_367 = arith.mulf %get3A_366, %gather3A_321 : vector<16xf32>
          %swap3A_368 = arith.index_cast %scan3A_316 : i32 to index
          %swap3A_369 = arith.constant 96 : index
          %swap3A_370 = tpu.vector_load %arg8[%swap3A_368, %swap3A_369] {strides = array<i32>} : memref<128x128xf32, #tpu.memory_space<vmem>>, vector<16xf32>,
          tpu.vector_store %arg8[%swap3A_368, %swap3A_369], %mul3A_367 {strides = array<i32>} : memref<128x128xf32, #tpu.memory_space<vmem>>, vector<16xf32>,
          %get3A_371 = arith.index_cast %scan3A_316 : i32 to index
          %get3A_372 = arith.constant 112 : index
          %get3A_373 = tpu.vector_load %arg8[%get3A_371, %get3A_372] {strides = array<i32>} : memref<128x128xf32, #tpu.memory_space<vmem>>, vector<16xf32>,
          %mul3A_374 = arith.mulf %get3A_373, %gather3A_321 : vector<16xf32>
          %swap3A_375 = arith.index_cast %scan3A_316 : i32 to index
          %swap3A_376 = arith.constant 112 : index
          %swap3A_377 = tpu.vector_load %arg8[%swap3A_375, %swap3A_376] {strides = array<i32>} : memref<128x128xf32, #tpu.memory_space<vmem>>, vector<16xf32>,
          tpu.vector_store %arg8[%swap3A_375, %swap3A_376], %mul3A_374 {strides = array<i32>} : memref<128x128xf32, #tpu.memory_space<vmem>>, vector<16xf32>,
          %scan3A_378 = arith.constant 0 : i32
          %scan3A_379 = arith.constant 3 : i32
          %scan3A_380 = arith.addi %scan3A_187, %scan3A_379 : i32
          %broadcast_in_dim3A_381 = arith.constant 0 : i32
          %broadcast_in_dim3A_382 = vector.broadcast %broadcast_in_dim3A_381 : i32 to vector<16xi32>
          %add3A_383 = vector.broadcast %scan3A_380 : i32 to vector<16xi32>
          %add3A_384 = arith.addi %broadcast_in_dim3A_382, %add3A_383 : vector<16xi32>
          %gather3A_385 = tpu.vector_load_idx %arg10[%add3A_384] : memref<128xf32, #tpu.memory_space<vmem>>[vector<16xi32>], vector<16xf32>,
          %get3A_386 = arith.index_cast %scan3A_380 : i32 to index
          %get3A_387 = arith.constant 0 : index
          %get3A_388 = tpu.vector_load %arg8[%get3A_386, %get3A_387] {strides = array<i32>} : memref<128x128xf32, #tpu.memory_space<vmem>>, vector<16xf32>,
          %mul3A_389 = arith.mulf %get3A_388, %gather3A_385 : vector<16xf32>
          %swap3A_390 = arith.index_cast %scan3A_380 : i32 to index
          %swap3A_391 = arith.constant 0 : index
          %swap3A_392 = tpu.vector_load %arg8[%swap3A_390, %swap3A_391] {strides = array<i32>} : memref<128x128xf32, #tpu.memory_space<vmem>>, vector<16xf32>,
          tpu.vector_store %arg8[%swap3A_390, %swap3A_391], %mul3A_389 {strides = array<i32>} : memref<128x128xf32, #tpu.memory_space<vmem>>, vector<16xf32>,
          %get3A_393 = arith.index_cast %scan3A_380 : i32 to index
          %get3A_394 = arith.constant 16 : index
          %get3A_395 = tpu.vector_load %arg8[%get3A_393, %get3A_394] {strides = array<i32>} : memref<128x128xf32, #tpu.memory_space<vmem>>, vector<16xf32>,
          %mul3A_396 = arith.mulf %get3A_395, %gather3A_385 : vector<16xf32>
          %swap3A_397 = arith.index_cast %scan3A_380 : i32 to index
          %swap3A_398 = arith.constant 16 : index
          %swap3A_399 = tpu.vector_load %arg8[%swap3A_397, %swap3A_398] {strides = array<i32>} : memref<128x128xf32, #tpu.memory_space<vmem>>, vector<16xf32>,
          tpu.vector_store %arg8[%swap3A_397, %swap3A_398], %mul3A_396 {strides = array<i32>} : memref<128x128xf32, #tpu.memory_space<vmem>>, vector<16xf32>,
          %get3A_400 = arith.index_cast %scan3A_380 : i32 to index
          %get3A_401 = arith.constant 32 : index
          %get3A_402 = tpu.vector_load %arg8[%get3A_400, %get3A_401] {strides = array<i32>} : memref<128x128xf32, #tpu.memory_space<vmem>>, vector<16xf32>,
          %mul3A_403 = arith.mulf %get3A_402, %gather3A_385 : vector<16xf32>
          %swap3A_404 = arith.index_cast %scan3A_380 : i32 to index
          %swap3A_405 = arith.constant 32 : index
          %swap3A_406 = tpu.vector_load %arg8[%swap3A_404, %swap3A_405] {strides = array<i32>} : memref<128x128xf32, #tpu.memory_space<vmem>>, vector<16xf32>,
          tpu.vector_store %arg8[%swap3A_404, %swap3A_405], %mul3A_403 {strides = array<i32>} : memref<128x128xf32, #tpu.memory_space<vmem>>, vector<16xf32>,
          %get3A_407 = arith.index_cast %scan3A_380 : i32 to index
          %get3A_408 = arith.constant 48 : index
          %get3A_409 = tpu.vector_load %arg8[%get3A_407, %get3A_408] {strides = array<i32>} : memref<128x128xf32, #tpu.memory_space<vmem>>, vector<16xf32>,
          %mul3A_410 = arith.mulf %get3A_409, %gather3A_385 : vector<16xf32>
          %swap3A_411 = arith.index_cast %scan3A_380 : i32 to index
          %swap3A_412 = arith.constant 48 : index
          %swap3A_413 = tpu.vector_load %arg8[%swap3A_411, %swap3A_412] {strides = array<i32>} : memref<128x128xf32, #tpu.memory_space<vmem>>, vector<16xf32>,
          tpu.vector_store %arg8[%swap3A_411, %swap3A_412], %mul3A_410 {strides = array<i32>} : memref<128x128xf32, #tpu.memory_space<vmem>>, vector<16xf32>,
          %get3A_414 = arith.index_cast %scan3A_380 : i32 to index
          %get3A_415 = arith.constant 64 : index
          %get3A_416 = tpu.vector_load %arg8[%get3A_414, %get3A_415] {strides = array<i32>} : memref<128x128xf32, #tpu.memory_space<vmem>>, vector<16xf32>,
          %mul3A_417 = arith.mulf %get3A_416, %gather3A_385 : vector<16xf32>
          %swap3A_418 = arith.index_cast %scan3A_380 : i32 to index
          %swap3A_419 = arith.constant 64 : index
          %swap3A_420 = tpu.vector_load %arg8[%swap3A_418, %swap3A_419] {strides = array<i32>} : memref<128x128xf32, #tpu.memory_space<vmem>>, vector<16xf32>,
          tpu.vector_store %arg8[%swap3A_418, %swap3A_419], %mul3A_417 {strides = array<i32>} : memref<128x128xf32, #tpu.memory_space<vmem>>, vector<16xf32>,
          %get3A_421 = arith.index_cast %scan3A_380 : i32 to index
          %get3A_422 = arith.constant 80 : index
          %get3A_423 = tpu.vector_load %arg8[%get3A_421, %get3A_422] {strides = array<i32>} : memref<128x128xf32, #tpu.memory_space<vmem>>, vector<16xf32>,
          %mul3A_424 = arith.mulf %get3A_423, %gather3A_385 : vector<16xf32>
          %swap3A_425 = arith.index_cast %scan3A_380 : i32 to index
          %swap3A_426 = arith.constant 80 : index
          %swap3A_427 = tpu.vector_load %arg8[%swap3A_425, %swap3A_426] {strides = array<i32>} : memref<128x128xf32, #tpu.memory_space<vmem>>, vector<16xf32>,
          tpu.vector_store %arg8[%swap3A_425, %swap3A_426], %mul3A_424 {strides = array<i32>} : memref<128x128xf32, #tpu.memory_space<vmem>>, vector<16xf32>,
          %get3A_428 = arith.index_cast %scan3A_380 : i32 to index
          %get3A_429 = arith.constant 96 : index
          %get3A_430 = tpu.vector_load %arg8[%get3A_428, %get3A_429] {strides = array<i32>} : memref<128x128xf32, #tpu.memory_space<vmem>>, vector<16xf32>,
          %mul3A_431 = arith.mulf %get3A_430, %gather3A_385 : vector<16xf32>
          %swap3A_432 = arith.index_cast %scan3A_380 : i32 to index
          %swap3A_433 = arith.constant 96 : index
          %swap3A_434 = tpu.vector_load %arg8[%swap3A_432, %swap3A_433] {strides = array<i32>} : memref<128x128xf32, #tpu.memory_space<vmem>>, vector<16xf32>,
          tpu.vector_store %arg8[%swap3A_432, %swap3A_433], %mul3A_431 {strides = array<i32>} : memref<128x128xf32, #tpu.memory_space<vmem>>, vector<16xf32>,
          %get3A_435 = arith.index_cast %scan3A_380 : i32 to index
          %get3A_436 = arith.constant 112 : index
          %get3A_437 = tpu.vector_load %arg8[%get3A_435, %get3A_436] {strides = array<i32>} : memref<128x128xf32, #tpu.memory_space<vmem>>, vector<16xf32>,
          %mul3A_438 = arith.mulf %get3A_437, %gather3A_385 : vector<16xf32>
          %swap3A_439 = arith.index_cast %scan3A_380 : i32 to index
          %swap3A_440 = arith.constant 112 : index
          %swap3A_441 = tpu.vector_load %arg8[%swap3A_439, %swap3A_440] {strides = array<i32>} : memref<128x128xf32, #tpu.memory_space<vmem>>, vector<16xf32>,
          tpu.vector_store %arg8[%swap3A_439, %swap3A_440], %mul3A_438 {strides = array<i32>} : memref<128x128xf32, #tpu.memory_space<vmem>>, vector<16xf32>,
          %scan3A_442 = arith.constant 0 : i32
          %scan3A_443 = arith.constant 4 : i32
          %scan3A_444 = arith.addi %scan3A_187, %scan3A_443 : i32
          %broadcast_in_dim3A_445 = arith.constant 0 : i32
          %broadcast_in_dim3A_446 = vector.broadcast %broadcast_in_dim3A_445 : i32 to vector<16xi32>
          %add3A_447 = vector.broadcast %scan3A_444 : i32 to vector<16xi32>
          %add3A_448 = arith.addi %broadcast_in_dim3A_446, %add3A_447 : vector<16xi32>
          %gather3A_449 = tpu.vector_load_idx %arg10[%add3A_448] : memref<128xf32, #tpu.memory_space<vmem>>[vector<16xi32>], vector<16xf32>,
          %get3A_450 = arith.index_cast %scan3A_444 : i32 to index
          %get3A_451 = arith.constant 0 : index
          %get3A_452 = tpu.vector_load %arg8[%get3A_450, %get3A_451] {strides = array<i32>} : memref<128x128xf32, #tpu.memory_space<vmem>>, vector<16xf32>,
          %mul3A_453 = arith.mulf %get3A_452, %gather3A_449 : vector<16xf32>
          %swap3A_454 = arith.index_cast %scan3A_444 : i32 to index
          %swap3A_455 = arith.constant 0 : index
          %swap3A_456 = tpu.vector_load %arg8[%swap3A_454, %swap3A_455] {strides = array<i32>} : memref<128x128xf32, #tpu.memory_space<vmem>>, vector<16xf32>,
          tpu.vector_store %arg8[%swap3A_454, %swap3A_455], %mul3A_453 {strides = array<i32>} : memref<128x128xf32, #tpu.memory_space<vmem>>, vector<16xf32>,
          %get3A_457 = arith.index_cast %scan3A_444 : i32 to index
          %get3A_458 = arith.constant 16 : index
          %get3A_459 = tpu.vector_load %arg8[%get3A_457, %get3A_458] {strides = array<i32>} : memref<128x128xf32, #tpu.memory_space<vmem>>, vector<16xf32>,
          %mul3A_460 = arith.mulf %get3A_459, %gather3A_449 : vector<16xf32>
          %swap3A_461 = arith.index_cast %scan3A_444 : i32 to index
          %swap3A_462 = arith.constant 16 : index
          %swap3A_463 = tpu.vector_load %arg8[%swap3A_461, %swap3A_462] {strides = array<i32>} : memref<128x128xf32, #tpu.memory_space<vmem>>, vector<16xf32>,
          tpu.vector_store %arg8[%swap3A_461, %swap3A_462], %mul3A_460 {strides = array<i32>} : memref<128x128xf32, #tpu.memory_space<vmem>>, vector<16xf32>,
          %get3A_464 = arith.index_cast %scan3A_444 : i32 to index
          %get3A_465 = arith.constant 32 : index
          %get3A_466 = tpu.vector_load %arg8[%get3A_464, %get3A_465] {strides = array<i32>} : memref<128x128xf32, #tpu.memory_space<vmem>>, vector<16xf32>,
          %mul3A_467 = arith.mulf %get3A_466, %gather3A_449 : vector<16xf32>
          %swap3A_468 = arith.index_cast %scan3A_444 : i32 to index
          %swap3A_469 = arith.constant 32 : index
          %swap3A_470 = tpu.vector_load %arg8[%swap3A_468, %swap3A_469] {strides = array<i32>} : memref<128x128xf32, #tpu.memory_space<vmem>>, vector<16xf32>,
          tpu.vector_store %arg8[%swap3A_468, %swap3A_469], %mul3A_467 {strides = array<i32>} : memref<128x128xf32, #tpu.memory_space<vmem>>, vector<16xf32>,
          %get3A_471 = arith.index_cast %scan3A_444 : i32 to index
          %get3A_472 = arith.constant 48 : index
          %get3A_473 = tpu.vector_load %arg8[%get3A_471, %get3A_472] {strides = array<i32>} : memref<128x128xf32, #tpu.memory_space<vmem>>, vector<16xf32>,
          %mul3A_474 = arith.mulf %get3A_473, %gather3A_449 : vector<16xf32>
          %swap3A_475 = arith.index_cast %scan3A_444 : i32 to index
          %swap3A_476 = arith.constant 48 : index
          %swap3A_477 = tpu.vector_load %arg8[%swap3A_475, %swap3A_476] {strides = array<i32>} : memref<128x128xf32, #tpu.memory_space<vmem>>, vector<16xf32>,
          tpu.vector_store %arg8[%swap3A_475, %swap3A_476], %mul3A_474 {strides = array<i32>} : memref<128x128xf32, #tpu.memory_space<vmem>>, vector<16xf32>,
          %get3A_478 = arith.index_cast %scan3A_444 : i32 to index
          %get3A_479 = arith.constant 64 : index
          %get3A_480 = tpu.vector_load %arg8[%get3A_478, %get3A_479] {strides = array<i32>} : memref<128x128xf32, #tpu.memory_space<vmem>>, vector<16xf32>,
          %mul3A_481 = arith.mulf %get3A_480, %gather3A_449 : vector<16xf32>
          %swap3A_482 = arith.index_cast %scan3A_444 : i32 to index
          %swap3A_483 = arith.constant 64 : index
          %swap3A_484 = tpu.vector_load %arg8[%swap3A_482, %swap3A_483] {strides = array<i32>} : memref<128x128xf32, #tpu.memory_space<vmem>>, vector<16xf32>,
          tpu.vector_store %arg8[%swap3A_482, %swap3A_483], %mul3A_481 {strides = array<i32>} : memref<128x128xf32, #tpu.memory_space<vmem>>, vector<16xf32>,
          %get3A_485 = arith.index_cast %scan3A_444 : i32 to index
          %get3A_486 = arith.constant 80 : index
          %get3A_487 = tpu.vector_load %arg8[%get3A_485, %get3A_486] {strides = array<i32>} : memref<128x128xf32, #tpu.memory_space<vmem>>, vector<16xf32>,
          %mul3A_488 = arith.mulf %get3A_487, %gather3A_449 : vector<16xf32>
          %swap3A_489 = arith.index_cast %scan3A_444 : i32 to index
          %swap3A_490 = arith.constant 80 : index
          %swap3A_491 = tpu.vector_load %arg8[%swap3A_489, %swap3A_490] {strides = array<i32>} : memref<128x128xf32, #tpu.memory_space<vmem>>, vector<16xf32>,
          tpu.vector_store %arg8[%swap3A_489, %swap3A_490], %mul3A_488 {strides = array<i32>} : memref<128x128xf32, #tpu.memory_space<vmem>>, vector<16xf32>,
          %get3A_492 = arith.index_cast %scan3A_444 : i32 to index
          %get3A_493 = arith.constant 96 : index
          %get3A_494 = tpu.vector_load %arg8[%get3A_492, %get3A_493] {strides = array<i32>} : memref<128x128xf32, #tpu.memory_space<vmem>>, vector<16xf32>,
          %mul3A_495 = arith.mulf %get3A_494, %gather3A_449 : vector<16xf32>
          %swap3A_496 = arith.index_cast %scan3A_444 : i32 to index
          %swap3A_497 = arith.constant 96 : index
          %swap3A_498 = tpu.vector_load %arg8[%swap3A_496, %swap3A_497] {strides = array<i32>} : memref<128x128xf32, #tpu.memory_space<vmem>>, vector<16xf32>,
          tpu.vector_store %arg8[%swap3A_496, %swap3A_497], %mul3A_495 {strides = array<i32>} : memref<128x128xf32, #tpu.memory_space<vmem>>, vector<16xf32>,
          %get3A_499 = arith.index_cast %scan3A_444 : i32 to index
          %get3A_500 = arith.constant 112 : index
          %get3A_501 = tpu.vector_load %arg8[%get3A_499, %get3A_500] {strides = array<i32>} : memref<128x128xf32, #tpu.memory_space<vmem>>, vector<16xf32>,
          %mul3A_502 = arith.mulf %get3A_501, %gather3A_449 : vector<16xf32>
          %swap3A_503 = arith.index_cast %scan3A_444 : i32 to index
          %swap3A_504 = arith.constant 112 : index
          %swap3A_505 = tpu.vector_load %arg8[%swap3A_503, %swap3A_504] {strides = array<i32>} : memref<128x128xf32, #tpu.memory_space<vmem>>, vector<16xf32>,
          tpu.vector_store %arg8[%swap3A_503, %swap3A_504], %mul3A_502 {strides = array<i32>} : memref<128x128xf32, #tpu.memory_space<vmem>>, vector<16xf32>,
          %scan3A_506 = arith.constant 0 : i32
          %scan3A_507 = arith.constant 5 : i32
          %scan3A_508 = arith.addi %scan3A_187, %scan3A_507 : i32
          %broadcast_in_dim3A_509 = arith.constant 0 : i32
          %broadcast_in_dim3A_510 = vector.broadcast %broadcast_in_dim3A_509 : i32 to vector<16xi32>
          %add3A_511 = vector.broadcast %scan3A_508 : i32 to vector<16xi32>
          %add3A_512 = arith.addi %broadcast_in_dim3A_510, %add3A_511 : vector<16xi32>
          %gather3A_513 = tpu.vector_load_idx %arg10[%add3A_512] : memref<128xf32, #tpu.memory_space<vmem>>[vector<16xi32>], vector<16xf32>,
          %get3A_514 = arith.index_cast %scan3A_508 : i32 to index
          %get3A_515 = arith.constant 0 : index
          %get3A_516 = tpu.vector_load %arg8[%get3A_514, %get3A_515] {strides = array<i32>} : memref<128x128xf32, #tpu.memory_space<vmem>>, vector<16xf32>,
          %mul3A_517 = arith.mulf %get3A_516, %gather3A_513 : vector<16xf32>
          %swap3A_518 = arith.index_cast %scan3A_508 : i32 to index
          %swap3A_519 = arith.constant 0 : index
          %swap3A_520 = tpu.vector_load %arg8[%swap3A_518, %swap3A_519] {strides = array<i32>} : memref<128x128xf32, #tpu.memory_space<vmem>>, vector<16xf32>,
          tpu.vector_store %arg8[%swap3A_518, %swap3A_519], %mul3A_517 {strides = array<i32>} : memref<128x128xf32, #tpu.memory_space<vmem>>, vector<16xf32>,
          %get3A_521 = arith.index_cast %scan3A_508 : i32 to index
          %get3A_522 = arith.constant 16 : index
          %get3A_523 = tpu.vector_load %arg8[%get3A_521, %get3A_522] {strides = array<i32>} : memref<128x128xf32, #tpu.memory_space<vmem>>, vector<16xf32>,
          %mul3A_524 = arith.mulf %get3A_523, %gather3A_513 : vector<16xf32>
          %swap3A_525 = arith.index_cast %scan3A_508 : i32 to index
          %swap3A_526 = arith.constant 16 : index
          %swap3A_527 = tpu.vector_load %arg8[%swap3A_525, %swap3A_526] {strides = array<i32>} : memref<128x128xf32, #tpu.memory_space<vmem>>, vector<16xf32>,
          tpu.vector_store %arg8[%swap3A_525, %swap3A_526], %mul3A_524 {strides = array<i32>} : memref<128x128xf32, #tpu.memory_space<vmem>>, vector<16xf32>,
          %get3A_528 = arith.index_cast %scan3A_508 : i32 to index
          %get3A_529 = arith.constant 32 : index
          %get3A_530 = tpu.vector_load %arg8[%get3A_528, %get3A_529] {strides = array<i32>} : memref<128x128xf32, #tpu.memory_space<vmem>>, vector<16xf32>,
          %mul3A_531 = arith.mulf %get3A_530, %gather3A_513 : vector<16xf32>
          %swap3A_532 = arith.index_cast %scan3A_508 : i32 to index
          %swap3A_533 = arith.constant 32 : index
          %swap3A_534 = tpu.vector_load %arg8[%swap3A_532, %swap3A_533] {strides = array<i32>} : memref<128x128xf32, #tpu.memory_space<vmem>>, vector<16xf32>,
          tpu.vector_store %arg8[%swap3A_532, %swap3A_533], %mul3A_531 {strides = array<i32>} : memref<128x128xf32, #tpu.memory_space<vmem>>, vector<16xf32>,
          %get3A_535 = arith.index_cast %scan3A_508 : i32 to index
          %get3A_536 = arith.constant 48 : index
          %get3A_537 = tpu.vector_load %arg8[%get3A_535, %get3A_536] {strides = array<i32>} : memref<128x128xf32, #tpu.memory_space<vmem>>, vector<16xf32>,
          %mul3A_538 = arith.mulf %get3A_537, %gather3A_513 : vector<16xf32>
          %swap3A_539 = arith.index_cast %scan3A_508 : i32 to index
          %swap3A_540 = arith.constant 48 : index
          %swap3A_541 = tpu.vector_load %arg8[%swap3A_539, %swap3A_540] {strides = array<i32>} : memref<128x128xf32, #tpu.memory_space<vmem>>, vector<16xf32>,
          tpu.vector_store %arg8[%swap3A_539, %swap3A_540], %mul3A_538 {strides = array<i32>} : memref<128x128xf32, #tpu.memory_space<vmem>>, vector<16xf32>,
          %get3A_542 = arith.index_cast %scan3A_508 : i32 to index
          %get3A_543 = arith.constant 64 : index
          %get3A_544 = tpu.vector_load %arg8[%get3A_542, %get3A_543] {strides = array<i32>} : memref<128x128xf32, #tpu.memory_space<vmem>>, vector<16xf32>,
          %mul3A_545 = arith.mulf %get3A_544, %gather3A_513 : vector<16xf32>
          %swap3A_546 = arith.index_cast %scan3A_508 : i32 to index
          %swap3A_547 = arith.constant 64 : index
          %swap3A_548 = tpu.vector_load %arg8[%swap3A_546, %swap3A_547] {strides = array<i32>} : memref<128x128xf32, #tpu.memory_space<vmem>>, vector<16xf32>,
          tpu.vector_store %arg8[%swap3A_546, %swap3A_547], %mul3A_545 {strides = array<i32>} : memref<128x128xf32, #tpu.memory_space<vmem>>, vector<16xf32>,
          %get3A_549 = arith.index_cast %scan3A_508 : i32 to index
          %get3A_550 = arith.constant 80 : index
          %get3A_551 = tpu.vector_load %arg8[%get3A_549, %get3A_550] {strides = array<i32>} : memref<128x128xf32, #tpu.memory_space<vmem>>, vector<16xf32>,
          %mul3A_552 = arith.mulf %get3A_551, %gather3A_513 : vector<16xf32>
          %swap3A_553 = arith.index_cast %scan3A_508 : i32 to index
          %swap3A_554 = arith.constant 80 : index
          %swap3A_555 = tpu.vector_load %arg8[%swap3A_553, %swap3A_554] {strides = array<i32>} : memref<128x128xf32, #tpu.memory_space<vmem>>, vector<16xf32>,
          tpu.vector_store %arg8[%swap3A_553, %swap3A_554], %mul3A_552 {strides = array<i32>} : memref<128x128xf32, #tpu.memory_space<vmem>>, vector<16xf32>,
          %get3A_556 = arith.index_cast %scan3A_508 : i32 to index
          %get3A_557 = arith.constant 96 : index
          %get3A_558 = tpu.vector_load %arg8[%get3A_556, %get3A_557] {strides = array<i32>} : memref<128x128xf32, #tpu.memory_space<vmem>>, vector<16xf32>,
          %mul3A_559 = arith.mulf %get3A_558, %gather3A_513 : vector<16xf32>
          %swap3A_560 = arith.index_cast %scan3A_508 : i32 to index
          %swap3A_561 = arith.constant 96 : index
          %swap3A_562 = tpu.vector_load %arg8[%swap3A_560, %swap3A_561] {strides = array<i32>} : memref<128x128xf32, #tpu.memory_space<vmem>>, vector<16xf32>,
          tpu.vector_store %arg8[%swap3A_560, %swap3A_561], %mul3A_559 {strides = array<i32>} : memref<128x128xf32, #tpu.memory_space<vmem>>, vector<16xf32>,
          %get3A_563 = arith.index_cast %scan3A_508 : i32 to index
          %get3A_564 = arith.constant 112 : index
          %get3A_565 = tpu.vector_load %arg8[%get3A_563, %get3A_564] {strides = array<i32>} : memref<128x128xf32, #tpu.memory_space<vmem>>, vector<16xf32>,
          %mul3A_566 = arith.mulf %get3A_565, %gather3A_513 : vector<16xf32>
          %swap3A_567 = arith.index_cast %scan3A_508 : i32 to index
          %swap3A_568 = arith.constant 112 : index
          %swap3A_569 = tpu.vector_load %arg8[%swap3A_567, %swap3A_568] {strides = array<i32>} : memref<128x128xf32, #tpu.memory_space<vmem>>, vector<16xf32>,
          tpu.vector_store %arg8[%swap3A_567, %swap3A_568], %mul3A_566 {strides = array<i32>} : memref<128x128xf32, #tpu.memory_space<vmem>>, vector<16xf32>,
          %scan3A_570 = arith.constant 0 : i32
          %scan3A_571 = arith.constant 6 : i32
          %scan3A_572 = arith.addi %scan3A_187, %scan3A_571 : i32
          %broadcast_in_dim3A_573 = arith.constant 0 : i32
          %broadcast_in_dim3A_574 = vector.broadcast %broadcast_in_dim3A_573 : i32 to vector<16xi32>
          %add3A_575 = vector.broadcast %scan3A_572 : i32 to vector<16xi32>
          %add3A_576 = arith.addi %broadcast_in_dim3A_574, %add3A_575 : vector<16xi32>
          %gather3A_577 = tpu.vector_load_idx %arg10[%add3A_576] : memref<128xf32, #tpu.memory_space<vmem>>[vector<16xi32>], vector<16xf32>,
          %get3A_578 = arith.index_cast %scan3A_572 : i32 to index
          %get3A_579 = arith.constant 0 : index
          %get3A_580 = tpu.vector_load %arg8[%get3A_578, %get3A_579] {strides = array<i32>} : memref<128x128xf32, #tpu.memory_space<vmem>>, vector<16xf32>,
          %mul3A_581 = arith.mulf %get3A_580, %gather3A_577 : vector<16xf32>
          %swap3A_582 = arith.index_cast %scan3A_572 : i32 to index
          %swap3A_583 = arith.constant 0 : index
          %swap3A_584 = tpu.vector_load %arg8[%swap3A_582, %swap3A_583] {strides = array<i32>} : memref<128x128xf32, #tpu.memory_space<vmem>>, vector<16xf32>,
          tpu.vector_store %arg8[%swap3A_582, %swap3A_583], %mul3A_581 {strides = array<i32>} : memref<128x128xf32, #tpu.memory_space<vmem>>, vector<16xf32>,
          %get3A_585 = arith.index_cast %scan3A_572 : i32 to index
          %get3A_586 = arith.constant 16 : index
          %get3A_587 = tpu.vector_load %arg8[%get3A_585, %get3A_586] {strides = array<i32>} : memref<128x128xf32, #tpu.memory_space<vmem>>, vector<16xf32>,
          %mul3A_588 = arith.mulf %get3A_587, %gather3A_577 : vector<16xf32>
          %swap3A_589 = arith.index_cast %scan3A_572 : i32 to index
          %swap3A_590 = arith.constant 16 : index
          %swap3A_591 = tpu.vector_load %arg8[%swap3A_589, %swap3A_590] {strides = array<i32>} : memref<128x128xf32, #tpu.memory_space<vmem>>, vector<16xf32>,
          tpu.vector_store %arg8[%swap3A_589, %swap3A_590], %mul3A_588 {strides = array<i32>} : memref<128x128xf32, #tpu.memory_space<vmem>>, vector<16xf32>,
          %get3A_592 = arith.index_cast %scan3A_572 : i32 to index
          %get3A_593 = arith.constant 32 : index
          %get3A_594 = tpu.vector_load %arg8[%get3A_592, %get3A_593] {strides = array<i32>} : memref<128x128xf32, #tpu.memory_space<vmem>>, vector<16xf32>,
          %mul3A_595 = arith.mulf %get3A_594, %gather3A_577 : vector<16xf32>
          %swap3A_596 = arith.index_cast %scan3A_572 : i32 to index
          %swap3A_597 = arith.constant 32 : index
          %swap3A_598 = tpu.vector_load %arg8[%swap3A_596, %swap3A_597] {strides = array<i32>} : memref<128x128xf32, #tpu.memory_space<vmem>>, vector<16xf32>,
          tpu.vector_store %arg8[%swap3A_596, %swap3A_597], %mul3A_595 {strides = array<i32>} : memref<128x128xf32, #tpu.memory_space<vmem>>, vector<16xf32>,
          %get3A_599 = arith.index_cast %scan3A_572 : i32 to index
          %get3A_600 = arith.constant 48 : index
          %get3A_601 = tpu.vector_load %arg8[%get3A_599, %get3A_600] {strides = array<i32>} : memref<128x128xf32, #tpu.memory_space<vmem>>, vector<16xf32>,
          %mul3A_602 = arith.mulf %get3A_601, %gather3A_577 : vector<16xf32>
          %swap3A_603 = arith.index_cast %scan3A_572 : i32 to index
          %swap3A_604 = arith.constant 48 : index
          %swap3A_605 = tpu.vector_load %arg8[%swap3A_603, %swap3A_604] {strides = array<i32>} : memref<128x128xf32, #tpu.memory_space<vmem>>, vector<16xf32>,
          tpu.vector_store %arg8[%swap3A_603, %swap3A_604], %mul3A_602 {strides = array<i32>} : memref<128x128xf32, #tpu.memory_space<vmem>>, vector<16xf32>,
          %get3A_606 = arith.index_cast %scan3A_572 : i32 to index
          %get3A_607 = arith.constant 64 : index
          %get3A_608 = tpu.vector_load %arg8[%get3A_606, %get3A_607] {strides = array<i32>} : memref<128x128xf32, #tpu.memory_space<vmem>>, vector<16xf32>,
          %mul3A_609 = arith.mulf %get3A_608, %gather3A_577 : vector<16xf32>
          %swap3A_610 = arith.index_cast %scan3A_572 : i32 to index
          %swap3A_611 = arith.constant 64 : index
          %swap3A_612 = tpu.vector_load %arg8[%swap3A_610, %swap3A_611] {strides = array<i32>} : memref<128x128xf32, #tpu.memory_space<vmem>>, vector<16xf32>,
          tpu.vector_store %arg8[%swap3A_610, %swap3A_611], %mul3A_609 {strides = array<i32>} : memref<128x128xf32, #tpu.memory_space<vmem>>, vector<16xf32>,
          %get3A_613 = arith.index_cast %scan3A_572 : i32 to index
          %get3A_614 = arith.constant 80 : index
          %get3A_615 = tpu.vector_load %arg8[%get3A_613, %get3A_614] {strides = array<i32>} : memref<128x128xf32, #tpu.memory_space<vmem>>, vector<16xf32>,
          %mul3A_616 = arith.mulf %get3A_615, %gather3A_577 : vector<16xf32>
          %swap3A_617 = arith.index_cast %scan3A_572 : i32 to index
          %swap3A_618 = arith.constant 80 : index
          %swap3A_619 = tpu.vector_load %arg8[%swap3A_617, %swap3A_618] {strides = array<i32>} : memref<128x128xf32, #tpu.memory_space<vmem>>, vector<16xf32>,
          tpu.vector_store %arg8[%swap3A_617, %swap3A_618], %mul3A_616 {strides = array<i32>} : memref<128x128xf32, #tpu.memory_space<vmem>>, vector<16xf32>,
          %get3A_620 = arith.index_cast %scan3A_572 : i32 to index
          %get3A_621 = arith.constant 96 : index
          %get3A_622 = tpu.vector_load %arg8[%get3A_620, %get3A_621] {strides = array<i32>} : memref<128x128xf32, #tpu.memory_space<vmem>>, vector<16xf32>,
          %mul3A_623 = arith.mulf %get3A_622, %gather3A_577 : vector<16xf32>
          %swap3A_624 = arith.index_cast %scan3A_572 : i32 to index
          %swap3A_625 = arith.constant 96 : index
          %swap3A_626 = tpu.vector_load %arg8[%swap3A_624, %swap3A_625] {strides = array<i32>} : memref<128x128xf32, #tpu.memory_space<vmem>>, vector<16xf32>,
          tpu.vector_store %arg8[%swap3A_624, %swap3A_625], %mul3A_623 {strides = array<i32>} : memref<128x128xf32, #tpu.memory_space<vmem>>, vector<16xf32>,
          %get3A_627 = arith.index_cast %scan3A_572 : i32 to index
          %get3A_628 = arith.constant 112 : index
          %get3A_629 = tpu.vector_load %arg8[%get3A_627, %get3A_628] {strides = array<i32>} : memref<128x128xf32, #tpu.memory_space<vmem>>, vector<16xf32>,
          %mul3A_630 = arith.mulf %get3A_629, %gather3A_577 : vector<16xf32>
          %swap3A_631 = arith.index_cast %scan3A_572 : i32 to index
          %swap3A_632 = arith.constant 112 : index
          %swap3A_633 = tpu.vector_load %arg8[%swap3A_631, %swap3A_632] {strides = array<i32>} : memref<128x128xf32, #tpu.memory_space<vmem>>, vector<16xf32>,
          tpu.vector_store %arg8[%swap3A_631, %swap3A_632], %mul3A_630 {strides = array<i32>} : memref<128x128xf32, #tpu.memory_space<vmem>>, vector<16xf32>,
          %scan3A_634 = arith.constant 0 : i32
          %scan3A_635 = arith.constant 7 : i32
          %scan3A_636 = arith.addi %scan3A_187, %scan3A_635 : i32
          %broadcast_in_dim3A_637 = arith.constant 0 : i32
          %broadcast_in_dim3A_638 = vector.broadcast %broadcast_in_dim3A_637 : i32 to vector<16xi32>
          %add3A_639 = vector.broadcast %scan3A_636 : i32 to vector<16xi32>
          %add3A_640 = arith.addi %broadcast_in_dim3A_638, %add3A_639 : vector<16xi32>
          %gather3A_641 = tpu.vector_load_idx %arg10[%add3A_640] : memref<128xf32, #tpu.memory_space<vmem>>[vector<16xi32>], vector<16xf32>,
          %get3A_642 = arith.index_cast %scan3A_636 : i32 to index
          %get3A_643 = arith.constant 0 : index
          %get3A_644 = tpu.vector_load %arg8[%get3A_642, %get3A_643] {strides = array<i32>} : memref<128x128xf32, #tpu.memory_space<vmem>>, vector<16xf32>,
          %mul3A_645 = arith.mulf %get3A_644, %gather3A_641 : vector<16xf32>
          %swap3A_646 = arith.index_cast %scan3A_636 : i32 to index
          %swap3A_647 = arith.constant 0 : index
          %swap3A_648 = tpu.vector_load %arg8[%swap3A_646, %swap3A_647] {strides = array<i32>} : memref<128x128xf32, #tpu.memory_space<vmem>>, vector<16xf32>,
          tpu.vector_store %arg8[%swap3A_646, %swap3A_647], %mul3A_645 {strides = array<i32>} : memref<128x128xf32, #tpu.memory_space<vmem>>, vector<16xf32>,
          %get3A_649 = arith.index_cast %scan3A_636 : i32 to index
          %get3A_650 = arith.constant 16 : index
          %get3A_651 = tpu.vector_load %arg8[%get3A_649, %get3A_650] {strides = array<i32>} : memref<128x128xf32, #tpu.memory_space<vmem>>, vector<16xf32>,
          %mul3A_652 = arith.mulf %get3A_651, %gather3A_641 : vector<16xf32>
          %swap3A_653 = arith.index_cast %scan3A_636 : i32 to index
          %swap3A_654 = arith.constant 16 : index
          %swap3A_655 = tpu.vector_load %arg8[%swap3A_653, %swap3A_654] {strides = array<i32>} : memref<128x128xf32, #tpu.memory_space<vmem>>, vector<16xf32>,
          tpu.vector_store %arg8[%swap3A_653, %swap3A_654], %mul3A_652 {strides = array<i32>} : memref<128x128xf32, #tpu.memory_space<vmem>>, vector<16xf32>,
          %get3A_656 = arith.index_cast %scan3A_636 : i32 to index
          %get3A_657 = arith.constant 32 : index
          %get3A_658 = tpu.vector_load %arg8[%get3A_656, %get3A_657] {strides = array<i32>} : memref<128x128xf32, #tpu.memory_space<vmem>>, vector<16xf32>,
          %mul3A_659 = arith.mulf %get3A_658, %gather3A_641 : vector<16xf32>
          %swap3A_660 = arith.index_cast %scan3A_636 : i32 to index
          %swap3A_661 = arith.constant 32 : index
          %swap3A_662 = tpu.vector_load %arg8[%swap3A_660, %swap3A_661] {strides = array<i32>} : memref<128x128xf32, #tpu.memory_space<vmem>>, vector<16xf32>,
          tpu.vector_store %arg8[%swap3A_660, %swap3A_661], %mul3A_659 {strides = array<i32>} : memref<128x128xf32, #tpu.memory_space<vmem>>, vector<16xf32>,
          %get3A_663 = arith.index_cast %scan3A_636 : i32 to index
          %get3A_664 = arith.constant 48 : index
          %get3A_665 = tpu.vector_load %arg8[%get3A_663, %get3A_664] {strides = array<i32>} : memref<128x128xf32, #tpu.memory_space<vmem>>, vector<16xf32>,
          %mul3A_666 = arith.mulf %get3A_665, %gather3A_641 : vector<16xf32>
          %swap3A_667 = arith.index_cast %scan3A_636 : i32 to index
          %swap3A_668 = arith.constant 48 : index
          %swap3A_669 = tpu.vector_load %arg8[%swap3A_667, %swap3A_668] {strides = array<i32>} : memref<128x128xf32, #tpu.memory_space<vmem>>, vector<16xf32>,
          tpu.vector_store %arg8[%swap3A_667, %swap3A_668], %mul3A_666 {strides = array<i32>} : memref<128x128xf32, #tpu.memory_space<vmem>>, vector<16xf32>,
          %get3A_670 = arith.index_cast %scan3A_636 : i32 to index
          %get3A_671 = arith.constant 64 : index
          %get3A_672 = tpu.vector_load %arg8[%get3A_670, %get3A_671] {strides = array<i32>} : memref<128x128xf32, #tpu.memory_space<vmem>>, vector<16xf32>,
          %mul3A_673 = arith.mulf %get3A_672, %gather3A_641 : vector<16xf32>
          %swap3A_674 = arith.index_cast %scan3A_636 : i32 to index
          %swap3A_675 = arith.constant 64 : index
          %swap3A_676 = tpu.vector_load %arg8[%swap3A_674, %swap3A_675] {strides = array<i32>} : memref<128x128xf32, #tpu.memory_space<vmem>>, vector<16xf32>,
          tpu.vector_store %arg8[%swap3A_674, %swap3A_675], %mul3A_673 {strides = array<i32>} : memref<128x128xf32, #tpu.memory_space<vmem>>, vector<16xf32>,
          %get3A_677 = arith.index_cast %scan3A_636 : i32 to index
          %get3A_678 = arith.constant 80 : index
          %get3A_679 = tpu.vector_load %arg8[%get3A_677, %get3A_678] {strides = array<i32>} : memref<128x128xf32, #tpu.memory_space<vmem>>, vector<16xf32>,
          %mul3A_680 = arith.mulf %get3A_679, %gather3A_641 : vector<16xf32>
          %swap3A_681 = arith.index_cast %scan3A_636 : i32 to index
          %swap3A_682 = arith.constant 80 : index
          %swap3A_683 = tpu.vector_load %arg8[%swap3A_681, %swap3A_682] {strides = array<i32>} : memref<128x128xf32, #tpu.memory_space<vmem>>, vector<16xf32>,
          tpu.vector_store %arg8[%swap3A_681, %swap3A_682], %mul3A_680 {strides = array<i32>} : memref<128x128xf32, #tpu.memory_space<vmem>>, vector<16xf32>,
          %get3A_684 = arith.index_cast %scan3A_636 : i32 to index
          %get3A_685 = arith.constant 96 : index
          %get3A_686 = tpu.vector_load %arg8[%get3A_684, %get3A_685] {strides = array<i32>} : memref<128x128xf32, #tpu.memory_space<vmem>>, vector<16xf32>,
          %mul3A_687 = arith.mulf %get3A_686, %gather3A_641 : vector<16xf32>
          %swap3A_688 = arith.index_cast %scan3A_636 : i32 to index
          %swap3A_689 = arith.constant 96 : index
          %swap3A_690 = tpu.vector_load %arg8[%swap3A_688, %swap3A_689] {strides = array<i32>} : memref<128x128xf32, #tpu.memory_space<vmem>>, vector<16xf32>,
          tpu.vector_store %arg8[%swap3A_688, %swap3A_689], %mul3A_687 {strides = array<i32>} : memref<128x128xf32, #tpu.memory_space<vmem>>, vector<16xf32>,
          %get3A_691 = arith.index_cast %scan3A_636 : i32 to index
          %get3A_692 = arith.constant 112 : index
          %get3A_693 = tpu.vector_load %arg8[%get3A_691, %get3A_692] {strides = array<i32>} : memref<128x128xf32, #tpu.memory_space<vmem>>, vector<16xf32>,
          %mul3A_694 = arith.mulf %get3A_693, %gather3A_641 : vector<16xf32>
          %swap3A_695 = arith.index_cast %scan3A_636 : i32 to index
          %swap3A_696 = arith.constant 112 : index
          %swap3A_697 = tpu.vector_load %arg8[%swap3A_695, %swap3A_696] {strides = array<i32>} : memref<128x128xf32, #tpu.memory_space<vmem>>, vector<16xf32>,
          tpu.vector_store %arg8[%swap3A_695, %swap3A_696], %mul3A_694 {strides = array<i32>} : memref<128x128xf32, #tpu.memory_space<vmem>>, vector<16xf32>,
          %scan3A_698 = arith.constant 0 : i32
          scf.yield %scan3A_698 : i32
        }
        %scan3A_184 = arith.constant 128 : i32
        %add3A_185 = arith.constant 1 : i32
        %add3A_186 = arith.addi %mul3A_102, %add3A_185 : i32
        "tpu.region"() ({
          %run_scoped3A = tpu.sem_alloc : memref<!tpu.dma_semaphore, #tpu.memory_space<semaphore_mem>>
          %dma_start3A = arith.constant 0 : i32
          %dma_start3A_187 = tpu.memref_slice %arg6[%add3A_186, %dma_start3A] : memref<120x128xi32, #tpu.memory_space<vmem>> -> memref<1x128xi32, #tpu.memory_space<vmem>>
          %dma_start3A_188 = tpu.memref_squeeze %dma_start3A_187 : memref<1x128xi32, #tpu.memory_space<vmem>> -> memref<128xi32, #tpu.memory_space<vmem>>
          %dma_start3A_189 = arith.constant 0 : i32
          %dma_start3A_190 = arith.constant 0 : i32
          %dma_start3A_191 = tpu.memref_slice %arg11[%dma_start3A_189, %dma_start3A_190] : memref<10240x128xf32, #tpu.memory_space<vmem_shared>> -> memref<10240x128xf32, #tpu.memory_space<vmem_shared>>
          tpu.enqueue_indirect_dma source(%arg8 : memref<128x128xf32, #tpu.memory_space<vmem>>) target(%dma_start3A_191 : memref<10240x128xf32, #tpu.memory_space<vmem_shared>>) offsets(%dma_start3A_188 : memref<128xi32, #tpu.memory_space<vmem>>) semaphore(%run_scoped3A : memref<!tpu.dma_semaphore, #tpu.memory_space<semaphore_mem>>) {add = true}
          %dma_wait3A_192 = arith.constant 0 : i32
          %dma_wait3A_193 = tpu.memref_slice %arg6[%add3A_186, %dma_wait3A_192] : memref<120x128xi32, #tpu.memory_space<vmem>> -> memref<1x128xi32, #tpu.memory_space<vmem>>
          %dma_wait3A_194 = tpu.memref_squeeze %dma_wait3A_193 : memref<1x128xi32, #tpu.memory_space<vmem>> -> memref<128xi32, #tpu.memory_space<vmem>>
          %dma_wait3A_195 = arith.constant 0 : i32
          %dma_wait3A_196 = arith.constant 0 : i32
          %dma_wait3A_197 = tpu.memref_slice %arg11[%dma_wait3A_195, %dma_wait3A_196] : memref<10240x128xf32, #tpu.memory_space<vmem_shared>> -> memref<10240x128xf32, #tpu.memory_space<vmem_shared>>
          tpu.wait_indirect_dma semaphore(%run_scoped3A : memref<!tpu.dma_semaphore, #tpu.memory_space<semaphore_mem>>) src(%arg8 : memref<128x128xf32, #tpu.memory_space<vmem>>) dst(%dma_wait3A_197 : memref<10240x128xf32, #tpu.memory_space<vmem_shared>>)
          tpu.yield
        }) : () -> ()
      } else {
      }
      %scan3A_100 = arith.constant 0 : i32
      scf.yield %scan3A_100 : i32
    }
    %scan3A_52 = arith.constant 20 : i32
    %barrier3A_53 = arith.constant 0 : index
    tpu.barrier barrier_id(%barrier3A_53)
    %mul3A_54 = arith.constant 640 : i32
    %mul3A_55 = arith.muli %arg1, %mul3A_54 : i32
    %add3A_56 = arith.constant 0 : i32
    %add3A_57 = arith.addi %mul3A_55, %add3A_56 : i32
    "tpu.region"() ({
      %run_scoped3A = tpu.sem_alloc : memref<!tpu.dma_semaphore, #tpu.memory_space<semaphore_mem>>
      %dma_start3A = arith.constant 0 : i32
      %dma_start3A_74 = arith.constant 0 : i32
      %dma_start3A_75 = tpu.memref_slice %arg7[%dma_start3A, %dma_start3A_74] : memref<128x128xf32, #tpu.memory_space<vmem>> -> memref<128x128xf32, #tpu.memory_space<vmem>>
      %dma_start3A_76 = arith.constant 0 : i32
      %dma_start3A_77 = tpu.memref_slice %arg11[%add3A_57, %dma_start3A_76] : memref<10240x128xf32, #tpu.memory_space<vmem_shared>> -> memref<128x128xf32, #tpu.memory_space<vmem_shared>>
      %dma_start3A_78 = arith.constant 0 : i32
      %dma_start3A_79 = arith.constant 0 : i32
      %dma_start3A_80 = tpu.memref_slice %arg7[%dma_start3A_78, %dma_start3A_79] : memref<128x128xf32, #tpu.memory_space<vmem>> -> memref<128x128xf32, #tpu.memory_space<vmem>>
      %dma_start3A_81 = arith.constant 0 : i32
      %dma_start3A_82 = tpu.memref_slice %arg11[%add3A_57, %dma_start3A_81] : memref<10240x128xf32, #tpu.memory_space<vmem_shared>> -> memref<128x128xf32, #tpu.memory_space<vmem_shared>>
      tpu.enqueue_dma source(%dma_start3A_82 : memref<128x128xf32, #tpu.memory_space<vmem_shared>>) target(%dma_start3A_80 : memref<128x128xf32, #tpu.memory_space<vmem>>) target_semaphore(%run_scoped3A : memref<!tpu.dma_semaphore, #tpu.memory_space<semaphore_mem>>)
      %dma_wait3A = arith.constant 0 : i32
      %dma_wait3A_83 = arith.constant 0 : i32
      %dma_wait3A_84 = tpu.memref_slice %arg7[%dma_wait3A, %dma_wait3A_83] : memref<128x128xf32, #tpu.memory_space<vmem>> -> memref<128x128xf32, #tpu.memory_space<vmem>>
      %dma_wait3A_85 = arith.constant 0 : i32
      %dma_wait3A_86 = tpu.memref_slice %arg11[%add3A_57, %dma_wait3A_85] : memref<10240x128xf32, #tpu.memory_space<vmem_shared>> -> memref<128x128xf32, #tpu.memory_space<vmem_shared>>
      %dma_wait3A_87 = arith.constant 0 : i32
      %dma_wait3A_88 = arith.constant 0 : i32
      %dma_wait3A_89 = tpu.memref_slice %arg7[%dma_wait3A_87, %dma_wait3A_88] : memref<128x128xf32, #tpu.memory_space<vmem>> -> memref<128x128xf32, #tpu.memory_space<vmem>>
      %dma_wait3A_90 = arith.constant 0 : i32
      %dma_wait3A_91 = tpu.memref_slice %arg11[%add3A_57, %dma_wait3A_90] : memref<10240x128xf32, #tpu.memory_space<vmem_shared>> -> memref<128x128xf32, #tpu.memory_space<vmem_shared>>
      tpu.wait_dma2 semaphore(%run_scoped3A : memref<!tpu.dma_semaphore, #tpu.memory_space<semaphore_mem>>) src(%dma_wait3A_91 : memref<128x128xf32, #tpu.memory_space<vmem_shared>>) dst(%dma_wait3A_89 : memref<128x128xf32, #tpu.memory_space<vmem>>)
      tpu.yield
    }) : () -> ()
    "tpu.region"() ({
      %run_scoped3A = tpu.sem_alloc : memref<!tpu.dma_semaphore, #tpu.memory_space<semaphore_mem>>
      %dma_start3A = arith.constant 0 : i32
      %dma_start3A_74 = arith.constant 0 : i32
      %dma_start3A_75 = tpu.memref_slice %arg7[%dma_start3A, %dma_start3A_74] : memref<128x128xf32, #tpu.memory_space<vmem>> -> memref<128x128xf32, #tpu.memory_space<vmem>>
      %dma_start3A_76 = arith.constant 0 : i32
      %dma_start3A_77 = tpu.memref_slice %arg5[%arg0, %add3A_57, %dma_start3A_76] : memref<2x10240x128xf32, #tpu.memory_space<hbm>> -> memref<1x128x128xf32, #tpu.memory_space<hbm>>
      %dma_start3A_78 = tpu.memref_squeeze %dma_start3A_77 : memref<1x128x128xf32, #tpu.memory_space<hbm>> -> memref<128x128xf32, #tpu.memory_space<hbm>>
      %dma_start3A_79 = arith.constant 0 : i32
      %dma_start3A_80 = tpu.memref_slice %arg5[%arg0, %add3A_57, %dma_start3A_79] : memref<2x10240x128xf32, #tpu.memory_space<hbm>> -> memref<1x128x128xf32, #tpu.memory_space<hbm>>
      %dma_start3A_81 = tpu.memref_squeeze %dma_start3A_80 : memref<1x128x128xf32, #tpu.memory_space<hbm>> -> memref<128x128xf32, #tpu.memory_space<hbm>>
      %dma_start3A_82 = arith.constant 0 : i32
      %dma_start3A_83 = arith.constant 0 : i32
      %dma_start3A_84 = tpu.memref_slice %arg7[%dma_start3A_82, %dma_start3A_83] : memref<128x128xf32, #tpu.memory_space<vmem>> -> memref<128x128xf32, #tpu.memory_space<vmem>>
      tpu.enqueue_dma source(%dma_start3A_84 : memref<128x128xf32, #tpu.memory_space<vmem>>) target(%dma_start3A_81 : memref<128x128xf32, #tpu.memory_space<hbm>>) target_semaphore(%run_scoped3A : memref<!tpu.dma_semaphore, #tpu.memory_space<semaphore_mem>>)
      %dma_wait3A = arith.constant 0 : i32
      %dma_wait3A_85 = arith.constant 0 : i32
      %dma_wait3A_86 = tpu.memref_slice %arg7[%dma_wait3A, %dma_wait3A_85] : memref<128x128xf32, #tpu.memory_space<vmem>> -> memref<128x128xf32, #tpu.memory_space<vmem>>
      %dma_wait3A_87 = arith.constant 0 : i32
      %dma_wait3A_88 = tpu.memref_slice %arg5[%arg0, %add3A_57, %dma_wait3A_87] : memref<2x10240x128xf32, #tpu.memory_space<hbm>> -> memref<1x128x128xf32, #tpu.memory_space<hbm>>
      %dma_wait3A_89 = tpu.memref_squeeze %dma_wait3A_88 : memref<1x128x128xf32, #tpu.memory_space<hbm>> -> memref<128x128xf32, #tpu.memory_space<hbm>>
      %dma_wait3A_90 = arith.constant 0 : i32
      %dma_wait3A_91 = tpu.memref_slice %arg5[%arg0, %add3A_57, %dma_wait3A_90] : memref<2x10240x128xf32, #tpu.memory_space<hbm>> -> memref<1x128x128xf32, #tpu.memory_space<hbm>>
      %dma_wait3A_92 = tpu.memref_squeeze %dma_wait3A_91 : memref<1x128x128xf32, #tpu.memory_space<hbm>> -> memref<128x128xf32, #tpu.memory_space<hbm>>
      %dma_wait3A_93 = arith.constant 0 : i32
      %dma_wait3A_94 = arith.constant 0 : i32
      %dma_wait3A_95 = tpu.memref_slice %arg7[%dma_wait3A_93, %dma_wait3A_94] : memref<128x128xf32, #tpu.memory_space<vmem>> -> memref<128x128xf32, #tpu.memory_space<vmem>>
      tpu.wait_dma2 semaphore(%run_scoped3A : memref<!tpu.dma_semaphore, #tpu.memory_space<semaphore_mem>>) src(%dma_wait3A_95 : memref<128x128xf32, #tpu.memory_space<vmem>>) dst(%dma_wait3A_92 : memref<128x128xf32, #tpu.memory_space<hbm>>)
      tpu.yield
    }) : () -> ()
    %mul3A_58 = arith.constant 640 : i32
    %mul3A_59 = arith.muli %arg1, %mul3A_58 : i32
    %add3A_60 = arith.constant 128 : i32
    %add3A_61 = arith.addi %mul3A_59, %add3A_60 : i32
    "tpu.region"() ({
      %run_scoped3A = tpu.sem_alloc : memref<!tpu.dma_semaphore, #tpu.memory_space<semaphore_mem>>
      %dma_start3A = arith.constant 0 : i32
      %dma_start3A_74 = arith.constant 0 : i32
      %dma_start3A_75 = tpu.memref_slice %arg7[%dma_start3A, %dma_start3A_74] : memref<128x128xf32, #tpu.memory_space<vmem>> -> memref<128x128xf32, #tpu.memory_space<vmem>>
      %dma_start3A_76 = arith.constant 0 : i32
      %dma_start3A_77 = tpu.memref_slice %arg11[%add3A_61, %dma_start3A_76] : memref<10240x128xf32, #tpu.memory_space<vmem_shared>> -> memref<128x128xf32, #tpu.memory_space<vmem_shared>>
      %dma_start3A_78 = arith.constant 0 : i32
      %dma_start3A_79 = arith.constant 0 : i32
      %dma_start3A_80 = tpu.memref_slice %arg7[%dma_start3A_78, %dma_start3A_79] : memref<128x128xf32, #tpu.memory_space<vmem>> -> memref<128x128xf32, #tpu.memory_space<vmem>>
      %dma_start3A_81 = arith.constant 0 : i32
      %dma_start3A_82 = tpu.memref_slice %arg11[%add3A_61, %dma_start3A_81] : memref<10240x128xf32, #tpu.memory_space<vmem_shared>> -> memref<128x128xf32, #tpu.memory_space<vmem_shared>>
      tpu.enqueue_dma source(%dma_start3A_82 : memref<128x128xf32, #tpu.memory_space<vmem_shared>>) target(%dma_start3A_80 : memref<128x128xf32, #tpu.memory_space<vmem>>) target_semaphore(%run_scoped3A : memref<!tpu.dma_semaphore, #tpu.memory_space<semaphore_mem>>)
      %dma_wait3A = arith.constant 0 : i32
      %dma_wait3A_83 = arith.constant 0 : i32
      %dma_wait3A_84 = tpu.memref_slice %arg7[%dma_wait3A, %dma_wait3A_83] : memref<128x128xf32, #tpu.memory_space<vmem>> -> memref<128x128xf32, #tpu.memory_space<vmem>>
      %dma_wait3A_85 = arith.constant 0 : i32
      %dma_wait3A_86 = tpu.memref_slice %arg11[%add3A_61, %dma_wait3A_85] : memref<10240x128xf32, #tpu.memory_space<vmem_shared>> -> memref<128x128xf32, #tpu.memory_space<vmem_shared>>
      %dma_wait3A_87 = arith.constant 0 : i32
      %dma_wait3A_88 = arith.constant 0 : i32
      %dma_wait3A_89 = tpu.memref_slice %arg7[%dma_wait3A_87, %dma_wait3A_88] : memref<128x128xf32, #tpu.memory_space<vmem>> -> memref<128x128xf32, #tpu.memory_space<vmem>>
      %dma_wait3A_90 = arith.constant 0 : i32
      %dma_wait3A_91 = tpu.memref_slice %arg11[%add3A_61, %dma_wait3A_90] : memref<10240x128xf32, #tpu.memory_space<vmem_shared>> -> memref<128x128xf32, #tpu.memory_space<vmem_shared>>
      tpu.wait_dma2 semaphore(%run_scoped3A : memref<!tpu.dma_semaphore, #tpu.memory_space<semaphore_mem>>) src(%dma_wait3A_91 : memref<128x128xf32, #tpu.memory_space<vmem_shared>>) dst(%dma_wait3A_89 : memref<128x128xf32, #tpu.memory_space<vmem>>)
      tpu.yield
    }) : () -> ()
    "tpu.region"() ({
      %run_scoped3A = tpu.sem_alloc : memref<!tpu.dma_semaphore, #tpu.memory_space<semaphore_mem>>
      %dma_start3A = arith.constant 0 : i32
      %dma_start3A_74 = arith.constant 0 : i32
      %dma_start3A_75 = tpu.memref_slice %arg7[%dma_start3A, %dma_start3A_74] : memref<128x128xf32, #tpu.memory_space<vmem>> -> memref<128x128xf32, #tpu.memory_space<vmem>>
      %dma_start3A_76 = arith.constant 0 : i32
      %dma_start3A_77 = tpu.memref_slice %arg5[%arg0, %add3A_61, %dma_start3A_76] : memref<2x10240x128xf32, #tpu.memory_space<hbm>> -> memref<1x128x128xf32, #tpu.memory_space<hbm>>
      %dma_start3A_78 = tpu.memref_squeeze %dma_start3A_77 : memref<1x128x128xf32, #tpu.memory_space<hbm>> -> memref<128x128xf32, #tpu.memory_space<hbm>>
      %dma_start3A_79 = arith.constant 0 : i32
      %dma_start3A_80 = tpu.memref_slice %arg5[%arg0, %add3A_61, %dma_start3A_79] : memref<2x10240x128xf32, #tpu.memory_space<hbm>> -> memref<1x128x128xf32, #tpu.memory_space<hbm>>
      %dma_start3A_81 = tpu.memref_squeeze %dma_start3A_80 : memref<1x128x128xf32, #tpu.memory_space<hbm>> -> memref<128x128xf32, #tpu.memory_space<hbm>>
      %dma_start3A_82 = arith.constant 0 : i32
      %dma_start3A_83 = arith.constant 0 : i32
      %dma_start3A_84 = tpu.memref_slice %arg7[%dma_start3A_82, %dma_start3A_83] : memref<128x128xf32, #tpu.memory_space<vmem>> -> memref<128x128xf32, #tpu.memory_space<vmem>>
      tpu.enqueue_dma source(%dma_start3A_84 : memref<128x128xf32, #tpu.memory_space<vmem>>) target(%dma_start3A_81 : memref<128x128xf32, #tpu.memory_space<hbm>>) target_semaphore(%run_scoped3A : memref<!tpu.dma_semaphore, #tpu.memory_space<semaphore_mem>>)
      %dma_wait3A = arith.constant 0 : i32
      %dma_wait3A_85 = arith.constant 0 : i32
      %dma_wait3A_86 = tpu.memref_slice %arg7[%dma_wait3A, %dma_wait3A_85] : memref<128x128xf32, #tpu.memory_space<vmem>> -> memref<128x128xf32, #tpu.memory_space<vmem>>
      %dma_wait3A_87 = arith.constant 0 : i32
      %dma_wait3A_88 = tpu.memref_slice %arg5[%arg0, %add3A_61, %dma_wait3A_87] : memref<2x10240x128xf32, #tpu.memory_space<hbm>> -> memref<1x128x128xf32, #tpu.memory_space<hbm>>
      %dma_wait3A_89 = tpu.memref_squeeze %dma_wait3A_88 : memref<1x128x128xf32, #tpu.memory_space<hbm>> -> memref<128x128xf32, #tpu.memory_space<hbm>>
      %dma_wait3A_90 = arith.constant 0 : i32
      %dma_wait3A_91 = tpu.memref_slice %arg5[%arg0, %add3A_61, %dma_wait3A_90] : memref<2x10240x128xf32, #tpu.memory_space<hbm>> -> memref<1x128x128xf32, #tpu.memory_space<hbm>>
      %dma_wait3A_92 = tpu.memref_squeeze %dma_wait3A_91 : memref<1x128x128xf32, #tpu.memory_space<hbm>> -> memref<128x128xf32, #tpu.memory_space<hbm>>
      %dma_wait3A_93 = arith.constant 0 : i32
      %dma_wait3A_94 = arith.constant 0 : i32
      %dma_wait3A_95 = tpu.memref_slice %arg7[%dma_wait3A_93, %dma_wait3A_94] : memref<128x128xf32, #tpu.memory_space<vmem>> -> memref<128x128xf32, #tpu.memory_space<vmem>>
      tpu.wait_dma2 semaphore(%run_scoped3A : memref<!tpu.dma_semaphore, #tpu.memory_space<semaphore_mem>>) src(%dma_wait3A_95 : memref<128x128xf32, #tpu.memory_space<vmem>>) dst(%dma_wait3A_92 : memref<128x128xf32, #tpu.memory_space<hbm>>)
      tpu.yield
    }) : () -> ()
    %mul3A_62 = arith.constant 640 : i32
    %mul3A_63 = arith.muli %arg1, %mul3A_62 : i32
    %add3A_64 = arith.constant 256 : i32
    %add3A_65 = arith.addi %mul3A_63, %add3A_64 : i32
    "tpu.region"() ({
      %run_scoped3A = tpu.sem_alloc : memref<!tpu.dma_semaphore, #tpu.memory_space<semaphore_mem>>
      %dma_start3A = arith.constant 0 : i32
      %dma_start3A_74 = arith.constant 0 : i32
      %dma_start3A_75 = tpu.memref_slice %arg7[%dma_start3A, %dma_start3A_74] : memref<128x128xf32, #tpu.memory_space<vmem>> -> memref<128x128xf32, #tpu.memory_space<vmem>>
      %dma_start3A_76 = arith.constant 0 : i32
      %dma_start3A_77 = tpu.memref_slice %arg11[%add3A_65, %dma_start3A_76] : memref<10240x128xf32, #tpu.memory_space<vmem_shared>> -> memref<128x128xf32, #tpu.memory_space<vmem_shared>>
      %dma_start3A_78 = arith.constant 0 : i32
      %dma_start3A_79 = arith.constant 0 : i32
      %dma_start3A_80 = tpu.memref_slice %arg7[%dma_start3A_78, %dma_start3A_79] : memref<128x128xf32, #tpu.memory_space<vmem>> -> memref<128x128xf32, #tpu.memory_space<vmem>>
      %dma_start3A_81 = arith.constant 0 : i32
      %dma_start3A_82 = tpu.memref_slice %arg11[%add3A_65, %dma_start3A_81] : memref<10240x128xf32, #tpu.memory_space<vmem_shared>> -> memref<128x128xf32, #tpu.memory_space<vmem_shared>>
      tpu.enqueue_dma source(%dma_start3A_82 : memref<128x128xf32, #tpu.memory_space<vmem_shared>>) target(%dma_start3A_80 : memref<128x128xf32, #tpu.memory_space<vmem>>) target_semaphore(%run_scoped3A : memref<!tpu.dma_semaphore, #tpu.memory_space<semaphore_mem>>)
      %dma_wait3A = arith.constant 0 : i32
      %dma_wait3A_83 = arith.constant 0 : i32
      %dma_wait3A_84 = tpu.memref_slice %arg7[%dma_wait3A, %dma_wait3A_83] : memref<128x128xf32, #tpu.memory_space<vmem>> -> memref<128x128xf32, #tpu.memory_space<vmem>>
      %dma_wait3A_85 = arith.constant 0 : i32
      %dma_wait3A_86 = tpu.memref_slice %arg11[%add3A_65, %dma_wait3A_85] : memref<10240x128xf32, #tpu.memory_space<vmem_shared>> -> memref<128x128xf32, #tpu.memory_space<vmem_shared>>
      %dma_wait3A_87 = arith.constant 0 : i32
      %dma_wait3A_88 = arith.constant 0 : i32
      %dma_wait3A_89 = tpu.memref_slice %arg7[%dma_wait3A_87, %dma_wait3A_88] : memref<128x128xf32, #tpu.memory_space<vmem>> -> memref<128x128xf32, #tpu.memory_space<vmem>>
      %dma_wait3A_90 = arith.constant 0 : i32
      %dma_wait3A_91 = tpu.memref_slice %arg11[%add3A_65, %dma_wait3A_90] : memref<10240x128xf32, #tpu.memory_space<vmem_shared>> -> memref<128x128xf32, #tpu.memory_space<vmem_shared>>
      tpu.wait_dma2 semaphore(%run_scoped3A : memref<!tpu.dma_semaphore, #tpu.memory_space<semaphore_mem>>) src(%dma_wait3A_91 : memref<128x128xf32, #tpu.memory_space<vmem_shared>>) dst(%dma_wait3A_89 : memref<128x128xf32, #tpu.memory_space<vmem>>)
      tpu.yield
    }) : () -> ()
    "tpu.region"() ({
      %run_scoped3A = tpu.sem_alloc : memref<!tpu.dma_semaphore, #tpu.memory_space<semaphore_mem>>
      %dma_start3A = arith.constant 0 : i32
      %dma_start3A_74 = arith.constant 0 : i32
      %dma_start3A_75 = tpu.memref_slice %arg7[%dma_start3A, %dma_start3A_74] : memref<128x128xf32, #tpu.memory_space<vmem>> -> memref<128x128xf32, #tpu.memory_space<vmem>>
      %dma_start3A_76 = arith.constant 0 : i32
      %dma_start3A_77 = tpu.memref_slice %arg5[%arg0, %add3A_65, %dma_start3A_76] : memref<2x10240x128xf32, #tpu.memory_space<hbm>> -> memref<1x128x128xf32, #tpu.memory_space<hbm>>
      %dma_start3A_78 = tpu.memref_squeeze %dma_start3A_77 : memref<1x128x128xf32, #tpu.memory_space<hbm>> -> memref<128x128xf32, #tpu.memory_space<hbm>>
      %dma_start3A_79 = arith.constant 0 : i32
      %dma_start3A_80 = tpu.memref_slice %arg5[%arg0, %add3A_65, %dma_start3A_79] : memref<2x10240x128xf32, #tpu.memory_space<hbm>> -> memref<1x128x128xf32, #tpu.memory_space<hbm>>
      %dma_start3A_81 = tpu.memref_squeeze %dma_start3A_80 : memref<1x128x128xf32, #tpu.memory_space<hbm>> -> memref<128x128xf32, #tpu.memory_space<hbm>>
      %dma_start3A_82 = arith.constant 0 : i32
      %dma_start3A_83 = arith.constant 0 : i32
      %dma_start3A_84 = tpu.memref_slice %arg7[%dma_start3A_82, %dma_start3A_83] : memref<128x128xf32, #tpu.memory_space<vmem>> -> memref<128x128xf32, #tpu.memory_space<vmem>>
      tpu.enqueue_dma source(%dma_start3A_84 : memref<128x128xf32, #tpu.memory_space<vmem>>) target(%dma_start3A_81 : memref<128x128xf32, #tpu.memory_space<hbm>>) target_semaphore(%run_scoped3A : memref<!tpu.dma_semaphore, #tpu.memory_space<semaphore_mem>>)
      %dma_wait3A = arith.constant 0 : i32
      %dma_wait3A_85 = arith.constant 0 : i32
      %dma_wait3A_86 = tpu.memref_slice %arg7[%dma_wait3A, %dma_wait3A_85] : memref<128x128xf32, #tpu.memory_space<vmem>> -> memref<128x128xf32, #tpu.memory_space<vmem>>
      %dma_wait3A_87 = arith.constant 0 : i32
      %dma_wait3A_88 = tpu.memref_slice %arg5[%arg0, %add3A_65, %dma_wait3A_87] : memref<2x10240x128xf32, #tpu.memory_space<hbm>> -> memref<1x128x128xf32, #tpu.memory_space<hbm>>
      %dma_wait3A_89 = tpu.memref_squeeze %dma_wait3A_88 : memref<1x128x128xf32, #tpu.memory_space<hbm>> -> memref<128x128xf32, #tpu.memory_space<hbm>>
      %dma_wait3A_90 = arith.constant 0 : i32
      %dma_wait3A_91 = tpu.memref_slice %arg5[%arg0, %add3A_65, %dma_wait3A_90] : memref<2x10240x128xf32, #tpu.memory_space<hbm>> -> memref<1x128x128xf32, #tpu.memory_space<hbm>>
      %dma_wait3A_92 = tpu.memref_squeeze %dma_wait3A_91 : memref<1x128x128xf32, #tpu.memory_space<hbm>> -> memref<128x128xf32, #tpu.memory_space<hbm>>
      %dma_wait3A_93 = arith.constant 0 : i32
      %dma_wait3A_94 = arith.constant 0 : i32
      %dma_wait3A_95 = tpu.memref_slice %arg7[%dma_wait3A_93, %dma_wait3A_94] : memref<128x128xf32, #tpu.memory_space<vmem>> -> memref<128x128xf32, #tpu.memory_space<vmem>>
      tpu.wait_dma2 semaphore(%run_scoped3A : memref<!tpu.dma_semaphore, #tpu.memory_space<semaphore_mem>>) src(%dma_wait3A_95 : memref<128x128xf32, #tpu.memory_space<vmem>>) dst(%dma_wait3A_92 : memref<128x128xf32, #tpu.memory_space<hbm>>)
      tpu.yield
    }) : () -> ()
    %mul3A_66 = arith.constant 640 : i32
    %mul3A_67 = arith.muli %arg1, %mul3A_66 : i32
    %add3A_68 = arith.constant 384 : i32
    %add3A_69 = arith.addi %mul3A_67, %add3A_68 : i32
    "tpu.region"() ({
      %run_scoped3A = tpu.sem_alloc : memref<!tpu.dma_semaphore, #tpu.memory_space<semaphore_mem>>
      %dma_start3A = arith.constant 0 : i32
      %dma_start3A_74 = arith.constant 0 : i32
      %dma_start3A_75 = tpu.memref_slice %arg7[%dma_start3A, %dma_start3A_74] : memref<128x128xf32, #tpu.memory_space<vmem>> -> memref<128x128xf32, #tpu.memory_space<vmem>>
      %dma_start3A_76 = arith.constant 0 : i32
      %dma_start3A_77 = tpu.memref_slice %arg11[%add3A_69, %dma_start3A_76] : memref<10240x128xf32, #tpu.memory_space<vmem_shared>> -> memref<128x128xf32, #tpu.memory_space<vmem_shared>>
      %dma_start3A_78 = arith.constant 0 : i32
      %dma_start3A_79 = arith.constant 0 : i32
      %dma_start3A_80 = tpu.memref_slice %arg7[%dma_start3A_78, %dma_start3A_79] : memref<128x128xf32, #tpu.memory_space<vmem>> -> memref<128x128xf32, #tpu.memory_space<vmem>>
      %dma_start3A_81 = arith.constant 0 : i32
      %dma_start3A_82 = tpu.memref_slice %arg11[%add3A_69, %dma_start3A_81] : memref<10240x128xf32, #tpu.memory_space<vmem_shared>> -> memref<128x128xf32, #tpu.memory_space<vmem_shared>>
      tpu.enqueue_dma source(%dma_start3A_82 : memref<128x128xf32, #tpu.memory_space<vmem_shared>>) target(%dma_start3A_80 : memref<128x128xf32, #tpu.memory_space<vmem>>) target_semaphore(%run_scoped3A : memref<!tpu.dma_semaphore, #tpu.memory_space<semaphore_mem>>)
      %dma_wait3A = arith.constant 0 : i32
      %dma_wait3A_83 = arith.constant 0 : i32
      %dma_wait3A_84 = tpu.memref_slice %arg7[%dma_wait3A, %dma_wait3A_83] : memref<128x128xf32, #tpu.memory_space<vmem>> -> memref<128x128xf32, #tpu.memory_space<vmem>>
      %dma_wait3A_85 = arith.constant 0 : i32
      %dma_wait3A_86 = tpu.memref_slice %arg11[%add3A_69, %dma_wait3A_85] : memref<10240x128xf32, #tpu.memory_space<vmem_shared>> -> memref<128x128xf32, #tpu.memory_space<vmem_shared>>
      %dma_wait3A_87 = arith.constant 0 : i32
      %dma_wait3A_88 = arith.constant 0 : i32
      %dma_wait3A_89 = tpu.memref_slice %arg7[%dma_wait3A_87, %dma_wait3A_88] : memref<128x128xf32, #tpu.memory_space<vmem>> -> memref<128x128xf32, #tpu.memory_space<vmem>>
      %dma_wait3A_90 = arith.constant 0 : i32
      %dma_wait3A_91 = tpu.memref_slice %arg11[%add3A_69, %dma_wait3A_90] : memref<10240x128xf32, #tpu.memory_space<vmem_shared>> -> memref<128x128xf32, #tpu.memory_space<vmem_shared>>
      tpu.wait_dma2 semaphore(%run_scoped3A : memref<!tpu.dma_semaphore, #tpu.memory_space<semaphore_mem>>) src(%dma_wait3A_91 : memref<128x128xf32, #tpu.memory_space<vmem_shared>>) dst(%dma_wait3A_89 : memref<128x128xf32, #tpu.memory_space<vmem>>)
      tpu.yield
    }) : () -> ()
    "tpu.region"() ({
      %run_scoped3A = tpu.sem_alloc : memref<!tpu.dma_semaphore, #tpu.memory_space<semaphore_mem>>
      %dma_start3A = arith.constant 0 : i32
      %dma_start3A_74 = arith.constant 0 : i32
      %dma_start3A_75 = tpu.memref_slice %arg7[%dma_start3A, %dma_start3A_74] : memref<128x128xf32, #tpu.memory_space<vmem>> -> memref<128x128xf32, #tpu.memory_space<vmem>>
      %dma_start3A_76 = arith.constant 0 : i32
      %dma_start3A_77 = tpu.memref_slice %arg5[%arg0, %add3A_69, %dma_start3A_76] : memref<2x10240x128xf32, #tpu.memory_space<hbm>> -> memref<1x128x128xf32, #tpu.memory_space<hbm>>
      %dma_start3A_78 = tpu.memref_squeeze %dma_start3A_77 : memref<1x128x128xf32, #tpu.memory_space<hbm>> -> memref<128x128xf32, #tpu.memory_space<hbm>>
      %dma_start3A_79 = arith.constant 0 : i32
      %dma_start3A_80 = tpu.memref_slice %arg5[%arg0, %add3A_69, %dma_start3A_79] : memref<2x10240x128xf32, #tpu.memory_space<hbm>> -> memref<1x128x128xf32, #tpu.memory_space<hbm>>
      %dma_start3A_81 = tpu.memref_squeeze %dma_start3A_80 : memref<1x128x128xf32, #tpu.memory_space<hbm>> -> memref<128x128xf32, #tpu.memory_space<hbm>>
      %dma_start3A_82 = arith.constant 0 : i32
      %dma_start3A_83 = arith.constant 0 : i32
      %dma_start3A_84 = tpu.memref_slice %arg7[%dma_start3A_82, %dma_start3A_83] : memref<128x128xf32, #tpu.memory_space<vmem>> -> memref<128x128xf32, #tpu.memory_space<vmem>>
      tpu.enqueue_dma source(%dma_start3A_84 : memref<128x128xf32, #tpu.memory_space<vmem>>) target(%dma_start3A_81 : memref<128x128xf32, #tpu.memory_space<hbm>>) target_semaphore(%run_scoped3A : memref<!tpu.dma_semaphore, #tpu.memory_space<semaphore_mem>>)
      %dma_wait3A = arith.constant 0 : i32
      %dma_wait3A_85 = arith.constant 0 : i32
      %dma_wait3A_86 = tpu.memref_slice %arg7[%dma_wait3A, %dma_wait3A_85] : memref<128x128xf32, #tpu.memory_space<vmem>> -> memref<128x128xf32, #tpu.memory_space<vmem>>
      %dma_wait3A_87 = arith.constant 0 : i32
      %dma_wait3A_88 = tpu.memref_slice %arg5[%arg0, %add3A_69, %dma_wait3A_87] : memref<2x10240x128xf32, #tpu.memory_space<hbm>> -> memref<1x128x128xf32, #tpu.memory_space<hbm>>
      %dma_wait3A_89 = tpu.memref_squeeze %dma_wait3A_88 : memref<1x128x128xf32, #tpu.memory_space<hbm>> -> memref<128x128xf32, #tpu.memory_space<hbm>>
      %dma_wait3A_90 = arith.constant 0 : i32
      %dma_wait3A_91 = tpu.memref_slice %arg5[%arg0, %add3A_69, %dma_wait3A_90] : memref<2x10240x128xf32, #tpu.memory_space<hbm>> -> memref<1x128x128xf32, #tpu.memory_space<hbm>>
      %dma_wait3A_92 = tpu.memref_squeeze %dma_wait3A_91 : memref<1x128x128xf32, #tpu.memory_space<hbm>> -> memref<128x128xf32, #tpu.memory_space<hbm>>
      %dma_wait3A_93 = arith.constant 0 : i32
      %dma_wait3A_94 = arith.constant 0 : i32
      %dma_wait3A_95 = tpu.memref_slice %arg7[%dma_wait3A_93, %dma_wait3A_94] : memref<128x128xf32, #tpu.memory_space<vmem>> -> memref<128x128xf32, #tpu.memory_space<vmem>>
      tpu.wait_dma2 semaphore(%run_scoped3A : memref<!tpu.dma_semaphore, #tpu.memory_space<semaphore_mem>>) src(%dma_wait3A_95 : memref<128x128xf32, #tpu.memory_space<vmem>>) dst(%dma_wait3A_92 : memref<128x128xf32, #tpu.memory_space<hbm>>)
      tpu.yield
    }) : () -> ()
    %mul3A_70 = arith.constant 640 : i32
    %mul3A_71 = arith.muli %arg1, %mul3A_70 : i32
    %add3A_72 = arith.constant 512 : i32
    %add3A_73 = arith.addi %mul3A_71, %add3A_72 : i32
    "tpu.region"() ({
      %run_scoped3A = tpu.sem_alloc : memref<!tpu.dma_semaphore, #tpu.memory_space<semaphore_mem>>
      %dma_start3A = arith.constant 0 : i32
      %dma_start3A_74 = arith.constant 0 : i32
      %dma_start3A_75 = tpu.memref_slice %arg7[%dma_start3A, %dma_start3A_74] : memref<128x128xf32, #tpu.memory_space<vmem>> -> memref<128x128xf32, #tpu.memory_space<vmem>>
      %dma_start3A_76 = arith.constant 0 : i32
      %dma_start3A_77 = tpu.memref_slice %arg11[%add3A_73, %dma_start3A_76] : memref<10240x128xf32, #tpu.memory_space<vmem_shared>> -> memref<128x128xf32, #tpu.memory_space<vmem_shared>>
      %dma_start3A_78 = arith.constant 0 : i32
      %dma_start3A_79 = arith.constant 0 : i32
      %dma_start3A_80 = tpu.memref_slice %arg7[%dma_start3A_78, %dma_start3A_79] : memref<128x128xf32, #tpu.memory_space<vmem>> -> memref<128x128xf32, #tpu.memory_space<vmem>>
      %dma_start3A_81 = arith.constant 0 : i32
      %dma_start3A_82 = tpu.memref_slice %arg11[%add3A_73, %dma_start3A_81] : memref<10240x128xf32, #tpu.memory_space<vmem_shared>> -> memref<128x128xf32, #tpu.memory_space<vmem_shared>>
      tpu.enqueue_dma source(%dma_start3A_82 : memref<128x128xf32, #tpu.memory_space<vmem_shared>>) target(%dma_start3A_80 : memref<128x128xf32, #tpu.memory_space<vmem>>) target_semaphore(%run_scoped3A : memref<!tpu.dma_semaphore, #tpu.memory_space<semaphore_mem>>)
      %dma_wait3A = arith.constant 0 : i32
      %dma_wait3A_83 = arith.constant 0 : i32
      %dma_wait3A_84 = tpu.memref_slice %arg7[%dma_wait3A, %dma_wait3A_83] : memref<128x128xf32, #tpu.memory_space<vmem>> -> memref<128x128xf32, #tpu.memory_space<vmem>>
      %dma_wait3A_85 = arith.constant 0 : i32
      %dma_wait3A_86 = tpu.memref_slice %arg11[%add3A_73, %dma_wait3A_85] : memref<10240x128xf32, #tpu.memory_space<vmem_shared>> -> memref<128x128xf32, #tpu.memory_space<vmem_shared>>
      %dma_wait3A_87 = arith.constant 0 : i32
      %dma_wait3A_88 = arith.constant 0 : i32
      %dma_wait3A_89 = tpu.memref_slice %arg7[%dma_wait3A_87, %dma_wait3A_88] : memref<128x128xf32, #tpu.memory_space<vmem>> -> memref<128x128xf32, #tpu.memory_space<vmem>>
      %dma_wait3A_90 = arith.constant 0 : i32
      %dma_wait3A_91 = tpu.memref_slice %arg11[%add3A_73, %dma_wait3A_90] : memref<10240x128xf32, #tpu.memory_space<vmem_shared>> -> memref<128x128xf32, #tpu.memory_space<vmem_shared>>
      tpu.wait_dma2 semaphore(%run_scoped3A : memref<!tpu.dma_semaphore, #tpu.memory_space<semaphore_mem>>) src(%dma_wait3A_91 : memref<128x128xf32, #tpu.memory_space<vmem_shared>>) dst(%dma_wait3A_89 : memref<128x128xf32, #tpu.memory_space<vmem>>)
      tpu.yield
    }) : () -> ()
    "tpu.region"() ({
      %run_scoped3A = tpu.sem_alloc : memref<!tpu.dma_semaphore, #tpu.memory_space<semaphore_mem>>
      %dma_start3A = arith.constant 0 : i32
      %dma_start3A_74 = arith.constant 0 : i32
      %dma_start3A_75 = tpu.memref_slice %arg7[%dma_start3A, %dma_start3A_74] : memref<128x128xf32, #tpu.memory_space<vmem>> -> memref<128x128xf32, #tpu.memory_space<vmem>>
      %dma_start3A_76 = arith.constant 0 : i32
      %dma_start3A_77 = tpu.memref_slice %arg5[%arg0, %add3A_73, %dma_start3A_76] : memref<2x10240x128xf32, #tpu.memory_space<hbm>> -> memref<1x128x128xf32, #tpu.memory_space<hbm>>
      %dma_start3A_78 = tpu.memref_squeeze %dma_start3A_77 : memref<1x128x128xf32, #tpu.memory_space<hbm>> -> memref<128x128xf32, #tpu.memory_space<hbm>>
      %dma_start3A_79 = arith.constant 0 : i32
      %dma_start3A_80 = tpu.memref_slice %arg5[%arg0, %add3A_73, %dma_start3A_79] : memref<2x10240x128xf32, #tpu.memory_space<hbm>> -> memref<1x128x128xf32, #tpu.memory_space<hbm>>
      %dma_start3A_81 = tpu.memref_squeeze %dma_start3A_80 : memref<1x128x128xf32, #tpu.memory_space<hbm>> -> memref<128x128xf32, #tpu.memory_space<hbm>>
      %dma_start3A_82 = arith.constant 0 : i32
      %dma_start3A_83 = arith.constant 0 : i32
      %dma_start3A_84 = tpu.memref_slice %arg7[%dma_start3A_82, %dma_start3A_83] : memref<128x128xf32, #tpu.memory_space<vmem>> -> memref<128x128xf32, #tpu.memory_space<vmem>>
      tpu.enqueue_dma source(%dma_start3A_84 : memref<128x128xf32, #tpu.memory_space<vmem>>) target(%dma_start3A_81 : memref<128x128xf32, #tpu.memory_space<hbm>>) target_semaphore(%run_scoped3A : memref<!tpu.dma_semaphore, #tpu.memory_space<semaphore_mem>>)
      %dma_wait3A = arith.constant 0 : i32
      %dma_wait3A_85 = arith.constant 0 : i32
      %dma_wait3A_86 = tpu.memref_slice %arg7[%dma_wait3A, %dma_wait3A_85] : memref<128x128xf32, #tpu.memory_space<vmem>> -> memref<128x128xf32, #tpu.memory_space<vmem>>
      %dma_wait3A_87 = arith.constant 0 : i32
      %dma_wait3A_88 = tpu.memref_slice %arg5[%arg0, %add3A_73, %dma_wait3A_87] : memref<2x10240x128xf32, #tpu.memory_space<hbm>> -> memref<1x128x128xf32, #tpu.memory_space<hbm>>
      %dma_wait3A_89 = tpu.memref_squeeze %dma_wait3A_88 : memref<1x128x128xf32, #tpu.memory_space<hbm>> -> memref<128x128xf32, #tpu.memory_space<hbm>>
      %dma_wait3A_90 = arith.constant 0 : i32
      %dma_wait3A_91 = tpu.memref_slice %arg5[%arg0, %add3A_73, %dma_wait3A_90] : memref<2x10240x128xf32, #tpu.memory_space<hbm>> -> memref<1x128x128xf32, #tpu.memory_space<hbm>>
      %dma_wait3A_92 = tpu.memref_squeeze %dma_wait3A_91 : memref<1x128x128xf32, #tpu.memory_space<hbm>> -> memref<128x128xf32, #tpu.memory_space<hbm>>
      %dma_wait3A_93 = arith.constant 0 : i32
      %dma_wait3A_94 = arith.constant 0 : i32
      %dma_wait3A_95 = tpu.memref_slice %arg7[%dma_wait3A_93, %dma_wait3A_94] : memref<128x128xf32, #tpu.memory_space<vmem>> -> memref<128x128xf32, #tpu.memory_space<vmem>>
      tpu.wait_dma2 semaphore(%run_scoped3A : memref<!tpu.dma_semaphore, #tpu.memory_space<semaphore_mem>>) src(%dma_wait3A_95 : memref<128x128xf32, #tpu.memory_space<vmem>>) dst(%dma_wait3A_92 : memref<128x128xf32, #tpu.memory_space<hbm>>)
      tpu.yield
    }) : () -> ()
    return
  }
}

module attributes {stable_mosaic.version = 14 : i64} {
  func.func @body(%arg0: i32, %arg1: memref<2x1000x128xf32, #tpu.memory_space<vmem>>, %arg2: memref<1x1000x1xi32, #tpu.memory_space<vmem>>, %arg3: memref<1x1x1000xi32, #tpu.memory_space<vmem>>, %arg4: memref<1x64xf32, #tpu.memory_space<vmem>>, %arg5: memref<32x64xf32, #tpu.memory_space<vmem>>, %arg6: memref<32x128x10xf32, #tpu.memory_space<vmem>>, %arg7: memref<1x10xf32, #tpu.memory_space<vmem>>, %arg8: memref<1x10xf32, #tpu.memory_space<vmem>>, %arg9: memref<32x128xf32, #tpu.memory_space<vmem>>) attributes {dimension_semantics = [#tpu.dimension_semantics<arbitrary>], iteration_bounds = array<i64: 10>, scalar_prefetch = 0 : i64, scratch_operands = 1 : i64, tpu.core_type = #tpu.core_type<tc>, window_params = [{transform_indices = @transform_0, window_bounds = array<i64: 2, 1000, 128>}, {transform_indices = @transform_1, window_bounds = array<i64: 1, 1000, 1>}, {transform_indices = @transform_2, window_bounds = array<i64: 1, 1, 1000>}, {pipeline_mode = #tpu.pipeline_mode<synchronous>, transform_indices = @transform_3, window_bounds = array<i64: 1, 64>}, {pipeline_mode = #tpu.pipeline_mode<synchronous>, transform_indices = @transform_4, window_bounds = array<i64: 32, 64>}, {pipeline_mode = #tpu.pipeline_mode<synchronous>, transform_indices = @transform_5, window_bounds = array<i64: 32, 128, 10>}, {pipeline_mode = #tpu.pipeline_mode<synchronous>, transform_indices = @transform_6, window_bounds = array<i64: 1, 10>}, {pipeline_mode = #tpu.pipeline_mode<synchronous>, transform_indices = @transform_7, window_bounds = array<i64: 1, 10>}]} {
    %eq3A = arith.constant 0 : i32
    %eq3A_0 = arith.cmpi eq, %arg0, %eq3A : i32
    %convert_element_type3A = arith.extui %eq3A_0 : i1 to i32
    %cond3A = arith.constant 0 : i32
    %cond3A_1 = arith.cmpi ne, %convert_element_type3A, %cond3A : i32
    scf.if %cond3A_1 {
      %broadcast_in_dim3A_54 = arith.constant 0.000000e+00 : f32
      %broadcast_in_dim3A_55 = vector.broadcast %broadcast_in_dim3A_54 : f32 to vector<32x128xf32>
      %swap3A_56 = arith.constant 0 : index
      %swap3A_57 = arith.constant 0 : index
      %swap3A_58 = vector.load %arg9[%swap3A_56, %swap3A_57] : memref<32x128xf32, #tpu.memory_space<vmem>>, vector<32x128xf32>
      tpu.vector_store %arg9[%swap3A_56, %swap3A_57], %broadcast_in_dim3A_55 {strides = array<i32>} : memref<32x128xf32, #tpu.memory_space<vmem>>, vector<32x128xf32>,
    } else {
    }
    %get3A = arith.constant 0 : index
    %get3A_2 = arith.constant 0 : index
    %get3A_3 = arith.constant 0 : index
    %get3A_4 = vector.load %arg1[%get3A, %get3A_2, %get3A_3] : memref<2x1000x128xf32, #tpu.memory_space<vmem>>, vector<1x1000x128xf32>
    %get3A_5 = vector.shape_cast %get3A_4 : vector<1x1000x128xf32> to vector<1000x128xf32>
    %get3A_6 = arith.constant 1 : index
    %get3A_7 = arith.constant 0 : index
    %get3A_8 = arith.constant 0 : index
    %get3A_9 = vector.load %arg1[%get3A_6, %get3A_7, %get3A_8] : memref<2x1000x128xf32, #tpu.memory_space<vmem>>, vector<1x1000x128xf32>
    %get3A_10 = vector.shape_cast %get3A_9 : vector<1x1000x128xf32> to vector<1000x128xf32>
    %add3A = arith.addf %get3A_5, %get3A_10 : vector<1000x128xf32>
    %get3A_11 = arith.constant 0 : index
    %get3A_12 = arith.constant 0 : index
    %get3A_13 = arith.constant 0 : index
    %get3A_14 = vector.load %arg2[%get3A_11, %get3A_12, %get3A_13] : memref<1x1000x1xi32, #tpu.memory_space<vmem>>, vector<1x1000x1xi32>
    %get3A_15 = vector.shape_cast %get3A_14 : vector<1x1000x1xi32> to vector<1000x1xi32>
    %iota3A = tpu.iota {dimensions = array<i32: 1>} : vector<1000x64xi32>
    %eq3A_16 = vector.broadcast %get3A_15 : vector<1000x1xi32> to vector<1000x64xi32>
    %eq3A_17 = arith.cmpi eq, %iota3A, %eq3A_16 : vector<1000x64xi32>
    %convert_element_type3A_18 = arith.extui %eq3A_17 : vector<1000x64xi1> to vector<1000x64xi32>
    %convert_element_type3A_19 = arith.sitofp %convert_element_type3A_18 : vector<1000x64xi32> to vector<1000x64xf32>
    %get3A_20 = arith.constant 0 : index
    %get3A_21 = arith.constant 0 : index
    %get3A_22 = vector.load %arg4[%get3A_20, %get3A_21] : memref<1x64xf32, #tpu.memory_space<vmem>>, vector<1x64xf32>
    %mul3A = vector.broadcast %get3A_22 : vector<1x64xf32> to vector<1000x64xf32>
    %mul3A_23 = arith.mulf %convert_element_type3A_19, %mul3A : vector<1000x64xf32>
    %reduce_sum3A = arith.constant dense<0.000000e+00> : vector<1000xf32>
    %reduce_sum3A_24 = vector.multi_reduction <add>, %mul3A_23, %reduce_sum3A [1] : vector<1000x64xf32> to vector<1000xf32>
    %broadcast_in_dim3A = vector.shape_cast %reduce_sum3A_24 : vector<1000xf32> to vector<1000x1xf32>
    %add3A_25 = vector.broadcast %broadcast_in_dim3A : vector<1000x1xf32> to vector<1000x128xf32>
    %add3A_26 = arith.addf %add3A, %add3A_25 : vector<1000x128xf32>
    %tanh3A = math.tanh %add3A_26 : vector<1000x128xf32>
    %get3A_27 = arith.constant 0 : index
    %get3A_28 = arith.constant 0 : index
    %get3A_29 = arith.constant 0 : index
    %get3A_30 = vector.load %arg3[%get3A_27, %get3A_28, %get3A_29] : memref<1x1x1000xi32, #tpu.memory_space<vmem>>, vector<1x1x1000xi32>
    %get3A_31 = vector.shape_cast %get3A_30 : vector<1x1x1000xi32> to vector<1x1000xi32>
    %iota3A_32 = tpu.iota {dimensions = array<i32: 0>} : vector<64x1000xi32>
    %eq3A_33 = vector.broadcast %get3A_31 : vector<1x1000xi32> to vector<64x1000xi32>
    %eq3A_34 = arith.cmpi eq, %iota3A_32, %eq3A_33 : vector<64x1000xi32>
    %convert_element_type3A_35 = arith.extui %eq3A_34 : vector<64x1000xi1> to vector<64x1000xi32>
    %convert_element_type3A_36 = arith.sitofp %convert_element_type3A_35 : vector<64x1000xi32> to vector<64x1000xf32>
    %get3A_37 = arith.constant 0 : index
    %get3A_38 = arith.constant 0 : index
    %get3A_39 = vector.load %arg5[%get3A_37, %get3A_38] : memref<32x64xf32, #tpu.memory_space<vmem>>, vector<32x64xf32>
    %dot_general3A = arith.constant dense<0.000000e+00> : vector<32x1000xf32>
    %dot_general3A_40 = tpu.matmul %get3A_39, %convert_element_type3A_36, %dot_general3A {dimension_numbers = #tpu.dot_dimension_numbers<[1], [0], [0], [1], [0, 0, 1, 1], [], []>, transpose_lhs_hint = false} : vector<32x64xf32>, vector<64x1000xf32>, vector<32x1000xf32> -> vector<32x1000xf32>
    %get3A_41 = arith.constant 0 : index
    %get3A_42 = arith.constant 0 : index
    %get3A_43 = vector.load %arg9[%get3A_41, %get3A_42] : memref<32x128xf32, #tpu.memory_space<vmem>>, vector<32x128xf32>
    %dot_general3A_44 = arith.constant dense<0.000000e+00> : vector<32x128xf32>
    %dot_general3A_45 = tpu.matmul %dot_general3A_40, %tanh3A, %dot_general3A_44 {dimension_numbers = #tpu.dot_dimension_numbers<[1], [0], [0], [1], [0, 0, 1, 1], [], []>, transpose_lhs_hint = false} : vector<32x1000xf32>, vector<1000x128xf32>, vector<32x128xf32> -> vector<32x128xf32>
    %add3A_46 = arith.addf %get3A_43, %dot_general3A_45 : vector<32x128xf32>
    %swap3A = arith.constant 0 : index
    %swap3A_47 = arith.constant 0 : index
    %swap3A_48 = vector.load %arg9[%swap3A, %swap3A_47] : memref<32x128xf32, #tpu.memory_space<vmem>>, vector<32x128xf32>
    tpu.vector_store %arg9[%swap3A, %swap3A_47], %add3A_46 {strides = array<i32>} : memref<32x128xf32, #tpu.memory_space<vmem>>, vector<32x128xf32>,
    %eq3A_49 = arith.constant 9 : i32
    %eq3A_50 = arith.cmpi eq, %arg0, %eq3A_49 : i32
    %convert_element_type3A_51 = arith.extui %eq3A_50 : i1 to i32
    %cond3A_52 = arith.constant 0 : i32
    %cond3A_53 = arith.cmpi ne, %convert_element_type3A_51, %cond3A_52 : i32
    scf.if %cond3A_53 {
      %get3A_54 = arith.constant 0 : index
      %get3A_55 = arith.constant 0 : index
      %get3A_56 = vector.load %arg9[%get3A_54, %get3A_55] : memref<32x128xf32, #tpu.memory_space<vmem>>, vector<32x128xf32>
      %tanh3A_57 = math.tanh %get3A_56 : vector<32x128xf32>
      %get3A_58 = arith.constant 0 : index
      %get3A_59 = arith.constant 0 : index
      %get3A_60 = vector.load %arg7[%get3A_58, %get3A_59] : memref<1x10xf32, #tpu.memory_space<vmem>>, vector<1x10xf32>
      %slice3A = vector.extract_strided_slice %tanh3A_57 {offsets = [0, 0], sizes = [1, 128], strides = [1, 1]} : vector<32x128xf32> to vector<1x128xf32>
      %get3A_61 = arith.constant 0 : index
      %get3A_62 = arith.constant 0 : index
      %get3A_63 = arith.constant 0 : index
      %get3A_64 = vector.load %arg6[%get3A_61, %get3A_62, %get3A_63] : memref<32x128x10xf32, #tpu.memory_space<vmem>>, vector<1x128x10xf32>
      %get3A_65 = vector.shape_cast %get3A_64 : vector<1x128x10xf32> to vector<128x10xf32>
      %dot_general3A_66 = arith.constant dense<0.000000e+00> : vector<1x10xf32>
      %dot_general3A_67 = tpu.matmul %slice3A, %get3A_65, %dot_general3A_66 {dimension_numbers = #tpu.dot_dimension_numbers<[1], [0], [0], [1], [0, 0, 1, 1], [], []>, transpose_lhs_hint = false} : vector<1x128xf32>, vector<128x10xf32>, vector<1x10xf32> -> vector<1x10xf32>
      %add3A_68 = arith.addf %get3A_60, %dot_general3A_67 : vector<1x10xf32>
      %slice3A_69 = vector.extract_strided_slice %tanh3A_57 {offsets = [1, 0], sizes = [1, 128], strides = [1, 1]} : vector<32x128xf32> to vector<1x128xf32>
      %get3A_70 = arith.constant 1 : index
      %get3A_71 = arith.constant 0 : index
      %get3A_72 = arith.constant 0 : index
      %get3A_73 = vector.load %arg6[%get3A_70, %get3A_71, %get3A_72] : memref<32x128x10xf32, #tpu.memory_space<vmem>>, vector<1x128x10xf32>
      %get3A_74 = vector.shape_cast %get3A_73 : vector<1x128x10xf32> to vector<128x10xf32>
      %dot_general3A_75 = arith.constant dense<0.000000e+00> : vector<1x10xf32>
      %dot_general3A_76 = tpu.matmul %slice3A_69, %get3A_74, %dot_general3A_75 {dimension_numbers = #tpu.dot_dimension_numbers<[1], [0], [0], [1], [0, 0, 1, 1], [], []>, transpose_lhs_hint = false} : vector<1x128xf32>, vector<128x10xf32>, vector<1x10xf32> -> vector<1x10xf32>
      %add3A_77 = arith.addf %add3A_68, %dot_general3A_76 : vector<1x10xf32>
      %slice3A_78 = vector.extract_strided_slice %tanh3A_57 {offsets = [2, 0], sizes = [1, 128], strides = [1, 1]} : vector<32x128xf32> to vector<1x128xf32>
      %get3A_79 = arith.constant 2 : index
      %get3A_80 = arith.constant 0 : index
      %get3A_81 = arith.constant 0 : index
      %get3A_82 = vector.load %arg6[%get3A_79, %get3A_80, %get3A_81] : memref<32x128x10xf32, #tpu.memory_space<vmem>>, vector<1x128x10xf32>
      %get3A_83 = vector.shape_cast %get3A_82 : vector<1x128x10xf32> to vector<128x10xf32>
      %dot_general3A_84 = arith.constant dense<0.000000e+00> : vector<1x10xf32>
      %dot_general3A_85 = tpu.matmul %slice3A_78, %get3A_83, %dot_general3A_84 {dimension_numbers = #tpu.dot_dimension_numbers<[1], [0], [0], [1], [0, 0, 1, 1], [], []>, transpose_lhs_hint = false} : vector<1x128xf32>, vector<128x10xf32>, vector<1x10xf32> -> vector<1x10xf32>
      %add3A_86 = arith.addf %add3A_77, %dot_general3A_85 : vector<1x10xf32>
      %slice3A_87 = vector.extract_strided_slice %tanh3A_57 {offsets = [3, 0], sizes = [1, 128], strides = [1, 1]} : vector<32x128xf32> to vector<1x128xf32>
      %get3A_88 = arith.constant 3 : index
      %get3A_89 = arith.constant 0 : index
      %get3A_90 = arith.constant 0 : index
      %get3A_91 = vector.load %arg6[%get3A_88, %get3A_89, %get3A_90] : memref<32x128x10xf32, #tpu.memory_space<vmem>>, vector<1x128x10xf32>
      %get3A_92 = vector.shape_cast %get3A_91 : vector<1x128x10xf32> to vector<128x10xf32>
      %dot_general3A_93 = arith.constant dense<0.000000e+00> : vector<1x10xf32>
      %dot_general3A_94 = tpu.matmul %slice3A_87, %get3A_92, %dot_general3A_93 {dimension_numbers = #tpu.dot_dimension_numbers<[1], [0], [0], [1], [0, 0, 1, 1], [], []>, transpose_lhs_hint = false} : vector<1x128xf32>, vector<128x10xf32>, vector<1x10xf32> -> vector<1x10xf32>
      %add3A_95 = arith.addf %add3A_86, %dot_general3A_94 : vector<1x10xf32>
      %slice3A_96 = vector.extract_strided_slice %tanh3A_57 {offsets = [4, 0], sizes = [1, 128], strides = [1, 1]} : vector<32x128xf32> to vector<1x128xf32>
      %get3A_97 = arith.constant 4 : index
      %get3A_98 = arith.constant 0 : index
      %get3A_99 = arith.constant 0 : index
      %get3A_100 = vector.load %arg6[%get3A_97, %get3A_98, %get3A_99] : memref<32x128x10xf32, #tpu.memory_space<vmem>>, vector<1x128x10xf32>
      %get3A_101 = vector.shape_cast %get3A_100 : vector<1x128x10xf32> to vector<128x10xf32>
      %dot_general3A_102 = arith.constant dense<0.000000e+00> : vector<1x10xf32>
      %dot_general3A_103 = tpu.matmul %slice3A_96, %get3A_101, %dot_general3A_102 {dimension_numbers = #tpu.dot_dimension_numbers<[1], [0], [0], [1], [0, 0, 1, 1], [], []>, transpose_lhs_hint = false} : vector<1x128xf32>, vector<128x10xf32>, vector<1x10xf32> -> vector<1x10xf32>
      %add3A_104 = arith.addf %add3A_95, %dot_general3A_103 : vector<1x10xf32>
      %slice3A_105 = vector.extract_strided_slice %tanh3A_57 {offsets = [5, 0], sizes = [1, 128], strides = [1, 1]} : vector<32x128xf32> to vector<1x128xf32>
      %get3A_106 = arith.constant 5 : index
      %get3A_107 = arith.constant 0 : index
      %get3A_108 = arith.constant 0 : index
      %get3A_109 = vector.load %arg6[%get3A_106, %get3A_107, %get3A_108] : memref<32x128x10xf32, #tpu.memory_space<vmem>>, vector<1x128x10xf32>
      %get3A_110 = vector.shape_cast %get3A_109 : vector<1x128x10xf32> to vector<128x10xf32>
      %dot_general3A_111 = arith.constant dense<0.000000e+00> : vector<1x10xf32>
      %dot_general3A_112 = tpu.matmul %slice3A_105, %get3A_110, %dot_general3A_111 {dimension_numbers = #tpu.dot_dimension_numbers<[1], [0], [0], [1], [0, 0, 1, 1], [], []>, transpose_lhs_hint = false} : vector<1x128xf32>, vector<128x10xf32>, vector<1x10xf32> -> vector<1x10xf32>
      %add3A_113 = arith.addf %add3A_104, %dot_general3A_112 : vector<1x10xf32>
      %slice3A_114 = vector.extract_strided_slice %tanh3A_57 {offsets = [6, 0], sizes = [1, 128], strides = [1, 1]} : vector<32x128xf32> to vector<1x128xf32>
      %get3A_115 = arith.constant 6 : index
      %get3A_116 = arith.constant 0 : index
      %get3A_117 = arith.constant 0 : index
      %get3A_118 = vector.load %arg6[%get3A_115, %get3A_116, %get3A_117] : memref<32x128x10xf32, #tpu.memory_space<vmem>>, vector<1x128x10xf32>
      %get3A_119 = vector.shape_cast %get3A_118 : vector<1x128x10xf32> to vector<128x10xf32>
      %dot_general3A_120 = arith.constant dense<0.000000e+00> : vector<1x10xf32>
      %dot_general3A_121 = tpu.matmul %slice3A_114, %get3A_119, %dot_general3A_120 {dimension_numbers = #tpu.dot_dimension_numbers<[1], [0], [0], [1], [0, 0, 1, 1], [], []>, transpose_lhs_hint = false} : vector<1x128xf32>, vector<128x10xf32>, vector<1x10xf32> -> vector<1x10xf32>
      %add3A_122 = arith.addf %add3A_113, %dot_general3A_121 : vector<1x10xf32>
      %slice3A_123 = vector.extract_strided_slice %tanh3A_57 {offsets = [7, 0], sizes = [1, 128], strides = [1, 1]} : vector<32x128xf32> to vector<1x128xf32>
      %get3A_124 = arith.constant 7 : index
      %get3A_125 = arith.constant 0 : index
      %get3A_126 = arith.constant 0 : index
      %get3A_127 = vector.load %arg6[%get3A_124, %get3A_125, %get3A_126] : memref<32x128x10xf32, #tpu.memory_space<vmem>>, vector<1x128x10xf32>
      %get3A_128 = vector.shape_cast %get3A_127 : vector<1x128x10xf32> to vector<128x10xf32>
      %dot_general3A_129 = arith.constant dense<0.000000e+00> : vector<1x10xf32>
      %dot_general3A_130 = tpu.matmul %slice3A_123, %get3A_128, %dot_general3A_129 {dimension_numbers = #tpu.dot_dimension_numbers<[1], [0], [0], [1], [0, 0, 1, 1], [], []>, transpose_lhs_hint = false} : vector<1x128xf32>, vector<128x10xf32>, vector<1x10xf32> -> vector<1x10xf32>
      %add3A_131 = arith.addf %add3A_122, %dot_general3A_130 : vector<1x10xf32>
      %slice3A_132 = vector.extract_strided_slice %tanh3A_57 {offsets = [8, 0], sizes = [1, 128], strides = [1, 1]} : vector<32x128xf32> to vector<1x128xf32>
      %get3A_133 = arith.constant 8 : index
      %get3A_134 = arith.constant 0 : index
      %get3A_135 = arith.constant 0 : index
      %get3A_136 = vector.load %arg6[%get3A_133, %get3A_134, %get3A_135] : memref<32x128x10xf32, #tpu.memory_space<vmem>>, vector<1x128x10xf32>
      %get3A_137 = vector.shape_cast %get3A_136 : vector<1x128x10xf32> to vector<128x10xf32>
      %dot_general3A_138 = arith.constant dense<0.000000e+00> : vector<1x10xf32>
      %dot_general3A_139 = tpu.matmul %slice3A_132, %get3A_137, %dot_general3A_138 {dimension_numbers = #tpu.dot_dimension_numbers<[1], [0], [0], [1], [0, 0, 1, 1], [], []>, transpose_lhs_hint = false} : vector<1x128xf32>, vector<128x10xf32>, vector<1x10xf32> -> vector<1x10xf32>
      %add3A_140 = arith.addf %add3A_131, %dot_general3A_139 : vector<1x10xf32>
      %slice3A_141 = vector.extract_strided_slice %tanh3A_57 {offsets = [9, 0], sizes = [1, 128], strides = [1, 1]} : vector<32x128xf32> to vector<1x128xf32>
      %get3A_142 = arith.constant 9 : index
      %get3A_143 = arith.constant 0 : index
      %get3A_144 = arith.constant 0 : index
      %get3A_145 = vector.load %arg6[%get3A_142, %get3A_143, %get3A_144] : memref<32x128x10xf32, #tpu.memory_space<vmem>>, vector<1x128x10xf32>
      %get3A_146 = vector.shape_cast %get3A_145 : vector<1x128x10xf32> to vector<128x10xf32>
      %dot_general3A_147 = arith.constant dense<0.000000e+00> : vector<1x10xf32>
      %dot_general3A_148 = tpu.matmul %slice3A_141, %get3A_146, %dot_general3A_147 {dimension_numbers = #tpu.dot_dimension_numbers<[1], [0], [0], [1], [0, 0, 1, 1], [], []>, transpose_lhs_hint = false} : vector<1x128xf32>, vector<128x10xf32>, vector<1x10xf32> -> vector<1x10xf32>
      %add3A_149 = arith.addf %add3A_140, %dot_general3A_148 : vector<1x10xf32>
      %slice3A_150 = vector.extract_strided_slice %tanh3A_57 {offsets = [10, 0], sizes = [1, 128], strides = [1, 1]} : vector<32x128xf32> to vector<1x128xf32>
      %get3A_151 = arith.constant 10 : index
      %get3A_152 = arith.constant 0 : index
      %get3A_153 = arith.constant 0 : index
      %get3A_154 = vector.load %arg6[%get3A_151, %get3A_152, %get3A_153] : memref<32x128x10xf32, #tpu.memory_space<vmem>>, vector<1x128x10xf32>
      %get3A_155 = vector.shape_cast %get3A_154 : vector<1x128x10xf32> to vector<128x10xf32>
      %dot_general3A_156 = arith.constant dense<0.000000e+00> : vector<1x10xf32>
      %dot_general3A_157 = tpu.matmul %slice3A_150, %get3A_155, %dot_general3A_156 {dimension_numbers = #tpu.dot_dimension_numbers<[1], [0], [0], [1], [0, 0, 1, 1], [], []>, transpose_lhs_hint = false} : vector<1x128xf32>, vector<128x10xf32>, vector<1x10xf32> -> vector<1x10xf32>
      %add3A_158 = arith.addf %add3A_149, %dot_general3A_157 : vector<1x10xf32>
      %slice3A_159 = vector.extract_strided_slice %tanh3A_57 {offsets = [11, 0], sizes = [1, 128], strides = [1, 1]} : vector<32x128xf32> to vector<1x128xf32>
      %get3A_160 = arith.constant 11 : index
      %get3A_161 = arith.constant 0 : index
      %get3A_162 = arith.constant 0 : index
      %get3A_163 = vector.load %arg6[%get3A_160, %get3A_161, %get3A_162] : memref<32x128x10xf32, #tpu.memory_space<vmem>>, vector<1x128x10xf32>
      %get3A_164 = vector.shape_cast %get3A_163 : vector<1x128x10xf32> to vector<128x10xf32>
      %dot_general3A_165 = arith.constant dense<0.000000e+00> : vector<1x10xf32>
      %dot_general3A_166 = tpu.matmul %slice3A_159, %get3A_164, %dot_general3A_165 {dimension_numbers = #tpu.dot_dimension_numbers<[1], [0], [0], [1], [0, 0, 1, 1], [], []>, transpose_lhs_hint = false} : vector<1x128xf32>, vector<128x10xf32>, vector<1x10xf32> -> vector<1x10xf32>
      %add3A_167 = arith.addf %add3A_158, %dot_general3A_166 : vector<1x10xf32>
      %slice3A_168 = vector.extract_strided_slice %tanh3A_57 {offsets = [12, 0], sizes = [1, 128], strides = [1, 1]} : vector<32x128xf32> to vector<1x128xf32>
      %get3A_169 = arith.constant 12 : index
      %get3A_170 = arith.constant 0 : index
      %get3A_171 = arith.constant 0 : index
      %get3A_172 = vector.load %arg6[%get3A_169, %get3A_170, %get3A_171] : memref<32x128x10xf32, #tpu.memory_space<vmem>>, vector<1x128x10xf32>
      %get3A_173 = vector.shape_cast %get3A_172 : vector<1x128x10xf32> to vector<128x10xf32>
      %dot_general3A_174 = arith.constant dense<0.000000e+00> : vector<1x10xf32>
      %dot_general3A_175 = tpu.matmul %slice3A_168, %get3A_173, %dot_general3A_174 {dimension_numbers = #tpu.dot_dimension_numbers<[1], [0], [0], [1], [0, 0, 1, 1], [], []>, transpose_lhs_hint = false} : vector<1x128xf32>, vector<128x10xf32>, vector<1x10xf32> -> vector<1x10xf32>
      %add3A_176 = arith.addf %add3A_167, %dot_general3A_175 : vector<1x10xf32>
      %slice3A_177 = vector.extract_strided_slice %tanh3A_57 {offsets = [13, 0], sizes = [1, 128], strides = [1, 1]} : vector<32x128xf32> to vector<1x128xf32>
      %get3A_178 = arith.constant 13 : index
      %get3A_179 = arith.constant 0 : index
      %get3A_180 = arith.constant 0 : index
      %get3A_181 = vector.load %arg6[%get3A_178, %get3A_179, %get3A_180] : memref<32x128x10xf32, #tpu.memory_space<vmem>>, vector<1x128x10xf32>
      %get3A_182 = vector.shape_cast %get3A_181 : vector<1x128x10xf32> to vector<128x10xf32>
      %dot_general3A_183 = arith.constant dense<0.000000e+00> : vector<1x10xf32>
      %dot_general3A_184 = tpu.matmul %slice3A_177, %get3A_182, %dot_general3A_183 {dimension_numbers = #tpu.dot_dimension_numbers<[1], [0], [0], [1], [0, 0, 1, 1], [], []>, transpose_lhs_hint = false} : vector<1x128xf32>, vector<128x10xf32>, vector<1x10xf32> -> vector<1x10xf32>
      %add3A_185 = arith.addf %add3A_176, %dot_general3A_184 : vector<1x10xf32>
      %slice3A_186 = vector.extract_strided_slice %tanh3A_57 {offsets = [14, 0], sizes = [1, 128], strides = [1, 1]} : vector<32x128xf32> to vector<1x128xf32>
      %get3A_187 = arith.constant 14 : index
      %get3A_188 = arith.constant 0 : index
      %get3A_189 = arith.constant 0 : index
      %get3A_190 = vector.load %arg6[%get3A_187, %get3A_188, %get3A_189] : memref<32x128x10xf32, #tpu.memory_space<vmem>>, vector<1x128x10xf32>
      %get3A_191 = vector.shape_cast %get3A_190 : vector<1x128x10xf32> to vector<128x10xf32>
      %dot_general3A_192 = arith.constant dense<0.000000e+00> : vector<1x10xf32>
      %dot_general3A_193 = tpu.matmul %slice3A_186, %get3A_191, %dot_general3A_192 {dimension_numbers = #tpu.dot_dimension_numbers<[1], [0], [0], [1], [0, 0, 1, 1], [], []>, transpose_lhs_hint = false} : vector<1x128xf32>, vector<128x10xf32>, vector<1x10xf32> -> vector<1x10xf32>
      %add3A_194 = arith.addf %add3A_185, %dot_general3A_193 : vector<1x10xf32>
      %slice3A_195 = vector.extract_strided_slice %tanh3A_57 {offsets = [15, 0], sizes = [1, 128], strides = [1, 1]} : vector<32x128xf32> to vector<1x128xf32>
      %get3A_196 = arith.constant 15 : index
      %get3A_197 = arith.constant 0 : index
      %get3A_198 = arith.constant 0 : index
      %get3A_199 = vector.load %arg6[%get3A_196, %get3A_197, %get3A_198] : memref<32x128x10xf32, #tpu.memory_space<vmem>>, vector<1x128x10xf32>
      %get3A_200 = vector.shape_cast %get3A_199 : vector<1x128x10xf32> to vector<128x10xf32>
      %dot_general3A_201 = arith.constant dense<0.000000e+00> : vector<1x10xf32>
      %dot_general3A_202 = tpu.matmul %slice3A_195, %get3A_200, %dot_general3A_201 {dimension_numbers = #tpu.dot_dimension_numbers<[1], [0], [0], [1], [0, 0, 1, 1], [], []>, transpose_lhs_hint = false} : vector<1x128xf32>, vector<128x10xf32>, vector<1x10xf32> -> vector<1x10xf32>
      %add3A_203 = arith.addf %add3A_194, %dot_general3A_202 : vector<1x10xf32>
      %slice3A_204 = vector.extract_strided_slice %tanh3A_57 {offsets = [16, 0], sizes = [1, 128], strides = [1, 1]} : vector<32x128xf32> to vector<1x128xf32>
      %get3A_205 = arith.constant 16 : index
      %get3A_206 = arith.constant 0 : index
      %get3A_207 = arith.constant 0 : index
      %get3A_208 = vector.load %arg6[%get3A_205, %get3A_206, %get3A_207] : memref<32x128x10xf32, #tpu.memory_space<vmem>>, vector<1x128x10xf32>
      %get3A_209 = vector.shape_cast %get3A_208 : vector<1x128x10xf32> to vector<128x10xf32>
      %dot_general3A_210 = arith.constant dense<0.000000e+00> : vector<1x10xf32>
      %dot_general3A_211 = tpu.matmul %slice3A_204, %get3A_209, %dot_general3A_210 {dimension_numbers = #tpu.dot_dimension_numbers<[1], [0], [0], [1], [0, 0, 1, 1], [], []>, transpose_lhs_hint = false} : vector<1x128xf32>, vector<128x10xf32>, vector<1x10xf32> -> vector<1x10xf32>
      %add3A_212 = arith.addf %add3A_203, %dot_general3A_211 : vector<1x10xf32>
      %slice3A_213 = vector.extract_strided_slice %tanh3A_57 {offsets = [17, 0], sizes = [1, 128], strides = [1, 1]} : vector<32x128xf32> to vector<1x128xf32>
      %get3A_214 = arith.constant 17 : index
      %get3A_215 = arith.constant 0 : index
      %get3A_216 = arith.constant 0 : index
      %get3A_217 = vector.load %arg6[%get3A_214, %get3A_215, %get3A_216] : memref<32x128x10xf32, #tpu.memory_space<vmem>>, vector<1x128x10xf32>
      %get3A_218 = vector.shape_cast %get3A_217 : vector<1x128x10xf32> to vector<128x10xf32>
      %dot_general3A_219 = arith.constant dense<0.000000e+00> : vector<1x10xf32>
      %dot_general3A_220 = tpu.matmul %slice3A_213, %get3A_218, %dot_general3A_219 {dimension_numbers = #tpu.dot_dimension_numbers<[1], [0], [0], [1], [0, 0, 1, 1], [], []>, transpose_lhs_hint = false} : vector<1x128xf32>, vector<128x10xf32>, vector<1x10xf32> -> vector<1x10xf32>
      %add3A_221 = arith.addf %add3A_212, %dot_general3A_220 : vector<1x10xf32>
      %slice3A_222 = vector.extract_strided_slice %tanh3A_57 {offsets = [18, 0], sizes = [1, 128], strides = [1, 1]} : vector<32x128xf32> to vector<1x128xf32>
      %get3A_223 = arith.constant 18 : index
      %get3A_224 = arith.constant 0 : index
      %get3A_225 = arith.constant 0 : index
      %get3A_226 = vector.load %arg6[%get3A_223, %get3A_224, %get3A_225] : memref<32x128x10xf32, #tpu.memory_space<vmem>>, vector<1x128x10xf32>
      %get3A_227 = vector.shape_cast %get3A_226 : vector<1x128x10xf32> to vector<128x10xf32>
      %dot_general3A_228 = arith.constant dense<0.000000e+00> : vector<1x10xf32>
      %dot_general3A_229 = tpu.matmul %slice3A_222, %get3A_227, %dot_general3A_228 {dimension_numbers = #tpu.dot_dimension_numbers<[1], [0], [0], [1], [0, 0, 1, 1], [], []>, transpose_lhs_hint = false} : vector<1x128xf32>, vector<128x10xf32>, vector<1x10xf32> -> vector<1x10xf32>
      %add3A_230 = arith.addf %add3A_221, %dot_general3A_229 : vector<1x10xf32>
      %slice3A_231 = vector.extract_strided_slice %tanh3A_57 {offsets = [19, 0], sizes = [1, 128], strides = [1, 1]} : vector<32x128xf32> to vector<1x128xf32>
      %get3A_232 = arith.constant 19 : index
      %get3A_233 = arith.constant 0 : index
      %get3A_234 = arith.constant 0 : index
      %get3A_235 = vector.load %arg6[%get3A_232, %get3A_233, %get3A_234] : memref<32x128x10xf32, #tpu.memory_space<vmem>>, vector<1x128x10xf32>
      %get3A_236 = vector.shape_cast %get3A_235 : vector<1x128x10xf32> to vector<128x10xf32>
      %dot_general3A_237 = arith.constant dense<0.000000e+00> : vector<1x10xf32>
      %dot_general3A_238 = tpu.matmul %slice3A_231, %get3A_236, %dot_general3A_237 {dimension_numbers = #tpu.dot_dimension_numbers<[1], [0], [0], [1], [0, 0, 1, 1], [], []>, transpose_lhs_hint = false} : vector<1x128xf32>, vector<128x10xf32>, vector<1x10xf32> -> vector<1x10xf32>
      %add3A_239 = arith.addf %add3A_230, %dot_general3A_238 : vector<1x10xf32>
      %slice3A_240 = vector.extract_strided_slice %tanh3A_57 {offsets = [20, 0], sizes = [1, 128], strides = [1, 1]} : vector<32x128xf32> to vector<1x128xf32>
      %get3A_241 = arith.constant 20 : index
      %get3A_242 = arith.constant 0 : index
      %get3A_243 = arith.constant 0 : index
      %get3A_244 = vector.load %arg6[%get3A_241, %get3A_242, %get3A_243] : memref<32x128x10xf32, #tpu.memory_space<vmem>>, vector<1x128x10xf32>
      %get3A_245 = vector.shape_cast %get3A_244 : vector<1x128x10xf32> to vector<128x10xf32>
      %dot_general3A_246 = arith.constant dense<0.000000e+00> : vector<1x10xf32>
      %dot_general3A_247 = tpu.matmul %slice3A_240, %get3A_245, %dot_general3A_246 {dimension_numbers = #tpu.dot_dimension_numbers<[1], [0], [0], [1], [0, 0, 1, 1], [], []>, transpose_lhs_hint = false} : vector<1x128xf32>, vector<128x10xf32>, vector<1x10xf32> -> vector<1x10xf32>
      %add3A_248 = arith.addf %add3A_239, %dot_general3A_247 : vector<1x10xf32>
      %slice3A_249 = vector.extract_strided_slice %tanh3A_57 {offsets = [21, 0], sizes = [1, 128], strides = [1, 1]} : vector<32x128xf32> to vector<1x128xf32>
      %get3A_250 = arith.constant 21 : index
      %get3A_251 = arith.constant 0 : index
      %get3A_252 = arith.constant 0 : index
      %get3A_253 = vector.load %arg6[%get3A_250, %get3A_251, %get3A_252] : memref<32x128x10xf32, #tpu.memory_space<vmem>>, vector<1x128x10xf32>
      %get3A_254 = vector.shape_cast %get3A_253 : vector<1x128x10xf32> to vector<128x10xf32>
      %dot_general3A_255 = arith.constant dense<0.000000e+00> : vector<1x10xf32>
      %dot_general3A_256 = tpu.matmul %slice3A_249, %get3A_254, %dot_general3A_255 {dimension_numbers = #tpu.dot_dimension_numbers<[1], [0], [0], [1], [0, 0, 1, 1], [], []>, transpose_lhs_hint = false} : vector<1x128xf32>, vector<128x10xf32>, vector<1x10xf32> -> vector<1x10xf32>
      %add3A_257 = arith.addf %add3A_248, %dot_general3A_256 : vector<1x10xf32>
      %slice3A_258 = vector.extract_strided_slice %tanh3A_57 {offsets = [22, 0], sizes = [1, 128], strides = [1, 1]} : vector<32x128xf32> to vector<1x128xf32>
      %get3A_259 = arith.constant 22 : index
      %get3A_260 = arith.constant 0 : index
      %get3A_261 = arith.constant 0 : index
      %get3A_262 = vector.load %arg6[%get3A_259, %get3A_260, %get3A_261] : memref<32x128x10xf32, #tpu.memory_space<vmem>>, vector<1x128x10xf32>
      %get3A_263 = vector.shape_cast %get3A_262 : vector<1x128x10xf32> to vector<128x10xf32>
      %dot_general3A_264 = arith.constant dense<0.000000e+00> : vector<1x10xf32>
      %dot_general3A_265 = tpu.matmul %slice3A_258, %get3A_263, %dot_general3A_264 {dimension_numbers = #tpu.dot_dimension_numbers<[1], [0], [0], [1], [0, 0, 1, 1], [], []>, transpose_lhs_hint = false} : vector<1x128xf32>, vector<128x10xf32>, vector<1x10xf32> -> vector<1x10xf32>
      %add3A_266 = arith.addf %add3A_257, %dot_general3A_265 : vector<1x10xf32>
      %slice3A_267 = vector.extract_strided_slice %tanh3A_57 {offsets = [23, 0], sizes = [1, 128], strides = [1, 1]} : vector<32x128xf32> to vector<1x128xf32>
      %get3A_268 = arith.constant 23 : index
      %get3A_269 = arith.constant 0 : index
      %get3A_270 = arith.constant 0 : index
      %get3A_271 = vector.load %arg6[%get3A_268, %get3A_269, %get3A_270] : memref<32x128x10xf32, #tpu.memory_space<vmem>>, vector<1x128x10xf32>
      %get3A_272 = vector.shape_cast %get3A_271 : vector<1x128x10xf32> to vector<128x10xf32>
      %dot_general3A_273 = arith.constant dense<0.000000e+00> : vector<1x10xf32>
      %dot_general3A_274 = tpu.matmul %slice3A_267, %get3A_272, %dot_general3A_273 {dimension_numbers = #tpu.dot_dimension_numbers<[1], [0], [0], [1], [0, 0, 1, 1], [], []>, transpose_lhs_hint = false} : vector<1x128xf32>, vector<128x10xf32>, vector<1x10xf32> -> vector<1x10xf32>
      %add3A_275 = arith.addf %add3A_266, %dot_general3A_274 : vector<1x10xf32>
      %slice3A_276 = vector.extract_strided_slice %tanh3A_57 {offsets = [24, 0], sizes = [1, 128], strides = [1, 1]} : vector<32x128xf32> to vector<1x128xf32>
      %get3A_277 = arith.constant 24 : index
      %get3A_278 = arith.constant 0 : index
      %get3A_279 = arith.constant 0 : index
      %get3A_280 = vector.load %arg6[%get3A_277, %get3A_278, %get3A_279] : memref<32x128x10xf32, #tpu.memory_space<vmem>>, vector<1x128x10xf32>
      %get3A_281 = vector.shape_cast %get3A_280 : vector<1x128x10xf32> to vector<128x10xf32>
      %dot_general3A_282 = arith.constant dense<0.000000e+00> : vector<1x10xf32>
      %dot_general3A_283 = tpu.matmul %slice3A_276, %get3A_281, %dot_general3A_282 {dimension_numbers = #tpu.dot_dimension_numbers<[1], [0], [0], [1], [0, 0, 1, 1], [], []>, transpose_lhs_hint = false} : vector<1x128xf32>, vector<128x10xf32>, vector<1x10xf32> -> vector<1x10xf32>
      %add3A_284 = arith.addf %add3A_275, %dot_general3A_283 : vector<1x10xf32>
      %slice3A_285 = vector.extract_strided_slice %tanh3A_57 {offsets = [25, 0], sizes = [1, 128], strides = [1, 1]} : vector<32x128xf32> to vector<1x128xf32>
      %get3A_286 = arith.constant 25 : index
      %get3A_287 = arith.constant 0 : index
      %get3A_288 = arith.constant 0 : index
      %get3A_289 = vector.load %arg6[%get3A_286, %get3A_287, %get3A_288] : memref<32x128x10xf32, #tpu.memory_space<vmem>>, vector<1x128x10xf32>
      %get3A_290 = vector.shape_cast %get3A_289 : vector<1x128x10xf32> to vector<128x10xf32>
      %dot_general3A_291 = arith.constant dense<0.000000e+00> : vector<1x10xf32>
      %dot_general3A_292 = tpu.matmul %slice3A_285, %get3A_290, %dot_general3A_291 {dimension_numbers = #tpu.dot_dimension_numbers<[1], [0], [0], [1], [0, 0, 1, 1], [], []>, transpose_lhs_hint = false} : vector<1x128xf32>, vector<128x10xf32>, vector<1x10xf32> -> vector<1x10xf32>
      %add3A_293 = arith.addf %add3A_284, %dot_general3A_292 : vector<1x10xf32>
      %slice3A_294 = vector.extract_strided_slice %tanh3A_57 {offsets = [26, 0], sizes = [1, 128], strides = [1, 1]} : vector<32x128xf32> to vector<1x128xf32>
      %get3A_295 = arith.constant 26 : index
      %get3A_296 = arith.constant 0 : index
      %get3A_297 = arith.constant 0 : index
      %get3A_298 = vector.load %arg6[%get3A_295, %get3A_296, %get3A_297] : memref<32x128x10xf32, #tpu.memory_space<vmem>>, vector<1x128x10xf32>
      %get3A_299 = vector.shape_cast %get3A_298 : vector<1x128x10xf32> to vector<128x10xf32>
      %dot_general3A_300 = arith.constant dense<0.000000e+00> : vector<1x10xf32>
      %dot_general3A_301 = tpu.matmul %slice3A_294, %get3A_299, %dot_general3A_300 {dimension_numbers = #tpu.dot_dimension_numbers<[1], [0], [0], [1], [0, 0, 1, 1], [], []>, transpose_lhs_hint = false} : vector<1x128xf32>, vector<128x10xf32>, vector<1x10xf32> -> vector<1x10xf32>
      %add3A_302 = arith.addf %add3A_293, %dot_general3A_301 : vector<1x10xf32>
      %slice3A_303 = vector.extract_strided_slice %tanh3A_57 {offsets = [27, 0], sizes = [1, 128], strides = [1, 1]} : vector<32x128xf32> to vector<1x128xf32>
      %get3A_304 = arith.constant 27 : index
      %get3A_305 = arith.constant 0 : index
      %get3A_306 = arith.constant 0 : index
      %get3A_307 = vector.load %arg6[%get3A_304, %get3A_305, %get3A_306] : memref<32x128x10xf32, #tpu.memory_space<vmem>>, vector<1x128x10xf32>
      %get3A_308 = vector.shape_cast %get3A_307 : vector<1x128x10xf32> to vector<128x10xf32>
      %dot_general3A_309 = arith.constant dense<0.000000e+00> : vector<1x10xf32>
      %dot_general3A_310 = tpu.matmul %slice3A_303, %get3A_308, %dot_general3A_309 {dimension_numbers = #tpu.dot_dimension_numbers<[1], [0], [0], [1], [0, 0, 1, 1], [], []>, transpose_lhs_hint = false} : vector<1x128xf32>, vector<128x10xf32>, vector<1x10xf32> -> vector<1x10xf32>
      %add3A_311 = arith.addf %add3A_302, %dot_general3A_310 : vector<1x10xf32>
      %slice3A_312 = vector.extract_strided_slice %tanh3A_57 {offsets = [28, 0], sizes = [1, 128], strides = [1, 1]} : vector<32x128xf32> to vector<1x128xf32>
      %get3A_313 = arith.constant 28 : index
      %get3A_314 = arith.constant 0 : index
      %get3A_315 = arith.constant 0 : index
      %get3A_316 = vector.load %arg6[%get3A_313, %get3A_314, %get3A_315] : memref<32x128x10xf32, #tpu.memory_space<vmem>>, vector<1x128x10xf32>
      %get3A_317 = vector.shape_cast %get3A_316 : vector<1x128x10xf32> to vector<128x10xf32>
      %dot_general3A_318 = arith.constant dense<0.000000e+00> : vector<1x10xf32>
      %dot_general3A_319 = tpu.matmul %slice3A_312, %get3A_317, %dot_general3A_318 {dimension_numbers = #tpu.dot_dimension_numbers<[1], [0], [0], [1], [0, 0, 1, 1], [], []>, transpose_lhs_hint = false} : vector<1x128xf32>, vector<128x10xf32>, vector<1x10xf32> -> vector<1x10xf32>
      %add3A_320 = arith.addf %add3A_311, %dot_general3A_319 : vector<1x10xf32>
      %slice3A_321 = vector.extract_strided_slice %tanh3A_57 {offsets = [29, 0], sizes = [1, 128], strides = [1, 1]} : vector<32x128xf32> to vector<1x128xf32>
      %get3A_322 = arith.constant 29 : index
      %get3A_323 = arith.constant 0 : index
      %get3A_324 = arith.constant 0 : index
      %get3A_325 = vector.load %arg6[%get3A_322, %get3A_323, %get3A_324] : memref<32x128x10xf32, #tpu.memory_space<vmem>>, vector<1x128x10xf32>
      %get3A_326 = vector.shape_cast %get3A_325 : vector<1x128x10xf32> to vector<128x10xf32>
      %dot_general3A_327 = arith.constant dense<0.000000e+00> : vector<1x10xf32>
      %dot_general3A_328 = tpu.matmul %slice3A_321, %get3A_326, %dot_general3A_327 {dimension_numbers = #tpu.dot_dimension_numbers<[1], [0], [0], [1], [0, 0, 1, 1], [], []>, transpose_lhs_hint = false} : vector<1x128xf32>, vector<128x10xf32>, vector<1x10xf32> -> vector<1x10xf32>
      %add3A_329 = arith.addf %add3A_320, %dot_general3A_328 : vector<1x10xf32>
      %slice3A_330 = vector.extract_strided_slice %tanh3A_57 {offsets = [30, 0], sizes = [1, 128], strides = [1, 1]} : vector<32x128xf32> to vector<1x128xf32>
      %get3A_331 = arith.constant 30 : index
      %get3A_332 = arith.constant 0 : index
      %get3A_333 = arith.constant 0 : index
      %get3A_334 = vector.load %arg6[%get3A_331, %get3A_332, %get3A_333] : memref<32x128x10xf32, #tpu.memory_space<vmem>>, vector<1x128x10xf32>
      %get3A_335 = vector.shape_cast %get3A_334 : vector<1x128x10xf32> to vector<128x10xf32>
      %dot_general3A_336 = arith.constant dense<0.000000e+00> : vector<1x10xf32>
      %dot_general3A_337 = tpu.matmul %slice3A_330, %get3A_335, %dot_general3A_336 {dimension_numbers = #tpu.dot_dimension_numbers<[1], [0], [0], [1], [0, 0, 1, 1], [], []>, transpose_lhs_hint = false} : vector<1x128xf32>, vector<128x10xf32>, vector<1x10xf32> -> vector<1x10xf32>
      %add3A_338 = arith.addf %add3A_329, %dot_general3A_337 : vector<1x10xf32>
      %slice3A_339 = vector.extract_strided_slice %tanh3A_57 {offsets = [31, 0], sizes = [1, 128], strides = [1, 1]} : vector<32x128xf32> to vector<1x128xf32>
      %get3A_340 = arith.constant 31 : index
      %get3A_341 = arith.constant 0 : index
      %get3A_342 = arith.constant 0 : index
      %get3A_343 = vector.load %arg6[%get3A_340, %get3A_341, %get3A_342] : memref<32x128x10xf32, #tpu.memory_space<vmem>>, vector<1x128x10xf32>
      %get3A_344 = vector.shape_cast %get3A_343 : vector<1x128x10xf32> to vector<128x10xf32>
      %dot_general3A_345 = arith.constant dense<0.000000e+00> : vector<1x10xf32>
      %dot_general3A_346 = tpu.matmul %slice3A_339, %get3A_344, %dot_general3A_345 {dimension_numbers = #tpu.dot_dimension_numbers<[1], [0], [0], [1], [0, 0, 1, 1], [], []>, transpose_lhs_hint = false} : vector<1x128xf32>, vector<128x10xf32>, vector<1x10xf32> -> vector<1x10xf32>
      %add3A_347 = arith.addf %add3A_338, %dot_general3A_346 : vector<1x10xf32>
      %tanh3A_348 = math.tanh %add3A_347 : vector<1x10xf32>
      %swap3A_349 = arith.constant 0 : index
      %swap3A_350 = arith.constant 0 : index
      %swap3A_351 = vector.load %arg8[%swap3A_349, %swap3A_350] : memref<1x10xf32, #tpu.memory_space<vmem>>, vector<1x10xf32>
      tpu.vector_store %arg8[%swap3A_349, %swap3A_350], %tanh3A_348 {strides = array<i32>} : memref<1x10xf32, #tpu.memory_space<vmem>>, vector<1x10xf32>,
    } else {
    }
    return
  }
  func.func @transform_0(%arg0: i32) -> (i32, i32, i32) {
    %c0_i32 = arith.constant 0 : i32
    %c0_i32_0 = arith.constant 0 : i32
    %c0_i32_1 = arith.constant 0 : i32
    return %c0_i32, %arg0, %c0_i32_0 : i32, i32, i32
  }
  func.func @transform_1(%arg0: i32) -> (i32, i32, i32) {
    %c0_i32 = arith.constant 0 : i32
    %c0_i32_0 = arith.constant 0 : i32
    %c0_i32_1 = arith.constant 0 : i32
    return %arg0, %c0_i32, %c0_i32_0 : i32, i32, i32
  }
  func.func @transform_2(%arg0: i32) -> (i32, i32, i32) {
    %c0_i32 = arith.constant 0 : i32
    %c0_i32_0 = arith.constant 0 : i32
    %c0_i32_1 = arith.constant 0 : i32
    return %arg0, %c0_i32, %c0_i32_0 : i32, i32, i32
  }
  func.func @transform_3(%arg0: i32) -> (i32, i32) {
    %c0_i32 = arith.constant 0 : i32
    %c0_i32_0 = arith.constant 0 : i32
    %c0_i32_1 = arith.constant 0 : i32
    return %c0_i32, %c0_i32_0 : i32, i32
  }
  func.func @transform_4(%arg0: i32) -> (i32, i32) {
    %c0_i32 = arith.constant 0 : i32
    %c0_i32_0 = arith.constant 0 : i32
    %c0_i32_1 = arith.constant 0 : i32
    return %c0_i32, %c0_i32_0 : i32, i32
  }
  func.func @transform_5(%arg0: i32) -> (i32, i32, i32) {
    %c0_i32 = arith.constant 0 : i32
    %c0_i32_0 = arith.constant 0 : i32
    %c0_i32_1 = arith.constant 0 : i32
    %c0_i32_2 = arith.constant 0 : i32
    return %c0_i32, %c0_i32_0, %c0_i32_1 : i32, i32, i32
  }
  func.func @transform_6(%arg0: i32) -> (i32, i32) {
    %c0_i32 = arith.constant 0 : i32
    %c0_i32_0 = arith.constant 0 : i32
    %c0_i32_1 = arith.constant 0 : i32
    return %c0_i32, %c0_i32_0 : i32, i32
  }
  func.func @transform_7(%arg0: i32) -> (i32, i32) {
    %c0_i32 = arith.constant 0 : i32
    %c0_i32_0 = arith.constant 0 : i32
    %c0_i32_1 = arith.constant 0 : i32
    return %c0_i32, %c0_i32_0 : i32, i32
  }
}

</mosaic_0001>

<sc_bundles>
// kernel: gather_offload_async_start
scs
__scs_entry_jumppad:
0x0: {  	(pc) =	sbr.rel $0x88, $3  }
0x1: {  	(tag) =	ssettag $0x0;
	lr =	simm.s32 $0x1  }
0x2: {  	[smem:$0x3F98] =	sst lr;
	_ =	strace $0xD0000000  }
0x3: {  	_ = 	snop  }
0x4: {  	_ = 	snop  }
0x5: {  	_ = 	snop  }
0x6: {  	_ = 	snop  }
0x7: {  	_ = 	snop  }
__scs_overlays_trampoline_lowered:
0x8: {  	[smem:$0x3FA7] =	sst s0  }
0x9: {  	[smem:$0x3FA8] =	sst s1  }
0xa: {  	[smem:$0x3FA9] =	sst s2  }
0xb: {  	[smem:$0x3FAA] =	sst s3  }
0xc: {  	[smem:$0x3FAB] =	sst s4  }
0xd: {  	[smem:$0x3FAC] =	sst s5  }
0xe: {  	[smem:$0x3FAD] =	sst s6  }
0xf: {  	[smem:$0x3FAE] =	sst s7  }
0x10: {  	[smem:$0x3FAF] =	sst s8  }
0x11: {  	[smem:$0x3FB0] =	sst s9;
	s0 =	simm.s32 @!p0 $0x0  }
0x12: {  	s1 =	sld [smem:$0x3F96];
	s0 =	simm.s32 @p0 $0x1  }
0x13: {  	[smem:$0x3FB1] =	sst s0;
	s0 =	simm.s32 @!p1 $0x0  }
0x14: {  	s2 =	sld [smem:$0x3F95];
	s0 =	simm.s32 @p1 $0x1  }
0x15: {  	[smem:$0x3FB2] =	sst s0;
	s0 =	simm.s32 @!p2 $0x0  }
0x16: {  	s3 =	sld [smem:$0x3FDB];
	s0 =	simm.s32 @p2 $0x1  }
0x17: {  	s4 =	simm.s32 $0x1BF5;
	[smem:$0x3FB4] =	sst s0  }
0x18: {  	s0 =	sld [smem:$0x3F97];
	_ =	swait.ge [sflag:s4], $0x0  }
0x19: {  	s7 =	sld [smem:$0x3F98]  }
0x1a: {  	s8 =	sadd.s32 $0xFFFFE003, lr  }
0x1b: {  	s9 =	sadd.s32 $0xFFFFFEF7, lr;
	s5 =	simm.s32 $0xFFFFFFFF;
	p2 =	slt.u32 s8, $0xFFFFF086  }
0x1c: {  	p1 =	slt.u32 s9, $0xF7A;
	s5 =	simm.s32 @!p2 $0x0  }
0x1d: {  	s5 =	simm.s32 @p1 $0x1;
	p0 =	seq.s32 s7, s2  }
0x1e: {  	s7 =	smul.u32 @!p0 $0xF7A, s2;
	p2 =	seq.s32 @!p0 s5, $0x0  }
0x1f: {  	s9 =	smul.u32 $0xF7A, s1;
	s8 =	simm.s32 @!p0 $0x1BF5;
	p2 =	por !p2, p0  }
0x20: {  	[sflag:s8] =	ssyncset.s32 @!p0 $0xFFFFF086;
	s6 =	sadd.s32 @!p0 s3, s7;
	s7 =	simm.s32 @!p0 $0x108  }
0x21: {  	s3 =	sadd.s32 s3, s9;
	s6 =	sadd.s32 @!p0 $0x88, s6;
	s7 =	simm.s32 @p2 $0x1082  }
0x22: {  	[simem:s7], [sflag:s8] =	dma.local @!p0 [hbm:s6], $0xF7A  }
0x23: {  	s9 =	sor.u32 $0xD0000000, s2;
	s6 =	simm.s32 $0x108;
	_ =	swait.ge @!p0 [sflag:s8], $0x0  }
0x24: {  	s3 =	sadd.s32 $0x88, s3;
	s6 =	simm.s32 @!p1 $0x1082;
	[sflag:s4] =	ssyncset.s32 $0xFFFFF086  }
0x25: {  	[simem:s6], [sflag:s4] =	dma.local [hbm:s3], $0xF7A  }
0x26: {  	[smem:$0x3F98] =	sst s1;
	(tag) =	ssettag s2;
	_ =	strace s9  }
0x27: {  	s1 =	sld [smem:$0x3FA8]  }
0x28: {  	s2 =	sld [smem:$0x3FA9]  }
0x29: {  	s4 =	sld [smem:$0x3FAB]  }
0x2a: {  	p0 =	seq.s32 s5, $0x0;
	s5 =	sld [smem:$0x3FAC]  }
0x2b: {  	s6 =	sld [smem:$0x3FAD]  }
0x2c: {  	s7 =	sld [smem:$0x3FAE]  }
0x2d: {  	s3 =	simm.s32 $0x108;
	s8 =	sld [smem:$0x3FAF]  }
0x2e: {  	s3 =	simm.s32 @!p0 $0x1082;
	s9 =	sld [smem:$0x3FB0]  }
0x2f: {  	lr =	sadd.s32 s0, s3;
	s0 =	sld [smem:$0x3FA7]  }
0x30: {  	s3 =	sld [smem:$0x3FAA]  }
0x31: {  	[smem:$0x3FB3] =	sst s10  }
0x32: {  	s10 =	sld [smem:$0x3FB1];
	_ =	sdelay $0x3  }
0x33: {  	p0 =	seq.s32 s10, $0x1;
	s10 =	sld [smem:$0x3FB3];
	_ =	sdelay $0x3  }
0x34: {  	[smem:$0x3FB3] =	sst s10  }
0x35: {  	s10 =	sld [smem:$0x3FB2];
	_ =	sdelay $0x3  }
0x36: {  	p1 =	seq.s32 s10, $0x1;
	s10 =	sld [smem:$0x3FB3];
	_ =	sdelay $0x3  }
0x37: {  	[smem:$0x3FB3] =	sst s10  }
0x38: {  	s10 =	sld [smem:$0x3FB4]  }
0x39: {  	_ = 	snop;
	(pc) =	sbr.ind lr, $3  }
0x3a: {  	_ = 	snop  }
0x3b: {  	_ = 	snop  }
0x3c: {  	p2 =	seq.s32 s10, $0x1;
	s10 =	sld [smem:$0x3FB3]  }
0x3d: {  	_ =	shalt  }
0x3e: {  	_ =	shalt  }
0x3f: {  	_ =	shalt  }
0x40: {  	_ =	shalt  }
0x41: {  	_ =	shalt  }
0x42: {  	_ =	shalt  }
0x43: {  	_ =	shalt  }
0x44: {  	_ =	shalt  }
0x45: {  	_ =	shalt  }
0x46: {  	_ =	shalt  }
0x47: {  	_ =	shalt  }
0x48: {  	_ =	shalt  }
0x49: {  	_ =	shalt  }
0x4a: {  	_ =	shalt  }
0x4b: {  	_ =	shalt  }
0x4c: {  	_ =	shalt  }
0x4d: {  	_ =	shalt  }
0x4e: {  	_ =	shalt  }
0x4f: {  	_ =	shalt  }
0x50: {  	_ =	shalt  }
0x51: {  	_ =	shalt  }
0x52: {  	_ =	shalt  }
0x53: {  	_ =	shalt  }
0x54: {  	_ =	shalt  }
0x55: {  	_ =	shalt  }
0x56: {  	_ =	shalt  }
0x57: {  	_ =	shalt  }
0x58: {  	_ =	shalt  }
0x59: {  	_ =	shalt  }
0x5a: {  	_ =	shalt  }
0x5b: {  	_ =	shalt  }
0x5c: {  	_ =	shalt  }
0x5d: {  	_ =	shalt  }
0x5e: {  	_ =	shalt  }
0x5f: {  	_ =	shalt  }
0x60: {  	_ =	shalt  }
0x61: {  	_ =	shalt  }
0x62: {  	_ =	shalt  }
0x63: {  	_ =	shalt  }
0x64: {  	_ =	shalt  }
0x65: {  	_ =	shalt  }
0x66: {  	_ =	shalt  }
0x67: {  	_ =	shalt  }
0x68: {  	_ =	shalt  }
0x69: {  	_ =	shalt  }
0x6a: {  	_ =	shalt  }
0x6b: {  	_ =	shalt  }
0x6c: {  	_ =	shalt  }
0x6d: {  	_ =	shalt  }
0x6e: {  	_ =	shalt  }
0x6f: {  	_ =	shalt  }
0x70: {  	_ =	shalt  }
0x71: {  	_ =	shalt  }
0x72: {  	_ =	shalt  }
0x73: {  	_ =	shalt  }
0x74: {  	_ =	shalt  }
0x75: {  	_ =	shalt  }
0x76: {  	_ =	shalt  }
0x77: {  	_ =	shalt  }
0x78: {  	_ =	shalt  }
0x79: {  	_ =	shalt  }
0x7a: {  	_ =	shalt  }
0x7b: {  	_ =	shalt  }
0x7c: {  	_ =	shalt  }
0x7d: {  	_ =	shalt  }
0x7e: {  	_ =	shalt  }
0x7f: {  	_ =	shalt  }
0x80: {  	_ =	shalt  }
0x81: {  	_ =	shalt  }
0x82: {  	_ =	shalt  }
0x83: {  	_ =	shalt  }
0x84: {  	_ =	shalt  }
0x85: {  	_ =	shalt  }
0x86: {  	_ =	shalt  }
0x87: {  	_ =	shalt  }
.Lfunc_end0:
.L_simem_size_0:
called_computation_lowered:
.L_overlay_start_0:
0x88: {  	s2 =	sld [smem:$0x3FD9]  }
0x89: {  	s3 =	sld [smem:$0x3FFE];
	_ =	sdelay $0x1  }
0x8a: {  	s1 =	srdreg.scid  }
0x8b: {  	s0 =	sand.u32 $0x1, s1  }
0x8c: {  	s16 =	sshll.u32 s0, $0xA;
	s2 =	sadd.s32 s3, s2  }
0x8d: {  	s2 =	sadd.s32 s2, s16  }
0x8e: {  	[smem:$0x3FBF] =	sst s2  }
0x8f: {  	_ = 	snop  }
0x90: {  	(tm) =	ssettm $0x1  }
0x91: {  	s17 =	sld [smem:$0x3FFB];
	_ =	sdelay $0x3  }
0x92: {  	_ =	strace s17  }
0x93: {  	s2 =	sld [smem:$0x3FFC];
	_ =	sdelay $0x3  }
0x94: {  	_ =	strace s2  }
0x95: {  	s2 =	sld [smem:$0x3FFD];
	_ =	sdelay $0x3  }
0x96: {  	_ =	strace s2  }
0x97: {  	_ =	strace $0x8FFFFFFF  }
0x98: {  	s18 =	sld [smem:$0x3FDB];
	_ =	sdelay $0x1  }
0x99: {  	s19 =	simm.s32 $_scs_section_size  }
0x9a: {  	s4 =	simm.s32 $_size__tile_overlayer_lowered;
	s5 =	simm.s32 $_tile_overlayer_lowered  }
0x9b: {  	s22 =	simm.s32 $0x1BFF;
	s21 =	sshll.u32 s5, $0x1;
	s2 =	sadd.s32 s19, s18  }
0x9c: {  	s6 =	simm.s32 $0x0;
	s20 =	sshll.u32 s4, $0x1;
	s4 =	sadd.s32 s21, s2  }
0x9d: {  	[timem:s6], [sflag:s22] =	dma.local [hbm:s4], s20  }
0x9e: {  	_ =	swait.ge [sflag:s22], s20  }
0x9f: {  	s3 =	ssub.s32 $0x0, s20;
	[sflag:s22] =	ssyncset.done $0x0  }
0xa0: {  	[sflag:s22] =	ssyncadd.s32 s3;
	_ =	sdelay $0x1  }
0xa1: {  	s23 =	simm.s32 $0x1B8B  }
0xa2: {  	_ =	swait.ge [sflag:s23], $0x1  }
0xa3: {  	[sflag:s23] =	ssyncset.done $0x0  }
0xa4: {  	s25 =	simm.s32 $0x1B8E;
	s24 =	sld [smem:$0x3FFE];
	[sflag:s23] =	ssyncadd.s32 $0xFFFFFFFF  }
0xa5: {  	s26 =	simm.s32 $execute0_lowered;
	[smem:$0x3FD2] =	sst s25  }
0xa6: {  	s4 =	sshll.u32 s26, $0x1;
	_ =	strace $0x80000046;
	[dreg:$0x1] =	wrdreg $0xFFFFFFFF  }
0xa7: {  	s28 =	simm.s32 $_size_execute0_lowered;
	s2 =	sadd.s32 s2, s4;
	[dreg:$0x0] =	wrdreg $0x0  }
0xa8: {  	s4 =	sshll.u32 s28, $0x1;
	[dreg:$0x2] =	wrdreg s2  }
0xa9: {  	[dreg:$0x3] =	wrdreg s4  }
0xaa: {  	[dreg:$0x4] =	wrdreg $0xC0  }
0xab: {  	_ =	task [dreg:s6], $0x5FFFF  }
0xac: {  	[dreg:$0x1] =	wrdreg $0xFFFFFFFF  }
0xad: {  	[dreg:$0x0] =	wrdreg $0x60  }
0xae: {  	[dreg:$0x2] =	wrdreg s24  }
0xaf: {  	[dreg:$0x3] =	wrdreg $0x9  }
0xb0: {  	_ =	task.clear_ibuf [dreg:s6], $0x4FFFF;
	_ =	strace $0x90000046  }
0xb1: {  	s29 =	simm.s32 $0x9;
	_ =	strace $0x80000048  }
0xb2: {  	_ =	swait.ge [sflag:s29], $0x1  }
0xb3: {  	[sflag:s29] =	ssyncadd.s32 $0xFFFFFFFF  }
0xb4: {  	_ =	strace $0x90000048  }
0xb5: {  	_ =	sfence  }
0xb6: {  	s30 =	sld [smem:$0x0];
	_ =	sdelay $0x2  }
0xb7: {  	s31 =	sshll.u32 s1, $0xD;
	s1 =	sshrl.u32 s1, $0x2  }
0xb8: {  	s3 =	sand.u32 $0x4000, s31;
	s1 =	sadd.s32 s1, s30  }
0xb9: {  	s0 =	sor.u32 s3, s0;
	s1 =	sshll.u32 s1, $0x11  }
0xba: {  	s0 =	sor.u32 s1, s0  }
0xbb: {  	s0 =	sadd.s32 $0x8F2B, s0  }
0xbc: {  	[sflag:s0] =	ssyncadd.remote.s32 $0x1  }
0xbd: {  	_ =	sfence.sel $0xFFFF  }
0xbe: {  	[dreg:$0x0] =	wrdreg $0xFFFFFFFF;
	(pc) =	sbr.abs _section_cstart, $3  }
0xbf: {  	[dreg:$0x1] =	wrdreg $0xFFFFFFFF  }
0xc0: {  	_ =	task.clear_ibuf [dreg:s6], $0x2FFFF;
	_ =	strace $0x9FFFFFFF  }
0xc1: {  	(tm) =	ssettm $0x7FFFFFFF  }
tec
execute0_lowered:
.L_overlay_start_1:
0x0: {  	(tag) =	ssettag $0x1  }
0x1: {  	s7 =	rddreg [dreg:$0x0]  }
0x2: {  	s1 =	srdreg.scid;
	s0 =	rddreg [dreg:$0x1]  }
0x3: {  	_ =	strace $0x80000047;
	s3 =	simm.s32 $0x1;
	s5 =	simm.s32 $0x2  }
0x4: {  	s9 =	simm.s32 $0x3;
	s12 =	simm.s32 $0x0;
	s2 =	sshll.u32 s1, $0x4  }
.Ltmp0:
0x5: {  	s1 =	stileid.u32;
	s4 =	sand.u32 $0x10, s2;
	(pc) =	sbr.rel .LBB2_1-.Ltmp0, $4  }
0x6: {  	s10 =	simm.s32 $0x0;
	[sflag:s3] =	ssyncpa.u1 $0x0;
	s4 =	sor.u32 s1, s4  }
0x7: {  	s6 =	sadd.s32 $0x1600, s7;
	[sflag:s5] =	ssyncpa.u1 $0x0;
	s4 =	smul.u32 $0x50, s4  }
0x8: {  	s2 =	sadd.s32 $0x1800, s7;
	s7 =	sadd.s32 $0x28A00, s7;
	[sflag:s9] =	ssyncpa.u1 $0x0  }
0x9: {  	vm0 =	vmmov $0xffff;
	s9 =	simm.s32 $0x50;
	s8 =	sadd.s32 $0x50, s4;
	s11 =	smov.u32 s4  }
.LBB2_10:
0xa: {  	s12 =	sshrl.u32 s11, $0x3  }
0xb: {  	s13 =	sand.u32 $0x7, s11;
	s12 =	sadd.s32 s6, s12  }
0xc: {  	[tilespmem:s9], [sflag:$0x2] =	stream.linear.gather [hbm4b:s12+s13], $0x50, $0x38;
	[tilespmem:$0x140A0] =	vst v63  }
.LBB2_8:
0xd: {  	s12 =	sadd.s32 $0x50, s11  }
0xe: {  	s13 =	smov.u32 s4;
	p0 =	slt.s32 s12, s8  }
0xf: {  	s13 =	smov.u32 @p0 s12  }
0x10: {  	s10 =	sadd.s32 $0x1, s10;
	s12 =	smov.u32 s11;
	s11 =	smov.u32 s13  }
.LBB2_1:
0x11: {  	p0 =	seq.s32 s10, $0x0  }
.Ltmp1:
0x12: {  	_ = 	snop;
	(pc) =	sbr.rel @p0 .LBB2_10-.Ltmp1, $1  }
0x13: {  	_ =	sdelay $0x3  }
0x14: {  	p0 =	seq.s32 s10, $0x1  }
.Ltmp2:
0x15: {  	_ = 	snop;
	(pc) =	sbr.rel @!p0 .LBB2_9-.Ltmp2, $1  }
0x16: {  	_ =	sdelay $0x3  }
0x17: {  	_ =	swait.ge [sflag:s5], $0x50  }
0x18: {  	[sflag:s5] =	ssyncset.done $0x0  }
0x19: {  	s13 =	simm.s32 $0x0;
	[sflag:s5] =	ssyncadd.s32 $0xFFFFFFB0  }
0x1a: {  	v0 =	vld.msk [tilespmem:s13+$0x50 ss:$0x1], $0xffff;
	_ =	sdelay $0x4  }
0x1b: {  	vm1 =	vgt.s32 v0, $0x0  }
0x1c: {  	v0 =	vnsel vm1, $0x0, v0  }
0x1d: {  	v0 =	vmin.u32 v0, $0x9C3  }
0x1e: {  	v0 =	vshll.u32 v0, $0x6;
	_ =	sdelay $0x3  }
0x1f: {  	s14 =	simm.s32 $0x10;
	s13 =	simm.s32 $0xA0A0  }
0x20: {  	[tilespmem:s13], [sflag:$0x1] =	stream.indirect_vreg.gather [hbm:s2], $0x200, v0, vm0, $0x38;
	[tilespmem:$0x140A0] =	vst v63  }
0x21: {  	v0 =	vld.msk [tilespmem:s14+$0x50 ss:$0x1], $0xffff;
	s14 =	simm.s32 $0x80  }
.LBB2_4:
0x22: {  	p0 =	sne.s32 s14, $0x100;
	_ =	sdelay $0x4  }
0x23: {  	vm1 =	vgt.s32 v0, $0x0  }
0x24: {  	v0 =	vnsel vm1, $0x0, v0  }
0x25: {  	v0 =	vmin.u32 v0, $0x9C3  }
0x26: {  	v0 =	vshll.u32 v0, $0x6;
	_ =	sdelay $0x1  }
.Ltmp3:
0x27: {  	(pc) =	sbr.rel @p0 .LBB2_4-.Ltmp3, $4  }
0x28: {  	_ = 	snop  }
0x29: {  	s15 =	sshra.s32 s14, $0x2;
	s13 =	sadd.s32 $0x2000, s13  }
0x2a: {  	[tilespmem:s13], [sflag:$0x1] =	stream.indirect_vreg.gather [hbm:s2], $0x200, v0, vm0, $0x38;
	[tilespmem:$0x140A0] =	vst v63  }
0x2b: {  	s14 =	sadd.s32 $0x40, s14;
	v0 =	vld.msk [tilespmem:s15+$0x50 ss:$0x1], $0xffff  }
0x2c: {  	_ =	sdelay $0x3  }
0x2d: {  	vm1 =	vgt.s32 v0, $0x0  }
0x2e: {  	v0 =	vnsel vm1, $0x0, v0  }
0x2f: {  	v0 =	vmin.u32 v0, $0x9C3  }
0x30: {  	v0 =	vshll.u32 v0, $0x6;
	_ =	sdelay $0x3  }
0x31: {  	s13 =	sadd.s32 $0x2000, s13  }
0x32: {  	[tilespmem:s13], [sflag:$0x1] =	stream.indirect_vreg.gather [hbm:s2], $0x200, v0, vm0, $0x38;
	[tilespmem:$0x140A0] =	vst v63  }
0x33: {  	s12 =	sshll.u32 s12, $0x6;
	s14 =	simm.s32 $0x40;
	_ =	swait.ge [sflag:s3], $0xA000  }
0x34: {  	s15 =	simm.s32 $0xA2A0;
	s12 =	sadd.s32 s12, s7;
	[sflag:s3] =	ssyncset.done $0x0  }
0x35: {  	s16 =	sadd.s32 $0x0, s12;
	s13 =	simm.s32 $0xA0A0;
	[sflag:s3] =	ssyncadd.s32 $0xFFFF6000  }
.LBB2_6:
0x36: {  	[hbm:s16] =	stream.linear.scatter [tilespmem:s13], [sflag:$0x3], $0x200, $0x38;
	[tilespmem:$0x140A0] =	vst v63  }
0x37: {  	s16 =	smov.u32 s14;
	s13 =	smov.u32 s15;
	p0 =	seq.s32 s14, $0x13C0  }
.Ltmp4:
0x38: {  	s14 =	sadd.s32 $0x40, s14;
	(pc) =	sbr.rel @!p0 .LBB2_6-.Ltmp4, $2  }
0x39: {  	_ =	sdelay $0x2  }
0x3a: {  	s15 =	sadd.s32 $0x200, s15;
	s16 =	sadd.s32 s16, s12  }
.Ltmp5:
0x3b: {  	(pc) =	sbr.rel .LBB2_8-.Ltmp5, $2  }
0x3c: {  	_ =	sdelay $0x2  }
0x3d: {  	[hbm:s16] =	stream.linear.scatter [tilespmem:s13], [sflag:$0x3], $0x200, $0x38;
	[tilespmem:$0x140A0] =	vst v63  }
.LBB2_9:
0x3e: {  	s2 =	simm.s32 $0x3  }
0x3f: {  	_ =	swait.ge [sflag:s2], $0xA000  }
0x40: {  	[sflag:s2] =	ssyncset.done $0x0  }
0x41: {  	[sflag:s2] =	ssyncadd.s32 $0xFFFF6000  }
0x42: {  	_ =	sfence.sel $0x180000  }
0x43: {  	s3 =	simm.s32 $0x2;
	[bflag:$0x0] =	sbarrier.arrive $0xFFFF  }
0x44: {  	[sflag:s3] =	ssyncpa.u1 $0x1  }
0x45: {  	s31 =	simm.s32 $0x1;
	[sflag:s2] =	ssyncpa.u1 $0x1  }
0x46: {  	[sflag:s31] =	ssyncpa.u1 $0x1  }
0x47: {  	p0 =	sne.s32 s1, $0x0;
	_ =	strace $0x90000047  }
0x48: {  	s0 =	sadd.s32 @!p0 $0x100000, s0;
	[bflag:$0x2] =	sbarrier.arrive $0xFFFF  }
0x49: {  	[sflag:s0] =	ssyncadd.tile.s32 @!p0 $0x1;
	_ =	shalt  }
.Lfunc_end2:
_tile_overlayer_lowered:
.L_overlay_start_2:
0x4a: {  	(tag) =	ssettag $0x2  }
0x4b: {  	s0 =	rddreg [dreg:$0x0];
	s2 =	stileid.u32  }
0x4c: {  	s1 =	rddreg [dreg:$0x1];
	p0 =	sne.s32 s2, $0x0  }
0x4d: {  	s3 =	rddreg [dreg:$0x2];
	[bflag:$0x3] =	sbarrier.arrive $0xFFFF;
	s2 =	simm.s32 @!p0 $0x1C01  }
0x4e: {  	[timem:s3], [sflag:s2] =	dma.local @!p0 [hbm:s0], s1  }
0x4f: {  	s0 =	simm.s32 @!p0 $0x1  }
0x50: {  	_ =	swait.ge @!p0 [sflag:s0], s1  }
0x51: {  	s1 =	ssub.s32 @!p0 $0x0, s1;
	[sflag:s0] =	ssyncset.done @!p0 $0x0  }
0x52: {  	[sflag:s0] =	ssyncadd.s32 @!p0 s1  }
0x53: {  	[bflag:$0x3] =	sbarrier.arrive $0xFFFF  }
0x54: {  	_ =	shalt  }

// kernel: kernel.4.cloned.1.call-start
scs
__scs_entry_jumppad:
0x0: {  	(pc) =	sbr.rel $0x88, $3  }
0x1: {  	(tag) =	ssettag $0x0;
	lr =	simm.s32 $0x1  }
0x2: {  	[smem:$0x3F98] =	sst lr;
	_ =	strace $0xD0000000  }
0x3: {  	_ = 	snop  }
0x4: {  	_ = 	snop  }
0x5: {  	_ = 	snop  }
0x6: {  	_ = 	snop  }
0x7: {  	_ = 	snop  }
__scs_overlays_trampoline_lowered:
0x8: {  	[smem:$0x3FA7] =	sst s0  }
0x9: {  	[smem:$0x3FA8] =	sst s1  }
0xa: {  	[smem:$0x3FA9] =	sst s2  }
0xb: {  	[smem:$0x3FAA] =	sst s3  }
0xc: {  	[smem:$0x3FAB] =	sst s4  }
0xd: {  	[smem:$0x3FAC] =	sst s5  }
0xe: {  	[smem:$0x3FAD] =	sst s6  }
0xf: {  	[smem:$0x3FAE] =	sst s7  }
0x10: {  	[smem:$0x3FAF] =	sst s8  }
0x11: {  	[smem:$0x3FB0] =	sst s9;
	s0 =	simm.s32 @!p0 $0x0  }
0x12: {  	s1 =	sld [smem:$0x3F96];
	s0 =	simm.s32 @p0 $0x1  }
0x13: {  	[smem:$0x3FB1] =	sst s0;
	s0 =	simm.s32 @!p1 $0x0  }
0x14: {  	s2 =	sld [smem:$0x3F95];
	s0 =	simm.s32 @p1 $0x1  }
0x15: {  	[smem:$0x3FB2] =	sst s0;
	s0 =	simm.s32 @!p2 $0x0  }
0x16: {  	s3 =	sld [smem:$0x3FDB];
	s0 =	simm.s32 @p2 $0x1  }
0x17: {  	s4 =	simm.s32 $0x1BF5;
	[smem:$0x3FB4] =	sst s0  }
0x18: {  	s0 =	sld [smem:$0x3F97];
	_ =	swait.ge [sflag:s4], $0x0  }
0x19: {  	s7 =	sld [smem:$0x3F98]  }
0x1a: {  	s8 =	sadd.s32 $0xFFFFE003, lr  }
0x1b: {  	s9 =	sadd.s32 $0xFFFFFEF7, lr;
	s5 =	simm.s32 $0xFFFFFFFF;
	p2 =	slt.u32 s8, $0xFFFFF086  }
0x1c: {  	p1 =	slt.u32 s9, $0xF7A;
	s5 =	simm.s32 @!p2 $0x0  }
0x1d: {  	s5 =	simm.s32 @p1 $0x1;
	p0 =	seq.s32 s7, s2  }
0x1e: {  	s7 =	smul.u32 @!p0 $0xF7A, s2;
	p2 =	seq.s32 @!p0 s5, $0x0  }
0x1f: {  	s9 =	smul.u32 $0xF7A, s1;
	s8 =	simm.s32 @!p0 $0x1BF5;
	p2 =	por !p2, p0  }
0x20: {  	[sflag:s8] =	ssyncset.s32 @!p0 $0xFFFFF086;
	s6 =	sadd.s32 @!p0 s3, s7;
	s7 =	simm.s32 @!p0 $0x108  }
0x21: {  	s3 =	sadd.s32 s3, s9;
	s6 =	sadd.s32 @!p0 $0x88, s6;
	s7 =	simm.s32 @p2 $0x1082  }
0x22: {  	[simem:s7], [sflag:s8] =	dma.local @!p0 [hbm:s6], $0xF7A  }
0x23: {  	s9 =	sor.u32 $0xD0000000, s2;
	s6 =	simm.s32 $0x108;
	_ =	swait.ge @!p0 [sflag:s8], $0x0  }
0x24: {  	s3 =	sadd.s32 $0x88, s3;
	s6 =	simm.s32 @!p1 $0x1082;
	[sflag:s4] =	ssyncset.s32 $0xFFFFF086  }
0x25: {  	[simem:s6], [sflag:s4] =	dma.local [hbm:s3], $0xF7A  }
0x26: {  	[smem:$0x3F98] =	sst s1;
	(tag) =	ssettag s2;
	_ =	strace s9  }
0x27: {  	s1 =	sld [smem:$0x3FA8]  }
0x28: {  	s2 =	sld [smem:$0x3FA9]  }
0x29: {  	s4 =	sld [smem:$0x3FAB]  }
0x2a: {  	p0 =	seq.s32 s5, $0x0;
	s5 =	sld [smem:$0x3FAC]  }
0x2b: {  	s6 =	sld [smem:$0x3FAD]  }
0x2c: {  	s7 =	sld [smem:$0x3FAE]  }
0x2d: {  	s3 =	simm.s32 $0x108;
	s8 =	sld [smem:$0x3FAF]  }
0x2e: {  	s3 =	simm.s32 @!p0 $0x1082;
	s9 =	sld [smem:$0x3FB0]  }
0x2f: {  	lr =	sadd.s32 s0, s3;
	s0 =	sld [smem:$0x3FA7]  }
0x30: {  	s3 =	sld [smem:$0x3FAA]  }
0x31: {  	[smem:$0x3FB3] =	sst s10  }
0x32: {  	s10 =	sld [smem:$0x3FB1];
	_ =	sdelay $0x3  }
0x33: {  	p0 =	seq.s32 s10, $0x1;
	s10 =	sld [smem:$0x3FB3];
	_ =	sdelay $0x3  }
0x34: {  	[smem:$0x3FB3] =	sst s10  }
0x35: {  	s10 =	sld [smem:$0x3FB2];
	_ =	sdelay $0x3  }
0x36: {  	p1 =	seq.s32 s10, $0x1;
	s10 =	sld [smem:$0x3FB3];
	_ =	sdelay $0x3  }
0x37: {  	[smem:$0x3FB3] =	sst s10  }
0x38: {  	s10 =	sld [smem:$0x3FB4]  }
0x39: {  	_ = 	snop;
	(pc) =	sbr.ind lr, $3  }
0x3a: {  	_ = 	snop  }
0x3b: {  	_ = 	snop  }
0x3c: {  	p2 =	seq.s32 s10, $0x1;
	s10 =	sld [smem:$0x3FB3]  }
0x3d: {  	_ =	shalt  }
0x3e: {  	_ =	shalt  }
0x3f: {  	_ =	shalt  }
0x40: {  	_ =	shalt  }
0x41: {  	_ =	shalt  }
0x42: {  	_ =	shalt  }
0x43: {  	_ =	shalt  }
0x44: {  	_ =	shalt  }
0x45: {  	_ =	shalt  }
0x46: {  	_ =	shalt  }
0x47: {  	_ =	shalt  }
0x48: {  	_ =	shalt  }
0x49: {  	_ =	shalt  }
0x4a: {  	_ =	shalt  }
0x4b: {  	_ =	shalt  }
0x4c: {  	_ =	shalt  }
0x4d: {  	_ =	shalt  }
0x4e: {  	_ =	shalt  }
0x4f: {  	_ =	shalt  }
0x50: {  	_ =	shalt  }
0x51: {  	_ =	shalt  }
0x52: {  	_ =	shalt  }
0x53: {  	_ =	shalt  }
0x54: {  	_ =	shalt  }
0x55: {  	_ =	shalt  }
0x56: {  	_ =	shalt  }
0x57: {  	_ =	shalt  }
0x58: {  	_ =	shalt  }
0x59: {  	_ =	shalt  }
0x5a: {  	_ =	shalt  }
0x5b: {  	_ =	shalt  }
0x5c: {  	_ =	shalt  }
0x5d: {  	_ =	shalt  }
0x5e: {  	_ =	shalt  }
0x5f: {  	_ =	shalt  }
0x60: {  	_ =	shalt  }
0x61: {  	_ =	shalt  }
0x62: {  	_ =	shalt  }
0x63: {  	_ =	shalt  }
0x64: {  	_ =	shalt  }
0x65: {  	_ =	shalt  }
0x66: {  	_ =	shalt  }
0x67: {  	_ =	shalt  }
0x68: {  	_ =	shalt  }
0x69: {  	_ =	shalt  }
0x6a: {  	_ =	shalt  }
0x6b: {  	_ =	shalt  }
0x6c: {  	_ =	shalt  }
0x6d: {  	_ =	shalt  }
0x6e: {  	_ =	shalt  }
0x6f: {  	_ =	shalt  }
0x70: {  	_ =	shalt  }
0x71: {  	_ =	shalt  }
0x72: {  	_ =	shalt  }
0x73: {  	_ =	shalt  }
0x74: {  	_ =	shalt  }
0x75: {  	_ =	shalt  }
0x76: {  	_ =	shalt  }
0x77: {  	_ =	shalt  }
0x78: {  	_ =	shalt  }
0x79: {  	_ =	shalt  }
0x7a: {  	_ =	shalt  }
0x7b: {  	_ =	shalt  }
0x7c: {  	_ =	shalt  }
0x7d: {  	_ =	shalt  }
0x7e: {  	_ =	shalt  }
0x7f: {  	_ =	shalt  }
0x80: {  	_ =	shalt  }
0x81: {  	_ =	shalt  }
0x82: {  	_ =	shalt  }
0x83: {  	_ =	shalt  }
0x84: {  	_ =	shalt  }
0x85: {  	_ =	shalt  }
0x86: {  	_ =	shalt  }
0x87: {  	_ =	shalt  }
.Lfunc_end0:
.L_simem_size_0:
called_computation.1_lowered:
.L_overlay_start_0:
0x88: {  	s2 =	sld [smem:$0x3FD9]  }
0x89: {  	s3 =	sld [smem:$0x3FFE];
	_ =	sdelay $0x1  }
0x8a: {  	s1 =	srdreg.scid  }
0x8b: {  	s0 =	sand.u32 $0x1, s1  }
0x8c: {  	s17 =	sshll.u32 s0, $0xA;
	s2 =	sadd.s32 s3, s2  }
0x8d: {  	s2 =	sadd.s32 s2, s17  }
0x8e: {  	[smem:$0x3FBF] =	sst s2  }
0x8f: {  	_ = 	snop  }
0x90: {  	s2 =	sld [smem:$0x3FC9]  }
0x91: {  	s18 =	sld [smem:$0x3FC5];
	(tm) =	ssettm $0x1  }
0x92: {  	s4 =	sld [smem:$0x3FFB];
	_ =	sdelay $0x3  }
0x93: {  	_ =	strace s4  }
0x94: {  	s4 =	sld [smem:$0x3FFC];
	_ =	sdelay $0x3  }
0x95: {  	_ =	strace s4  }
0x96: {  	s4 =	sld [smem:$0x3FFD];
	_ =	sdelay $0x3  }
0x97: {  	_ =	strace s4  }
0x98: {  	_ =	strace $0x8FFFFFFF  }
0x99: {  	s19 =	sld [smem:$0x3FDB];
	_ =	sdelay $0x1  }
0x9a: {  	s5 =	simm.s32 $_scs_section_size  }
0x9b: {  	s6 =	simm.s32 $_size__tile_overlayer_lowered;
	s7 =	simm.s32 $_tile_overlayer_lowered  }
0x9c: {  	s22 =	simm.s32 $0x1BFF;
	s21 =	sshll.u32 s7, $0x1;
	s4 =	sadd.s32 s5, s19  }
0x9d: {  	s8 =	simm.s32 $0x0;
	s20 =	sshll.u32 s6, $0x1;
	s6 =	sadd.s32 s21, s4  }
0x9e: {  	[timem:s8], [sflag:s22] =	dma.local [hbm:s6], s20  }
0x9f: {  	_ =	swait.ge [sflag:s22], s20  }
0xa0: {  	s5 =	ssub.s32 $0x0, s20;
	[sflag:s22] =	ssyncset.done $0x0  }
0xa1: {  	[sflag:s22] =	ssyncadd.s32 s5;
	_ =	sdelay $0x1  }
0xa2: {  	s23 =	simm.s32 $0x1B8B  }
0xa3: {  	_ =	swait.ge [sflag:s23], $0x1  }
0xa4: {  	[sflag:s23] =	ssyncset.done $0x0  }
0xa5: {  	s25 =	simm.s32 $0x1B8E;
	s24 =	sld [smem:$0x3FFE];
	[sflag:s23] =	ssyncadd.s32 $0xFFFFFFFF  }
0xa6: {  	s26 =	simm.s32 $execute0_lowered;
	[smem:$0x3FD2] =	sst s25  }
0xa7: {  	s6 =	sshll.u32 s26, $0x1;
	_ =	strace $0x80000049;
	[dreg:$0x1] =	wrdreg $0xFFFFFFFF  }
0xa8: {  	s28 =	simm.s32 $_size_execute0_lowered;
	s4 =	sadd.s32 s4, s6;
	[dreg:$0x0] =	wrdreg $0x0  }
0xa9: {  	s6 =	sshll.u32 s28, $0x1;
	[dreg:$0x2] =	wrdreg s4  }
0xaa: {  	[dreg:$0x3] =	wrdreg s6  }
0xab: {  	[dreg:$0x4] =	wrdreg $0xC0  }
0xac: {  	_ =	task [dreg:s8], $0x5FFFF  }
0xad: {  	[dreg:$0x1] =	wrdreg $0xFFFFFFFF  }
0xae: {  	[dreg:$0x0] =	wrdreg $0x60  }
0xaf: {  	[dreg:$0x2] =	wrdreg s2  }
0xb0: {  	[dreg:$0x3] =	wrdreg s24  }
0xb1: {  	[dreg:$0x4] =	wrdreg s18  }
0xb2: {  	[dreg:$0x5] =	wrdreg $0xBD000  }
0xb3: {  	[dreg:$0x6] =	wrdreg $0x9  }
0xb4: {  	_ =	task.clear_ibuf [dreg:s8], $0x7FFFF;
	_ =	strace $0x90000049  }
0xb5: {  	s29 =	simm.s32 $0x9;
	_ =	strace $0x8000004B  }
0xb6: {  	_ =	swait.ge [sflag:s29], $0x1  }
0xb7: {  	[sflag:s29] =	ssyncadd.s32 $0xFFFFFFFF  }
0xb8: {  	_ =	strace $0x9000004B  }
0xb9: {  	_ =	sfence  }
0xba: {  	s30 =	sld [smem:$0x0];
	_ =	sdelay $0x2  }
0xbb: {  	s31 =	sshll.u32 s1, $0xD;
	s1 =	sshrl.u32 s1, $0x2  }
0xbc: {  	s3 =	sand.u32 $0x4000, s31;
	s1 =	sadd.s32 s1, s30  }
0xbd: {  	s0 =	sor.u32 s3, s0;
	s1 =	sshll.u32 s1, $0x11  }
0xbe: {  	s0 =	sor.u32 s1, s0  }
0xbf: {  	s0 =	sadd.s32 $0x8F2B, s0  }
0xc0: {  	[sflag:s0] =	ssyncadd.remote.s32 $0x1  }
0xc1: {  	_ =	sfence.sel $0xFFFF  }
0xc2: {  	[dreg:$0x0] =	wrdreg $0xFFFFFFFF;
	(pc) =	sbr.abs _section_cstart, $3  }
0xc3: {  	[dreg:$0x1] =	wrdreg $0xFFFFFFFF  }
0xc4: {  	_ =	task.clear_ibuf [dreg:s8], $0x2FFFF;
	_ =	strace $0x9FFFFFFF  }
0xc5: {  	(tm) =	ssettm $0x7FFFFFFF  }
tec
execute0_lowered:
.L_overlay_start_1:
0x0: {  	(tag) =	ssettag $0x1  }
0x1: {  	s1 =	rddreg [dreg:$0x0]  }
0x2: {  	s0 =	rddreg [dreg:$0x1];
	s2 =	srdreg.scid  }
0x3: {  	s9 =	stileid.u32;
	s4 =	rddreg [dreg:$0x3];
	s5 =	simm.s32 $0x0  }
0x4: {  	s28 =	simm.s32 $0xBC80;
	s29 =	simm.s32 $0x4;
	s30 =	simm.s32 $0x2  }
0x5: {  	s31 =	simm.s32 $0x0;
	s2 =	sand.u32 $0x1, s2;
	s7 =	smul.u32 $0x50000, s9  }
0x6: {  	s3 =	sshll.u32 s9, $0x1;
	[smem:$0x7FF] =	sst s5;
	s12 =	smul.u32 $0x14000, s9  }
0x7: {  	s3 =	sor.u32 s2, s3;
	s8 =	ssub.s32 $0x2, s2;
	s2 =	smul.u32 $0x140000, s2  }
0x8: {  	_ =	strace $0x8000004A;
	s6 =	smul.u32 $0x7800, s3;
	s20 =	sshrl.u32 s8, $0x1  }
0x9: {  	s7 =	sshrl.u32 s7, $0x2;
	s14 =	sadd.s32 $0x4000, s12;
	s16 =	sadd.s32 $0x8000, s12  }
0xa: {  	s17 =	sadd.s32 $0xC000, s12;
	s18 =	sadd.s32 $0x10000, s12;
	s15 =	ssub.s32 s8, s20  }
0xb: {  	s7 =	sadd.s32 s7, s4;
	s8 =	sadd.s32 s14, s4;
	s9 =	sadd.s32 s16, s4  }
0xc: {  	s10 =	sadd.s32 s17, s4;
	s11 =	sadd.s32 s18, s4;
	s12 =	sadd.s32 s12, s2  }
0xd: {  	s19 =	sadd.s32 s2, s14;
	s14 =	sor.u32 $0x520, s3;
	s23 =	sadd.s32 s2, s16  }
0xe: {  	s24 =	sadd.s32 s2, s17;
	s2 =	sadd.s32 s2, s18;
	s6 =	sshrl.u32 s6, $0x3  }
0xf: {  	s12 =	sshrl.u32 s12, $0x3;
	s22 =	sshrl.u32 s19, $0x3;
	s2 =	sshrl.u32 s2, $0x3  }
0x10: {  	s26 =	smax.u32 s15, $0x1;
	s13 =	sadd.s32 s6, s0;
	s0 =	sadd.s32 $0x1F600, s0  }
0x11: {  	[dreg:$0xb] =	wrdreg s26;
	s26 =	simm.s32 $0x7C00;
	s6 =	sadd.s32 $0x1600, s13  }
0x12: {  	s13 =	sadd.s32 $0x1D80, s13;
	s21 =	sadd.s32 s0, s12;
	s12 =	sshrl.u32 s24, $0x3  }
0x13: {  	s24 =	simm.s32 $0x80;
	[dreg:$0x5] =	wrdreg s13;
	s13 =	sor.u32 $0x500, s3  }
.Ltmp0:
0x14: {  	[dreg:$0x6] =	wrdreg s21;
	s3 =	sadd.s32 s0, s22;
	(pc) =	sbr.rel .LBB2_1-.Ltmp0, $4  }
0x15: {  	s25 =	sadd.s32 s0, s12;
	[dreg:$0x7] =	wrdreg s3;
	s3 =	sshrl.u32 s23, $0x3  }
0x16: {  	s21 =	simm.s32 $0xBC00;
	[dreg:$0x9] =	wrdreg s25;
	s3 =	sadd.s32 s0, s3  }
0x17: {  	s22 =	simm.s32 $0x3;
	s0 =	sadd.s32 s0, s2;
	[dreg:$0x8] =	wrdreg s3  }
0x18: {  	v0 =	vimm.f32 $0.0e+00;
	s23 =	simm.s32 $0x3C00;
	s25 =	simm.s32 $0x1;
	[dreg:$0xa] =	wrdreg s0  }
.LBB2_19:
0x19: {  	[bflag:$0x0] =	sbarrier.arrive $0xFFFF  }
0x1a: {  	[tilespmem:s23], [sflag:$0x3] =	stream.linear.gather [spmem:s7], $0x4000, $0x38;
	[tilespmem:$0x1FD00] =	vst v63  }
0x1b: {  	_ =	swait.ge [sflag:s22], $0x4000  }
0x1c: {  	[sflag:s22] =	ssyncset.done $0x0  }
0x1d: {  	s0 =	rddreg [dreg:$0x6];
	[sflag:s22] =	ssyncadd.s32 $0xFFFFC000  }
0x1e: {  	[hbm4b:s0+s5] =	stream.linear.scatter [tilespmem:s23], [sflag:$0x3], $0x4000, $0x38;
	[tilespmem:$0x1FD00] =	vst v63  }
0x1f: {  	_ =	swait.ge [sflag:s22], $0x4000  }
0x20: {  	[sflag:s22] =	ssyncset.done $0x0  }
0x21: {  	[sflag:s22] =	ssyncadd.s32 $0xFFFFC000  }
0x22: {  	[tilespmem:s23], [sflag:$0x3] =	stream.linear.gather [spmem:s8], $0x4000, $0x38;
	[tilespmem:$0x1FD00] =	vst v63  }
0x23: {  	_ =	swait.ge [sflag:s22], $0x4000  }
0x24: {  	[sflag:s22] =	ssyncset.done $0x0  }
0x25: {  	s16 =	rddreg [dreg:$0x7];
	[sflag:s22] =	ssyncadd.s32 $0xFFFFC000  }
0x26: {  	[hbm4b:s16+s5] =	stream.linear.scatter [tilespmem:s23], [sflag:$0x3], $0x4000, $0x38;
	[tilespmem:$0x1FD00] =	vst v63  }
0x27: {  	_ =	swait.ge [sflag:s22], $0x4000  }
0x28: {  	[sflag:s22] =	ssyncset.done $0x0  }
0x29: {  	[sflag:s22] =	ssyncadd.s32 $0xFFFFC000  }
0x2a: {  	[tilespmem:s23], [sflag:$0x3] =	stream.linear.gather [spmem:s9], $0x4000, $0x38;
	[tilespmem:$0x1FD00] =	vst v63  }
0x2b: {  	_ =	swait.ge [sflag:s22], $0x4000  }
0x2c: {  	[sflag:s22] =	ssyncset.done $0x0  }
0x2d: {  	s17 =	rddreg [dreg:$0x8];
	[sflag:s22] =	ssyncadd.s32 $0xFFFFC000  }
0x2e: {  	[hbm4b:s17+s5] =	stream.linear.scatter [tilespmem:s23], [sflag:$0x3], $0x4000, $0x38;
	[tilespmem:$0x1FD00] =	vst v63  }
0x2f: {  	_ =	swait.ge [sflag:s22], $0x4000  }
0x30: {  	[sflag:s22] =	ssyncset.done $0x0  }
0x31: {  	[sflag:s22] =	ssyncadd.s32 $0xFFFFC000  }
0x32: {  	[tilespmem:s23], [sflag:$0x3] =	stream.linear.gather [spmem:s10], $0x4000, $0x38;
	[tilespmem:$0x1FD00] =	vst v63  }
0x33: {  	_ =	swait.ge [sflag:s22], $0x4000  }
0x34: {  	[sflag:s22] =	ssyncset.done $0x0  }
0x35: {  	s18 =	rddreg [dreg:$0x9];
	[sflag:s22] =	ssyncadd.s32 $0xFFFFC000  }
0x36: {  	[hbm4b:s18+s5] =	stream.linear.scatter [tilespmem:s23], [sflag:$0x3], $0x4000, $0x38;
	[tilespmem:$0x1FD00] =	vst v63  }
0x37: {  	_ =	swait.ge [sflag:s22], $0x4000  }
0x38: {  	[sflag:s22] =	ssyncset.done $0x0  }
0x39: {  	[sflag:s22] =	ssyncadd.s32 $0xFFFFC000  }
0x3a: {  	[tilespmem:s23], [sflag:$0x3] =	stream.linear.gather [spmem:s11], $0x4000, $0x38;
	[tilespmem:$0x1FD00] =	vst v63  }
0x3b: {  	_ =	swait.ge [sflag:s22], $0x4000  }
0x3c: {  	[sflag:s22] =	ssyncset.done $0x0  }
0x3d: {  	s19 =	rddreg [dreg:$0xa];
	[sflag:s22] =	ssyncadd.s32 $0xFFFFC000  }
0x3e: {  	[hbm4b:s19+s5] =	stream.linear.scatter [tilespmem:s23], [sflag:$0x3], $0x4000, $0x38;
	[tilespmem:$0x1FD00] =	vst v63  }
0x3f: {  	_ =	swait.ge [sflag:s22], $0x4000  }
0x40: {  	s31 =	sadd.s32 $0x1, s31;
	s20 =	rddreg [dreg:$0xb]  }
0x41: {  	p0 =	sne.s32 s31, s20  }
.Ltmp1:
0x42: {  	_ = 	snop;
	(pc) =	sbr.rel @!p0 .LBB2_20-.Ltmp1, $3  }
0x43: {  	_ =	sdelay $0x1  }
0x44: {  	[sflag:s22] =	ssyncset.done $0x0  }
0x45: {  	[sflag:s22] =	ssyncadd.s32 $0xFFFFC000  }
.LBB2_1:
0x46: {  	s0 =	rddreg [dreg:$0x2]  }
0x47: {  	[tilespmem:s21], [sflag:$0x3] =	stream.linear.gather [hbm4b:s0+s5], $0x40, $0x38;
	[tilespmem:$0x1FD00] =	vst v63  }
0x48: {  	_ =	swait.ge [sflag:s22], $0x40  }
0x49: {  	[sflag:s22] =	ssyncset.done $0x0  }
0x4a: {  	[sflag:s22] =	ssyncadd.s32 $0xFFFFFFC0  }
0x4b: {  	[tilespmem:s5], [sflag:$0x3] =	stream.linear.gather [hbm4b:s6+s5], $0x3C00, $0x38;
	[tilespmem:$0x1FD00] =	vst v63  }
0x4c: {  	_ =	swait.ge [sflag:s22], $0x3C00  }
0x4d: {  	[sflag:s22] =	ssyncset.done $0x0  }
0x4e: {  	s2 =	simm.s32 $0x200;
	s0 =	simm.s32 $0x0;
	[sflag:s22] =	ssyncadd.s32 $0xFFFFC400  }
.LBB2_2:
0x4f: {  	p0 =	sne.s32 s2, $0xFE00;
	[tilespmem:s0+$0x3C70] =	vst v0  }
0x50: {  	[tilespmem:s0+$0x3C00] =	vst v0  }
0x51: {  	[tilespmem:s0+$0x3C10] =	vst v0  }
.Ltmp2:
0x52: {  	[tilespmem:s0+$0x3C20] =	vst v0;
	(pc) =	sbr.rel @p0 .LBB2_2-.Ltmp2, $4  }
0x53: {  	[tilespmem:s0+$0x3C30] =	vst v0  }
0x54: {  	[tilespmem:s0+$0x3C40] =	vst v0  }
0x55: {  	[tilespmem:s0+$0x3C50] =	vst v0  }
0x56: {  	[tilespmem:s0+$0x3C60] =	vst v0;
	s0 =	sshra.s32 s2, $0x2;
	s2 =	sadd.s32 $0x200, s2  }
0x57: {  	[tilespmem:s0+$0x3C70] =	vst v0  }
0x58: {  	[tilespmem:s0+$0x3C00] =	vst v0  }
0x59: {  	[tilespmem:s0+$0x3C10] =	vst v0  }
0x5a: {  	[tilespmem:s0+$0x3C20] =	vst v0  }
0x5b: {  	[tilespmem:s0+$0x3C30] =	vst v0  }
0x5c: {  	[tilespmem:s0+$0x3C40] =	vst v0  }
0x5d: {  	[tilespmem:s0+$0x3C50] =	vst v0  }
0x5e: {  	[tilespmem:s0+$0x3C60] =	vst v0  }
0x5f: {  	[spmem:s7] =	stream.linear.scatter [tilespmem:s23], [sflag:$0x3], $0x4000, $0x38;
	[tilespmem:$0x1FD00] =	vst v63  }
0x60: {  	_ =	swait.ge [sflag:s22], $0x4000  }
0x61: {  	[sflag:s22] =	ssyncset.done $0x0  }
0x62: {  	[sflag:s22] =	ssyncadd.s32 $0xFFFFC000  }
0x63: {  	[spmem:s8] =	stream.linear.scatter [tilespmem:s23], [sflag:$0x3], $0x4000, $0x38;
	[tilespmem:$0x1FD00] =	vst v63  }
0x64: {  	_ =	swait.ge [sflag:s22], $0x4000  }
0x65: {  	[sflag:s22] =	ssyncset.done $0x0  }
0x66: {  	[sflag:s22] =	ssyncadd.s32 $0xFFFFC000  }
0x67: {  	[spmem:s9] =	stream.linear.scatter [tilespmem:s23], [sflag:$0x3], $0x4000, $0x38;
	[tilespmem:$0x1FD00] =	vst v63  }
0x68: {  	_ =	swait.ge [sflag:s22], $0x4000  }
0x69: {  	[sflag:s22] =	ssyncset.done $0x0  }
0x6a: {  	[sflag:s22] =	ssyncadd.s32 $0xFFFFC000  }
0x6b: {  	[spmem:s10] =	stream.linear.scatter [tilespmem:s23], [sflag:$0x3], $0x4000, $0x38;
	[tilespmem:$0x1FD00] =	vst v63  }
0x6c: {  	_ =	swait.ge [sflag:s22], $0x4000  }
0x6d: {  	[sflag:s22] =	ssyncset.done $0x0  }
0x6e: {  	[sflag:s22] =	ssyncadd.s32 $0xFFFFC000  }
0x6f: {  	[spmem:s11] =	stream.linear.scatter [tilespmem:s23], [sflag:$0x3], $0x4000, $0x38;
	[tilespmem:$0x1FD00] =	vst v63  }
0x70: {  	_ =	swait.ge [sflag:s22], $0x4000  }
0x71: {  	[sflag:s22] =	ssyncset.done $0x0  }
0x72: {  	[sflag:s22] =	ssyncadd.s32 $0xFFFFC000  }
0x73: {  	s2 =	simm.s32 $0x0;
	[bflag:$0x0] =	sbarrier.arrive $0xFFFF  }
0x74: {  	[tilespmem:s2], [sflag:$0x3] =	stream.linear.gather [hbm4b:s6+s2], $0x3C00, $0x38;
	[tilespmem:$0x1FD00] =	vst v63  }
0x75: {  	_ =	swait.ge [sflag:s22], $0x3C00  }
0x76: {  	[sflag:s22] =	ssyncset.done $0x0  }
0x77: {  	s0 =	simm.s32 $0x0;
	[sflag:s22] =	ssyncadd.s32 $0xFFFFC400  }
0x78: {  	[tilespmem:s23], [sflag:$0x1] =	stream.indirect.gather [hbm4b:s1+s24], $0x80, s2, s24, $0xb8;
	[tilespmem:$0x1FD00] =	vst v63  }
.LBB2_4:
0x79: {  	s3 =	smul.u32 $0xC00, s0  }
0x7a: {  	_ =	swait.ge [sflag:s25], $0x4000  }
0x7b: {  	[sflag:s25] =	ssyncset.done $0x0;
	s3 =	sshra.s32 s3, $0x2  }
0x7c: {  	[sflag:s25] =	ssyncadd.s32 $0xFFFFC000;
	s12 =	sadd.s32 $0x180, s3  }
0x7d: {  	[tilespmem:s26], [sflag:$0x2] =	stream.indirect.gather [hbm4b:s1+s24], $0x80, s12, s24, $0xb8;
	[tilespmem:$0x1FD00] =	vst v63  }
0x7e: {  	v1 =	vld [tilespmem:s3+$0x100];
	_ =	sdelay $0x7  }
0x7f: {  	v1 =	vld.idx.msk [tilespmem:v1+s21+$0x0], $0xffff;
	_ =	sdelay $0x4  }
0x80: {  	[tilespmem:$0xBC80] =	vst v1  }
0x81: {  	v1 =	vld [tilespmem:s3+$0x110];
	_ =	sdelay $0x7  }
0x82: {  	v1 =	vld.idx.msk [tilespmem:v1+s21+$0x0], $0xffff;
	_ =	sdelay $0x4  }
0x83: {  	[tilespmem:$0xBC90] =	vst v1  }
0x84: {  	v1 =	vld [tilespmem:s3+$0x120];
	_ =	sdelay $0x7  }
0x85: {  	v1 =	vld.idx.msk [tilespmem:v1+s21+$0x0], $0xffff;
	_ =	sdelay $0x4  }
0x86: {  	[tilespmem:$0xBCA0] =	vst v1  }
0x87: {  	v1 =	vld [tilespmem:s3+$0x130];
	_ =	sdelay $0x7  }
0x88: {  	v1 =	vld.idx.msk [tilespmem:v1+s21+$0x0], $0xffff;
	_ =	sdelay $0x4  }
0x89: {  	[tilespmem:$0xBCB0] =	vst v1  }
0x8a: {  	v1 =	vld [tilespmem:s3+$0x140];
	_ =	sdelay $0x7  }
0x8b: {  	v1 =	vld.idx.msk [tilespmem:v1+s21+$0x0], $0xffff;
	_ =	sdelay $0x4  }
0x8c: {  	[tilespmem:$0xBCC0] =	vst v1  }
0x8d: {  	v1 =	vld [tilespmem:s3+$0x150];
	_ =	sdelay $0x7  }
0x8e: {  	v1 =	vld.idx.msk [tilespmem:v1+s21+$0x0], $0xffff;
	_ =	sdelay $0x4  }
0x8f: {  	[tilespmem:$0xBCD0] =	vst v1  }
0x90: {  	v1 =	vld [tilespmem:s3+$0x160];
	_ =	sdelay $0x7  }
0x91: {  	v1 =	vld.idx.msk [tilespmem:v1+s21+$0x0], $0xffff;
	_ =	sdelay $0x4  }
0x92: {  	[tilespmem:$0xBCE0] =	vst v1  }
0x93: {  	v1 =	vld [tilespmem:s3+$0x170];
	_ =	sdelay $0x6  }
0x94: {  	v2 =	vmov s2  }
0x95: {  	v2 =	vand.u32 $0xFFFFFFF8, v2;
	v1 =	vld.idx.msk [tilespmem:v1+s21+$0x0], $0xffff  }
0x96: {  	v2 =	vbroadcast v2, $0x0;
	_ =	sdelay $0x3  }
0x97: {  	s12 =	simm.s32 $0x3E00;
	[tilespmem:$0xBCF0] =	vst v1  }
0x98: {  	v3 =	vld [tilespmem:s12+$0xFFFFFE70]  }
0x99: {  	v2 =	vld.idx.msk [tilespmem:v2+s28+$0x0], $0xffff  }
0x9a: {  	v4 =	vld [tilespmem:s12+$0xFFFFFE00]  }
0x9b: {  	v5 =	vld [tilespmem:s12+$0xFFFFFE20]  }
0x9c: {  	v6 =	vld [tilespmem:s12+$0xFFFFFE30]  }
0x9d: {  	v1 =	vld [tilespmem:s12+$0xFFFFFE50]  }
0x9e: {  	v8 =	vld [tilespmem:s12+$0xFFFFFE10];
	v3 =	vmul.f32 v3, v2  }
0x9f: {  	s15 =	simm.s32 $0x1;
	v7 =	vld [tilespmem:s12+$0xFFFFFE60];
	v4 =	vmul.f32 v4, v2  }
0xa0: {  	v9 =	vld [tilespmem:s12+$0xFFFFFE40];
	v5 =	vmul.f32 v5, v2;
	[tilespmem:s12+$0xFFFFFE70] =	vst v3;
	v3 =	vmov s15  }
0xa1: {  	v6 =	vmul.f32 v6, v2;
	[tilespmem:s12+$0xFFFFFE00] =	vst v4;
	v3 =	vand.u32 $0xFFFFFFF9, v3  }
0xa2: {  	v1 =	vmul.f32 v1, v2;
	[tilespmem:s12+$0xFFFFFE20] =	vst v5;
	v3 =	vbroadcast v3, $0x0  }
0xa3: {  	v4 =	vmul.f32 v8, v2;
	[tilespmem:s12+$0xFFFFFE30] =	vst v6  }
0xa4: {  	v5 =	vmul.f32 v7, v2;
	[tilespmem:s12+$0xFFFFFE50] =	vst v1  }
0xa5: {  	v1 =	vmul.f32 v9, v2;
	[tilespmem:s12+$0xFFFFFE10] =	vst v4  }
0xa6: {  	[tilespmem:s12+$0xFFFFFE60] =	vst v5  }
0xa7: {  	[tilespmem:s12+$0xFFFFFE40] =	vst v1  }
0xa8: {  	v1 =	vld.idx.msk [tilespmem:v3+s28+$0x0], $0xffff  }
0xa9: {  	v3 =	vld [tilespmem:s12+$0xFFFFFE90]  }
0xaa: {  	v4 =	vld [tilespmem:s12+$0xFFFFFEC0]  }
0xab: {  	v5 =	vld [tilespmem:s12+$0xFFFFFE80]  }
0xac: {  	v6 =	vld [tilespmem:s12+$0xFFFFFED0]  }
0xad: {  	v2 =	vld [tilespmem:s12+$0xFFFFFEF0]  }
0xae: {  	v7 =	vld [tilespmem:s12+$0xFFFFFEE0];
	v3 =	vmul.f32 v3, v1  }
0xaf: {  	s18 =	simm.s32 $0x2;
	v8 =	vld [tilespmem:s12+$0xFFFFFEB0];
	v4 =	vmul.f32 v4, v1  }
0xb0: {  	v9 =	vld [tilespmem:s12+$0xFFFFFEA0];
	v5 =	vmul.f32 v5, v1;
	[tilespmem:s12+$0xFFFFFE90] =	vst v3;
	v3 =	vmov s18  }
0xb1: {  	v6 =	vmul.f32 v6, v1;
	[tilespmem:s12+$0xFFFFFEC0] =	vst v4;
	v3 =	vand.u32 $0xFFFFFFFA, v3  }
0xb2: {  	v2 =	vmul.f32 v2, v1;
	[tilespmem:s12+$0xFFFFFE80] =	vst v5;
	v3 =	vbroadcast v3, $0x0  }
0xb3: {  	v4 =	vmul.f32 v7, v1;
	[tilespmem:s12+$0xFFFFFED0] =	vst v6  }
0xb4: {  	v5 =	vmul.f32 v8, v1;
	[tilespmem:s12+$0xFFFFFEF0] =	vst v2  }
0xb5: {  	v1 =	vmul.f32 v9, v1;
	[tilespmem:s12+$0xFFFFFEE0] =	vst v4  }
0xb6: {  	[tilespmem:s12+$0xFFFFFEB0] =	vst v5  }
0xb7: {  	v2 =	vld [tilespmem:s12+$0xFFFFFF00];
	[tilespmem:s12+$0xFFFFFEA0] =	vst v1  }
0xb8: {  	v1 =	vld.idx.msk [tilespmem:v3+s28+$0x0], $0xffff  }
0xb9: {  	v3 =	vld [tilespmem:s12+$0xFFFFFF60]  }
0xba: {  	v4 =	vld [tilespmem:s12+$0xFFFFFF10]  }
0xbb: {  	v5 =	vld [tilespmem:s12+$0xFFFFFF50]  }
0xbc: {  	v6 =	vld [tilespmem:s12+$0xFFFFFF70]  }
0xbd: {  	v7 =	vld [tilespmem:s12+$0xFFFFFF20];
	v2 =	vmul.f32 v2, v1  }
0xbe: {  	s19 =	simm.s32 $0x3;
	v8 =	vld [tilespmem:s12+$0xFFFFFF30];
	v3 =	vmul.f32 v3, v1  }
0xbf: {  	v9 =	vld [tilespmem:s12+$0xFFFFFF40];
	v4 =	vmul.f32 v4, v1;
	[tilespmem:s12+$0xFFFFFF00] =	vst v2;
	v2 =	vmov s19  }
0xc0: {  	v5 =	vmul.f32 v5, v1;
	[tilespmem:s12+$0xFFFFFF60] =	vst v3;
	v2 =	vand.u32 $0xFFFFFFFB, v2  }
0xc1: {  	v3 =	vmul.f32 v6, v1;
	[tilespmem:s12+$0xFFFFFF10] =	vst v4;
	v2 =	vbroadcast v2, $0x0  }
0xc2: {  	v4 =	vmul.f32 v7, v1;
	[tilespmem:s12+$0xFFFFFF50] =	vst v5  }
0xc3: {  	v5 =	vmul.f32 v8, v1;
	[tilespmem:s12+$0xFFFFFF70] =	vst v3  }
0xc4: {  	v1 =	vmul.f32 v9, v1;
	[tilespmem:s12+$0xFFFFFF20] =	vst v4  }
0xc5: {  	[tilespmem:s12+$0xFFFFFF30] =	vst v5  }
0xc6: {  	[tilespmem:s12+$0xFFFFFF40] =	vst v1  }
0xc7: {  	v1 =	vld.idx.msk [tilespmem:v2+s28+$0x0], $0xffff  }
0xc8: {  	v2 =	vld [tilespmem:s12+$0xFFFFFFB0]  }
0xc9: {  	v4 =	vld [tilespmem:s12+$0xFFFFFFE0]  }
0xca: {  	v5 =	vld [tilespmem:s12+$0xFFFFFF80]  }
0xcb: {  	v6 =	vld [tilespmem:s12+$0xFFFFFFD0]  }
0xcc: {  	v3 =	vld [tilespmem:s12+$0xFFFFFFF0]  }
0xcd: {  	v8 =	vld [tilespmem:s12+$0xFFFFFFA0];
	v2 =	vmul.f32 v2, v1  }
0xce: {  	s20 =	simm.s32 $0x4;
	v7 =	vld [tilespmem:s12+$0xFFFFFF90];
	v4 =	vmul.f32 v4, v1  }
0xcf: {  	v9 =	vld [tilespmem:s12+$0xFFFFFFC0];
	v5 =	vmul.f32 v5, v1;
	[tilespmem:s12+$0xFFFFFFB0] =	vst v2;
	v2 =	vmov s20  }
0xd0: {  	v6 =	vmul.f32 v6, v1;
	[tilespmem:s12+$0xFFFFFFE0] =	vst v4;
	v2 =	vand.u32 $0xFFFFFFFC, v2  }
0xd1: {  	v3 =	vmul.f32 v3, v1;
	[tilespmem:s12+$0xFFFFFF80] =	vst v5;
	v2 =	vbroadcast v2, $0x0  }
0xd2: {  	v10 =	vld [tilespmem:s12+$0x40];
	v4 =	vmul.f32 v8, v1;
	[tilespmem:s12+$0xFFFFFFD0] =	vst v6  }
0xd3: {  	v5 =	vmul.f32 v7, v1;
	[tilespmem:s12+$0xFFFFFFF0] =	vst v3;
	v8 =	vld [tilespmem:s12+$0x0]  }
0xd4: {  	v3 =	vmul.f32 v9, v1;
	v1 =	vld [tilespmem:s12+$0x70];
	[tilespmem:s12+$0xFFFFFFA0] =	vst v4  }
0xd5: {  	v7 =	vld [tilespmem:s12+$0x20];
	[tilespmem:s12+$0xFFFFFF90] =	vst v5  }
0xd6: {  	v6 =	vld [tilespmem:s12+$0x30];
	[tilespmem:s12+$0xFFFFFFC0] =	vst v3  }
0xd7: {  	v2 =	vld.idx.msk [tilespmem:v2+s28+$0x0], $0xffff  }
0xd8: {  	v3 =	vld [tilespmem:s12+$0x50]  }
0xd9: {  	v5 =	vld [tilespmem:s12+$0x10]  }
0xda: {  	v4 =	vld [tilespmem:s12+$0x60]  }
0xdb: {  	s17 =	simm.s32 $0x0  }
0xdc: {  	s16 =	simm.s32 $0x3E00;
	s15 =	sshll.u32 s0, $0x1;
	s18 =	simm.s32 $0x8;
	v9 =	vmul.f32 v8, v2;
	v8 =	vmul.f32 v10, v2  }
.LBB2_5:
0xdd: {  	p0 =	slt.u32 s18, $0x78;
	v7 =	vmul.f32 v7, v2;
	v6 =	vmul.f32 v6, v2;
	s19 =	sadd.s32 $0x5, s17;
	s12 =	sadd.s32 $0x400, s12  }
0xde: {  	v3 =	vmul.f32 v3, v2;
	[tilespmem:s16+$0x0] =	vst v9;
	v5 =	vmul.f32 v5, v2;
	v9 =	vmov s19;
	s19 =	smov.u32 s18;
	s18 =	sadd.s32 $0x8, s18  }
0xdf: {  	v1 =	vmul.f32 v1, v2;
	[tilespmem:s16+$0x40] =	vst v8;
	v4 =	vmul.f32 v4, v2;
	v2 =	vand.u32 $0xFFFFFFFD, v9  }
0xe0: {  	[tilespmem:s16+$0x20] =	vst v7;
	v2 =	vbroadcast v2, $0x0  }
0xe1: {  	[tilespmem:s16+$0x50] =	vst v3  }
0xe2: {  	[tilespmem:s16+$0x70] =	vst v1;
	v1 =	vld [tilespmem:s16+$0xA0]  }
0xe3: {  	[tilespmem:s16+$0x30] =	vst v6;
	v3 =	vld [tilespmem:s16+$0x80]  }
0xe4: {  	[tilespmem:s16+$0x60] =	vst v4;
	v4 =	vld [tilespmem:s16+$0xD0]  }
0xe5: {  	[tilespmem:s16+$0x10] =	vst v5;
	v5 =	vld [tilespmem:s16+$0xF0]  }
0xe6: {  	v2 =	vld.idx.msk [tilespmem:v2+s28+$0x0], $0xffff  }
0xe7: {  	v6 =	vld [tilespmem:s16+$0xC0]  }
0xe8: {  	v7 =	vld [tilespmem:s16+$0xB0]  }
0xe9: {  	v8 =	vld [tilespmem:s16+$0x90]  }
0xea: {  	v9 =	vld [tilespmem:s16+$0xE0];
	_ =	sdelay $0x1  }
0xeb: {  	v3 =	vmul.f32 v3, v2;
	v6 =	vmul.f32 v6, v2  }
0xec: {  	s20 =	sadd.s32 $0x6, s17;
	v1 =	vmul.f32 v1, v2;
	v7 =	vmul.f32 v7, v2  }
0xed: {  	v4 =	vmul.f32 v4, v2;
	[tilespmem:s16+$0x80] =	vst v3;
	v3 =	vmul.f32 v8, v2;
	v8 =	vmov s20  }
0xee: {  	[tilespmem:s16+$0xA0] =	vst v1;
	v1 =	vmul.f32 v9, v2;
	v2 =	vmul.f32 v5, v2;
	v5 =	vand.u32 $0xFFFFFFFE, v8  }
0xef: {  	[tilespmem:s16+$0xD0] =	vst v4;
	v4 =	vbroadcast v5, $0x0  }
0xf0: {  	[tilespmem:s16+$0xC0] =	vst v6  }
0xf1: {  	[tilespmem:s16+$0xF0] =	vst v2;
	v2 =	vld [tilespmem:s16+$0x120]  }
0xf2: {  	[tilespmem:s16+$0xB0] =	vst v7;
	v5 =	vld [tilespmem:s16+$0x100]  }
0xf3: {  	[tilespmem:s16+$0x90] =	vst v3;
	v3 =	vld [tilespmem:s16+$0x140]  }
0xf4: {  	[tilespmem:s16+$0xE0] =	vst v1;
	v1 =	vld [tilespmem:s16+$0x130]  }
0xf5: {  	v4 =	vld.idx.msk [tilespmem:v4+s28+$0x0], $0xffff  }
0xf6: {  	v6 =	vld [tilespmem:s16+$0x110]  }
0xf7: {  	v7 =	vld [tilespmem:s16+$0x160]  }
0xf8: {  	v8 =	vld [tilespmem:s16+$0x150]  }
0xf9: {  	v9 =	vld [tilespmem:s16+$0x170];
	_ =	sdelay $0x1  }
0xfa: {  	v5 =	vmul.f32 v5, v4;
	v6 =	vmul.f32 v6, v4  }
0xfb: {  	v2 =	vmul.f32 v2, v4;
	v1 =	vmul.f32 v1, v4  }
0xfc: {  	v3 =	vmul.f32 v3, v4;
	[tilespmem:s16+$0x100] =	vst v5;
	v5 =	vmul.f32 v8, v4  }
0xfd: {  	[tilespmem:s16+$0x120] =	vst v2;
	v2 =	vmul.f32 v7, v4;
	v4 =	vmul.f32 v9, v4  }
0xfe: {  	s20 =	sadd.s32 $0x7, s17;
	s17 =	smov.u32 s19;
	[tilespmem:s16+$0x130] =	vst v1  }
0xff: {  	v1 =	vmov s20;
	[tilespmem:s16+$0x140] =	vst v3  }
0x100: {  	[tilespmem:s16+$0x160] =	vst v2;
	v2 =	vld [tilespmem:s16+$0x180]  }
0x101: {  	[tilespmem:s16+$0x110] =	vst v6;
	v3 =	vld [tilespmem:s16+$0x1D0]  }
0x102: {  	[tilespmem:s16+$0x150] =	vst v5;
	v5 =	vld [tilespmem:s16+$0x190]  }
0x103: {  	[tilespmem:s16+$0x170] =	vst v4;
	v4 =	vld [tilespmem:s16+$0x1F0]  }
0x104: {  	v1 =	vld.idx.msk [tilespmem:v1+s28+$0x0], $0xffff  }
0x105: {  	v6 =	vld [tilespmem:s16+$0x1B0]  }
0x106: {  	v7 =	vld [tilespmem:s16+$0x1A0]  }
0x107: {  	v8 =	vld [tilespmem:s16+$0x1C0]  }
0x108: {  	v9 =	vld [tilespmem:s16+$0x1E0];
	_ =	sdelay $0x1  }
0x109: {  	v2 =	vmul.f32 v2, v1;
	v5 =	vmul.f32 v5, v1  }
0x10a: {  	v6 =	vmul.f32 v6, v1;
	v7 =	vmul.f32 v7, v1  }
0x10b: {  	v10 =	vmov s17;
	v3 =	vmul.f32 v3, v1;
	[tilespmem:s16+$0x180] =	vst v2;
	v2 =	vmul.f32 v8, v1  }
0x10c: {  	v8 =	vand.u32 $0xFFFFFFF8, v10;
	[tilespmem:s16+$0x190] =	vst v5;
	v5 =	vmul.f32 v9, v1;
	v1 =	vmul.f32 v4, v1  }
0x10d: {  	v4 =	vbroadcast v8, $0x0;
	[tilespmem:s16+$0x1D0] =	vst v3  }
0x10e: {  	[tilespmem:s16+$0x1A0] =	vst v7  }
0x10f: {  	v3 =	vld [tilespmem:s12+$0xFFFFFE50];
	[tilespmem:s16+$0x1F0] =	vst v1  }
0x110: {  	v1 =	vld [tilespmem:s12+$0xFFFFFE30];
	[tilespmem:s16+$0x1B0] =	vst v6  }
0x111: {  	v6 =	vld [tilespmem:s12+$0xFFFFFE60];
	[tilespmem:s16+$0x1E0] =	vst v5  }
0x112: {  	v5 =	vld [tilespmem:s12+$0xFFFFFE70];
	[tilespmem:s16+$0x1C0] =	vst v2;
	s16 =	smov.u32 s12  }
0x113: {  	v2 =	vld.idx.msk [tilespmem:v4+s28+$0x0], $0xffff  }
0x114: {  	v4 =	vld [tilespmem:s12+$0xFFFFFE00]  }
0x115: {  	v7 =	vld [tilespmem:s12+$0xFFFFFE20]  }
0x116: {  	v8 =	vld [tilespmem:s12+$0xFFFFFE10]  }
0x117: {  	v9 =	vld [tilespmem:s12+$0xFFFFFE40];
	_ =	sdelay $0x1  }
0x118: {  	v5 =	vmul.f32 v5, v2;
	v4 =	vmul.f32 v4, v2  }
0x119: {  	s19 =	sadd.s32 $0x1, s17;
	v6 =	vmul.f32 v6, v2;
	v7 =	vmul.f32 v7, v2  }
0x11a: {  	v1 =	vmul.f32 v1, v2;
	v8 =	vmul.f32 v8, v2;
	[tilespmem:s12+$0xFFFFFE70] =	vst v5;
	v5 =	vmov s19  }
0x11b: {  	[tilespmem:s12+$0xFFFFFE00] =	vst v4;
	v4 =	vmul.f32 v9, v2;
	v2 =	vmul.f32 v3, v2;
	v3 =	vand.u32 $0xFFFFFFF9, v5  }
0x11c: {  	[tilespmem:s12+$0xFFFFFE20] =	vst v7;
	v3 =	vbroadcast v3, $0x0  }
0x11d: {  	[tilespmem:s12+$0xFFFFFE30] =	vst v1  }
0x11e: {  	[tilespmem:s12+$0xFFFFFE50] =	vst v2;
	v1 =	vld [tilespmem:s12+$0xFFFFFEF0]  }
0x11f: {  	[tilespmem:s12+$0xFFFFFE10] =	vst v8;
	v2 =	vld [tilespmem:s12+$0xFFFFFED0]  }
0x120: {  	[tilespmem:s12+$0xFFFFFE60] =	vst v6;
	v5 =	vld [tilespmem:s12+$0xFFFFFEB0]  }
0x121: {  	[tilespmem:s12+$0xFFFFFE40] =	vst v4;
	v4 =	vld [tilespmem:s12+$0xFFFFFEC0]  }
0x122: {  	v3 =	vld.idx.msk [tilespmem:v3+s28+$0x0], $0xffff  }
0x123: {  	v6 =	vld [tilespmem:s12+$0xFFFFFE90]  }
0x124: {  	v7 =	vld [tilespmem:s12+$0xFFFFFE80]  }
0x125: {  	v8 =	vld [tilespmem:s12+$0xFFFFFEA0]  }
0x126: {  	v9 =	vld [tilespmem:s12+$0xFFFFFEE0];
	_ =	sdelay $0x1  }
0x127: {  	v4 =	vmul.f32 v4, v3;
	v6 =	vmul.f32 v6, v3  }
0x128: {  	s19 =	sadd.s32 $0x2, s17;
	v5 =	vmul.f32 v5, v3;
	v7 =	vmul.f32 v7, v3  }
0x129: {  	v2 =	vmul.f32 v2, v3;
	[tilespmem:s12+$0xFFFFFE90] =	vst v6;
	v6 =	vmul.f32 v8, v3;
	v8 =	vmov s19  }
0x12a: {  	v1 =	vmul.f32 v1, v3;
	[tilespmem:s12+$0xFFFFFEC0] =	vst v4;
	v4 =	vmul.f32 v9, v3;
	v3 =	vand.u32 $0xFFFFFFFA, v8  }
0x12b: {  	[tilespmem:s12+$0xFFFFFE80] =	vst v7;
	v3 =	vbroadcast v3, $0x0  }
0x12c: {  	[tilespmem:s12+$0xFFFFFED0] =	vst v2  }
0x12d: {  	[tilespmem:s12+$0xFFFFFEE0] =	vst v4;
	v2 =	vld [tilespmem:s12+$0xFFFFFF70]  }
0x12e: {  	[tilespmem:s12+$0xFFFFFEB0] =	vst v5;
	v4 =	vld [tilespmem:s12+$0xFFFFFF50]  }
0x12f: {  	[tilespmem:s12+$0xFFFFFEF0] =	vst v1;
	v1 =	vld [tilespmem:s12+$0xFFFFFF20]  }
0x130: {  	[tilespmem:s12+$0xFFFFFEA0] =	vst v6;
	v5 =	vld [tilespmem:s12+$0xFFFFFF60]  }
0x131: {  	v3 =	vld.idx.msk [tilespmem:v3+s28+$0x0], $0xffff  }
0x132: {  	v6 =	vld [tilespmem:s12+$0xFFFFFF00]  }
0x133: {  	v7 =	vld [tilespmem:s12+$0xFFFFFF10]  }
0x134: {  	v8 =	vld [tilespmem:s12+$0xFFFFFF40]  }
0x135: {  	v9 =	vld [tilespmem:s12+$0xFFFFFF30];
	_ =	sdelay $0x1  }
0x136: {  	v5 =	vmul.f32 v5, v3;
	v6 =	vmul.f32 v6, v3  }
0x137: {  	s19 =	sadd.s32 $0x3, s17;
	v1 =	vmul.f32 v1, v3;
	v7 =	vmul.f32 v7, v3  }
0x138: {  	v4 =	vmul.f32 v4, v3;
	[tilespmem:s12+$0xFFFFFF00] =	vst v6;
	v6 =	vmul.f32 v8, v3;
	v8 =	vmov s19  }
0x139: {  	v2 =	vmul.f32 v2, v3;
	v9 =	vmul.f32 v9, v3;
	[tilespmem:s12+$0xFFFFFF60] =	vst v5;
	v3 =	vand.u32 $0xFFFFFFFB, v8  }
0x13a: {  	[tilespmem:s12+$0xFFFFFF10] =	vst v7;
	v3 =	vbroadcast v3, $0x0  }
0x13b: {  	[tilespmem:s12+$0xFFFFFF50] =	vst v4  }
0x13c: {  	[tilespmem:s12+$0xFFFFFF70] =	vst v2;
	v2 =	vld [tilespmem:s12+$0xFFFFFFF0]  }
0x13d: {  	[tilespmem:s12+$0xFFFFFF20] =	vst v1;
	v1 =	vld [tilespmem:s12+$0xFFFFFFD0]  }
0x13e: {  	[tilespmem:s12+$0xFFFFFF30] =	vst v9;
	v4 =	vld [tilespmem:s12+$0xFFFFFF90]  }
0x13f: {  	[tilespmem:s12+$0xFFFFFF40] =	vst v6;
	v5 =	vld [tilespmem:s12+$0xFFFFFFE0]  }
0x140: {  	v3 =	vld.idx.msk [tilespmem:v3+s28+$0x0], $0xffff  }
0x141: {  	v6 =	vld [tilespmem:s12+$0xFFFFFFB0]  }
0x142: {  	v7 =	vld [tilespmem:s12+$0xFFFFFF80]  }
0x143: {  	v8 =	vld [tilespmem:s12+$0xFFFFFFC0]  }
0x144: {  	v9 =	vld [tilespmem:s12+$0xFFFFFFA0];
	_ =	sdelay $0x1  }
0x145: {  	v5 =	vmul.f32 v5, v3;
	v6 =	vmul.f32 v6, v3  }
0x146: {  	s19 =	sadd.s32 $0x4, s17;
	v4 =	vmul.f32 v4, v3;
	v7 =	vmul.f32 v7, v3  }
0x147: {  	v1 =	vmul.f32 v1, v3;
	[tilespmem:s12+$0xFFFFFFB0] =	vst v6;
	v6 =	vmul.f32 v8, v3;
	v8 =	vmov s19  }
0x148: {  	v2 =	vmul.f32 v2, v3;
	v9 =	vmul.f32 v9, v3;
	[tilespmem:s12+$0xFFFFFFE0] =	vst v5;
	v3 =	vand.u32 $0xFFFFFFFC, v8  }
0x149: {  	[tilespmem:s12+$0xFFFFFF80] =	vst v7;
	v5 =	vbroadcast v3, $0x0  }
0x14a: {  	[tilespmem:s12+$0xFFFFFFD0] =	vst v1  }
0x14b: {  	[tilespmem:s12+$0xFFFFFFF0] =	vst v2;
	v8 =	vld [tilespmem:s12+$0x0]  }
0x14c: {  	[tilespmem:s12+$0xFFFFFFA0] =	vst v9;
	v1 =	vld [tilespmem:s12+$0x70]  }
0x14d: {  	[tilespmem:s12+$0xFFFFFF90] =	vst v4;
	v3 =	vld [tilespmem:s12+$0x50]  }
0x14e: {  	[tilespmem:s12+$0xFFFFFFC0] =	vst v6;
	v7 =	vld [tilespmem:s12+$0x20]  }
0x14f: {  	v2 =	vld.idx.msk [tilespmem:v5+s28+$0x0], $0xffff  }
0x150: {  	v10 =	vld [tilespmem:s12+$0x40]  }
.Ltmp3:
0x151: {  	v6 =	vld [tilespmem:s12+$0x30];
	(pc) =	sbr.rel @p0 .LBB2_5-.Ltmp3, $3  }
0x152: {  	v5 =	vld [tilespmem:s12+$0x10]  }
0x153: {  	v4 =	vld [tilespmem:s12+$0x60];
	_ =	sdelay $0x1  }
0x154: {  	v9 =	vmul.f32 v8, v2;
	v8 =	vmul.f32 v10, v2  }
0x155: {  	s12 =	sadd.s32 $0x5, s17  }
0x156: {  	v7 =	vmul.f32 v7, v2;
	[tilespmem:s16+$0x0] =	vst v9;
	v9 =	vmov s12  }
0x157: {  	v3 =	vmul.f32 v3, v2;
	[tilespmem:s16+$0x40] =	vst v8;
	v8 =	vand.u32 $0xFFFFFFFD, v9  }
0x158: {  	v1 =	vmul.f32 v1, v2;
	[tilespmem:s16+$0x20] =	vst v7;
	v7 =	vbroadcast v8, $0x0  }
0x159: {  	v6 =	vmul.f32 v6, v2;
	[tilespmem:s16+$0x50] =	vst v3  }
0x15a: {  	v3 =	vmul.f32 v4, v2;
	[tilespmem:s16+$0x70] =	vst v1  }
0x15b: {  	v1 =	vmul.f32 v5, v2;
	[tilespmem:s16+$0x30] =	vst v6  }
0x15c: {  	[tilespmem:s16+$0x60] =	vst v3  }
0x15d: {  	v2 =	vld [tilespmem:s16+$0x80];
	[tilespmem:s16+$0x10] =	vst v1  }
0x15e: {  	v1 =	vld.idx.msk [tilespmem:v7+s28+$0x0], $0xffff  }
0x15f: {  	v3 =	vld [tilespmem:s16+$0xA0]  }
0x160: {  	v5 =	vld [tilespmem:s16+$0xC0]  }
0x161: {  	v4 =	vld [tilespmem:s16+$0xD0];
	_ =	sdelay $0x1  }
0x162: {  	v8 =	vld [tilespmem:s16+$0x90];
	v2 =	vmul.f32 v2, v1  }
0x163: {  	v6 =	vld [tilespmem:s16+$0xF0];
	v3 =	vmul.f32 v3, v1  }
0x164: {  	s19 =	sadd.s32 $0x6, s17;
	v7 =	vld [tilespmem:s16+$0xB0];
	v5 =	vmul.f32 v5, v1;
	[tilespmem:s16+$0x80] =	vst v2  }
0x165: {  	v9 =	vld [tilespmem:s16+$0xE0];
	v2 =	vmul.f32 v4, v1;
	v4 =	vmov s19;
	[tilespmem:s16+$0xA0] =	vst v3  }
0x166: {  	[tilespmem:s16+$0xC0] =	vst v5;
	v3 =	vand.u32 $0xFFFFFFFE, v4  }
0x167: {  	v5 =	vmul.f32 v8, v1;
	[tilespmem:s16+$0xD0] =	vst v2;
	v2 =	vbroadcast v3, $0x0  }
0x168: {  	v4 =	vmul.f32 v6, v1  }
0x169: {  	v3 =	vmul.f32 v7, v1;
	[tilespmem:s16+$0x90] =	vst v5  }
0x16a: {  	v1 =	vmul.f32 v9, v1;
	[tilespmem:s16+$0xF0] =	vst v4  }
0x16b: {  	[tilespmem:s16+$0xB0] =	vst v3  }
0x16c: {  	v3 =	vld [tilespmem:s16+$0x100];
	[tilespmem:s16+$0xE0] =	vst v1  }
0x16d: {  	v1 =	vld.idx.msk [tilespmem:v2+s28+$0x0], $0xffff  }
0x16e: {  	v2 =	vld [tilespmem:s16+$0x120]  }
0x16f: {  	v4 =	vld [tilespmem:s16+$0x130]  }
0x170: {  	v5 =	vld [tilespmem:s16+$0x140]  }
0x171: {  	v6 =	vld [tilespmem:s16+$0x160]  }
0x172: {  	v7 =	vld [tilespmem:s16+$0x110];
	v3 =	vmul.f32 v3, v1  }
0x173: {  	v8 =	vld [tilespmem:s16+$0x150];
	v2 =	vmul.f32 v2, v1  }
0x174: {  	v9 =	vld [tilespmem:s16+$0x170];
	v4 =	vmul.f32 v4, v1;
	[tilespmem:s16+$0x100] =	vst v3  }
0x175: {  	v3 =	vmul.f32 v5, v1;
	[tilespmem:s16+$0x120] =	vst v2  }
0x176: {  	s20 =	sadd.s32 $0x7, s17;
	v2 =	vmul.f32 v6, v1;
	[tilespmem:s16+$0x130] =	vst v4  }
0x177: {  	v4 =	vmul.f32 v7, v1;
	[tilespmem:s16+$0x140] =	vst v3;
	v3 =	vmov s20  }
0x178: {  	v5 =	vmul.f32 v8, v1;
	[tilespmem:s16+$0x160] =	vst v2  }
0x179: {  	v1 =	vmul.f32 v9, v1;
	[tilespmem:s16+$0x110] =	vst v4  }
0x17a: {  	[tilespmem:s16+$0x150] =	vst v5  }
0x17b: {  	v2 =	vld [tilespmem:s16+$0x180];
	[tilespmem:s16+$0x170] =	vst v1  }
0x17c: {  	v1 =	vld.idx.msk [tilespmem:v3+s28+$0x0], $0xffff  }
0x17d: {  	v4 =	vld [tilespmem:s16+$0x190]  }
0x17e: {  	v3 =	vld [tilespmem:s16+$0x1D0]  }
0x17f: {  	v5 =	vld [tilespmem:s16+$0x1A0]  }
0x180: {  	v6 =	vld [tilespmem:s16+$0x1F0]  }
0x181: {  	v7 =	vld [tilespmem:s16+$0x1B0];
	v2 =	vmul.f32 v2, v1  }
0x182: {  	v8 =	vld [tilespmem:s16+$0x1E0];
	v4 =	vmul.f32 v4, v1  }
0x183: {  	v9 =	vld [tilespmem:s16+$0x1C0];
	[tilespmem:s16+$0x180] =	vst v2;
	v2 =	vmul.f32 v3, v1  }
0x184: {  	v3 =	vmul.f32 v5, v1;
	[tilespmem:s16+$0x190] =	vst v4  }
0x185: {  	v4 =	vmul.f32 v6, v1;
	[tilespmem:s16+$0x1D0] =	vst v2  }
0x186: {  	v2 =	vmul.f32 v7, v1;
	[tilespmem:s16+$0x1A0] =	vst v3  }
0x187: {  	v3 =	vmul.f32 v8, v1;
	[tilespmem:s16+$0x1F0] =	vst v4  }
0x188: {  	v1 =	vmul.f32 v9, v1;
	[tilespmem:s16+$0x1B0] =	vst v2  }
0x189: {  	[tilespmem:s16+$0x1E0] =	vst v3  }
0x18a: {  	s3 =	sadd.s32 $0x80, s3;
	[tilespmem:s16+$0x1C0] =	vst v1  }
0x18b: {  	[spmem:s4] =	stream.indirect.scatter.add.f32 [tilespmem:s23], [sflag:$0x4], $0x80, s3, s24, $0xb8;
	[tilespmem:$0x1FD00] =	vst v63  }
0x18c: {  	_ =	swait.ge [sflag:s29], $0x4000  }
0x18d: {  	s16 =	sor.u32 $0x1, s15;
	[sflag:s29] =	ssyncset.done $0x0  }
0x18e: {  	s12 =	smul.u32 $0x600, s16;
	[sflag:s29] =	ssyncadd.s32 $0xFFFFC000  }
0x18f: {  	p0 =	sgt.u32 s16, $0x26;
	_ =	swait.ge [sflag:s30], $0x4000  }
0x190: {  	s15 =	simm.s32 @!p0 $0x80;
	s3 =	sshra.s32 @!p0 s12, $0x2;
	[sflag:s30] =	ssyncset.done $0x0  }
0x191: {  	s16 =	simm.s32 @!p0 $0x3C00;
	s3 =	sadd.s32 @!p0 $0x180, s3;
	[sflag:s30] =	ssyncadd.s32 $0xFFFFC000  }
0x192: {  	[tilespmem:s16], [sflag:$0x1] =	stream.indirect.gather @!p0 [hbm4b:s1+s15], $0x80, s3, s15, $0xb8;
	[tilespmem:$0x1FD00] =	vst v63  }
0x193: {  	s3 =	sshra.s32 s12, $0x2  }
0x194: {  	v1 =	vld [tilespmem:s3+$0x100];
	_ =	sdelay $0x7  }
0x195: {  	v1 =	vld.idx.msk [tilespmem:v1+s21+$0x0], $0xffff;
	_ =	sdelay $0x4  }
0x196: {  	[tilespmem:$0xBC80] =	vst v1  }
0x197: {  	v1 =	vld [tilespmem:s3+$0x110];
	_ =	sdelay $0x7  }
0x198: {  	v1 =	vld.idx.msk [tilespmem:v1+s21+$0x0], $0xffff;
	_ =	sdelay $0x4  }
0x199: {  	[tilespmem:$0xBC90] =	vst v1  }
0x19a: {  	v1 =	vld [tilespmem:s3+$0x120];
	_ =	sdelay $0x7  }
0x19b: {  	v1 =	vld.idx.msk [tilespmem:v1+s21+$0x0], $0xffff;
	_ =	sdelay $0x4  }
0x19c: {  	[tilespmem:$0xBCA0] =	vst v1  }
0x19d: {  	v1 =	vld [tilespmem:s3+$0x130];
	_ =	sdelay $0x7  }
0x19e: {  	v1 =	vld.idx.msk [tilespmem:v1+s21+$0x0], $0xffff;
	_ =	sdelay $0x4  }
0x19f: {  	[tilespmem:$0xBCB0] =	vst v1  }
0x1a0: {  	v1 =	vld [tilespmem:s3+$0x140];
	_ =	sdelay $0x7  }
0x1a1: {  	v1 =	vld.idx.msk [tilespmem:v1+s21+$0x0], $0xffff;
	_ =	sdelay $0x4  }
0x1a2: {  	[tilespmem:$0xBCC0] =	vst v1  }
0x1a3: {  	v1 =	vld [tilespmem:s3+$0x150];
	_ =	sdelay $0x7  }
0x1a4: {  	v1 =	vld.idx.msk [tilespmem:v1+s21+$0x0], $0xffff;
	_ =	sdelay $0x4  }
0x1a5: {  	[tilespmem:$0xBCD0] =	vst v1  }
0x1a6: {  	v1 =	vld [tilespmem:s3+$0x160];
	_ =	sdelay $0x7  }
0x1a7: {  	v1 =	vld.idx.msk [tilespmem:v1+s21+$0x0], $0xffff;
	_ =	sdelay $0x4  }
0x1a8: {  	[tilespmem:$0xBCE0] =	vst v1  }
0x1a9: {  	v1 =	vld [tilespmem:s3+$0x170];
	_ =	sdelay $0x5  }
0x1aa: {  	s12 =	simm.s32 $0x0  }
0x1ab: {  	v2 =	vmov s12  }
0x1ac: {  	v2 =	vand.u32 $0xFFFFFFF8, v2;
	v1 =	vld.idx.msk [tilespmem:v1+s21+$0x0], $0xffff  }
0x1ad: {  	v2 =	vbroadcast v2, $0x0;
	_ =	sdelay $0x3  }
0x1ae: {  	s15 =	simm.s32 $0x7E00;
	[tilespmem:$0xBCF0] =	vst v1  }
0x1af: {  	v3 =	vld [tilespmem:s15+$0xFFFFFE70]  }
0x1b0: {  	v2 =	vld.idx.msk [tilespmem:v2+s28+$0x0], $0xffff  }
0x1b1: {  	v4 =	vld [tilespmem:s15+$0xFFFFFE00]  }
0x1b2: {  	v5 =	vld [tilespmem:s15+$0xFFFFFE20]  }
0x1b3: {  	v6 =	vld [tilespmem:s15+$0xFFFFFE30]  }
0x1b4: {  	v1 =	vld [tilespmem:s15+$0xFFFFFE50]  }
0x1b5: {  	v8 =	vld [tilespmem:s15+$0xFFFFFE10];
	v3 =	vmul.f32 v3, v2  }
0x1b6: {  	s17 =	simm.s32 $0x1;
	v7 =	vld [tilespmem:s15+$0xFFFFFE60];
	v4 =	vmul.f32 v4, v2  }
0x1b7: {  	v9 =	vld [tilespmem:s15+$0xFFFFFE40];
	v5 =	vmul.f32 v5, v2;
	[tilespmem:s15+$0xFFFFFE70] =	vst v3;
	v3 =	vmov s17  }
0x1b8: {  	v6 =	vmul.f32 v6, v2;
	[tilespmem:s15+$0xFFFFFE00] =	vst v4;
	v3 =	vand.u32 $0xFFFFFFF9, v3  }
0x1b9: {  	v1 =	vmul.f32 v1, v2;
	[tilespmem:s15+$0xFFFFFE20] =	vst v5;
	v3 =	vbroadcast v3, $0x0  }
0x1ba: {  	v4 =	vmul.f32 v8, v2;
	[tilespmem:s15+$0xFFFFFE30] =	vst v6  }
0x1bb: {  	v5 =	vmul.f32 v7, v2;
	[tilespmem:s15+$0xFFFFFE50] =	vst v1  }
0x1bc: {  	v1 =	vmul.f32 v9, v2;
	[tilespmem:s15+$0xFFFFFE10] =	vst v4  }
0x1bd: {  	[tilespmem:s15+$0xFFFFFE60] =	vst v5  }
0x1be: {  	[tilespmem:s15+$0xFFFFFE40] =	vst v1  }
0x1bf: {  	v1 =	vld.idx.msk [tilespmem:v3+s28+$0x0], $0xffff  }
0x1c0: {  	v3 =	vld [tilespmem:s15+$0xFFFFFE90]  }
0x1c1: {  	v4 =	vld [tilespmem:s15+$0xFFFFFEC0]  }
0x1c2: {  	v5 =	vld [tilespmem:s15+$0xFFFFFE80]  }
0x1c3: {  	v6 =	vld [tilespmem:s15+$0xFFFFFED0]  }
0x1c4: {  	v2 =	vld [tilespmem:s15+$0xFFFFFEF0]  }
0x1c5: {  	v7 =	vld [tilespmem:s15+$0xFFFFFEE0];
	v3 =	vmul.f32 v3, v1  }
0x1c6: {  	s18 =	simm.s32 $0x2;
	v8 =	vld [tilespmem:s15+$0xFFFFFEB0];
	v4 =	vmul.f32 v4, v1  }
0x1c7: {  	v9 =	vld [tilespmem:s15+$0xFFFFFEA0];
	v5 =	vmul.f32 v5, v1;
	[tilespmem:s15+$0xFFFFFE90] =	vst v3;
	v3 =	vmov s18  }
0x1c8: {  	v6 =	vmul.f32 v6, v1;
	[tilespmem:s15+$0xFFFFFEC0] =	vst v4;
	v3 =	vand.u32 $0xFFFFFFFA, v3  }
0x1c9: {  	v2 =	vmul.f32 v2, v1;
	[tilespmem:s15+$0xFFFFFE80] =	vst v5;
	v3 =	vbroadcast v3, $0x0  }
0x1ca: {  	v4 =	vmul.f32 v7, v1;
	[tilespmem:s15+$0xFFFFFED0] =	vst v6  }
0x1cb: {  	v5 =	vmul.f32 v8, v1;
	[tilespmem:s15+$0xFFFFFEF0] =	vst v2  }
0x1cc: {  	v1 =	vmul.f32 v9, v1;
	[tilespmem:s15+$0xFFFFFEE0] =	vst v4  }
0x1cd: {  	[tilespmem:s15+$0xFFFFFEB0] =	vst v5  }
0x1ce: {  	v2 =	vld [tilespmem:s15+$0xFFFFFF00];
	[tilespmem:s15+$0xFFFFFEA0] =	vst v1  }
0x1cf: {  	v1 =	vld.idx.msk [tilespmem:v3+s28+$0x0], $0xffff  }
0x1d0: {  	v3 =	vld [tilespmem:s15+$0xFFFFFF60]  }
0x1d1: {  	v4 =	vld [tilespmem:s15+$0xFFFFFF10]  }
0x1d2: {  	v5 =	vld [tilespmem:s15+$0xFFFFFF50]  }
0x1d3: {  	v6 =	vld [tilespmem:s15+$0xFFFFFF70]  }
0x1d4: {  	v7 =	vld [tilespmem:s15+$0xFFFFFF20];
	v2 =	vmul.f32 v2, v1  }
0x1d5: {  	s19 =	simm.s32 $0x3;
	v8 =	vld [tilespmem:s15+$0xFFFFFF30];
	v3 =	vmul.f32 v3, v1  }
0x1d6: {  	v9 =	vld [tilespmem:s15+$0xFFFFFF40];
	v4 =	vmul.f32 v4, v1;
	[tilespmem:s15+$0xFFFFFF00] =	vst v2;
	v2 =	vmov s19  }
0x1d7: {  	v5 =	vmul.f32 v5, v1;
	[tilespmem:s15+$0xFFFFFF60] =	vst v3;
	v2 =	vand.u32 $0xFFFFFFFB, v2  }
0x1d8: {  	v3 =	vmul.f32 v6, v1;
	[tilespmem:s15+$0xFFFFFF10] =	vst v4;
	v2 =	vbroadcast v2, $0x0  }
0x1d9: {  	v4 =	vmul.f32 v7, v1;
	[tilespmem:s15+$0xFFFFFF50] =	vst v5  }
0x1da: {  	v5 =	vmul.f32 v8, v1;
	[tilespmem:s15+$0xFFFFFF70] =	vst v3  }
0x1db: {  	v1 =	vmul.f32 v9, v1;
	[tilespmem:s15+$0xFFFFFF20] =	vst v4  }
0x1dc: {  	[tilespmem:s15+$0xFFFFFF30] =	vst v5  }
0x1dd: {  	[tilespmem:s15+$0xFFFFFF40] =	vst v1  }
0x1de: {  	v1 =	vld.idx.msk [tilespmem:v2+s28+$0x0], $0xffff  }
0x1df: {  	v2 =	vld [tilespmem:s15+$0xFFFFFFB0]  }
0x1e0: {  	v4 =	vld [tilespmem:s15+$0xFFFFFFE0]  }
0x1e1: {  	v5 =	vld [tilespmem:s15+$0xFFFFFF80]  }
0x1e2: {  	v6 =	vld [tilespmem:s15+$0xFFFFFFD0]  }
0x1e3: {  	v3 =	vld [tilespmem:s15+$0xFFFFFFF0]  }
0x1e4: {  	v8 =	vld [tilespmem:s15+$0xFFFFFFA0];
	v2 =	vmul.f32 v2, v1  }
0x1e5: {  	s20 =	simm.s32 $0x4;
	v7 =	vld [tilespmem:s15+$0xFFFFFF90];
	v4 =	vmul.f32 v4, v1  }
0x1e6: {  	v9 =	vld [tilespmem:s15+$0xFFFFFFC0];
	v5 =	vmul.f32 v5, v1;
	[tilespmem:s15+$0xFFFFFFB0] =	vst v2;
	v2 =	vmov s20  }
0x1e7: {  	v6 =	vmul.f32 v6, v1;
	[tilespmem:s15+$0xFFFFFFE0] =	vst v4;
	v2 =	vand.u32 $0xFFFFFFFC, v2  }
0x1e8: {  	v3 =	vmul.f32 v3, v1;
	[tilespmem:s15+$0xFFFFFF80] =	vst v5;
	v2 =	vbroadcast v2, $0x0  }
0x1e9: {  	v10 =	vld [tilespmem:s15+$0x40];
	v4 =	vmul.f32 v8, v1;
	[tilespmem:s15+$0xFFFFFFD0] =	vst v6  }
0x1ea: {  	v5 =	vmul.f32 v7, v1;
	[tilespmem:s15+$0xFFFFFFF0] =	vst v3;
	v8 =	vld [tilespmem:s15+$0x0]  }
0x1eb: {  	v3 =	vmul.f32 v9, v1;
	v1 =	vld [tilespmem:s15+$0x70];
	[tilespmem:s15+$0xFFFFFFA0] =	vst v4  }
0x1ec: {  	v7 =	vld [tilespmem:s15+$0x20];
	[tilespmem:s15+$0xFFFFFF90] =	vst v5  }
0x1ed: {  	v6 =	vld [tilespmem:s15+$0x30];
	[tilespmem:s15+$0xFFFFFFC0] =	vst v3  }
0x1ee: {  	v2 =	vld.idx.msk [tilespmem:v2+s28+$0x0], $0xffff  }
0x1ef: {  	v3 =	vld [tilespmem:s15+$0x50]  }
0x1f0: {  	v5 =	vld [tilespmem:s15+$0x10]  }
0x1f1: {  	v4 =	vld [tilespmem:s15+$0x60];
	_ =	sdelay $0x1  }
0x1f2: {  	s16 =	simm.s32 $0x7E00;
	s17 =	simm.s32 $0x8;
	v9 =	vmul.f32 v8, v2;
	v8 =	vmul.f32 v10, v2  }
.LBB2_7:
0x1f3: {  	p0 =	slt.u32 s17, $0x78;
	v7 =	vmul.f32 v7, v2;
	v6 =	vmul.f32 v6, v2;
	s18 =	sadd.s32 $0x5, s12;
	s15 =	sadd.s32 $0x400, s15  }
0x1f4: {  	v3 =	vmul.f32 v3, v2;
	[tilespmem:s16+$0x0] =	vst v9;
	v5 =	vmul.f32 v5, v2;
	v9 =	vmov s18;
	s18 =	smov.u32 s17;
	s17 =	sadd.s32 $0x8, s17  }
0x1f5: {  	v1 =	vmul.f32 v1, v2;
	[tilespmem:s16+$0x40] =	vst v8;
	v4 =	vmul.f32 v4, v2;
	v2 =	vand.u32 $0xFFFFFFFD, v9  }
0x1f6: {  	[tilespmem:s16+$0x20] =	vst v7;
	v2 =	vbroadcast v2, $0x0  }
0x1f7: {  	[tilespmem:s16+$0x50] =	vst v3  }
0x1f8: {  	[tilespmem:s16+$0x70] =	vst v1;
	v1 =	vld [tilespmem:s16+$0xA0]  }
0x1f9: {  	[tilespmem:s16+$0x30] =	vst v6;
	v3 =	vld [tilespmem:s16+$0x80]  }
0x1fa: {  	[tilespmem:s16+$0x60] =	vst v4;
	v4 =	vld [tilespmem:s16+$0xD0]  }
0x1fb: {  	[tilespmem:s16+$0x10] =	vst v5;
	v5 =	vld [tilespmem:s16+$0xF0]  }
0x1fc: {  	v2 =	vld.idx.msk [tilespmem:v2+s28+$0x0], $0xffff  }
0x1fd: {  	v6 =	vld [tilespmem:s16+$0xC0]  }
0x1fe: {  	v7 =	vld [tilespmem:s16+$0xB0]  }
0x1ff: {  	v8 =	vld [tilespmem:s16+$0x90]  }
0x200: {  	v9 =	vld [tilespmem:s16+$0xE0];
	_ =	sdelay $0x1  }
0x201: {  	v3 =	vmul.f32 v3, v2;
	v6 =	vmul.f32 v6, v2  }
0x202: {  	s19 =	sadd.s32 $0x6, s12;
	v1 =	vmul.f32 v1, v2;
	v7 =	vmul.f32 v7, v2  }
0x203: {  	v4 =	vmul.f32 v4, v2;
	[tilespmem:s16+$0x80] =	vst v3;
	v3 =	vmul.f32 v8, v2;
	v8 =	vmov s19  }
0x204: {  	[tilespmem:s16+$0xA0] =	vst v1;
	v1 =	vmul.f32 v9, v2;
	v2 =	vmul.f32 v5, v2;
	v5 =	vand.u32 $0xFFFFFFFE, v8  }
0x205: {  	[tilespmem:s16+$0xD0] =	vst v4;
	v4 =	vbroadcast v5, $0x0  }
0x206: {  	[tilespmem:s16+$0xC0] =	vst v6  }
0x207: {  	[tilespmem:s16+$0xF0] =	vst v2;
	v2 =	vld [tilespmem:s16+$0x120]  }
0x208: {  	[tilespmem:s16+$0xB0] =	vst v7;
	v5 =	vld [tilespmem:s16+$0x100]  }
0x209: {  	[tilespmem:s16+$0x90] =	vst v3;
	v3 =	vld [tilespmem:s16+$0x140]  }
0x20a: {  	[tilespmem:s16+$0xE0] =	vst v1;
	v1 =	vld [tilespmem:s16+$0x130]  }
0x20b: {  	v4 =	vld.idx.msk [tilespmem:v4+s28+$0x0], $0xffff  }
0x20c: {  	v6 =	vld [tilespmem:s16+$0x110]  }
0x20d: {  	v7 =	vld [tilespmem:s16+$0x160]  }
0x20e: {  	v8 =	vld [tilespmem:s16+$0x150]  }
0x20f: {  	v9 =	vld [tilespmem:s16+$0x170];
	_ =	sdelay $0x1  }
0x210: {  	v5 =	vmul.f32 v5, v4;
	v6 =	vmul.f32 v6, v4  }
0x211: {  	v2 =	vmul.f32 v2, v4;
	v1 =	vmul.f32 v1, v4  }
0x212: {  	v3 =	vmul.f32 v3, v4;
	[tilespmem:s16+$0x100] =	vst v5;
	v5 =	vmul.f32 v8, v4  }
0x213: {  	[tilespmem:s16+$0x120] =	vst v2;
	v2 =	vmul.f32 v7, v4;
	v4 =	vmul.f32 v9, v4  }
0x214: {  	s19 =	sadd.s32 $0x7, s12;
	s12 =	smov.u32 s18;
	[tilespmem:s16+$0x130] =	vst v1  }
0x215: {  	v1 =	vmov s19;
	[tilespmem:s16+$0x140] =	vst v3  }
0x216: {  	[tilespmem:s16+$0x160] =	vst v2;
	v2 =	vld [tilespmem:s16+$0x180]  }
0x217: {  	[tilespmem:s16+$0x110] =	vst v6;
	v3 =	vld [tilespmem:s16+$0x1D0]  }
0x218: {  	[tilespmem:s16+$0x150] =	vst v5;
	v5 =	vld [tilespmem:s16+$0x190]  }
0x219: {  	[tilespmem:s16+$0x170] =	vst v4;
	v4 =	vld [tilespmem:s16+$0x1F0]  }
0x21a: {  	v1 =	vld.idx.msk [tilespmem:v1+s28+$0x0], $0xffff  }
0x21b: {  	v6 =	vld [tilespmem:s16+$0x1B0]  }
0x21c: {  	v7 =	vld [tilespmem:s16+$0x1A0]  }
0x21d: {  	v8 =	vld [tilespmem:s16+$0x1C0]  }
0x21e: {  	v9 =	vld [tilespmem:s16+$0x1E0];
	_ =	sdelay $0x1  }
0x21f: {  	v2 =	vmul.f32 v2, v1;
	v5 =	vmul.f32 v5, v1  }
0x220: {  	v6 =	vmul.f32 v6, v1;
	v7 =	vmul.f32 v7, v1  }
0x221: {  	v10 =	vmov s12;
	v3 =	vmul.f32 v3, v1;
	[tilespmem:s16+$0x180] =	vst v2;
	v2 =	vmul.f32 v8, v1  }
0x222: {  	v8 =	vand.u32 $0xFFFFFFF8, v10;
	[tilespmem:s16+$0x190] =	vst v5;
	v5 =	vmul.f32 v9, v1;
	v1 =	vmul.f32 v4, v1  }
0x223: {  	v4 =	vbroadcast v8, $0x0;
	[tilespmem:s16+$0x1D0] =	vst v3  }
0x224: {  	[tilespmem:s16+$0x1A0] =	vst v7  }
0x225: {  	v3 =	vld [tilespmem:s15+$0xFFFFFE50];
	[tilespmem:s16+$0x1F0] =	vst v1  }
0x226: {  	v1 =	vld [tilespmem:s15+$0xFFFFFE30];
	[tilespmem:s16+$0x1B0] =	vst v6  }
0x227: {  	v6 =	vld [tilespmem:s15+$0xFFFFFE60];
	[tilespmem:s16+$0x1E0] =	vst v5  }
0x228: {  	v5 =	vld [tilespmem:s15+$0xFFFFFE70];
	[tilespmem:s16+$0x1C0] =	vst v2;
	s16 =	smov.u32 s15  }
0x229: {  	v2 =	vld.idx.msk [tilespmem:v4+s28+$0x0], $0xffff  }
0x22a: {  	v4 =	vld [tilespmem:s15+$0xFFFFFE00]  }
0x22b: {  	v7 =	vld [tilespmem:s15+$0xFFFFFE20]  }
0x22c: {  	v8 =	vld [tilespmem:s15+$0xFFFFFE10]  }
0x22d: {  	v9 =	vld [tilespmem:s15+$0xFFFFFE40];
	_ =	sdelay $0x1  }
0x22e: {  	v5 =	vmul.f32 v5, v2;
	v4 =	vmul.f32 v4, v2  }
0x22f: {  	s18 =	sadd.s32 $0x1, s12;
	v6 =	vmul.f32 v6, v2;
	v7 =	vmul.f32 v7, v2  }
0x230: {  	v1 =	vmul.f32 v1, v2;
	v8 =	vmul.f32 v8, v2;
	[tilespmem:s15+$0xFFFFFE70] =	vst v5;
	v5 =	vmov s18  }
0x231: {  	[tilespmem:s15+$0xFFFFFE00] =	vst v4;
	v4 =	vmul.f32 v9, v2;
	v2 =	vmul.f32 v3, v2;
	v3 =	vand.u32 $0xFFFFFFF9, v5  }
0x232: {  	[tilespmem:s15+$0xFFFFFE20] =	vst v7;
	v3 =	vbroadcast v3, $0x0  }
0x233: {  	[tilespmem:s15+$0xFFFFFE30] =	vst v1  }
0x234: {  	[tilespmem:s15+$0xFFFFFE50] =	vst v2;
	v1 =	vld [tilespmem:s15+$0xFFFFFEF0]  }
0x235: {  	[tilespmem:s15+$0xFFFFFE10] =	vst v8;
	v2 =	vld [tilespmem:s15+$0xFFFFFED0]  }
0x236: {  	[tilespmem:s15+$0xFFFFFE60] =	vst v6;
	v5 =	vld [tilespmem:s15+$0xFFFFFEB0]  }
0x237: {  	[tilespmem:s15+$0xFFFFFE40] =	vst v4;
	v4 =	vld [tilespmem:s15+$0xFFFFFEC0]  }
0x238: {  	v3 =	vld.idx.msk [tilespmem:v3+s28+$0x0], $0xffff  }
0x239: {  	v6 =	vld [tilespmem:s15+$0xFFFFFE90]  }
0x23a: {  	v7 =	vld [tilespmem:s15+$0xFFFFFE80]  }
0x23b: {  	v8 =	vld [tilespmem:s15+$0xFFFFFEA0]  }
0x23c: {  	v9 =	vld [tilespmem:s15+$0xFFFFFEE0];
	_ =	sdelay $0x1  }
0x23d: {  	v4 =	vmul.f32 v4, v3;
	v6 =	vmul.f32 v6, v3  }
0x23e: {  	s18 =	sadd.s32 $0x2, s12;
	v5 =	vmul.f32 v5, v3;
	v7 =	vmul.f32 v7, v3  }
0x23f: {  	v2 =	vmul.f32 v2, v3;
	[tilespmem:s15+$0xFFFFFE90] =	vst v6;
	v6 =	vmul.f32 v8, v3;
	v8 =	vmov s18  }
0x240: {  	v1 =	vmul.f32 v1, v3;
	[tilespmem:s15+$0xFFFFFEC0] =	vst v4;
	v4 =	vmul.f32 v9, v3;
	v3 =	vand.u32 $0xFFFFFFFA, v8  }
0x241: {  	[tilespmem:s15+$0xFFFFFE80] =	vst v7;
	v3 =	vbroadcast v3, $0x0  }
0x242: {  	[tilespmem:s15+$0xFFFFFED0] =	vst v2  }
0x243: {  	[tilespmem:s15+$0xFFFFFEE0] =	vst v4;
	v2 =	vld [tilespmem:s15+$0xFFFFFF70]  }
0x244: {  	[tilespmem:s15+$0xFFFFFEB0] =	vst v5;
	v4 =	vld [tilespmem:s15+$0xFFFFFF50]  }
0x245: {  	[tilespmem:s15+$0xFFFFFEF0] =	vst v1;
	v1 =	vld [tilespmem:s15+$0xFFFFFF20]  }
0x246: {  	[tilespmem:s15+$0xFFFFFEA0] =	vst v6;
	v5 =	vld [tilespmem:s15+$0xFFFFFF60]  }
0x247: {  	v3 =	vld.idx.msk [tilespmem:v3+s28+$0x0], $0xffff  }
0x248: {  	v6 =	vld [tilespmem:s15+$0xFFFFFF00]  }
0x249: {  	v7 =	vld [tilespmem:s15+$0xFFFFFF10]  }
0x24a: {  	v8 =	vld [tilespmem:s15+$0xFFFFFF40]  }
0x24b: {  	v9 =	vld [tilespmem:s15+$0xFFFFFF30];
	_ =	sdelay $0x1  }
0x24c: {  	v5 =	vmul.f32 v5, v3;
	v6 =	vmul.f32 v6, v3  }
0x24d: {  	s18 =	sadd.s32 $0x3, s12;
	v1 =	vmul.f32 v1, v3;
	v7 =	vmul.f32 v7, v3  }
0x24e: {  	v4 =	vmul.f32 v4, v3;
	[tilespmem:s15+$0xFFFFFF00] =	vst v6;
	v6 =	vmul.f32 v8, v3;
	v8 =	vmov s18  }
0x24f: {  	v2 =	vmul.f32 v2, v3;
	v9 =	vmul.f32 v9, v3;
	[tilespmem:s15+$0xFFFFFF60] =	vst v5;
	v3 =	vand.u32 $0xFFFFFFFB, v8  }
0x250: {  	[tilespmem:s15+$0xFFFFFF10] =	vst v7;
	v3 =	vbroadcast v3, $0x0  }
0x251: {  	[tilespmem:s15+$0xFFFFFF50] =	vst v4  }
0x252: {  	[tilespmem:s15+$0xFFFFFF70] =	vst v2;
	v2 =	vld [tilespmem:s15+$0xFFFFFFF0]  }
0x253: {  	[tilespmem:s15+$0xFFFFFF20] =	vst v1;
	v1 =	vld [tilespmem:s15+$0xFFFFFFD0]  }
0x254: {  	[tilespmem:s15+$0xFFFFFF30] =	vst v9;
	v4 =	vld [tilespmem:s15+$0xFFFFFF90]  }
0x255: {  	[tilespmem:s15+$0xFFFFFF40] =	vst v6;
	v5 =	vld [tilespmem:s15+$0xFFFFFFE0]  }
0x256: {  	v3 =	vld.idx.msk [tilespmem:v3+s28+$0x0], $0xffff  }
0x257: {  	v6 =	vld [tilespmem:s15+$0xFFFFFFB0]  }
0x258: {  	v7 =	vld [tilespmem:s15+$0xFFFFFF80]  }
0x259: {  	v8 =	vld [tilespmem:s15+$0xFFFFFFC0]  }
0x25a: {  	v9 =	vld [tilespmem:s15+$0xFFFFFFA0];
	_ =	sdelay $0x1  }
0x25b: {  	v5 =	vmul.f32 v5, v3;
	v6 =	vmul.f32 v6, v3  }
0x25c: {  	s18 =	sadd.s32 $0x4, s12;
	v4 =	vmul.f32 v4, v3;
	v7 =	vmul.f32 v7, v3  }
0x25d: {  	v1 =	vmul.f32 v1, v3;
	[tilespmem:s15+$0xFFFFFFB0] =	vst v6;
	v6 =	vmul.f32 v8, v3;
	v8 =	vmov s18  }
0x25e: {  	v2 =	vmul.f32 v2, v3;
	v9 =	vmul.f32 v9, v3;
	[tilespmem:s15+$0xFFFFFFE0] =	vst v5;
	v3 =	vand.u32 $0xFFFFFFFC, v8  }
0x25f: {  	[tilespmem:s15+$0xFFFFFF80] =	vst v7;
	v5 =	vbroadcast v3, $0x0  }
0x260: {  	[tilespmem:s15+$0xFFFFFFD0] =	vst v1  }
0x261: {  	[tilespmem:s15+$0xFFFFFFF0] =	vst v2;
	v8 =	vld [tilespmem:s15+$0x0]  }
0x262: {  	[tilespmem:s15+$0xFFFFFFA0] =	vst v9;
	v1 =	vld [tilespmem:s15+$0x70]  }
0x263: {  	[tilespmem:s15+$0xFFFFFF90] =	vst v4;
	v3 =	vld [tilespmem:s15+$0x50]  }
0x264: {  	[tilespmem:s15+$0xFFFFFFC0] =	vst v6;
	v7 =	vld [tilespmem:s15+$0x20]  }
0x265: {  	v2 =	vld.idx.msk [tilespmem:v5+s28+$0x0], $0xffff  }
0x266: {  	v10 =	vld [tilespmem:s15+$0x40]  }
.Ltmp4:
0x267: {  	v6 =	vld [tilespmem:s15+$0x30];
	(pc) =	sbr.rel @p0 .LBB2_7-.Ltmp4, $3  }
0x268: {  	v5 =	vld [tilespmem:s15+$0x10]  }
0x269: {  	v4 =	vld [tilespmem:s15+$0x60];
	_ =	sdelay $0x1  }
0x26a: {  	v9 =	vmul.f32 v8, v2;
	v8 =	vmul.f32 v10, v2  }
0x26b: {  	s15 =	sadd.s32 $0x5, s12  }
0x26c: {  	v7 =	vmul.f32 v7, v2;
	[tilespmem:s16+$0x0] =	vst v9;
	v37 =	vmov s15  }
0x26d: {  	v3 =	vmul.f32 v3, v2;
	[tilespmem:s16+$0x40] =	vst v8;
	v38 =	vand.u32 $0xFFFFFFFD, v37  }
0x26e: {  	v1 =	vmul.f32 v1, v2;
	[tilespmem:s16+$0x20] =	vst v7;
	v39 =	vbroadcast v38, $0x0  }
0x26f: {  	v6 =	vmul.f32 v6, v2;
	[tilespmem:s16+$0x50] =	vst v3  }
0x270: {  	v3 =	vmul.f32 v4, v2;
	[tilespmem:s16+$0x70] =	vst v1  }
0x271: {  	v1 =	vmul.f32 v5, v2;
	[tilespmem:s16+$0x30] =	vst v6  }
0x272: {  	[tilespmem:s16+$0x60] =	vst v3  }
0x273: {  	v2 =	vld [tilespmem:s16+$0x80];
	[tilespmem:s16+$0x10] =	vst v1  }
0x274: {  	v1 =	vld.idx.msk [tilespmem:v39+s28+$0x0], $0xffff  }
0x275: {  	v3 =	vld [tilespmem:s16+$0xA0]  }
0x276: {  	v40 =	vld [tilespmem:s16+$0xD0]  }
0x277: {  	v41 =	vld [tilespmem:s16+$0xC0]  }
0x278: {  	v42 =	vld [tilespmem:s16+$0xF0]  }
0x279: {  	v44 =	vld [tilespmem:s16+$0x90];
	v2 =	vmul.f32 v2, v1  }
0x27a: {  	v43 =	vld [tilespmem:s16+$0xB0];
	s19 =	sadd.s32 $0x6, s12;
	v3 =	vmul.f32 v3, v1  }
0x27b: {  	v45 =	vld [tilespmem:s16+$0xE0];
	v46 =	vmov s19;
	[tilespmem:s16+$0x80] =	vst v2;
	v2 =	vmul.f32 v40, v1  }
0x27c: {  	v5 =	vmul.f32 v41, v1;
	[tilespmem:s16+$0xA0] =	vst v3;
	v3 =	vand.u32 $0xFFFFFFFE, v46  }
0x27d: {  	v47 =	vmul.f32 v42, v1;
	[tilespmem:s16+$0xD0] =	vst v2;
	v2 =	vbroadcast v3, $0x0  }
0x27e: {  	v48 =	vmul.f32 v44, v1;
	[tilespmem:s16+$0xC0] =	vst v5  }
0x27f: {  	[tilespmem:s16+$0xF0] =	vst v47;
	v3 =	vmul.f32 v43, v1  }
0x280: {  	[tilespmem:s16+$0x90] =	vst v48;
	v1 =	vmul.f32 v45, v1  }
0x281: {  	[tilespmem:s16+$0xB0] =	vst v3  }
0x282: {  	v3 =	vld [tilespmem:s16+$0x100];
	[tilespmem:s16+$0xE0] =	vst v1  }
0x283: {  	v1 =	vld.idx.msk [tilespmem:v2+s28+$0x0], $0xffff  }
0x284: {  	v2 =	vld [tilespmem:s16+$0x120]  }
0x285: {  	v49 =	vld [tilespmem:s16+$0x130]  }
0x286: {  	v50 =	vld [tilespmem:s16+$0x140]  }
0x287: {  	v52 =	vld [tilespmem:s16+$0x110]  }
0x288: {  	v53 =	vld [tilespmem:s16+$0x150];
	v3 =	vmul.f32 v3, v1  }
0x289: {  	v51 =	vld [tilespmem:s16+$0x160];
	v2 =	vmul.f32 v2, v1  }
0x28a: {  	v54 =	vld [tilespmem:s16+$0x170];
	v4 =	vmul.f32 v49, v1;
	[tilespmem:s16+$0x100] =	vst v3  }
0x28b: {  	v3 =	vmul.f32 v50, v1;
	[tilespmem:s16+$0x120] =	vst v2  }
0x28c: {  	s20 =	sadd.s32 $0x7, s12;
	v55 =	vmul.f32 v52, v1;
	[tilespmem:s16+$0x130] =	vst v4  }
0x28d: {  	v56 =	vmul.f32 v53, v1;
	[tilespmem:s16+$0x140] =	vst v3;
	v3 =	vmov s20  }
0x28e: {  	v2 =	vmul.f32 v51, v1;
	[tilespmem:s16+$0x110] =	vst v55  }
0x28f: {  	v1 =	vmul.f32 v54, v1;
	[tilespmem:s16+$0x150] =	vst v56  }
0x290: {  	[tilespmem:s16+$0x160] =	vst v2  }
0x291: {  	v2 =	vld [tilespmem:s16+$0x180];
	[tilespmem:s16+$0x170] =	vst v1  }
0x292: {  	v1 =	vld.idx.msk [tilespmem:v3+s28+$0x0], $0xffff  }
0x293: {  	v57 =	vld [tilespmem:s16+$0x190]  }
0x294: {  	v59 =	vld [tilespmem:s16+$0x1F0]  }
0x295: {  	v3 =	vld [tilespmem:s16+$0x1D0]  }
0x296: {  	v58 =	vld [tilespmem:s16+$0x1A0]  }
0x297: {  	v60 =	vld [tilespmem:s16+$0x1B0];
	v2 =	vmul.f32 v2, v1  }
0x298: {  	v61 =	vld [tilespmem:s16+$0x1E0];
	v4 =	vmul.f32 v57, v1  }
0x299: {  	v62 =	vld [tilespmem:s16+$0x1C0];
	v63 =	vmul.f32 v59, v1;
	[tilespmem:s16+$0x180] =	vst v2  }
0x29a: {  	v2 =	vmul.f32 v3, v1;
	[tilespmem:s16+$0x190] =	vst v4  }
0x29b: {  	v3 =	vmul.f32 v58, v1;
	[tilespmem:s16+$0x1F0] =	vst v63  }
0x29c: {  	[tilespmem:s16+$0x1D0] =	vst v2;
	v2 =	vmul.f32 v60, v1  }
0x29d: {  	[tilespmem:s16+$0x1A0] =	vst v3;
	v3 =	vmul.f32 v61, v1  }
0x29e: {  	s0 =	sadd.s32 $0x1, s0;
	v1 =	vmul.f32 v62, v1;
	[tilespmem:s16+$0x1B0] =	vst v2  }
0x29f: {  	p0 =	sne.s32 s0, $0x14;
	[tilespmem:s16+$0x1E0] =	vst v3  }
.Ltmp5:
0x2a0: {  	s3 =	sadd.s32 $0x80, s3;
	[tilespmem:s16+$0x1C0] =	vst v1;
	(pc) =	sbr.rel @p0 .LBB2_4-.Ltmp5, $4  }
0x2a1: {  	[spmem:s4] =	stream.indirect.scatter.add.f32 [tilespmem:s26], [sflag:$0x3], $0x80, s3, s24, $0xb8;
	[tilespmem:$0x1FD00] =	vst v63  }
0x2a2: {  	_ =	swait.ge [sflag:s22], $0x4000  }
0x2a3: {  	[sflag:s22] =	ssyncset.done $0x0  }
0x2a4: {  	[sflag:s22] =	ssyncadd.s32 $0xFFFFC000  }
0x2a5: {  	s2 =	simm.s32 $0x0;
	s0 =	rddreg [dreg:$0x5]  }
0x2a6: {  	[tilespmem:s2], [sflag:$0x3] =	stream.linear.gather [hbm4b:s0+s2], $0x3C00, $0x38;
	[tilespmem:$0x1FD00] =	vst v63  }
.Ltmp6:
0x2a7: {  	_ = 	snop;
	(pc) =	sbr.rel .LBB2_10-.Ltmp6, $4  }
0x2a8: {  	_ =	swait.ge [sflag:s22], $0x3C00  }
0x2a9: {  	[sflag:s22] =	ssyncset.done $0x0  }
0x2aa: {  	[sflag:s22] =	ssyncadd.s32 $0xFFFFC400  }
0x2ab: {  	[tilespmem:s23], [sflag:$0x1] =	stream.indirect.gather [hbm4b:s1+s24], $0x80, s2, s24, $0xb8;
	[tilespmem:$0x1FD00] =	vst v63  }
.LBB2_18:
0x2ac: {  	s2 =	sadd.s32 $0x1, s2  }
0x2ad: {  	p0 =	sne.s32 s2, $0x14  }
.Ltmp7:
0x2ae: {  	_ = 	snop;
	(pc) =	sbr.rel @!p0 .LBB2_19-.Ltmp7, $1  }
0x2af: {  	_ =	sdelay $0x3  }
.LBB2_10:
0x2b0: {  	s0 =	sshll.u32 s2, $0x6  }
0x2b1: {  	s3 =	sadd.s32 s13, s0  }
0x2b2: {  	p0 =	sgt.u32 s3, $0x9C3  }
.Ltmp8:
0x2b3: {  	_ = 	snop;
	(pc) =	sbr.rel @p0 .LBB2_14-.Ltmp8, $1  }
0x2b4: {  	_ =	sdelay $0x3  }
0x2b5: {  	s12 =	smul.u32 $0xC00, s2  }
0x2b6: {  	_ =	swait.ge [sflag:s25], $0x4000;
	p0 =	sgt.u32 s3, $0x9A3  }
0x2b7: {  	[sflag:s25] =	ssyncset.done $0x0;
	s15 =	simm.s32 @!p0 $0x80;
	s3 =	sshra.s32 @!p0 s12, $0x2  }
0x2b8: {  	s16 =	simm.s32 @!p0 $0x7C00;
	[sflag:s25] =	ssyncadd.s32 $0xFFFFC000;
	s3 =	sadd.s32 @!p0 $0x180, s3  }
0x2b9: {  	[tilespmem:s16], [sflag:$0x2] =	stream.indirect.gather @!p0 [hbm4b:s1+s15], $0x80, s3, s15, $0xb8;
	[tilespmem:$0x1FD00] =	vst v63  }
0x2ba: {  	s3 =	sshra.s32 s12, $0x2  }
0x2bb: {  	v1 =	vld [tilespmem:s3+$0x100];
	_ =	sdelay $0x7  }
0x2bc: {  	v1 =	vld.idx.msk [tilespmem:v1+s21+$0x0], $0xffff;
	_ =	sdelay $0x4  }
0x2bd: {  	[tilespmem:$0xBC80] =	vst v1  }
0x2be: {  	v1 =	vld [tilespmem:s3+$0x110];
	_ =	sdelay $0x7  }
0x2bf: {  	v1 =	vld.idx.msk [tilespmem:v1+s21+$0x0], $0xffff;
	_ =	sdelay $0x4  }
0x2c0: {  	[tilespmem:$0xBC90] =	vst v1  }
0x2c1: {  	v1 =	vld [tilespmem:s3+$0x120];
	_ =	sdelay $0x7  }
0x2c2: {  	v1 =	vld.idx.msk [tilespmem:v1+s21+$0x0], $0xffff;
	_ =	sdelay $0x4  }
0x2c3: {  	[tilespmem:$0xBCA0] =	vst v1  }
0x2c4: {  	v1 =	vld [tilespmem:s3+$0x130];
	_ =	sdelay $0x7  }
0x2c5: {  	v1 =	vld.idx.msk [tilespmem:v1+s21+$0x0], $0xffff;
	_ =	sdelay $0x4  }
0x2c6: {  	[tilespmem:$0xBCB0] =	vst v1  }
0x2c7: {  	v1 =	vld [tilespmem:s3+$0x140];
	_ =	sdelay $0x7  }
0x2c8: {  	v1 =	vld.idx.msk [tilespmem:v1+s21+$0x0], $0xffff;
	_ =	sdelay $0x4  }
0x2c9: {  	[tilespmem:$0xBCC0] =	vst v1  }
0x2ca: {  	v1 =	vld [tilespmem:s3+$0x150];
	_ =	sdelay $0x7  }
0x2cb: {  	v1 =	vld.idx.msk [tilespmem:v1+s21+$0x0], $0xffff;
	_ =	sdelay $0x4  }
0x2cc: {  	[tilespmem:$0xBCD0] =	vst v1  }
0x2cd: {  	v1 =	vld [tilespmem:s3+$0x160];
	_ =	sdelay $0x7  }
0x2ce: {  	v1 =	vld.idx.msk [tilespmem:v1+s21+$0x0], $0xffff;
	_ =	sdelay $0x4  }
0x2cf: {  	[tilespmem:$0xBCE0] =	vst v1  }
0x2d0: {  	v1 =	vld [tilespmem:s3+$0x170];
	_ =	sdelay $0x5  }
0x2d1: {  	s12 =	simm.s32 $0x0  }
0x2d2: {  	v2 =	vmov s12  }
0x2d3: {  	v2 =	vand.u32 $0xFFFFFFF8, v2;
	v1 =	vld.idx.msk [tilespmem:v1+s21+$0x0], $0xffff  }
0x2d4: {  	v2 =	vbroadcast v2, $0x0;
	_ =	sdelay $0x3  }
0x2d5: {  	s15 =	simm.s32 $0x3E00;
	[tilespmem:$0xBCF0] =	vst v1  }
0x2d6: {  	v3 =	vld [tilespmem:s15+$0xFFFFFE70]  }
0x2d7: {  	v2 =	vld.idx.msk [tilespmem:v2+s28+$0x0], $0xffff  }
0x2d8: {  	v4 =	vld [tilespmem:s15+$0xFFFFFE00]  }
0x2d9: {  	v5 =	vld [tilespmem:s15+$0xFFFFFE20]  }
0x2da: {  	v6 =	vld [tilespmem:s15+$0xFFFFFE30]  }
0x2db: {  	v1 =	vld [tilespmem:s15+$0xFFFFFE50]  }
0x2dc: {  	v8 =	vld [tilespmem:s15+$0xFFFFFE10];
	v3 =	vmul.f32 v3, v2  }
0x2dd: {  	s17 =	simm.s32 $0x1;
	v7 =	vld [tilespmem:s15+$0xFFFFFE60];
	v4 =	vmul.f32 v4, v2  }
0x2de: {  	v9 =	vld [tilespmem:s15+$0xFFFFFE40];
	v5 =	vmul.f32 v5, v2;
	[tilespmem:s15+$0xFFFFFE70] =	vst v3;
	v3 =	vmov s17  }
0x2df: {  	v6 =	vmul.f32 v6, v2;
	[tilespmem:s15+$0xFFFFFE00] =	vst v4;
	v3 =	vand.u32 $0xFFFFFFF9, v3  }
0x2e0: {  	v1 =	vmul.f32 v1, v2;
	[tilespmem:s15+$0xFFFFFE20] =	vst v5;
	v3 =	vbroadcast v3, $0x0  }
0x2e1: {  	v4 =	vmul.f32 v8, v2;
	[tilespmem:s15+$0xFFFFFE30] =	vst v6  }
0x2e2: {  	v5 =	vmul.f32 v7, v2;
	[tilespmem:s15+$0xFFFFFE50] =	vst v1  }
0x2e3: {  	v1 =	vmul.f32 v9, v2;
	[tilespmem:s15+$0xFFFFFE10] =	vst v4  }
0x2e4: {  	[tilespmem:s15+$0xFFFFFE60] =	vst v5  }
0x2e5: {  	[tilespmem:s15+$0xFFFFFE40] =	vst v1  }
0x2e6: {  	v1 =	vld.idx.msk [tilespmem:v3+s28+$0x0], $0xffff  }
0x2e7: {  	v3 =	vld [tilespmem:s15+$0xFFFFFE90]  }
0x2e8: {  	v4 =	vld [tilespmem:s15+$0xFFFFFEC0]  }
0x2e9: {  	v5 =	vld [tilespmem:s15+$0xFFFFFE80]  }
0x2ea: {  	v6 =	vld [tilespmem:s15+$0xFFFFFED0]  }
0x2eb: {  	v2 =	vld [tilespmem:s15+$0xFFFFFEF0]  }
0x2ec: {  	v7 =	vld [tilespmem:s15+$0xFFFFFEE0];
	v3 =	vmul.f32 v3, v1  }
0x2ed: {  	s18 =	simm.s32 $0x2;
	v8 =	vld [tilespmem:s15+$0xFFFFFEB0];
	v4 =	vmul.f32 v4, v1  }
0x2ee: {  	v9 =	vld [tilespmem:s15+$0xFFFFFEA0];
	v5 =	vmul.f32 v5, v1;
	[tilespmem:s15+$0xFFFFFE90] =	vst v3;
	v3 =	vmov s18  }
0x2ef: {  	v6 =	vmul.f32 v6, v1;
	[tilespmem:s15+$0xFFFFFEC0] =	vst v4;
	v3 =	vand.u32 $0xFFFFFFFA, v3  }
0x2f0: {  	v2 =	vmul.f32 v2, v1;
	[tilespmem:s15+$0xFFFFFE80] =	vst v5;
	v3 =	vbroadcast v3, $0x0  }
0x2f1: {  	v4 =	vmul.f32 v7, v1;
	[tilespmem:s15+$0xFFFFFED0] =	vst v6  }
0x2f2: {  	v5 =	vmul.f32 v8, v1;
	[tilespmem:s15+$0xFFFFFEF0] =	vst v2  }
0x2f3: {  	v1 =	vmul.f32 v9, v1;
	[tilespmem:s15+$0xFFFFFEE0] =	vst v4  }
0x2f4: {  	[tilespmem:s15+$0xFFFFFEB0] =	vst v5  }
0x2f5: {  	v2 =	vld [tilespmem:s15+$0xFFFFFF00];
	[tilespmem:s15+$0xFFFFFEA0] =	vst v1  }
0x2f6: {  	v1 =	vld.idx.msk [tilespmem:v3+s28+$0x0], $0xffff  }
0x2f7: {  	v3 =	vld [tilespmem:s15+$0xFFFFFF60]  }
0x2f8: {  	v4 =	vld [tilespmem:s15+$0xFFFFFF10]  }
0x2f9: {  	v5 =	vld [tilespmem:s15+$0xFFFFFF50]  }
0x2fa: {  	v6 =	vld [tilespmem:s15+$0xFFFFFF70]  }
0x2fb: {  	v7 =	vld [tilespmem:s15+$0xFFFFFF20];
	v2 =	vmul.f32 v2, v1  }
0x2fc: {  	s19 =	simm.s32 $0x3;
	v8 =	vld [tilespmem:s15+$0xFFFFFF30];
	v3 =	vmul.f32 v3, v1  }
0x2fd: {  	v9 =	vld [tilespmem:s15+$0xFFFFFF40];
	v4 =	vmul.f32 v4, v1;
	[tilespmem:s15+$0xFFFFFF00] =	vst v2;
	v2 =	vmov s19  }
0x2fe: {  	v5 =	vmul.f32 v5, v1;
	[tilespmem:s15+$0xFFFFFF60] =	vst v3;
	v2 =	vand.u32 $0xFFFFFFFB, v2  }
0x2ff: {  	v3 =	vmul.f32 v6, v1;
	[tilespmem:s15+$0xFFFFFF10] =	vst v4;
	v2 =	vbroadcast v2, $0x0  }
0x300: {  	v4 =	vmul.f32 v7, v1;
	[tilespmem:s15+$0xFFFFFF50] =	vst v5  }
0x301: {  	v5 =	vmul.f32 v8, v1;
	[tilespmem:s15+$0xFFFFFF70] =	vst v3  }
0x302: {  	v1 =	vmul.f32 v9, v1;
	[tilespmem:s15+$0xFFFFFF20] =	vst v4  }
0x303: {  	[tilespmem:s15+$0xFFFFFF30] =	vst v5  }
0x304: {  	[tilespmem:s15+$0xFFFFFF40] =	vst v1  }
0x305: {  	v1 =	vld.idx.msk [tilespmem:v2+s28+$0x0], $0xffff  }
0x306: {  	v2 =	vld [tilespmem:s15+$0xFFFFFFB0]  }
0x307: {  	v4 =	vld [tilespmem:s15+$0xFFFFFFE0]  }
0x308: {  	v5 =	vld [tilespmem:s15+$0xFFFFFF80]  }
0x309: {  	v6 =	vld [tilespmem:s15+$0xFFFFFFD0]  }
0x30a: {  	v3 =	vld [tilespmem:s15+$0xFFFFFFF0]  }
0x30b: {  	v8 =	vld [tilespmem:s15+$0xFFFFFFA0];
	v2 =	vmul.f32 v2, v1  }
0x30c: {  	s20 =	simm.s32 $0x4;
	v7 =	vld [tilespmem:s15+$0xFFFFFF90];
	v4 =	vmul.f32 v4, v1  }
0x30d: {  	v9 =	vld [tilespmem:s15+$0xFFFFFFC0];
	v5 =	vmul.f32 v5, v1;
	[tilespmem:s15+$0xFFFFFFB0] =	vst v2;
	v2 =	vmov s20  }
0x30e: {  	v6 =	vmul.f32 v6, v1;
	[tilespmem:s15+$0xFFFFFFE0] =	vst v4;
	v2 =	vand.u32 $0xFFFFFFFC, v2  }
0x30f: {  	v3 =	vmul.f32 v3, v1;
	[tilespmem:s15+$0xFFFFFF80] =	vst v5;
	v2 =	vbroadcast v2, $0x0  }
0x310: {  	v10 =	vld [tilespmem:s15+$0x40];
	v4 =	vmul.f32 v8, v1;
	[tilespmem:s15+$0xFFFFFFD0] =	vst v6  }
0x311: {  	v5 =	vmul.f32 v7, v1;
	[tilespmem:s15+$0xFFFFFFF0] =	vst v3;
	v8 =	vld [tilespmem:s15+$0x0]  }
0x312: {  	v3 =	vmul.f32 v9, v1;
	v1 =	vld [tilespmem:s15+$0x70];
	[tilespmem:s15+$0xFFFFFFA0] =	vst v4  }
0x313: {  	v7 =	vld [tilespmem:s15+$0x20];
	[tilespmem:s15+$0xFFFFFF90] =	vst v5  }
0x314: {  	v6 =	vld [tilespmem:s15+$0x30];
	[tilespmem:s15+$0xFFFFFFC0] =	vst v3  }
0x315: {  	v2 =	vld.idx.msk [tilespmem:v2+s28+$0x0], $0xffff  }
0x316: {  	v3 =	vld [tilespmem:s15+$0x50]  }
0x317: {  	v5 =	vld [tilespmem:s15+$0x10]  }
0x318: {  	v4 =	vld [tilespmem:s15+$0x60];
	_ =	sdelay $0x1  }
0x319: {  	s16 =	simm.s32 $0x3E00;
	s17 =	simm.s32 $0x8;
	v9 =	vmul.f32 v8, v2;
	v8 =	vmul.f32 v10, v2  }
.LBB2_12:
0x31a: {  	p0 =	slt.u32 s17, $0x78;
	v7 =	vmul.f32 v7, v2;
	v6 =	vmul.f32 v6, v2;
	s18 =	sadd.s32 $0x5, s12;
	s15 =	sadd.s32 $0x400, s15  }
0x31b: {  	v3 =	vmul.f32 v3, v2;
	[tilespmem:s16+$0x0] =	vst v9;
	v5 =	vmul.f32 v5, v2;
	v9 =	vmov s18;
	s18 =	smov.u32 s17;
	s17 =	sadd.s32 $0x8, s17  }
0x31c: {  	v1 =	vmul.f32 v1, v2;
	[tilespmem:s16+$0x40] =	vst v8;
	v4 =	vmul.f32 v4, v2;
	v2 =	vand.u32 $0xFFFFFFFD, v9  }
0x31d: {  	[tilespmem:s16+$0x20] =	vst v7;
	v2 =	vbroadcast v2, $0x0  }
0x31e: {  	[tilespmem:s16+$0x50] =	vst v3  }
0x31f: {  	[tilespmem:s16+$0x70] =	vst v1;
	v1 =	vld [tilespmem:s16+$0xA0]  }
0x320: {  	[tilespmem:s16+$0x30] =	vst v6;
	v3 =	vld [tilespmem:s16+$0x80]  }
0x321: {  	[tilespmem:s16+$0x60] =	vst v4;
	v4 =	vld [tilespmem:s16+$0xD0]  }
0x322: {  	[tilespmem:s16+$0x10] =	vst v5;
	v5 =	vld [tilespmem:s16+$0xF0]  }
0x323: {  	v2 =	vld.idx.msk [tilespmem:v2+s28+$0x0], $0xffff  }
0x324: {  	v6 =	vld [tilespmem:s16+$0xC0]  }
0x325: {  	v7 =	vld [tilespmem:s16+$0xB0]  }
0x326: {  	v8 =	vld [tilespmem:s16+$0x90]  }
0x327: {  	v9 =	vld [tilespmem:s16+$0xE0];
	_ =	sdelay $0x1  }
0x328: {  	v3 =	vmul.f32 v3, v2;
	v6 =	vmul.f32 v6, v2  }
0x329: {  	s19 =	sadd.s32 $0x6, s12;
	v1 =	vmul.f32 v1, v2;
	v7 =	vmul.f32 v7, v2  }
0x32a: {  	v4 =	vmul.f32 v4, v2;
	[tilespmem:s16+$0x80] =	vst v3;
	v3 =	vmul.f32 v8, v2;
	v8 =	vmov s19  }
0x32b: {  	[tilespmem:s16+$0xA0] =	vst v1;
	v1 =	vmul.f32 v9, v2;
	v2 =	vmul.f32 v5, v2;
	v5 =	vand.u32 $0xFFFFFFFE, v8  }
0x32c: {  	[tilespmem:s16+$0xD0] =	vst v4;
	v4 =	vbroadcast v5, $0x0  }
0x32d: {  	[tilespmem:s16+$0xC0] =	vst v6  }
0x32e: {  	[tilespmem:s16+$0xF0] =	vst v2;
	v2 =	vld [tilespmem:s16+$0x120]  }
0x32f: {  	[tilespmem:s16+$0xB0] =	vst v7;
	v5 =	vld [tilespmem:s16+$0x100]  }
0x330: {  	[tilespmem:s16+$0x90] =	vst v3;
	v3 =	vld [tilespmem:s16+$0x140]  }
0x331: {  	[tilespmem:s16+$0xE0] =	vst v1;
	v1 =	vld [tilespmem:s16+$0x130]  }
0x332: {  	v4 =	vld.idx.msk [tilespmem:v4+s28+$0x0], $0xffff  }
0x333: {  	v6 =	vld [tilespmem:s16+$0x110]  }
0x334: {  	v7 =	vld [tilespmem:s16+$0x160]  }
0x335: {  	v8 =	vld [tilespmem:s16+$0x150]  }
0x336: {  	v9 =	vld [tilespmem:s16+$0x170];
	_ =	sdelay $0x1  }
0x337: {  	v5 =	vmul.f32 v5, v4;
	v6 =	vmul.f32 v6, v4  }
0x338: {  	v2 =	vmul.f32 v2, v4;
	v1 =	vmul.f32 v1, v4  }
0x339: {  	v3 =	vmul.f32 v3, v4;
	[tilespmem:s16+$0x100] =	vst v5;
	v5 =	vmul.f32 v8, v4  }
0x33a: {  	[tilespmem:s16+$0x120] =	vst v2;
	v2 =	vmul.f32 v7, v4;
	v4 =	vmul.f32 v9, v4  }
0x33b: {  	s19 =	sadd.s32 $0x7, s12;
	s12 =	smov.u32 s18;
	[tilespmem:s16+$0x130] =	vst v1  }
0x33c: {  	v1 =	vmov s19;
	[tilespmem:s16+$0x140] =	vst v3  }
0x33d: {  	[tilespmem:s16+$0x160] =	vst v2;
	v2 =	vld [tilespmem:s16+$0x180]  }
0x33e: {  	[tilespmem:s16+$0x110] =	vst v6;
	v3 =	vld [tilespmem:s16+$0x1D0]  }
0x33f: {  	[tilespmem:s16+$0x150] =	vst v5;
	v5 =	vld [tilespmem:s16+$0x190]  }
0x340: {  	[tilespmem:s16+$0x170] =	vst v4;
	v4 =	vld [tilespmem:s16+$0x1F0]  }
0x341: {  	v1 =	vld.idx.msk [tilespmem:v1+s28+$0x0], $0xffff  }
0x342: {  	v6 =	vld [tilespmem:s16+$0x1B0]  }
0x343: {  	v7 =	vld [tilespmem:s16+$0x1A0]  }
0x344: {  	v8 =	vld [tilespmem:s16+$0x1C0]  }
0x345: {  	v9 =	vld [tilespmem:s16+$0x1E0];
	_ =	sdelay $0x1  }
0x346: {  	v2 =	vmul.f32 v2, v1;
	v5 =	vmul.f32 v5, v1  }
0x347: {  	v6 =	vmul.f32 v6, v1;
	v7 =	vmul.f32 v7, v1  }
0x348: {  	v10 =	vmov s12;
	v3 =	vmul.f32 v3, v1;
	[tilespmem:s16+$0x180] =	vst v2;
	v2 =	vmul.f32 v8, v1  }
0x349: {  	v8 =	vand.u32 $0xFFFFFFF8, v10;
	[tilespmem:s16+$0x190] =	vst v5;
	v5 =	vmul.f32 v9, v1;
	v1 =	vmul.f32 v4, v1  }
0x34a: {  	v4 =	vbroadcast v8, $0x0;
	[tilespmem:s16+$0x1D0] =	vst v3  }
0x34b: {  	[tilespmem:s16+$0x1A0] =	vst v7  }
0x34c: {  	v3 =	vld [tilespmem:s15+$0xFFFFFE50];
	[tilespmem:s16+$0x1F0] =	vst v1  }
0x34d: {  	v1 =	vld [tilespmem:s15+$0xFFFFFE30];
	[tilespmem:s16+$0x1B0] =	vst v6  }
0x34e: {  	v6 =	vld [tilespmem:s15+$0xFFFFFE60];
	[tilespmem:s16+$0x1E0] =	vst v5  }
0x34f: {  	v5 =	vld [tilespmem:s15+$0xFFFFFE70];
	[tilespmem:s16+$0x1C0] =	vst v2;
	s16 =	smov.u32 s15  }
0x350: {  	v2 =	vld.idx.msk [tilespmem:v4+s28+$0x0], $0xffff  }
0x351: {  	v4 =	vld [tilespmem:s15+$0xFFFFFE00]  }
0x352: {  	v7 =	vld [tilespmem:s15+$0xFFFFFE20]  }
0x353: {  	v8 =	vld [tilespmem:s15+$0xFFFFFE10]  }
0x354: {  	v9 =	vld [tilespmem:s15+$0xFFFFFE40];
	_ =	sdelay $0x1  }
0x355: {  	v5 =	vmul.f32 v5, v2;
	v4 =	vmul.f32 v4, v2  }
0x356: {  	s18 =	sadd.s32 $0x1, s12;
	v6 =	vmul.f32 v6, v2;
	v7 =	vmul.f32 v7, v2  }
0x357: {  	v1 =	vmul.f32 v1, v2;
	v8 =	vmul.f32 v8, v2;
	[tilespmem:s15+$0xFFFFFE70] =	vst v5;
	v5 =	vmov s18  }
0x358: {  	[tilespmem:s15+$0xFFFFFE00] =	vst v4;
	v4 =	vmul.f32 v9, v2;
	v2 =	vmul.f32 v3, v2;
	v3 =	vand.u32 $0xFFFFFFF9, v5  }
0x359: {  	[tilespmem:s15+$0xFFFFFE20] =	vst v7;
	v3 =	vbroadcast v3, $0x0  }
0x35a: {  	[tilespmem:s15+$0xFFFFFE30] =	vst v1  }
0x35b: {  	[tilespmem:s15+$0xFFFFFE50] =	vst v2;
	v1 =	vld [tilespmem:s15+$0xFFFFFEF0]  }
0x35c: {  	[tilespmem:s15+$0xFFFFFE10] =	vst v8;
	v2 =	vld [tilespmem:s15+$0xFFFFFED0]  }
0x35d: {  	[tilespmem:s15+$0xFFFFFE60] =	vst v6;
	v5 =	vld [tilespmem:s15+$0xFFFFFEB0]  }
0x35e: {  	[tilespmem:s15+$0xFFFFFE40] =	vst v4;
	v4 =	vld [tilespmem:s15+$0xFFFFFEC0]  }
0x35f: {  	v3 =	vld.idx.msk [tilespmem:v3+s28+$0x0], $0xffff  }
0x360: {  	v6 =	vld [tilespmem:s15+$0xFFFFFE90]  }
0x361: {  	v7 =	vld [tilespmem:s15+$0xFFFFFE80]  }
0x362: {  	v8 =	vld [tilespmem:s15+$0xFFFFFEA0]  }
0x363: {  	v9 =	vld [tilespmem:s15+$0xFFFFFEE0];
	_ =	sdelay $0x1  }
0x364: {  	v4 =	vmul.f32 v4, v3;
	v6 =	vmul.f32 v6, v3  }
0x365: {  	s18 =	sadd.s32 $0x2, s12;
	v5 =	vmul.f32 v5, v3;
	v7 =	vmul.f32 v7, v3  }
0x366: {  	v2 =	vmul.f32 v2, v3;
	[tilespmem:s15+$0xFFFFFE90] =	vst v6;
	v6 =	vmul.f32 v8, v3;
	v8 =	vmov s18  }
0x367: {  	v1 =	vmul.f32 v1, v3;
	[tilespmem:s15+$0xFFFFFEC0] =	vst v4;
	v4 =	vmul.f32 v9, v3;
	v3 =	vand.u32 $0xFFFFFFFA, v8  }
0x368: {  	[tilespmem:s15+$0xFFFFFE80] =	vst v7;
	v3 =	vbroadcast v3, $0x0  }
0x369: {  	[tilespmem:s15+$0xFFFFFED0] =	vst v2  }
0x36a: {  	[tilespmem:s15+$0xFFFFFEE0] =	vst v4;
	v2 =	vld [tilespmem:s15+$0xFFFFFF70]  }
0x36b: {  	[tilespmem:s15+$0xFFFFFEB0] =	vst v5;
	v4 =	vld [tilespmem:s15+$0xFFFFFF50]  }
0x36c: {  	[tilespmem:s15+$0xFFFFFEF0] =	vst v1;
	v1 =	vld [tilespmem:s15+$0xFFFFFF20]  }
0x36d: {  	[tilespmem:s15+$0xFFFFFEA0] =	vst v6;
	v5 =	vld [tilespmem:s15+$0xFFFFFF60]  }
0x36e: {  	v3 =	vld.idx.msk [tilespmem:v3+s28+$0x0], $0xffff  }
0x36f: {  	v6 =	vld [tilespmem:s15+$0xFFFFFF00]  }
0x370: {  	v7 =	vld [tilespmem:s15+$0xFFFFFF10]  }
0x371: {  	v8 =	vld [tilespmem:s15+$0xFFFFFF40]  }
0x372: {  	v9 =	vld [tilespmem:s15+$0xFFFFFF30];
	_ =	sdelay $0x1  }
0x373: {  	v5 =	vmul.f32 v5, v3;
	v6 =	vmul.f32 v6, v3  }
0x374: {  	s18 =	sadd.s32 $0x3, s12;
	v1 =	vmul.f32 v1, v3;
	v7 =	vmul.f32 v7, v3  }
0x375: {  	v4 =	vmul.f32 v4, v3;
	[tilespmem:s15+$0xFFFFFF00] =	vst v6;
	v6 =	vmul.f32 v8, v3;
	v8 =	vmov s18  }
0x376: {  	v2 =	vmul.f32 v2, v3;
	v9 =	vmul.f32 v9, v3;
	[tilespmem:s15+$0xFFFFFF60] =	vst v5;
	v3 =	vand.u32 $0xFFFFFFFB, v8  }
0x377: {  	[tilespmem:s15+$0xFFFFFF10] =	vst v7;
	v3 =	vbroadcast v3, $0x0  }
0x378: {  	[tilespmem:s15+$0xFFFFFF50] =	vst v4  }
0x379: {  	[tilespmem:s15+$0xFFFFFF70] =	vst v2;
	v2 =	vld [tilespmem:s15+$0xFFFFFFF0]  }
0x37a: {  	[tilespmem:s15+$0xFFFFFF20] =	vst v1;
	v1 =	vld [tilespmem:s15+$0xFFFFFFD0]  }
0x37b: {  	[tilespmem:s15+$0xFFFFFF30] =	vst v9;
	v4 =	vld [tilespmem:s15+$0xFFFFFF90]  }
0x37c: {  	[tilespmem:s15+$0xFFFFFF40] =	vst v6;
	v5 =	vld [tilespmem:s15+$0xFFFFFFE0]  }
0x37d: {  	v3 =	vld.idx.msk [tilespmem:v3+s28+$0x0], $0xffff  }
0x37e: {  	v6 =	vld [tilespmem:s15+$0xFFFFFFB0]  }
0x37f: {  	v7 =	vld [tilespmem:s15+$0xFFFFFF80]  }
0x380: {  	v8 =	vld [tilespmem:s15+$0xFFFFFFC0]  }
0x381: {  	v9 =	vld [tilespmem:s15+$0xFFFFFFA0];
	_ =	sdelay $0x1  }
0x382: {  	v5 =	vmul.f32 v5, v3;
	v6 =	vmul.f32 v6, v3  }
0x383: {  	s18 =	sadd.s32 $0x4, s12;
	v4 =	vmul.f32 v4, v3;
	v7 =	vmul.f32 v7, v3  }
0x384: {  	v1 =	vmul.f32 v1, v3;
	[tilespmem:s15+$0xFFFFFFB0] =	vst v6;
	v6 =	vmul.f32 v8, v3;
	v8 =	vmov s18  }
0x385: {  	v2 =	vmul.f32 v2, v3;
	v9 =	vmul.f32 v9, v3;
	[tilespmem:s15+$0xFFFFFFE0] =	vst v5;
	v3 =	vand.u32 $0xFFFFFFFC, v8  }
0x386: {  	[tilespmem:s15+$0xFFFFFF80] =	vst v7;
	v5 =	vbroadcast v3, $0x0  }
0x387: {  	[tilespmem:s15+$0xFFFFFFD0] =	vst v1  }
0x388: {  	[tilespmem:s15+$0xFFFFFFF0] =	vst v2;
	v8 =	vld [tilespmem:s15+$0x0]  }
0x389: {  	[tilespmem:s15+$0xFFFFFFA0] =	vst v9;
	v1 =	vld [tilespmem:s15+$0x70]  }
0x38a: {  	[tilespmem:s15+$0xFFFFFF90] =	vst v4;
	v3 =	vld [tilespmem:s15+$0x50]  }
0x38b: {  	[tilespmem:s15+$0xFFFFFFC0] =	vst v6;
	v7 =	vld [tilespmem:s15+$0x20]  }
0x38c: {  	v2 =	vld.idx.msk [tilespmem:v5+s28+$0x0], $0xffff  }
0x38d: {  	v10 =	vld [tilespmem:s15+$0x40]  }
.Ltmp9:
0x38e: {  	v6 =	vld [tilespmem:s15+$0x30];
	(pc) =	sbr.rel @p0 .LBB2_12-.Ltmp9, $3  }
0x38f: {  	v5 =	vld [tilespmem:s15+$0x10]  }
0x390: {  	v4 =	vld [tilespmem:s15+$0x60];
	_ =	sdelay $0x1  }
0x391: {  	v9 =	vmul.f32 v8, v2;
	v8 =	vmul.f32 v10, v2  }
0x392: {  	s15 =	sadd.s32 $0x5, s12  }
0x393: {  	v7 =	vmul.f32 v7, v2;
	[tilespmem:s16+$0x0] =	vst v9;
	v37 =	vmov s15  }
0x394: {  	v3 =	vmul.f32 v3, v2;
	[tilespmem:s16+$0x40] =	vst v8;
	v38 =	vand.u32 $0xFFFFFFFD, v37  }
0x395: {  	v1 =	vmul.f32 v1, v2;
	[tilespmem:s16+$0x20] =	vst v7;
	v39 =	vbroadcast v38, $0x0  }
0x396: {  	v6 =	vmul.f32 v6, v2;
	[tilespmem:s16+$0x50] =	vst v3  }
0x397: {  	v3 =	vmul.f32 v4, v2;
	[tilespmem:s16+$0x70] =	vst v1  }
0x398: {  	v1 =	vmul.f32 v5, v2;
	[tilespmem:s16+$0x30] =	vst v6  }
0x399: {  	[tilespmem:s16+$0x60] =	vst v3  }
0x39a: {  	v2 =	vld [tilespmem:s16+$0x80];
	[tilespmem:s16+$0x10] =	vst v1  }
0x39b: {  	v1 =	vld.idx.msk [tilespmem:v39+s28+$0x0], $0xffff  }
0x39c: {  	v3 =	vld [tilespmem:s16+$0xA0]  }
0x39d: {  	v40 =	vld [tilespmem:s16+$0xD0]  }
0x39e: {  	v41 =	vld [tilespmem:s16+$0xC0]  }
0x39f: {  	v42 =	vld [tilespmem:s16+$0xF0]  }
0x3a0: {  	v44 =	vld [tilespmem:s16+$0x90];
	v2 =	vmul.f32 v2, v1  }
0x3a1: {  	v43 =	vld [tilespmem:s16+$0xB0];
	s19 =	sadd.s32 $0x6, s12;
	v3 =	vmul.f32 v3, v1  }
0x3a2: {  	v45 =	vld [tilespmem:s16+$0xE0];
	v46 =	vmov s19;
	[tilespmem:s16+$0x80] =	vst v2;
	v2 =	vmul.f32 v40, v1  }
0x3a3: {  	v5 =	vmul.f32 v41, v1;
	[tilespmem:s16+$0xA0] =	vst v3;
	v3 =	vand.u32 $0xFFFFFFFE, v46  }
0x3a4: {  	v47 =	vmul.f32 v42, v1;
	[tilespmem:s16+$0xD0] =	vst v2;
	v2 =	vbroadcast v3, $0x0  }
0x3a5: {  	v48 =	vmul.f32 v44, v1;
	[tilespmem:s16+$0xC0] =	vst v5  }
0x3a6: {  	[tilespmem:s16+$0xF0] =	vst v47;
	v3 =	vmul.f32 v43, v1  }
0x3a7: {  	[tilespmem:s16+$0x90] =	vst v48;
	v1 =	vmul.f32 v45, v1  }
0x3a8: {  	[tilespmem:s16+$0xB0] =	vst v3  }
0x3a9: {  	v3 =	vld [tilespmem:s16+$0x100];
	[tilespmem:s16+$0xE0] =	vst v1  }
0x3aa: {  	v1 =	vld.idx.msk [tilespmem:v2+s28+$0x0], $0xffff  }
0x3ab: {  	v2 =	vld [tilespmem:s16+$0x120]  }
0x3ac: {  	v49 =	vld [tilespmem:s16+$0x130]  }
0x3ad: {  	v50 =	vld [tilespmem:s16+$0x140]  }
0x3ae: {  	v52 =	vld [tilespmem:s16+$0x110]  }
0x3af: {  	v53 =	vld [tilespmem:s16+$0x150];
	v3 =	vmul.f32 v3, v1  }
0x3b0: {  	v51 =	vld [tilespmem:s16+$0x160];
	v2 =	vmul.f32 v2, v1  }
0x3b1: {  	v54 =	vld [tilespmem:s16+$0x170];
	v4 =	vmul.f32 v49, v1;
	[tilespmem:s16+$0x100] =	vst v3  }
0x3b2: {  	v3 =	vmul.f32 v50, v1;
	[tilespmem:s16+$0x120] =	vst v2  }
0x3b3: {  	s20 =	sadd.s32 $0x7, s12;
	v55 =	vmul.f32 v52, v1;
	[tilespmem:s16+$0x130] =	vst v4  }
0x3b4: {  	v56 =	vmul.f32 v53, v1;
	[tilespmem:s16+$0x140] =	vst v3;
	v3 =	vmov s20  }
0x3b5: {  	v2 =	vmul.f32 v51, v1;
	[tilespmem:s16+$0x110] =	vst v55  }
0x3b6: {  	v1 =	vmul.f32 v54, v1;
	[tilespmem:s16+$0x150] =	vst v56  }
0x3b7: {  	[tilespmem:s16+$0x160] =	vst v2  }
0x3b8: {  	v2 =	vld [tilespmem:s16+$0x180];
	[tilespmem:s16+$0x170] =	vst v1  }
0x3b9: {  	v1 =	vld.idx.msk [tilespmem:v3+s28+$0x0], $0xffff  }
0x3ba: {  	v57 =	vld [tilespmem:s16+$0x190]  }
0x3bb: {  	v59 =	vld [tilespmem:s16+$0x1F0]  }
0x3bc: {  	v3 =	vld [tilespmem:s16+$0x1D0]  }
0x3bd: {  	v58 =	vld [tilespmem:s16+$0x1A0]  }
0x3be: {  	v60 =	vld [tilespmem:s16+$0x1B0];
	v2 =	vmul.f32 v2, v1  }
0x3bf: {  	v61 =	vld [tilespmem:s16+$0x1E0];
	v4 =	vmul.f32 v57, v1  }
0x3c0: {  	v62 =	vld [tilespmem:s16+$0x1C0];
	v63 =	vmul.f32 v59, v1;
	[tilespmem:s16+$0x180] =	vst v2  }
0x3c1: {  	v2 =	vmul.f32 v3, v1;
	[tilespmem:s16+$0x190] =	vst v4  }
0x3c2: {  	v3 =	vmul.f32 v58, v1;
	[tilespmem:s16+$0x1F0] =	vst v63  }
0x3c3: {  	[tilespmem:s16+$0x1D0] =	vst v2;
	v2 =	vmul.f32 v60, v1  }
0x3c4: {  	[tilespmem:s16+$0x1A0] =	vst v3;
	v3 =	vmul.f32 v61, v1  }
0x3c5: {  	v1 =	vmul.f32 v62, v1;
	[tilespmem:s16+$0x1B0] =	vst v2  }
0x3c6: {  	[tilespmem:s16+$0x1E0] =	vst v3  }
0x3c7: {  	s3 =	sadd.s32 $0x80, s3;
	[tilespmem:s16+$0x1C0] =	vst v1  }
0x3c8: {  	[spmem:s4] =	stream.indirect.scatter.add.f32 [tilespmem:s23], [sflag:$0x4], $0x80, s3, s24, $0xb8;
	[tilespmem:$0x1FD00] =	vst v63  }
0x3c9: {  	_ =	swait.ge [sflag:s29], $0x4000  }
0x3ca: {  	[sflag:s29] =	ssyncset.done $0x0  }
0x3cb: {  	[sflag:s29] =	ssyncadd.s32 $0xFFFFC000  }
.LBB2_14:
0x3cc: {  	s0 =	sadd.s32 s14, s0  }
0x3cd: {  	p0 =	sgt.u32 s0, $0x9C3  }
.Ltmp10:
0x3ce: {  	_ = 	snop;
	(pc) =	sbr.rel @p0 .LBB2_18-.Ltmp10, $1  }
0x3cf: {  	_ =	sdelay $0x3  }
0x3d0: {  	s3 =	smul.u32 $0xC00, s2  }
0x3d1: {  	_ =	swait.ge [sflag:s30], $0x4000  }
0x3d2: {  	p0 =	sgt.u32 s0, $0x9A3;
	[sflag:s30] =	ssyncset.done $0x0;
	s0 =	sadd.s32 $0x600, s3  }
0x3d3: {  	s12 =	simm.s32 @!p0 $0x80;
	s15 =	simm.s32 @!p0 $0x3C00;
	s3 =	sshra.s32 @!p0 s0, $0x2  }
0x3d4: {  	[sflag:s30] =	ssyncadd.s32 $0xFFFFC000;
	s0 =	sshra.s32 s0, $0x2;
	s3 =	sadd.s32 @!p0 $0x180, s3  }
0x3d5: {  	[tilespmem:s15], [sflag:$0x1] =	stream.indirect.gather @!p0 [hbm4b:s1+s12], $0x80, s3, s12, $0xb8;
	[tilespmem:$0x1FD00] =	vst v63  }
0x3d6: {  	v1 =	vld [tilespmem:s0+$0x100];
	_ =	sdelay $0x7  }
0x3d7: {  	v1 =	vld.idx.msk [tilespmem:v1+s21+$0x0], $0xffff;
	_ =	sdelay $0x4  }
0x3d8: {  	[tilespmem:$0xBC80] =	vst v1  }
0x3d9: {  	v1 =	vld [tilespmem:s0+$0x110];
	_ =	sdelay $0x7  }
0x3da: {  	v1 =	vld.idx.msk [tilespmem:v1+s21+$0x0], $0xffff;
	_ =	sdelay $0x4  }
0x3db: {  	[tilespmem:$0xBC90] =	vst v1  }
0x3dc: {  	v1 =	vld [tilespmem:s0+$0x120];
	_ =	sdelay $0x7  }
0x3dd: {  	v1 =	vld.idx.msk [tilespmem:v1+s21+$0x0], $0xffff;
	_ =	sdelay $0x4  }
0x3de: {  	[tilespmem:$0xBCA0] =	vst v1  }
0x3df: {  	v1 =	vld [tilespmem:s0+$0x130];
	_ =	sdelay $0x7  }
0x3e0: {  	v1 =	vld.idx.msk [tilespmem:v1+s21+$0x0], $0xffff;
	_ =	sdelay $0x4  }
0x3e1: {  	[tilespmem:$0xBCB0] =	vst v1  }
0x3e2: {  	v1 =	vld [tilespmem:s0+$0x140];
	_ =	sdelay $0x7  }
0x3e3: {  	v1 =	vld.idx.msk [tilespmem:v1+s21+$0x0], $0xffff;
	_ =	sdelay $0x4  }
0x3e4: {  	[tilespmem:$0xBCC0] =	vst v1  }
0x3e5: {  	v1 =	vld [tilespmem:s0+$0x150];
	_ =	sdelay $0x7  }
0x3e6: {  	v1 =	vld.idx.msk [tilespmem:v1+s21+$0x0], $0xffff;
	_ =	sdelay $0x4  }
0x3e7: {  	[tilespmem:$0xBCD0] =	vst v1  }
0x3e8: {  	v1 =	vld [tilespmem:s0+$0x160];
	_ =	sdelay $0x7  }
0x3e9: {  	v1 =	vld.idx.msk [tilespmem:v1+s21+$0x0], $0xffff;
	_ =	sdelay $0x4  }
0x3ea: {  	[tilespmem:$0xBCE0] =	vst v1  }
0x3eb: {  	v1 =	vld [tilespmem:s0+$0x170];
	_ =	sdelay $0x5  }
0x3ec: {  	s3 =	simm.s32 $0x0  }
0x3ed: {  	v2 =	vmov s3  }
0x3ee: {  	v2 =	vand.u32 $0xFFFFFFF8, v2;
	v1 =	vld.idx.msk [tilespmem:v1+s21+$0x0], $0xffff  }
0x3ef: {  	v2 =	vbroadcast v2, $0x0;
	_ =	sdelay $0x3  }
0x3f0: {  	s12 =	simm.s32 $0x7E00;
	[tilespmem:$0xBCF0] =	vst v1  }
0x3f1: {  	v3 =	vld [tilespmem:s12+$0xFFFFFE70]  }
0x3f2: {  	v2 =	vld.idx.msk [tilespmem:v2+s28+$0x0], $0xffff  }
0x3f3: {  	v4 =	vld [tilespmem:s12+$0xFFFFFE00]  }
0x3f4: {  	v5 =	vld [tilespmem:s12+$0xFFFFFE20]  }
0x3f5: {  	v6 =	vld [tilespmem:s12+$0xFFFFFE30]  }
0x3f6: {  	v1 =	vld [tilespmem:s12+$0xFFFFFE50]  }
0x3f7: {  	v8 =	vld [tilespmem:s12+$0xFFFFFE10];
	v3 =	vmul.f32 v3, v2  }
0x3f8: {  	s17 =	simm.s32 $0x1;
	v7 =	vld [tilespmem:s12+$0xFFFFFE60];
	v4 =	vmul.f32 v4, v2  }
0x3f9: {  	v9 =	vld [tilespmem:s12+$0xFFFFFE40];
	v5 =	vmul.f32 v5, v2;
	[tilespmem:s12+$0xFFFFFE70] =	vst v3;
	v3 =	vmov s17  }
0x3fa: {  	v6 =	vmul.f32 v6, v2;
	[tilespmem:s12+$0xFFFFFE00] =	vst v4;
	v3 =	vand.u32 $0xFFFFFFF9, v3  }
0x3fb: {  	v1 =	vmul.f32 v1, v2;
	[tilespmem:s12+$0xFFFFFE20] =	vst v5;
	v3 =	vbroadcast v3, $0x0  }
0x3fc: {  	v4 =	vmul.f32 v8, v2;
	[tilespmem:s12+$0xFFFFFE30] =	vst v6  }
0x3fd: {  	v5 =	vmul.f32 v7, v2;
	[tilespmem:s12+$0xFFFFFE50] =	vst v1  }
0x3fe: {  	v1 =	vmul.f32 v9, v2;
	[tilespmem:s12+$0xFFFFFE10] =	vst v4  }
0x3ff: {  	[tilespmem:s12+$0xFFFFFE60] =	vst v5  }
0x400: {  	[tilespmem:s12+$0xFFFFFE40] =	vst v1  }
0x401: {  	v1 =	vld.idx.msk [tilespmem:v3+s28+$0x0], $0xffff  }
0x402: {  	v3 =	vld [tilespmem:s12+$0xFFFFFE90]  }
0x403: {  	v4 =	vld [tilespmem:s12+$0xFFFFFEC0]  }
0x404: {  	v5 =	vld [tilespmem:s12+$0xFFFFFE80]  }
0x405: {  	v6 =	vld [tilespmem:s12+$0xFFFFFED0]  }
0x406: {  	v2 =	vld [tilespmem:s12+$0xFFFFFEF0]  }
0x407: {  	v7 =	vld [tilespmem:s12+$0xFFFFFEE0];
	v3 =	vmul.f32 v3, v1  }
0x408: {  	s18 =	simm.s32 $0x2;
	v8 =	vld [tilespmem:s12+$0xFFFFFEB0];
	v4 =	vmul.f32 v4, v1  }
0x409: {  	v9 =	vld [tilespmem:s12+$0xFFFFFEA0];
	v5 =	vmul.f32 v5, v1;
	[tilespmem:s12+$0xFFFFFE90] =	vst v3;
	v3 =	vmov s18  }
0x40a: {  	v6 =	vmul.f32 v6, v1;
	[tilespmem:s12+$0xFFFFFEC0] =	vst v4;
	v3 =	vand.u32 $0xFFFFFFFA, v3  }
0x40b: {  	v2 =	vmul.f32 v2, v1;
	[tilespmem:s12+$0xFFFFFE80] =	vst v5;
	v3 =	vbroadcast v3, $0x0  }
0x40c: {  	v4 =	vmul.f32 v7, v1;
	[tilespmem:s12+$0xFFFFFED0] =	vst v6  }
0x40d: {  	v5 =	vmul.f32 v8, v1;
	[tilespmem:s12+$0xFFFFFEF0] =	vst v2  }
0x40e: {  	v1 =	vmul.f32 v9, v1;
	[tilespmem:s12+$0xFFFFFEE0] =	vst v4  }
0x40f: {  	[tilespmem:s12+$0xFFFFFEB0] =	vst v5  }
0x410: {  	v2 =	vld [tilespmem:s12+$0xFFFFFF00];
	[tilespmem:s12+$0xFFFFFEA0] =	vst v1  }
0x411: {  	v1 =	vld.idx.msk [tilespmem:v3+s28+$0x0], $0xffff  }
0x412: {  	v3 =	vld [tilespmem:s12+$0xFFFFFF60]  }
0x413: {  	v4 =	vld [tilespmem:s12+$0xFFFFFF10]  }
0x414: {  	v5 =	vld [tilespmem:s12+$0xFFFFFF50]  }
0x415: {  	v6 =	vld [tilespmem:s12+$0xFFFFFF70]  }
0x416: {  	v7 =	vld [tilespmem:s12+$0xFFFFFF20];
	v2 =	vmul.f32 v2, v1  }
0x417: {  	s19 =	simm.s32 $0x3;
	v8 =	vld [tilespmem:s12+$0xFFFFFF30];
	v3 =	vmul.f32 v3, v1  }
0x418: {  	v9 =	vld [tilespmem:s12+$0xFFFFFF40];
	v4 =	vmul.f32 v4, v1;
	[tilespmem:s12+$0xFFFFFF00] =	vst v2;
	v2 =	vmov s19  }
0x419: {  	v5 =	vmul.f32 v5, v1;
	[tilespmem:s12+$0xFFFFFF60] =	vst v3;
	v2 =	vand.u32 $0xFFFFFFFB, v2  }
0x41a: {  	v3 =	vmul.f32 v6, v1;
	[tilespmem:s12+$0xFFFFFF10] =	vst v4;
	v2 =	vbroadcast v2, $0x0  }
0x41b: {  	v4 =	vmul.f32 v7, v1;
	[tilespmem:s12+$0xFFFFFF50] =	vst v5  }
0x41c: {  	v5 =	vmul.f32 v8, v1;
	[tilespmem:s12+$0xFFFFFF70] =	vst v3  }
0x41d: {  	v1 =	vmul.f32 v9, v1;
	[tilespmem:s12+$0xFFFFFF20] =	vst v4  }
0x41e: {  	[tilespmem:s12+$0xFFFFFF30] =	vst v5  }
0x41f: {  	[tilespmem:s12+$0xFFFFFF40] =	vst v1  }
0x420: {  	v1 =	vld.idx.msk [tilespmem:v2+s28+$0x0], $0xffff  }
0x421: {  	v2 =	vld [tilespmem:s12+$0xFFFFFFB0]  }
0x422: {  	v4 =	vld [tilespmem:s12+$0xFFFFFFE0]  }
0x423: {  	v5 =	vld [tilespmem:s12+$0xFFFFFF80]  }
0x424: {  	v6 =	vld [tilespmem:s12+$0xFFFFFFD0]  }
0x425: {  	v3 =	vld [tilespmem:s12+$0xFFFFFFF0]  }
0x426: {  	v8 =	vld [tilespmem:s12+$0xFFFFFFA0];
	v2 =	vmul.f32 v2, v1  }
0x427: {  	s20 =	simm.s32 $0x4;
	v7 =	vld [tilespmem:s12+$0xFFFFFF90];
	v4 =	vmul.f32 v4, v1  }
0x428: {  	v9 =	vld [tilespmem:s12+$0xFFFFFFC0];
	v5 =	vmul.f32 v5, v1;
	[tilespmem:s12+$0xFFFFFFB0] =	vst v2;
	v2 =	vmov s20  }
0x429: {  	v6 =	vmul.f32 v6, v1;
	[tilespmem:s12+$0xFFFFFFE0] =	vst v4;
	v2 =	vand.u32 $0xFFFFFFFC, v2  }
0x42a: {  	v3 =	vmul.f32 v3, v1;
	[tilespmem:s12+$0xFFFFFF80] =	vst v5;
	v2 =	vbroadcast v2, $0x0  }
0x42b: {  	v10 =	vld [tilespmem:s12+$0x40];
	v4 =	vmul.f32 v8, v1;
	[tilespmem:s12+$0xFFFFFFD0] =	vst v6  }
0x42c: {  	v5 =	vmul.f32 v7, v1;
	[tilespmem:s12+$0xFFFFFFF0] =	vst v3;
	v8 =	vld [tilespmem:s12+$0x0]  }
0x42d: {  	v3 =	vmul.f32 v9, v1;
	v1 =	vld [tilespmem:s12+$0x70];
	[tilespmem:s12+$0xFFFFFFA0] =	vst v4  }
0x42e: {  	v7 =	vld [tilespmem:s12+$0x20];
	[tilespmem:s12+$0xFFFFFF90] =	vst v5  }
0x42f: {  	v6 =	vld [tilespmem:s12+$0x30];
	[tilespmem:s12+$0xFFFFFFC0] =	vst v3  }
0x430: {  	v2 =	vld.idx.msk [tilespmem:v2+s28+$0x0], $0xffff  }
0x431: {  	v3 =	vld [tilespmem:s12+$0x50]  }
0x432: {  	v5 =	vld [tilespmem:s12+$0x10]  }
0x433: {  	v4 =	vld [tilespmem:s12+$0x60];
	_ =	sdelay $0x1  }
0x434: {  	s16 =	simm.s32 $0x8;
	s15 =	simm.s32 $0x7E00;
	v9 =	vmul.f32 v8, v2;
	v8 =	vmul.f32 v10, v2  }
.LBB2_16:
0x435: {  	p0 =	slt.u32 s16, $0x78;
	v7 =	vmul.f32 v7, v2;
	v6 =	vmul.f32 v6, v2;
	s17 =	sadd.s32 $0x5, s3;
	s12 =	sadd.s32 $0x400, s12  }
0x436: {  	v3 =	vmul.f32 v3, v2;
	[tilespmem:s15+$0x0] =	vst v9;
	v5 =	vmul.f32 v5, v2;
	v9 =	vmov s17;
	s17 =	smov.u32 s16;
	s16 =	sadd.s32 $0x8, s16  }
0x437: {  	v1 =	vmul.f32 v1, v2;
	[tilespmem:s15+$0x40] =	vst v8;
	v4 =	vmul.f32 v4, v2;
	v2 =	vand.u32 $0xFFFFFFFD, v9  }
0x438: {  	[tilespmem:s15+$0x20] =	vst v7;
	v2 =	vbroadcast v2, $0x0  }
0x439: {  	[tilespmem:s15+$0x50] =	vst v3  }
0x43a: {  	[tilespmem:s15+$0x70] =	vst v1;
	v1 =	vld [tilespmem:s15+$0xA0]  }
0x43b: {  	[tilespmem:s15+$0x30] =	vst v6;
	v3 =	vld [tilespmem:s15+$0x80]  }
0x43c: {  	[tilespmem:s15+$0x60] =	vst v4;
	v4 =	vld [tilespmem:s15+$0xD0]  }
0x43d: {  	[tilespmem:s15+$0x10] =	vst v5;
	v5 =	vld [tilespmem:s15+$0xF0]  }
0x43e: {  	v2 =	vld.idx.msk [tilespmem:v2+s28+$0x0], $0xffff  }
0x43f: {  	v6 =	vld [tilespmem:s15+$0xC0]  }
0x440: {  	v7 =	vld [tilespmem:s15+$0xB0]  }
0x441: {  	v8 =	vld [tilespmem:s15+$0x90]  }
0x442: {  	v9 =	vld [tilespmem:s15+$0xE0];
	_ =	sdelay $0x1  }
0x443: {  	v3 =	vmul.f32 v3, v2;
	v6 =	vmul.f32 v6, v2  }
0x444: {  	s18 =	sadd.s32 $0x6, s3;
	v1 =	vmul.f32 v1, v2;
	v7 =	vmul.f32 v7, v2  }
0x445: {  	v4 =	vmul.f32 v4, v2;
	[tilespmem:s15+$0x80] =	vst v3;
	v3 =	vmul.f32 v8, v2;
	v8 =	vmov s18  }
0x446: {  	[tilespmem:s15+$0xA0] =	vst v1;
	v1 =	vmul.f32 v9, v2;
	v2 =	vmul.f32 v5, v2;
	v5 =	vand.u32 $0xFFFFFFFE, v8  }
0x447: {  	[tilespmem:s15+$0xD0] =	vst v4;
	v4 =	vbroadcast v5, $0x0  }
0x448: {  	[tilespmem:s15+$0xC0] =	vst v6  }
0x449: {  	[tilespmem:s15+$0xF0] =	vst v2;
	v2 =	vld [tilespmem:s15+$0x120]  }
0x44a: {  	[tilespmem:s15+$0xB0] =	vst v7;
	v5 =	vld [tilespmem:s15+$0x100]  }
0x44b: {  	[tilespmem:s15+$0x90] =	vst v3;
	v3 =	vld [tilespmem:s15+$0x140]  }
0x44c: {  	[tilespmem:s15+$0xE0] =	vst v1;
	v1 =	vld [tilespmem:s15+$0x130]  }
0x44d: {  	v4 =	vld.idx.msk [tilespmem:v4+s28+$0x0], $0xffff  }
0x44e: {  	v6 =	vld [tilespmem:s15+$0x110]  }
0x44f: {  	v7 =	vld [tilespmem:s15+$0x160]  }
0x450: {  	v8 =	vld [tilespmem:s15+$0x150]  }
0x451: {  	v9 =	vld [tilespmem:s15+$0x170];
	_ =	sdelay $0x1  }
0x452: {  	v5 =	vmul.f32 v5, v4;
	v6 =	vmul.f32 v6, v4  }
0x453: {  	v2 =	vmul.f32 v2, v4;
	v1 =	vmul.f32 v1, v4  }
0x454: {  	v3 =	vmul.f32 v3, v4;
	[tilespmem:s15+$0x100] =	vst v5;
	v5 =	vmul.f32 v8, v4  }
0x455: {  	[tilespmem:s15+$0x120] =	vst v2;
	v2 =	vmul.f32 v7, v4;
	v4 =	vmul.f32 v9, v4  }
0x456: {  	s18 =	sadd.s32 $0x7, s3;
	s3 =	smov.u32 s17;
	[tilespmem:s15+$0x130] =	vst v1  }
0x457: {  	v1 =	vmov s18;
	[tilespmem:s15+$0x140] =	vst v3  }
0x458: {  	[tilespmem:s15+$0x160] =	vst v2;
	v2 =	vld [tilespmem:s15+$0x180]  }
0x459: {  	[tilespmem:s15+$0x110] =	vst v6;
	v3 =	vld [tilespmem:s15+$0x1D0]  }
0x45a: {  	[tilespmem:s15+$0x150] =	vst v5;
	v5 =	vld [tilespmem:s15+$0x190]  }
0x45b: {  	[tilespmem:s15+$0x170] =	vst v4;
	v4 =	vld [tilespmem:s15+$0x1F0]  }
0x45c: {  	v1 =	vld.idx.msk [tilespmem:v1+s28+$0x0], $0xffff  }
0x45d: {  	v6 =	vld [tilespmem:s15+$0x1B0]  }
0x45e: {  	v7 =	vld [tilespmem:s15+$0x1A0]  }
0x45f: {  	v8 =	vld [tilespmem:s15+$0x1C0]  }
0x460: {  	v9 =	vld [tilespmem:s15+$0x1E0];
	_ =	sdelay $0x1  }
0x461: {  	v2 =	vmul.f32 v2, v1;
	v5 =	vmul.f32 v5, v1  }
0x462: {  	v6 =	vmul.f32 v6, v1;
	v7 =	vmul.f32 v7, v1  }
0x463: {  	v10 =	vmov s3;
	v3 =	vmul.f32 v3, v1;
	[tilespmem:s15+$0x180] =	vst v2;
	v2 =	vmul.f32 v8, v1  }
0x464: {  	v8 =	vand.u32 $0xFFFFFFF8, v10;
	[tilespmem:s15+$0x190] =	vst v5;
	v5 =	vmul.f32 v9, v1;
	v1 =	vmul.f32 v4, v1  }
0x465: {  	v4 =	vbroadcast v8, $0x0;
	[tilespmem:s15+$0x1D0] =	vst v3  }
0x466: {  	[tilespmem:s15+$0x1A0] =	vst v7  }
0x467: {  	v3 =	vld [tilespmem:s12+$0xFFFFFE50];
	[tilespmem:s15+$0x1F0] =	vst v1  }
0x468: {  	v1 =	vld [tilespmem:s12+$0xFFFFFE30];
	[tilespmem:s15+$0x1B0] =	vst v6  }
0x469: {  	v6 =	vld [tilespmem:s12+$0xFFFFFE60];
	[tilespmem:s15+$0x1E0] =	vst v5  }
0x46a: {  	v5 =	vld [tilespmem:s12+$0xFFFFFE70];
	[tilespmem:s15+$0x1C0] =	vst v2;
	s15 =	smov.u32 s12  }
0x46b: {  	v2 =	vld.idx.msk [tilespmem:v4+s28+$0x0], $0xffff  }
0x46c: {  	v4 =	vld [tilespmem:s12+$0xFFFFFE00]  }
0x46d: {  	v7 =	vld [tilespmem:s12+$0xFFFFFE20]  }
0x46e: {  	v8 =	vld [tilespmem:s12+$0xFFFFFE10]  }
0x46f: {  	v9 =	vld [tilespmem:s12+$0xFFFFFE40];
	_ =	sdelay $0x1  }
0x470: {  	v5 =	vmul.f32 v5, v2;
	v4 =	vmul.f32 v4, v2  }
0x471: {  	s17 =	sadd.s32 $0x1, s3;
	v6 =	vmul.f32 v6, v2;
	v7 =	vmul.f32 v7, v2  }
0x472: {  	v1 =	vmul.f32 v1, v2;
	v8 =	vmul.f32 v8, v2;
	[tilespmem:s12+$0xFFFFFE70] =	vst v5;
	v5 =	vmov s17  }
0x473: {  	[tilespmem:s12+$0xFFFFFE00] =	vst v4;
	v4 =	vmul.f32 v9, v2;
	v2 =	vmul.f32 v3, v2;
	v3 =	vand.u32 $0xFFFFFFF9, v5  }
0x474: {  	[tilespmem:s12+$0xFFFFFE20] =	vst v7;
	v3 =	vbroadcast v3, $0x0  }
0x475: {  	[tilespmem:s12+$0xFFFFFE30] =	vst v1  }
0x476: {  	[tilespmem:s12+$0xFFFFFE50] =	vst v2;
	v1 =	vld [tilespmem:s12+$0xFFFFFEF0]  }
0x477: {  	[tilespmem:s12+$0xFFFFFE10] =	vst v8;
	v2 =	vld [tilespmem:s12+$0xFFFFFED0]  }
0x478: {  	[tilespmem:s12+$0xFFFFFE60] =	vst v6;
	v5 =	vld [tilespmem:s12+$0xFFFFFEB0]  }
0x479: {  	[tilespmem:s12+$0xFFFFFE40] =	vst v4;
	v4 =	vld [tilespmem:s12+$0xFFFFFEC0]  }
0x47a: {  	v3 =	vld.idx.msk [tilespmem:v3+s28+$0x0], $0xffff  }
0x47b: {  	v6 =	vld [tilespmem:s12+$0xFFFFFE90]  }
0x47c: {  	v7 =	vld [tilespmem:s12+$0xFFFFFE80]  }
0x47d: {  	v8 =	vld [tilespmem:s12+$0xFFFFFEA0]  }
0x47e: {  	v9 =	vld [tilespmem:s12+$0xFFFFFEE0];
	_ =	sdelay $0x1  }
0x47f: {  	v4 =	vmul.f32 v4, v3;
	v6 =	vmul.f32 v6, v3  }
0x480: {  	s17 =	sadd.s32 $0x2, s3;
	v5 =	vmul.f32 v5, v3;
	v7 =	vmul.f32 v7, v3  }
0x481: {  	v2 =	vmul.f32 v2, v3;
	[tilespmem:s12+$0xFFFFFE90] =	vst v6;
	v6 =	vmul.f32 v8, v3;
	v8 =	vmov s17  }
0x482: {  	v1 =	vmul.f32 v1, v3;
	[tilespmem:s12+$0xFFFFFEC0] =	vst v4;
	v4 =	vmul.f32 v9, v3;
	v3 =	vand.u32 $0xFFFFFFFA, v8  }
0x483: {  	[tilespmem:s12+$0xFFFFFE80] =	vst v7;
	v3 =	vbroadcast v3, $0x0  }
0x484: {  	[tilespmem:s12+$0xFFFFFED0] =	vst v2  }
0x485: {  	[tilespmem:s12+$0xFFFFFEE0] =	vst v4;
	v2 =	vld [tilespmem:s12+$0xFFFFFF70]  }
0x486: {  	[tilespmem:s12+$0xFFFFFEB0] =	vst v5;
	v4 =	vld [tilespmem:s12+$0xFFFFFF50]  }
0x487: {  	[tilespmem:s12+$0xFFFFFEF0] =	vst v1;
	v1 =	vld [tilespmem:s12+$0xFFFFFF20]  }
0x488: {  	[tilespmem:s12+$0xFFFFFEA0] =	vst v6;
	v5 =	vld [tilespmem:s12+$0xFFFFFF60]  }
0x489: {  	v3 =	vld.idx.msk [tilespmem:v3+s28+$0x0], $0xffff  }
0x48a: {  	v6 =	vld [tilespmem:s12+$0xFFFFFF00]  }
0x48b: {  	v7 =	vld [tilespmem:s12+$0xFFFFFF10]  }
0x48c: {  	v8 =	vld [tilespmem:s12+$0xFFFFFF40]  }
0x48d: {  	v9 =	vld [tilespmem:s12+$0xFFFFFF30];
	_ =	sdelay $0x1  }
0x48e: {  	v5 =	vmul.f32 v5, v3;
	v6 =	vmul.f32 v6, v3  }
0x48f: {  	s17 =	sadd.s32 $0x3, s3;
	v1 =	vmul.f32 v1, v3;
	v7 =	vmul.f32 v7, v3  }
0x490: {  	v4 =	vmul.f32 v4, v3;
	[tilespmem:s12+$0xFFFFFF00] =	vst v6;
	v6 =	vmul.f32 v8, v3;
	v8 =	vmov s17  }
0x491: {  	v2 =	vmul.f32 v2, v3;
	v9 =	vmul.f32 v9, v3;
	[tilespmem:s12+$0xFFFFFF60] =	vst v5;
	v3 =	vand.u32 $0xFFFFFFFB, v8  }
0x492: {  	[tilespmem:s12+$0xFFFFFF10] =	vst v7;
	v3 =	vbroadcast v3, $0x0  }
0x493: {  	[tilespmem:s12+$0xFFFFFF50] =	vst v4  }
0x494: {  	[tilespmem:s12+$0xFFFFFF70] =	vst v2;
	v2 =	vld [tilespmem:s12+$0xFFFFFFF0]  }
0x495: {  	[tilespmem:s12+$0xFFFFFF20] =	vst v1;
	v1 =	vld [tilespmem:s12+$0xFFFFFFD0]  }
0x496: {  	[tilespmem:s12+$0xFFFFFF30] =	vst v9;
	v4 =	vld [tilespmem:s12+$0xFFFFFF90]  }
0x497: {  	[tilespmem:s12+$0xFFFFFF40] =	vst v6;
	v5 =	vld [tilespmem:s12+$0xFFFFFFE0]  }
0x498: {  	v3 =	vld.idx.msk [tilespmem:v3+s28+$0x0], $0xffff  }
0x499: {  	v6 =	vld [tilespmem:s12+$0xFFFFFFB0]  }
0x49a: {  	v7 =	vld [tilespmem:s12+$0xFFFFFF80]  }
0x49b: {  	v8 =	vld [tilespmem:s12+$0xFFFFFFC0]  }
0x49c: {  	v9 =	vld [tilespmem:s12+$0xFFFFFFA0];
	_ =	sdelay $0x1  }
0x49d: {  	v5 =	vmul.f32 v5, v3;
	v6 =	vmul.f32 v6, v3  }
0x49e: {  	s17 =	sadd.s32 $0x4, s3;
	v4 =	vmul.f32 v4, v3;
	v7 =	vmul.f32 v7, v3  }
0x49f: {  	v1 =	vmul.f32 v1, v3;
	[tilespmem:s12+$0xFFFFFFB0] =	vst v6;
	v6 =	vmul.f32 v8, v3;
	v8 =	vmov s17  }
0x4a0: {  	v2 =	vmul.f32 v2, v3;
	v9 =	vmul.f32 v9, v3;
	[tilespmem:s12+$0xFFFFFFE0] =	vst v5;
	v3 =	vand.u32 $0xFFFFFFFC, v8  }
0x4a1: {  	[tilespmem:s12+$0xFFFFFF80] =	vst v7;
	v5 =	vbroadcast v3, $0x0  }
0x4a2: {  	[tilespmem:s12+$0xFFFFFFD0] =	vst v1  }
0x4a3: {  	[tilespmem:s12+$0xFFFFFFF0] =	vst v2;
	v8 =	vld [tilespmem:s12+$0x0]  }
0x4a4: {  	[tilespmem:s12+$0xFFFFFFA0] =	vst v9;
	v1 =	vld [tilespmem:s12+$0x70]  }
0x4a5: {  	[tilespmem:s12+$0xFFFFFF90] =	vst v4;
	v3 =	vld [tilespmem:s12+$0x50]  }
0x4a6: {  	[tilespmem:s12+$0xFFFFFFC0] =	vst v6;
	v7 =	vld [tilespmem:s12+$0x20]  }
0x4a7: {  	v2 =	vld.idx.msk [tilespmem:v5+s28+$0x0], $0xffff  }
0x4a8: {  	v10 =	vld [tilespmem:s12+$0x40]  }
.Ltmp11:
0x4a9: {  	v6 =	vld [tilespmem:s12+$0x30];
	(pc) =	sbr.rel @p0 .LBB2_16-.Ltmp11, $3  }
0x4aa: {  	v5 =	vld [tilespmem:s12+$0x10]  }
0x4ab: {  	v4 =	vld [tilespmem:s12+$0x60];
	_ =	sdelay $0x1  }
0x4ac: {  	v9 =	vmul.f32 v8, v2;
	v8 =	vmul.f32 v10, v2  }
0x4ad: {  	s12 =	sadd.s32 $0x5, s3  }
0x4ae: {  	v7 =	vmul.f32 v7, v2;
	[tilespmem:s15+$0x0] =	vst v9;
	v37 =	vmov s12  }
0x4af: {  	v3 =	vmul.f32 v3, v2;
	[tilespmem:s15+$0x40] =	vst v8;
	v38 =	vand.u32 $0xFFFFFFFD, v37  }
0x4b0: {  	v1 =	vmul.f32 v1, v2;
	[tilespmem:s15+$0x20] =	vst v7;
	v39 =	vbroadcast v38, $0x0  }
0x4b1: {  	v6 =	vmul.f32 v6, v2;
	[tilespmem:s15+$0x50] =	vst v3  }
0x4b2: {  	v3 =	vmul.f32 v4, v2;
	[tilespmem:s15+$0x70] =	vst v1  }
0x4b3: {  	v1 =	vmul.f32 v5, v2;
	[tilespmem:s15+$0x30] =	vst v6  }
0x4b4: {  	[tilespmem:s15+$0x60] =	vst v3  }
0x4b5: {  	v2 =	vld [tilespmem:s15+$0x80];
	[tilespmem:s15+$0x10] =	vst v1  }
0x4b6: {  	v1 =	vld.idx.msk [tilespmem:v39+s28+$0x0], $0xffff  }
0x4b7: {  	v3 =	vld [tilespmem:s15+$0xA0]  }
0x4b8: {  	v40 =	vld [tilespmem:s15+$0xD0]  }
0x4b9: {  	v41 =	vld [tilespmem:s15+$0xC0]  }
0x4ba: {  	v42 =	vld [tilespmem:s15+$0xF0]  }
0x4bb: {  	v44 =	vld [tilespmem:s15+$0x90];
	v2 =	vmul.f32 v2, v1  }
0x4bc: {  	v43 =	vld [tilespmem:s15+$0xB0];
	s19 =	sadd.s32 $0x6, s3;
	v3 =	vmul.f32 v3, v1  }
0x4bd: {  	v45 =	vld [tilespmem:s15+$0xE0];
	v46 =	vmov s19;
	[tilespmem:s15+$0x80] =	vst v2;
	v2 =	vmul.f32 v40, v1  }
0x4be: {  	v5 =	vmul.f32 v41, v1;
	[tilespmem:s15+$0xA0] =	vst v3;
	v3 =	vand.u32 $0xFFFFFFFE, v46  }
0x4bf: {  	v47 =	vmul.f32 v42, v1;
	[tilespmem:s15+$0xD0] =	vst v2;
	v2 =	vbroadcast v3, $0x0  }
0x4c0: {  	v48 =	vmul.f32 v44, v1;
	[tilespmem:s15+$0xC0] =	vst v5  }
0x4c1: {  	[tilespmem:s15+$0xF0] =	vst v47;
	v3 =	vmul.f32 v43, v1  }
0x4c2: {  	[tilespmem:s15+$0x90] =	vst v48;
	v1 =	vmul.f32 v45, v1  }
0x4c3: {  	[tilespmem:s15+$0xB0] =	vst v3  }
0x4c4: {  	v3 =	vld [tilespmem:s15+$0x100];
	[tilespmem:s15+$0xE0] =	vst v1  }
0x4c5: {  	v1 =	vld.idx.msk [tilespmem:v2+s28+$0x0], $0xffff  }
0x4c6: {  	v2 =	vld [tilespmem:s15+$0x120]  }
0x4c7: {  	v49 =	vld [tilespmem:s15+$0x130]  }
0x4c8: {  	v50 =	vld [tilespmem:s15+$0x140]  }
0x4c9: {  	v52 =	vld [tilespmem:s15+$0x110]  }
0x4ca: {  	v53 =	vld [tilespmem:s15+$0x150];
	v3 =	vmul.f32 v3, v1  }
0x4cb: {  	v51 =	vld [tilespmem:s15+$0x160];
	v2 =	vmul.f32 v2, v1  }
0x4cc: {  	v54 =	vld [tilespmem:s15+$0x170];
	v4 =	vmul.f32 v49, v1;
	[tilespmem:s15+$0x100] =	vst v3  }
0x4cd: {  	v3 =	vmul.f32 v50, v1;
	[tilespmem:s15+$0x120] =	vst v2  }
0x4ce: {  	s20 =	sadd.s32 $0x7, s3;
	v55 =	vmul.f32 v52, v1;
	[tilespmem:s15+$0x130] =	vst v4  }
0x4cf: {  	v56 =	vmul.f32 v53, v1;
	[tilespmem:s15+$0x140] =	vst v3;
	v3 =	vmov s20  }
0x4d0: {  	v2 =	vmul.f32 v51, v1;
	[tilespmem:s15+$0x110] =	vst v55  }
0x4d1: {  	v1 =	vmul.f32 v54, v1;
	[tilespmem:s15+$0x150] =	vst v56  }
0x4d2: {  	[tilespmem:s15+$0x160] =	vst v2  }
0x4d3: {  	v2 =	vld [tilespmem:s15+$0x180];
	[tilespmem:s15+$0x170] =	vst v1  }
0x4d4: {  	v1 =	vld.idx.msk [tilespmem:v3+s28+$0x0], $0xffff  }
0x4d5: {  	v57 =	vld [tilespmem:s15+$0x190]  }
0x4d6: {  	v59 =	vld [tilespmem:s15+$0x1F0]  }
0x4d7: {  	v3 =	vld [tilespmem:s15+$0x1D0]  }
0x4d8: {  	v58 =	vld [tilespmem:s15+$0x1A0]  }
0x4d9: {  	v60 =	vld [tilespmem:s15+$0x1B0];
	v2 =	vmul.f32 v2, v1  }
0x4da: {  	v61 =	vld [tilespmem:s15+$0x1E0];
	v4 =	vmul.f32 v57, v1  }
0x4db: {  	v62 =	vld [tilespmem:s15+$0x1C0];
	v63 =	vmul.f32 v59, v1;
	[tilespmem:s15+$0x180] =	vst v2  }
0x4dc: {  	v2 =	vmul.f32 v3, v1;
	[tilespmem:s15+$0x190] =	vst v4  }
0x4dd: {  	v3 =	vmul.f32 v58, v1;
	[tilespmem:s15+$0x1F0] =	vst v63  }
0x4de: {  	[tilespmem:s15+$0x1D0] =	vst v2;
	v2 =	vmul.f32 v60, v1  }
0x4df: {  	[tilespmem:s15+$0x1A0] =	vst v3;
	v3 =	vmul.f32 v61, v1  }
0x4e0: {  	v1 =	vmul.f32 v62, v1;
	[tilespmem:s15+$0x1B0] =	vst v2  }
0x4e1: {  	[tilespmem:s15+$0x1E0] =	vst v3  }
.Ltmp12:
0x4e2: {  	s0 =	sadd.s32 $0x80, s0;
	[tilespmem:s15+$0x1C0] =	vst v1;
	(pc) =	sbr.rel .LBB2_18-.Ltmp12, $4  }
0x4e3: {  	[spmem:s4] =	stream.indirect.scatter.add.f32 [tilespmem:s26], [sflag:$0x3], $0x80, s0, s24, $0xb8;
	[tilespmem:$0x1FD00] =	vst v63  }
0x4e4: {  	_ =	swait.ge [sflag:s22], $0x4000  }
0x4e5: {  	[sflag:s22] =	ssyncset.done $0x0  }
0x4e6: {  	[sflag:s22] =	ssyncadd.s32 $0xFFFFC000  }
.LBB2_20:
0x4e7: {  	_ =	sfence.sel $0x180000  }
0x4e8: {  	[bflag:$0x0] =	sbarrier.arrive $0xFFFF  }
0x4e9: {  	_ =	strace $0x9000004A  }
0x4ea: {  	s0 =	stileid.u32;
	[bflag:$0x2] =	sbarrier.arrive $0xFFFF  }
0x4eb: {  	p0 =	sne.s32 s0, $0x0;
	s0 =	rddreg [dreg:$0x4]  }
0x4ec: {  	s0 =	sadd.s32 @!p0 $0x100000, s0  }
0x4ed: {  	[sflag:s0] =	ssyncadd.tile.s32 @!p0 $0x1;
	_ =	shalt  }
.Lfunc_end2:
_tile_overlayer_lowered:
.L_overlay_start_2:
0x4ee: {  	(tag) =	ssettag $0x2  }
0x4ef: {  	s0 =	rddreg [dreg:$0x0];
	s2 =	stileid.u32  }
0x4f0: {  	s1 =	rddreg [dreg:$0x1];
	p0 =	sne.s32 s2, $0x0  }
0x4f1: {  	s3 =	rddreg [dreg:$0x2];
	[bflag:$0x3] =	sbarrier.arrive $0xFFFF;
	s2 =	simm.s32 @!p0 $0x1C03  }
0x4f2: {  	[timem:s3], [sflag:s2] =	dma.local @!p0 [hbm:s0], s1  }
0x4f3: {  	s0 =	simm.s32 @!p0 $0x3  }
0x4f4: {  	_ =	swait.ge @!p0 [sflag:s0], s1  }
0x4f5: {  	s1 =	ssub.s32 @!p0 $0x0, s1;
	[sflag:s0] =	ssyncset.done @!p0 $0x0  }
0x4f6: {  	[sflag:s0] =	ssyncadd.s32 @!p0 s1  }
0x4f7: {  	[bflag:$0x3] =	sbarrier.arrive $0xFFFF  }
0x4f8: {  	_ =	shalt  }

</sc_bundles>
